<compile_context>
chip_gen: v7x
topology: tpu7x:2x2x1
jax: 0.10.2.dev20260603
libtpu: 0.0.44.dev20260713+nightly
codegen_flags: <defaults>
</compile_context>

<pallas_src>
import functools

import jax
import jax.numpy as jnp
from jax import lax
from jax.experimental import pallas as pl
from jax.experimental.pallas import tpu as pltpu
from jax.experimental.pallas import tpu_sc as plsc

N = 10000
E = 320000
D = 128
G = 256

NC = 2
NS = 16
NW = NC * NS
EPW = 10240
E_PAD = EPW * NW
CH = 128
NCHUNK = EPW // CH
CH2 = 32
NCHUNK2 = EPW // CH2
NPAD = 10240
RPW = NPAD // NS

@functools.cache
def _sc_kernels():
    return _build_sc_logits(), _build_sc_agg()


def _mesh():
    return plsc.VectorSubcoreMesh(
        core_axis_name="c", subcore_axis_name="s", num_cores=NC, num_subcores=NS)


def _tc_prep_body(x_ref, w_ref, atts_ref, attd_ref, xw_ref, a4_ref, m_ref):
    xw = jnp.dot(x_ref[...], w_ref[...], preferred_element_type=jnp.float32)
    xw_ref[...] = xw
    atts = atts_ref[...]
    attd = attd_ref[...]
    s0 = jnp.sum(xw[:, :D] * atts[0:1, :], axis=1, keepdims=True)
    s1 = jnp.sum(xw[:, D:] * atts[1:2, :], axis=1, keepdims=True)
    d0 = jnp.sum(xw[:, :D] * attd[0:1, :], axis=1, keepdims=True)
    d1 = jnp.sum(xw[:, D:] * attd[1:2, :], axis=1, keepdims=True)
    a4_ref[...] = jnp.concatenate([s0, s1, d0, d1], axis=1)
    m0 = jnp.maximum(jnp.max(s0) + jnp.max(d0), 0.0)
    m1 = jnp.maximum(jnp.max(s1) + jnp.max(d1), 0.0)
    i8 = lax.broadcasted_iota(jnp.int32, (1, 128), 1)
    m_ref[...] = jnp.where(i8 < 16, m0, jnp.where(i8 < 32, m1, 0.0))


_tc_prep = pl.pallas_call(
    _tc_prep_body,
    out_shape=(
        jax.ShapeDtypeStruct((N, 2 * D), jnp.float32),
        jax.ShapeDtypeStruct((N, 4), jnp.float32),
        jax.ShapeDtypeStruct((1, 128), jnp.float32),
    ),
)


SUPL = 2048
NSUPL = EPW // SUPL
LCPS = SUPL // CH
def _sc_logits_body(src_hbm, dst_hbm, a4_hbm, m_hbm,
                    w0_hbm, w1_hbm, den_hbm,
                    a4_v, m_v, srcS, dstS, w0S, w1S, d128, wrows_v, stage_v,
                    den_sp, sem):
    del sem
    c = lax.axis_index("c")
    s = lax.axis_index("s")
    wid = c * NS + s
    zero16 = jnp.zeros((16,), jnp.float32)

    def _zrow(i, carry):
        wrows_v[i, :] = zero16
        return carry
    lax.fori_loop(0, CH, _zrow, 0)

    def _zstage(i, carry):
        stage_v[i, :] = zero16
        return carry
    lax.fori_loop(0, RPW, _zstage, 0)

    pltpu.sync_copy(stage_v, den_sp.at[pl.ds(s * RPW, RPW)])
    plsc.subcore_barrier()

    pltpu.sync_copy(a4_hbm, a4_v)
    pltpu.sync_copy(m_hbm, m_v)
    idx0 = jnp.zeros((16,), jnp.int32)
    iota16 = lax.iota(jnp.int32, 16)
    mvec0 = m_v[pl.ds(0, 16)]
    mvec1 = m_v[pl.ds(16, 16)]
    base_w = wid * EPW

    def _super(sc, carry):
        base = base_w + sc * SUPL
        pltpu.sync_copy(src_hbm.at[pl.ds(base, SUPL)], srcS)
        pltpu.sync_copy(dst_hbm.at[pl.ds(base, SUPL)], dstS)

        def _chunk(ci, icarry):
            off = ci * CH
            for i in range(CH // 16):
                sl = pl.ds(off + i * 16, 16)
                sv = srcS[sl]
                dv = dstS[sl]
                as0 = plsc.load_gather(a4_v, [sv * 4])
                as1 = plsc.load_gather(a4_v, [sv * 4 + 1])
                ad0 = plsc.load_gather(a4_v, [dv * 4 + 2])
                ad1 = plsc.load_gather(a4_v, [dv * 4 + 3])
                l0 = as0 + ad0
                l1 = as1 + ad1
                l0 = jnp.where(l0 >= 0.0, l0, l0 * 0.2)
                l1 = jnp.where(l1 >= 0.0, l1, l1 * 0.2)
                live = (base + off + i * 16 + iota16) < E
                w0 = jnp.where(live, jnp.exp(l0 - mvec0), 0.0)
                w1 = jnp.where(live, jnp.exp(l1 - mvec1), 0.0)
                w0S[sl] = w0
                w1S[sl] = w1
                d128[pl.ds(i * 16, 16)] = dv
                ridx = iota16 + i * 16
                plsc.store_scatter(wrows_v, [ridx, idx0], w0)
                plsc.store_scatter(wrows_v, [ridx, idx0 + 1], w1)
            pltpu.sync_copy(wrows_v, den_sp.at[d128], add=True)
            return icarry
        lax.fori_loop(0, LCPS, _chunk, 0)
        pltpu.sync_copy(w0S, w0_hbm.at[pl.ds(base, SUPL)])
        pltpu.sync_copy(w1S, w1_hbm.at[pl.ds(base, SUPL)])
        return carry
    lax.fori_loop(0, NSUPL, _super, 0)

    plsc.subcore_barrier()
    pltpu.sync_copy(den_sp.at[pl.ds(s * RPW, RPW)], stage_v)
    pltpu.sync_copy(stage_v, den_hbm.at[c, pl.ds(s * RPW, RPW)])


def _build_sc_logits():
  return functools.partial(
    pl.kernel,
    out_type=(
        jax.ShapeDtypeStruct((E_PAD,), jnp.float32),
        jax.ShapeDtypeStruct((E_PAD,), jnp.float32),
        jax.ShapeDtypeStruct((NC, NPAD, 16), jnp.float32),
    ),
    mesh=_mesh(),
    compiler_params=pltpu.CompilerParams(needs_layout_passes=False, use_tc_tiling_on_sc=False),
    scratch_types=[
        pltpu.VMEM((4 * N,), jnp.float32),
        pltpu.VMEM((128,), jnp.float32),
        pltpu.VMEM((SUPL,), jnp.int32),
        pltpu.VMEM((SUPL,), jnp.int32),
        pltpu.VMEM((SUPL,), jnp.float32),
        pltpu.VMEM((SUPL,), jnp.float32),
        pltpu.VMEM((CH,), jnp.int32),
        pltpu.VMEM((CH, 16), jnp.float32),
        pltpu.VMEM((RPW, 16), jnp.float32),
        pltpu.VMEM_SHARED((NPAD, 16), jnp.float32),
        pltpu.SemaphoreType.DMA,
    ],
  )(_sc_logits_body)


def _tc_denom_body(den_ref, a4_ref, m_ref, xw_ref, b_ref, rd_ref, base_ref):
    den = den_ref[0] + den_ref[1]
    d2 = den[:N, 0:2]
    a4 = a4_ref[...]
    m2 = jnp.concatenate([m_ref[0:1, 0:1], m_ref[0:1, 16:17]], axis=1)
    lself = a4[:, 0:2] + a4[:, 2:4]
    lself = jnp.where(lself >= 0.0, lself, lself * 0.2)
    dself = jnp.exp(lself - m2)
    rd = 0.5 / (d2 + dself)
    rd_ref[...] = rd
    xw = xw_ref[...]
    base = (dself[:, 0:1] * rd[:, 0:1] * xw[:, :D]
            + dself[:, 1:2] * rd[:, 1:2] * xw[:, D:])
    base_ref[...] = base + b_ref[...]


_tc_denom = pl.pallas_call(
    _tc_denom_body,
    out_shape=(
        jax.ShapeDtypeStruct((N, 2), jnp.float32),
        jax.ShapeDtypeStruct((N, D), jnp.float32),
    ),
)


SUP = 1024
NSUP = EPW // SUP
CPS = SUP // CH2
def _sc_agg_body(src_hbm, dst_hbm, w0_hbm, w1_hbm, rd_hbm, xw_hbm,
                 acc_hbm,
                 rd_v, srcS, dstS, w0S, w1S, s32a, s32b, d32a, d32b,
                 rows_a, rows_b, a0_v, a1_v, msg_v,
                 acc_sp, sema, semb):
    c = lax.axis_index("c")
    s = lax.axis_index("s")
    wid = c * NS + s
    zero16 = jnp.zeros((16,), jnp.float32)
    idx0 = jnp.zeros((16,), jnp.int32)

    def _zmsg(i, carry):
        for k in range(8):
            msg_v[i, pl.ds(k * 16, 16)] = zero16
        return carry
    lax.fori_loop(0, CH2, _zmsg, 0)
    for r in range(RPW // CH2):
        pltpu.sync_copy(msg_v, acc_sp.at[pl.ds(s * RPW + r * CH2, CH2)])
    plsc.subcore_barrier()

    pltpu.sync_copy(rd_hbm, rd_v)
    base_w = wid * EPW

    def _issue(lo, s32, rows, sem):
        s32[pl.ds(0, 16)] = srcS[pl.ds(lo, 16)]
        s32[pl.ds(16, 16)] = srcS[pl.ds(lo + 16, 16)]
        pltpu.async_copy(xw_hbm.at[s32], rows, sem)

    def _wait(s32, rows, sem):
        pltpu.make_async_copy(xw_hbm.at[s32], rows, sem).wait()

    def _compute(lo, d32, rows):
        for i in range(CH2 // 16):
            sl = pl.ds(i * 16, 16)
            dvv = dstS[pl.ds(lo + i * 16, 16)]
            d32[pl.ds(i * 16, 16)] = dvv
            r0 = plsc.load_gather(rd_v, [dvv * 2])
            r1 = plsc.load_gather(rd_v, [dvv * 2 + 1])
            a0_v[sl] = w0S[pl.ds(lo + i * 16, 16)] * r0
            a1_v[sl] = w1S[pl.ds(lo + i * 16, 16)] * r1

        @plsc.parallel_loop(0, CH2, 1, unroll=8)
        def _edge(e):
            ev = idx0 + e
            a0 = plsc.load_gather(a0_v, [ev])
            a1 = plsc.load_gather(a1_v, [ev])
            for k in range(8):
                x0 = rows[e, pl.ds(k * 16, 16)]
                x1 = rows[e, pl.ds(D + k * 16, 16)]
                msg_v[e, pl.ds(k * 16, 16)] = a0 * x0 + a1 * x1
        pltpu.sync_copy(msg_v, acc_sp.at[d32], add=True)

    def _super(sc, carry):
        sbase = base_w + sc * SUP
        pltpu.sync_copy(src_hbm.at[pl.ds(sbase, SUP)], srcS)
        pltpu.sync_copy(dst_hbm.at[pl.ds(sbase, SUP)], dstS)
        pltpu.sync_copy(w0_hbm.at[pl.ds(sbase, SUP)], w0S)
        pltpu.sync_copy(w1_hbm.at[pl.ds(sbase, SUP)], w1S)
        _issue(0, s32a, rows_a, sema)

        def _pair(i, icarry):
            _issue((2 * i + 1) * CH2, s32b, rows_b, semb)
            _wait(s32a, rows_a, sema)
            _compute(2 * i * CH2, d32a, rows_a)
            nxt = jnp.minimum((2 * i + 2) * CH2, SUP - CH2)
            _issue(nxt, s32a, rows_a, sema)
            _wait(s32b, rows_b, semb)
            _compute((2 * i + 1) * CH2, d32b, rows_b)
            return icarry
        lax.fori_loop(0, CPS // 2, _pair, 0)
        _wait(s32a, rows_a, sema)
        return carry
    lax.fori_loop(0, NSUP, _super, 0)

    plsc.subcore_barrier()
    for r in range(RPW // CH2):
        sl = pl.ds(s * RPW + r * CH2, CH2)
        pltpu.sync_copy(acc_sp.at[sl], msg_v)
        pltpu.sync_copy(msg_v, acc_hbm.at[c, sl])


def _build_sc_agg():
  return functools.partial(
    pl.kernel,
    out_type=jax.ShapeDtypeStruct((NC, NPAD, D), jnp.float32),
    mesh=_mesh(),
    compiler_params=pltpu.CompilerParams(needs_layout_passes=False, use_tc_tiling_on_sc=False),
    scratch_types=[
        pltpu.VMEM((2 * N,), jnp.float32),
        pltpu.VMEM((SUP,), jnp.int32),
        pltpu.VMEM((SUP,), jnp.int32),
        pltpu.VMEM((SUP,), jnp.float32),
        pltpu.VMEM((SUP,), jnp.float32),
        pltpu.VMEM((CH2,), jnp.int32),
        pltpu.VMEM((CH2,), jnp.int32),
        pltpu.VMEM((CH2,), jnp.int32),
        pltpu.VMEM((CH2,), jnp.int32),
        pltpu.VMEM((CH2, 2 * D), jnp.float32),
        pltpu.VMEM((CH2, 2 * D), jnp.float32),
        pltpu.VMEM((CH2,), jnp.float32),
        pltpu.VMEM((CH2,), jnp.float32),
        pltpu.VMEM((CH2, D), jnp.float32),
        pltpu.VMEM_SHARED((NPAD, D), jnp.float32),
        pltpu.SemaphoreType.DMA,
        pltpu.SemaphoreType.DMA,
    ],
  )(_sc_agg_body)


def _tc_pool_body(base_ref, acc_ref, batch_ref, hn_ref, hg_ref):
    hn = base_ref[...] + acc_ref[0, :N, :] + acc_ref[1, :N, :]
    hn_ref[...] = hn
    b = batch_ref[...]
    oh = (b == lax.broadcasted_iota(jnp.int32, (G, N), 0)).astype(jnp.float32)
    counts = jnp.sum(oh, axis=1, keepdims=True)
    hg = jnp.dot(oh, hn, preferred_element_type=jnp.float32)
    hg_ref[...] = hg / jnp.maximum(counts, 1.0)


_tc_pool = pl.pallas_call(
    _tc_pool_body,
    out_shape=(
        jax.ShapeDtypeStruct((N, D), jnp.float32),
        jax.ShapeDtypeStruct((G, D), jnp.float32),
    ),
)


def kernel(x, edge_index, batch, W, att_src, att_dst, bias):
    src = edge_index[0]
    dst = edge_index[1]
    pad = jnp.zeros((E_PAD - E,), jnp.int32)
    srcp = jnp.concatenate([src, pad])
    dstp = jnp.concatenate([dst, pad])

    sc_logits, sc_agg = _sc_kernels()
    xw, a4, m = _tc_prep(x, W, att_src.reshape(2, D), att_dst.reshape(2, D))
    w0, w1, denp = sc_logits(srcp, dstp, a4.reshape(-1), m.reshape(-1))
    rd, base = _tc_denom(denp, a4, m, xw, bias.reshape(1, D))
    acc = sc_agg(srcp, dstp, w0, w1, rd.reshape(-1), xw)
    h_nodes, h_graphs = _tc_pool(base, acc, batch.reshape(1, N))
    return (h_nodes, h_graphs)

# --- scband reference (transcript-rebuilt; emitter-appended) ---
"""Pipeline reference for scband-ssiddiblock-7327214207390 (READ-ONLY COPY).

The authoritative reference and input builder live on the scoring server;
editing this copy changes nothing except your own understanding.
"""

import jax, jax.numpy as jnp
import numpy as np

N = 10000
E = 320000
D_IN = 128
D_OUT = 128
H = 2
G = 256


def setup_inputs(seed: int = 0) -> dict:
    key = jax.random.key(seed)
    ks = jax.random.split(key, 8)
    x = jax.random.normal(ks[0], (N, D_IN), dtype=jnp.float32)
    edge_index = jax.random.randint(ks[1], (2, E), 0, N, dtype=jnp.int32)
    batch = jnp.sort(jax.random.randint(ks[2], (N,), 0, G, dtype=jnp.int32))
    W = jax.random.normal(ks[3], (D_IN, H * D_OUT), dtype=jnp.float32) * 0.05
    att_src = jax.random.normal(ks[4], (1, H, D_OUT), dtype=jnp.float32) * 0.05
    att_dst = jax.random.normal(ks[5], (1, H, D_OUT), dtype=jnp.float32) * 0.05
    bias = jnp.zeros((D_OUT,), dtype=jnp.float32)
    return {"x": x, "edge_index": edge_index, "batch": batch, "W": W,
            "att_src": att_src, "att_dst": att_dst, "bias": bias}


def reference(x, edge_index, batch, W, att_src, att_dst, bias):
    # GATConv(in_channels, out_channels, heads=H, concat=False) per PyG semantics
    n = x.shape[0]
    src = edge_index[0]
    dst = edge_index[1]
    # PyG default add_self_loops=True
    loop = jnp.arange(n, dtype=src.dtype)
    src = jnp.concatenate([src, loop])
    dst = jnp.concatenate([dst, loop])
    xw = (x @ W).reshape(n, H, D_OUT)
    a_src = (xw * att_src).sum(axis=-1)  # [N, H]
    a_dst = (xw * att_dst).sum(axis=-1)  # [N, H]
    alpha = a_src[src] + a_dst[dst]      # [E+N, H]
    alpha = jax.nn.leaky_relu(alpha, negative_slope=0.2)
    amax = jax.ops.segment_max(alpha, dst, num_segments=n)
    alpha = jnp.exp(alpha - amax[dst])
    denom = jax.ops.segment_sum(alpha, dst, num_segments=n)
    alpha = alpha / denom[dst]
    msg = xw[src] * alpha[..., None]     # [E+N, H, C]
    out = jax.ops.segment_sum(msg, dst, num_segments=n)  # [N, H, C]
    h_nodes = out.mean(axis=1) + bias    # concat=False -> mean over heads
    # global_mean_pool
    ones = jnp.ones((n,), dtype=x.dtype)
    counts = jax.ops.segment_sum(ones, batch, num_segments=G)
    h_graphs = jax.ops.segment_sum(h_nodes, batch, num_segments=G) / jnp.maximum(counts, 1.0)[:, None]
    return (h_nodes, h_graphs)

if __name__ == "__main__":
    import jax
    _d = setup_inputs()
    print(jax.jit(kernel)(*tuple(_d.values())))

</pallas_src>

<mosaic_0001>
#map = affine_map<(d0, d1) -> (0)>
#map1 = affine_map<(d0, d1) -> (0, 0, 0)>
module attributes {stable_mosaic.version = 14 : i64} {
  func.func @_sc_logits_body(%arg0: i32, %arg1: i32, %arg2: memref<327680xi32, #tpu.memory_space<hbm>>, %arg3: memref<327680xi32, #tpu.memory_space<hbm>>, %arg4: memref<40000xf32, #tpu.memory_space<hbm>>, %arg5: memref<128xf32, #tpu.memory_space<hbm>>, %arg6: memref<327680xf32, #tpu.memory_space<hbm>>, %arg7: memref<327680xf32, #tpu.memory_space<hbm>>, %arg8: memref<2x10240x16xf32, #tpu.memory_space<hbm>>, %arg9: memref<40000xf32, #tpu.memory_space<vmem>>, %arg10: memref<128xf32, #tpu.memory_space<vmem>>, %arg11: memref<2048xi32, #tpu.memory_space<vmem>>, %arg12: memref<2048xi32, #tpu.memory_space<vmem>>, %arg13: memref<2048xf32, #tpu.memory_space<vmem>>, %arg14: memref<2048xf32, #tpu.memory_space<vmem>>, %arg15: memref<128xi32, #tpu.memory_space<vmem>>, %arg16: memref<128x16xf32, #tpu.memory_space<vmem>>, %arg17: memref<640x16xf32, #tpu.memory_space<vmem>>, %arg18: memref<10240x16xf32, #tpu.memory_space<vmem_shared>>, %arg19: memref<!tpu.dma_semaphore, #tpu.memory_space<semaphore_mem>>) attributes {dimension_semantics = [#tpu.dimension_semantics<core_parallel>, #tpu.dimension_semantics<subcore_parallel>], iteration_bounds = array<i64: 2, 16>, scalar_prefetch = 0 : i64, scratch_operands = 11 : i64, tpu.core_type = #tpu.core_type<sc_vector_subcore>, window_params = [{transform_indices = #map}, {transform_indices = #map}, {transform_indices = #map}, {transform_indices = #map}, {transform_indices = #map}, {transform_indices = #map}, {transform_indices = #map1}]} {
    %mul3A = arith.constant 16 : i32
    %mul3A_0 = arith.muli %arg0, %mul3A : i32
    %add3A = arith.addi %mul3A_0, %arg1 : i32
    %broadcast_in_dim3A = arith.constant 0.000000e+00 : f32
    %broadcast_in_dim3A_1 = vector.broadcast %broadcast_in_dim3A : f32 to vector<16xf32>
    %scan3A = arith.constant 0 : i32
    %scan3A_2 = arith.constant 0 : i32
    %scan3A_3 = arith.constant 128 : i32
    %scan3A_4 = arith.addi %scan3A_2, %scan3A_3 : i32
    %scan3A_5 = arith.constant 1 : i32
    scf.for %scan3A_33 = %scan3A_2 to %scan3A_4 step %scan3A_5  : i32 {
      %swap3A = arith.index_cast %scan3A_33 : i32 to index
      %swap3A_34 = arith.constant 0 : index
      %swap3A_35 = tpu.vector_load %arg16[%swap3A, %swap3A_34] {strides = array<i32>} : memref<128x16xf32, #tpu.memory_space<vmem>>, vector<16xf32>,
      tpu.vector_store %arg16[%swap3A, %swap3A_34], %broadcast_in_dim3A_1 {strides = array<i32>} : memref<128x16xf32, #tpu.memory_space<vmem>>, vector<16xf32>,
    }
    %scan3A_6 = arith.constant 128 : i32
    %scan3A_7 = arith.constant 0 : i32
    %scan3A_8 = arith.constant 0 : i32
    %scan3A_9 = arith.constant 640 : i32
    %scan3A_10 = arith.addi %scan3A_8, %scan3A_9 : i32
    %scan3A_11 = arith.constant 1 : i32
    scf.for %scan3A_33 = %scan3A_8 to %scan3A_10 step %scan3A_11  : i32 {
      %swap3A = arith.index_cast %scan3A_33 : i32 to index
      %swap3A_34 = arith.constant 0 : index
      %swap3A_35 = tpu.vector_load %arg17[%swap3A, %swap3A_34] {strides = array<i32>} : memref<640x16xf32, #tpu.memory_space<vmem>>, vector<16xf32>,
      tpu.vector_store %arg17[%swap3A, %swap3A_34], %broadcast_in_dim3A_1 {strides = array<i32>} : memref<640x16xf32, #tpu.memory_space<vmem>>, vector<16xf32>,
    }
    %scan3A_12 = arith.constant 640 : i32
    %mul3A_13 = arith.constant 640 : i32
    %mul3A_14 = arith.muli %arg1, %mul3A_13 : i32
    "tpu.region"() ({
      %run_scoped3A = tpu.sem_alloc : memref<!tpu.dma_semaphore, #tpu.memory_space<semaphore_mem>>
      %dma_start3A = arith.constant 0 : i32
      %dma_start3A_33 = tpu.memref_slice %arg18[%mul3A_14, %dma_start3A] : memref<10240x16xf32, #tpu.memory_space<vmem_shared>> -> memref<640x16xf32, #tpu.memory_space<vmem_shared>>
      %dma_start3A_34 = arith.constant 0 : i32
      %dma_start3A_35 = tpu.memref_slice %arg18[%mul3A_14, %dma_start3A_34] : memref<10240x16xf32, #tpu.memory_space<vmem_shared>> -> memref<640x16xf32, #tpu.memory_space<vmem_shared>>
      tpu.enqueue_dma source(%arg17 : memref<640x16xf32, #tpu.memory_space<vmem>>) target(%dma_start3A_35 : memref<640x16xf32, #tpu.memory_space<vmem_shared>>) target_semaphore(%run_scoped3A : memref<!tpu.dma_semaphore, #tpu.memory_space<semaphore_mem>>)
      %dma_wait3A = arith.constant 0 : i32
      %dma_wait3A_36 = tpu.memref_slice %arg18[%mul3A_14, %dma_wait3A] : memref<10240x16xf32, #tpu.memory_space<vmem_shared>> -> memref<640x16xf32, #tpu.memory_space<vmem_shared>>
      %dma_wait3A_37 = arith.constant 0 : i32
      %dma_wait3A_38 = tpu.memref_slice %arg18[%mul3A_14, %dma_wait3A_37] : memref<10240x16xf32, #tpu.memory_space<vmem_shared>> -> memref<640x16xf32, #tpu.memory_space<vmem_shared>>
      tpu.wait_dma2 semaphore(%run_scoped3A : memref<!tpu.dma_semaphore, #tpu.memory_space<semaphore_mem>>) src(%arg17 : memref<640x16xf32, #tpu.memory_space<vmem>>) dst(%dma_wait3A_38 : memref<640x16xf32, #tpu.memory_space<vmem_shared>>)
      tpu.yield
    }) : () -> ()
    %barrier3A = arith.constant 0 : index
    tpu.barrier barrier_id(%barrier3A)
    "tpu.region"() ({
      %run_scoped3A = tpu.sem_alloc : memref<!tpu.dma_semaphore, #tpu.memory_space<semaphore_mem>>
      tpu.enqueue_dma source(%arg4 : memref<40000xf32, #tpu.memory_space<hbm>>) target(%arg9 : memref<40000xf32, #tpu.memory_space<vmem>>) target_semaphore(%run_scoped3A : memref<!tpu.dma_semaphore, #tpu.memory_space<semaphore_mem>>)
      tpu.wait_dma2 semaphore(%run_scoped3A : memref<!tpu.dma_semaphore, #tpu.memory_space<semaphore_mem>>) src(%arg4 : memref<40000xf32, #tpu.memory_space<hbm>>) dst(%arg9 : memref<40000xf32, #tpu.memory_space<vmem>>)
      tpu.yield
    }) : () -> ()
    "tpu.region"() ({
      %run_scoped3A = tpu.sem_alloc : memref<!tpu.dma_semaphore, #tpu.memory_space<semaphore_mem>>
      tpu.enqueue_dma source(%arg5 : memref<128xf32, #tpu.memory_space<hbm>>) target(%arg10 : memref<128xf32, #tpu.memory_space<vmem>>) target_semaphore(%run_scoped3A : memref<!tpu.dma_semaphore, #tpu.memory_space<semaphore_mem>>)
      tpu.wait_dma2 semaphore(%run_scoped3A : memref<!tpu.dma_semaphore, #tpu.memory_space<semaphore_mem>>) src(%arg5 : memref<128xf32, #tpu.memory_space<hbm>>) dst(%arg10 : memref<128xf32, #tpu.memory_space<vmem>>)
      tpu.yield
    }) : () -> ()
    %broadcast_in_dim3A_15 = arith.constant 0 : i32
    %broadcast_in_dim3A_16 = vector.broadcast %broadcast_in_dim3A_15 : i32 to vector<16xi32>
    %iota3A = tpu.iota {dimensions = array<i32: 0>} : vector<16xi32>
    %get3A = arith.constant 0 : index
    %get3A_17 = tpu.vector_load %arg10[%get3A] {strides = array<i32>} : memref<128xf32, #tpu.memory_space<vmem>>, vector<16xf32>,
    %get3A_18 = arith.constant 16 : index
    %get3A_19 = tpu.vector_load %arg10[%get3A_18] {strides = array<i32>} : memref<128xf32, #tpu.memory_space<vmem>>, vector<16xf32>,
    %mul3A_20 = arith.constant 10240 : i32
    %mul3A_21 = arith.muli %add3A, %mul3A_20 : i32
    %scan3A_22 = arith.constant 0 : i32
    %scan3A_23 = arith.constant 0 : i32
    %scan3A_24 = arith.constant 5 : i32
    %scan3A_25 = arith.addi %scan3A_23, %scan3A_24 : i32
    %scan3A_26 = arith.constant 1 : i32
    scf.for %scan3A_33 = %scan3A_23 to %scan3A_25 step %scan3A_26  : i32 {
      %mul3A_34 = arith.constant 2048 : i32
      %mul3A_35 = arith.muli %scan3A_33, %mul3A_34 : i32
      %add3A_36 = arith.addi %mul3A_21, %mul3A_35 : i32
      "tpu.region"() ({
        %run_scoped3A = tpu.sem_alloc : memref<!tpu.dma_semaphore, #tpu.memory_space<semaphore_mem>>
        %dma_start3A = tpu.memref_slice %arg2[%add3A_36] : memref<327680xi32, #tpu.memory_space<hbm>> -> memref<2048xi32, #tpu.memory_space<hbm>>
        %dma_start3A_43 = tpu.memref_slice %arg2[%add3A_36] : memref<327680xi32, #tpu.memory_space<hbm>> -> memref<2048xi32, #tpu.memory_space<hbm>>
        tpu.enqueue_dma source(%dma_start3A_43 : memref<2048xi32, #tpu.memory_space<hbm>>) target(%arg11 : memref<2048xi32, #tpu.memory_space<vmem>>) target_semaphore(%run_scoped3A : memref<!tpu.dma_semaphore, #tpu.memory_space<semaphore_mem>>)
        %dma_wait3A = tpu.memref_slice %arg2[%add3A_36] : memref<327680xi32, #tpu.memory_space<hbm>> -> memref<2048xi32, #tpu.memory_space<hbm>>
        %dma_wait3A_44 = tpu.memref_slice %arg2[%add3A_36] : memref<327680xi32, #tpu.memory_space<hbm>> -> memref<2048xi32, #tpu.memory_space<hbm>>
        tpu.wait_dma2 semaphore(%run_scoped3A : memref<!tpu.dma_semaphore, #tpu.memory_space<semaphore_mem>>) src(%dma_wait3A_44 : memref<2048xi32, #tpu.memory_space<hbm>>) dst(%arg11 : memref<2048xi32, #tpu.memory_space<vmem>>)
        tpu.yield
      }) : () -> ()
      "tpu.region"() ({
        %run_scoped3A = tpu.sem_alloc : memref<!tpu.dma_semaphore, #tpu.memory_space<semaphore_mem>>
        %dma_start3A = tpu.memref_slice %arg3[%add3A_36] : memref<327680xi32, #tpu.memory_space<hbm>> -> memref<2048xi32, #tpu.memory_space<hbm>>
        %dma_start3A_43 = tpu.memref_slice %arg3[%add3A_36] : memref<327680xi32, #tpu.memory_space<hbm>> -> memref<2048xi32, #tpu.memory_space<hbm>>
        tpu.enqueue_dma source(%dma_start3A_43 : memref<2048xi32, #tpu.memory_space<hbm>>) target(%arg12 : memref<2048xi32, #tpu.memory_space<vmem>>) target_semaphore(%run_scoped3A : memref<!tpu.dma_semaphore, #tpu.memory_space<semaphore_mem>>)
        %dma_wait3A = tpu.memref_slice %arg3[%add3A_36] : memref<327680xi32, #tpu.memory_space<hbm>> -> memref<2048xi32, #tpu.memory_space<hbm>>
        %dma_wait3A_44 = tpu.memref_slice %arg3[%add3A_36] : memref<327680xi32, #tpu.memory_space<hbm>> -> memref<2048xi32, #tpu.memory_space<hbm>>
        tpu.wait_dma2 semaphore(%run_scoped3A : memref<!tpu.dma_semaphore, #tpu.memory_space<semaphore_mem>>) src(%dma_wait3A_44 : memref<2048xi32, #tpu.memory_space<hbm>>) dst(%arg12 : memref<2048xi32, #tpu.memory_space<vmem>>)
        tpu.yield
      }) : () -> ()
      %scan3A_37 = arith.constant 0 : i32
      %scan3A_38 = arith.constant 0 : i32
      %scan3A_39 = arith.constant 16 : i32
      %scan3A_40 = arith.addi %scan3A_38, %scan3A_39 : i32
      %scan3A_41 = arith.constant 1 : i32
      scf.for %scan3A_43 = %scan3A_38 to %scan3A_40 step %scan3A_41  : i32 {
        %mul3A_44 = arith.constant 128 : i32
        %mul3A_45 = arith.muli %scan3A_43, %mul3A_44 : i32
        %add3A_46 = arith.constant 0 : i32
        %add3A_47 = arith.addi %mul3A_45, %add3A_46 : i32
        %get3A_48 = arith.index_cast %add3A_47 : i32 to index
        %get3A_49 = tpu.vector_load %arg11[%get3A_48] {strides = array<i32>} : memref<2048xi32, #tpu.memory_space<vmem>>, vector<16xi32>,
        %get3A_50 = arith.index_cast %add3A_47 : i32 to index
        %get3A_51 = tpu.vector_load %arg12[%get3A_50] {strides = array<i32>} : memref<2048xi32, #tpu.memory_space<vmem>>, vector<16xi32>,
        %mul3A_52 = arith.constant 4 : i32
        %mul3A_53 = vector.broadcast %mul3A_52 : i32 to vector<16xi32>
        %mul3A_54 = arith.muli %get3A_49, %mul3A_53 : vector<16xi32>
        %gather3A = tpu.vector_load_idx %arg9[%mul3A_54] : memref<40000xf32, #tpu.memory_space<vmem>>[vector<16xi32>], vector<16xf32>,
        %mul3A_55 = arith.constant 4 : i32
        %mul3A_56 = vector.broadcast %mul3A_55 : i32 to vector<16xi32>
        %mul3A_57 = arith.muli %get3A_49, %mul3A_56 : vector<16xi32>
        %add3A_58 = arith.constant 1 : i32
        %add3A_59 = vector.broadcast %add3A_58 : i32 to vector<16xi32>
        %add3A_60 = arith.addi %mul3A_57, %add3A_59 : vector<16xi32>
        %gather3A_61 = tpu.vector_load_idx %arg9[%add3A_60] : memref<40000xf32, #tpu.memory_space<vmem>>[vector<16xi32>], vector<16xf32>,
        %mul3A_62 = arith.constant 4 : i32
        %mul3A_63 = vector.broadcast %mul3A_62 : i32 to vector<16xi32>
        %mul3A_64 = arith.muli %get3A_51, %mul3A_63 : vector<16xi32>
        %add3A_65 = arith.constant 2 : i32
        %add3A_66 = vector.broadcast %add3A_65 : i32 to vector<16xi32>
        %add3A_67 = arith.addi %mul3A_64, %add3A_66 : vector<16xi32>
        %gather3A_68 = tpu.vector_load_idx %arg9[%add3A_67] : memref<40000xf32, #tpu.memory_space<vmem>>[vector<16xi32>], vector<16xf32>,
        %mul3A_69 = arith.constant 4 : i32
        %mul3A_70 = vector.broadcast %mul3A_69 : i32 to vector<16xi32>
        %mul3A_71 = arith.muli %get3A_51, %mul3A_70 : vector<16xi32>
        %add3A_72 = arith.constant 3 : i32
        %add3A_73 = vector.broadcast %add3A_72 : i32 to vector<16xi32>
        %add3A_74 = arith.addi %mul3A_71, %add3A_73 : vector<16xi32>
        %gather3A_75 = tpu.vector_load_idx %arg9[%add3A_74] : memref<40000xf32, #tpu.memory_space<vmem>>[vector<16xi32>], vector<16xf32>,
        %add3A_76 = arith.addf %gather3A, %gather3A_68 : vector<16xf32>
        %add3A_77 = arith.addf %gather3A_61, %gather3A_75 : vector<16xf32>
        %ge3A = arith.constant 0.000000e+00 : f32
        %ge3A_78 = vector.broadcast %ge3A : f32 to vector<16xf32>
        %ge3A_79 = arith.cmpf oge, %add3A_76, %ge3A_78 : vector<16xf32>
        %mul3A_80 = arith.constant 2.000000e-01 : f32
        %mul3A_81 = vector.broadcast %mul3A_80 : f32 to vector<16xf32>
        %mul3A_82 = arith.mulf %add3A_76, %mul3A_81 : vector<16xf32>
        %select_n3A = arith.select %ge3A_79, %add3A_76, %mul3A_82 : vector<16xi1>, vector<16xf32>
        %ge3A_83 = arith.constant 0.000000e+00 : f32
        %ge3A_84 = vector.broadcast %ge3A_83 : f32 to vector<16xf32>
        %ge3A_85 = arith.cmpf oge, %add3A_77, %ge3A_84 : vector<16xf32>
        %mul3A_86 = arith.constant 2.000000e-01 : f32
        %mul3A_87 = vector.broadcast %mul3A_86 : f32 to vector<16xf32>
        %mul3A_88 = arith.mulf %add3A_77, %mul3A_87 : vector<16xf32>
        %select_n3A_89 = arith.select %ge3A_85, %add3A_77, %mul3A_88 : vector<16xi1>, vector<16xf32>
        %add3A_90 = arith.addi %add3A_36, %mul3A_45 : i32
        %add3A_91 = arith.constant 0 : i32
        %add3A_92 = arith.addi %add3A_90, %add3A_91 : i32
        %add3A_93 = vector.broadcast %add3A_92 : i32 to vector<16xi32>
        %add3A_94 = arith.addi %add3A_93, %iota3A : vector<16xi32>
        %lt3A = arith.constant 320000 : i32
        %lt3A_95 = vector.broadcast %lt3A : i32 to vector<16xi32>
        %lt3A_96 = arith.cmpi slt, %add3A_94, %lt3A_95 : vector<16xi32>
        %sub3A = arith.subf %select_n3A, %get3A_17 : vector<16xf32>
        %exp3A = math.exp %sub3A : vector<16xf32>
        %jit3A = arith.constant 0.000000e+00 : f32
        %broadcast_in_dim3A_97 = vector.broadcast %jit3A : f32 to vector<16xf32>
        %select_n3A_98 = arith.select %lt3A_96, %exp3A, %broadcast_in_dim3A_97 : vector<16xi1>, vector<16xf32>
        %sub3A_99 = arith.subf %select_n3A_89, %get3A_19 : vector<16xf32>
        %exp3A_100 = math.exp %sub3A_99 : vector<16xf32>
        %jit3A_101 = arith.constant 0.000000e+00 : f32
        %broadcast_in_dim3A_102 = vector.broadcast %jit3A_101 : f32 to vector<16xf32>
        %select_n3A_103 = arith.select %lt3A_96, %exp3A_100, %broadcast_in_dim3A_102 : vector<16xi1>, vector<16xf32>
        %swap3A = arith.index_cast %add3A_47 : i32 to index
        %swap3A_104 = tpu.vector_load %arg13[%swap3A] {strides = array<i32>} : memref<2048xf32, #tpu.memory_space<vmem>>, vector<16xf32>,
        tpu.vector_store %arg13[%swap3A], %select_n3A_98 {strides = array<i32>} : memref<2048xf32, #tpu.memory_space<vmem>>, vector<16xf32>,
        %swap3A_105 = arith.index_cast %add3A_47 : i32 to index
        %swap3A_106 = tpu.vector_load %arg14[%swap3A_105] {strides = array<i32>} : memref<2048xf32, #tpu.memory_space<vmem>>, vector<16xf32>,
        tpu.vector_store %arg14[%swap3A_105], %select_n3A_103 {strides = array<i32>} : memref<2048xf32, #tpu.memory_space<vmem>>, vector<16xf32>,
        %swap3A_107 = arith.constant 0 : index
        %swap3A_108 = tpu.vector_load %arg15[%swap3A_107] {strides = array<i32>} : memref<128xi32, #tpu.memory_space<vmem>>, vector<16xi32>,
        tpu.vector_store %arg15[%swap3A_107], %get3A_51 {strides = array<i32>} : memref<128xi32, #tpu.memory_space<vmem>>, vector<16xi32>,
        %add3A_109 = arith.constant 0 : i32
        %add3A_110 = vector.broadcast %add3A_109 : i32 to vector<16xi32>
        %add3A_111 = arith.addi %iota3A, %add3A_110 : vector<16xi32>
        tpu.vector_store_idx %arg16[%add3A_111, %broadcast_in_dim3A_16], %select_n3A_98 : memref<128x16xf32, #tpu.memory_space<vmem>>[vector<16xi32>, vector<16xi32>], vector<16xf32>,
        %add3A_112 = arith.constant 1 : i32
        %add3A_113 = vector.broadcast %add3A_112 : i32 to vector<16xi32>
        %add3A_114 = arith.addi %broadcast_in_dim3A_16, %add3A_113 : vector<16xi32>
        tpu.vector_store_idx %arg16[%add3A_111, %add3A_114], %select_n3A_103 : memref<128x16xf32, #tpu.memory_space<vmem>>[vector<16xi32>, vector<16xi32>], vector<16xf32>,
        %add3A_115 = arith.constant 16 : i32
        %add3A_116 = arith.addi %mul3A_45, %add3A_115 : i32
        %get3A_117 = arith.index_cast %add3A_116 : i32 to index
        %get3A_118 = tpu.vector_load %arg11[%get3A_117] {strides = array<i32>} : memref<2048xi32, #tpu.memory_space<vmem>>, vector<16xi32>,
        %get3A_119 = arith.index_cast %add3A_116 : i32 to index
        %get3A_120 = tpu.vector_load %arg12[%get3A_119] {strides = array<i32>} : memref<2048xi32, #tpu.memory_space<vmem>>, vector<16xi32>,
        %mul3A_121 = arith.constant 4 : i32
        %mul3A_122 = vector.broadcast %mul3A_121 : i32 to vector<16xi32>
        %mul3A_123 = arith.muli %get3A_118, %mul3A_122 : vector<16xi32>
        %gather3A_124 = tpu.vector_load_idx %arg9[%mul3A_123] : memref<40000xf32, #tpu.memory_space<vmem>>[vector<16xi32>], vector<16xf32>,
        %mul3A_125 = arith.constant 4 : i32
        %mul3A_126 = vector.broadcast %mul3A_125 : i32 to vector<16xi32>
        %mul3A_127 = arith.muli %get3A_118, %mul3A_126 : vector<16xi32>
        %add3A_128 = arith.constant 1 : i32
        %add3A_129 = vector.broadcast %add3A_128 : i32 to vector<16xi32>
        %add3A_130 = arith.addi %mul3A_127, %add3A_129 : vector<16xi32>
        %gather3A_131 = tpu.vector_load_idx %arg9[%add3A_130] : memref<40000xf32, #tpu.memory_space<vmem>>[vector<16xi32>], vector<16xf32>,
        %mul3A_132 = arith.constant 4 : i32
        %mul3A_133 = vector.broadcast %mul3A_132 : i32 to vector<16xi32>
        %mul3A_134 = arith.muli %get3A_120, %mul3A_133 : vector<16xi32>
        %add3A_135 = arith.constant 2 : i32
        %add3A_136 = vector.broadcast %add3A_135 : i32 to vector<16xi32>
        %add3A_137 = arith.addi %mul3A_134, %add3A_136 : vector<16xi32>
        %gather3A_138 = tpu.vector_load_idx %arg9[%add3A_137] : memref<40000xf32, #tpu.memory_space<vmem>>[vector<16xi32>], vector<16xf32>,
        %mul3A_139 = arith.constant 4 : i32
        %mul3A_140 = vector.broadcast %mul3A_139 : i32 to vector<16xi32>
        %mul3A_141 = arith.muli %get3A_120, %mul3A_140 : vector<16xi32>
        %add3A_142 = arith.constant 3 : i32
        %add3A_143 = vector.broadcast %add3A_142 : i32 to vector<16xi32>
        %add3A_144 = arith.addi %mul3A_141, %add3A_143 : vector<16xi32>
        %gather3A_145 = tpu.vector_load_idx %arg9[%add3A_144] : memref<40000xf32, #tpu.memory_space<vmem>>[vector<16xi32>], vector<16xf32>,
        %add3A_146 = arith.addf %gather3A_124, %gather3A_138 : vector<16xf32>
        %add3A_147 = arith.addf %gather3A_131, %gather3A_145 : vector<16xf32>
        %ge3A_148 = arith.constant 0.000000e+00 : f32
        %ge3A_149 = vector.broadcast %ge3A_148 : f32 to vector<16xf32>
        %ge3A_150 = arith.cmpf oge, %add3A_146, %ge3A_149 : vector<16xf32>
        %mul3A_151 = arith.constant 2.000000e-01 : f32
        %mul3A_152 = vector.broadcast %mul3A_151 : f32 to vector<16xf32>
        %mul3A_153 = arith.mulf %add3A_146, %mul3A_152 : vector<16xf32>
        %select_n3A_154 = arith.select %ge3A_150, %add3A_146, %mul3A_153 : vector<16xi1>, vector<16xf32>
        %ge3A_155 = arith.constant 0.000000e+00 : f32
        %ge3A_156 = vector.broadcast %ge3A_155 : f32 to vector<16xf32>
        %ge3A_157 = arith.cmpf oge, %add3A_147, %ge3A_156 : vector<16xf32>
        %mul3A_158 = arith.constant 2.000000e-01 : f32
        %mul3A_159 = vector.broadcast %mul3A_158 : f32 to vector<16xf32>
        %mul3A_160 = arith.mulf %add3A_147, %mul3A_159 : vector<16xf32>
        %select_n3A_161 = arith.select %ge3A_157, %add3A_147, %mul3A_160 : vector<16xi1>, vector<16xf32>
        %add3A_162 = arith.addi %add3A_36, %mul3A_45 : i32
        %add3A_163 = arith.constant 16 : i32
        %add3A_164 = arith.addi %add3A_162, %add3A_163 : i32
        %add3A_165 = vector.broadcast %add3A_164 : i32 to vector<16xi32>
        %add3A_166 = arith.addi %add3A_165, %iota3A : vector<16xi32>
        %lt3A_167 = arith.constant 320000 : i32
        %lt3A_168 = vector.broadcast %lt3A_167 : i32 to vector<16xi32>
        %lt3A_169 = arith.cmpi slt, %add3A_166, %lt3A_168 : vector<16xi32>
        %sub3A_170 = arith.subf %select_n3A_154, %get3A_17 : vector<16xf32>
        %exp3A_171 = math.exp %sub3A_170 : vector<16xf32>
        %jit3A_172 = arith.constant 0.000000e+00 : f32
        %broadcast_in_dim3A_173 = vector.broadcast %jit3A_172 : f32 to vector<16xf32>
        %select_n3A_174 = arith.select %lt3A_169, %exp3A_171, %broadcast_in_dim3A_173 : vector<16xi1>, vector<16xf32>
        %sub3A_175 = arith.subf %select_n3A_161, %get3A_19 : vector<16xf32>
        %exp3A_176 = math.exp %sub3A_175 : vector<16xf32>
        %jit3A_177 = arith.constant 0.000000e+00 : f32
        %broadcast_in_dim3A_178 = vector.broadcast %jit3A_177 : f32 to vector<16xf32>
        %select_n3A_179 = arith.select %lt3A_169, %exp3A_176, %broadcast_in_dim3A_178 : vector<16xi1>, vector<16xf32>
        %swap3A_180 = arith.index_cast %add3A_116 : i32 to index
        %swap3A_181 = tpu.vector_load %arg13[%swap3A_180] {strides = array<i32>} : memref<2048xf32, #tpu.memory_space<vmem>>, vector<16xf32>,
        tpu.vector_store %arg13[%swap3A_180], %select_n3A_174 {strides = array<i32>} : memref<2048xf32, #tpu.memory_space<vmem>>, vector<16xf32>,
        %swap3A_182 = arith.index_cast %add3A_116 : i32 to index
        %swap3A_183 = tpu.vector_load %arg14[%swap3A_182] {strides = array<i32>} : memref<2048xf32, #tpu.memory_space<vmem>>, vector<16xf32>,
        tpu.vector_store %arg14[%swap3A_182], %select_n3A_179 {strides = array<i32>} : memref<2048xf32, #tpu.memory_space<vmem>>, vector<16xf32>,
        %swap3A_184 = arith.constant 16 : index
        %swap3A_185 = tpu.vector_load %arg15[%swap3A_184] {strides = array<i32>} : memref<128xi32, #tpu.memory_space<vmem>>, vector<16xi32>,
        tpu.vector_store %arg15[%swap3A_184], %get3A_120 {strides = array<i32>} : memref<128xi32, #tpu.memory_space<vmem>>, vector<16xi32>,
        %add3A_186 = arith.constant 16 : i32
        %add3A_187 = vector.broadcast %add3A_186 : i32 to vector<16xi32>
        %add3A_188 = arith.addi %iota3A, %add3A_187 : vector<16xi32>
        tpu.vector_store_idx %arg16[%add3A_188, %broadcast_in_dim3A_16], %select_n3A_174 : memref<128x16xf32, #tpu.memory_space<vmem>>[vector<16xi32>, vector<16xi32>], vector<16xf32>,
        %add3A_189 = arith.constant 1 : i32
        %add3A_190 = vector.broadcast %add3A_189 : i32 to vector<16xi32>
        %add3A_191 = arith.addi %broadcast_in_dim3A_16, %add3A_190 : vector<16xi32>
        tpu.vector_store_idx %arg16[%add3A_188, %add3A_191], %select_n3A_179 : memref<128x16xf32, #tpu.memory_space<vmem>>[vector<16xi32>, vector<16xi32>], vector<16xf32>,
        %add3A_192 = arith.constant 32 : i32
        %add3A_193 = arith.addi %mul3A_45, %add3A_192 : i32
        %get3A_194 = arith.index_cast %add3A_193 : i32 to index
        %get3A_195 = tpu.vector_load %arg11[%get3A_194] {strides = array<i32>} : memref<2048xi32, #tpu.memory_space<vmem>>, vector<16xi32>,
        %get3A_196 = arith.index_cast %add3A_193 : i32 to index
        %get3A_197 = tpu.vector_load %arg12[%get3A_196] {strides = array<i32>} : memref<2048xi32, #tpu.memory_space<vmem>>, vector<16xi32>,
        %mul3A_198 = arith.constant 4 : i32
        %mul3A_199 = vector.broadcast %mul3A_198 : i32 to vector<16xi32>
        %mul3A_200 = arith.muli %get3A_195, %mul3A_199 : vector<16xi32>
        %gather3A_201 = tpu.vector_load_idx %arg9[%mul3A_200] : memref<40000xf32, #tpu.memory_space<vmem>>[vector<16xi32>], vector<16xf32>,
        %mul3A_202 = arith.constant 4 : i32
        %mul3A_203 = vector.broadcast %mul3A_202 : i32 to vector<16xi32>
        %mul3A_204 = arith.muli %get3A_195, %mul3A_203 : vector<16xi32>
        %add3A_205 = arith.constant 1 : i32
        %add3A_206 = vector.broadcast %add3A_205 : i32 to vector<16xi32>
        %add3A_207 = arith.addi %mul3A_204, %add3A_206 : vector<16xi32>
        %gather3A_208 = tpu.vector_load_idx %arg9[%add3A_207] : memref<40000xf32, #tpu.memory_space<vmem>>[vector<16xi32>], vector<16xf32>,
        %mul3A_209 = arith.constant 4 : i32
        %mul3A_210 = vector.broadcast %mul3A_209 : i32 to vector<16xi32>
        %mul3A_211 = arith.muli %get3A_197, %mul3A_210 : vector<16xi32>
        %add3A_212 = arith.constant 2 : i32
        %add3A_213 = vector.broadcast %add3A_212 : i32 to vector<16xi32>
        %add3A_214 = arith.addi %mul3A_211, %add3A_213 : vector<16xi32>
        %gather3A_215 = tpu.vector_load_idx %arg9[%add3A_214] : memref<40000xf32, #tpu.memory_space<vmem>>[vector<16xi32>], vector<16xf32>,
        %mul3A_216 = arith.constant 4 : i32
        %mul3A_217 = vector.broadcast %mul3A_216 : i32 to vector<16xi32>
        %mul3A_218 = arith.muli %get3A_197, %mul3A_217 : vector<16xi32>
        %add3A_219 = arith.constant 3 : i32
        %add3A_220 = vector.broadcast %add3A_219 : i32 to vector<16xi32>
        %add3A_221 = arith.addi %mul3A_218, %add3A_220 : vector<16xi32>
        %gather3A_222 = tpu.vector_load_idx %arg9[%add3A_221] : memref<40000xf32, #tpu.memory_space<vmem>>[vector<16xi32>], vector<16xf32>,
        %add3A_223 = arith.addf %gather3A_201, %gather3A_215 : vector<16xf32>
        %add3A_224 = arith.addf %gather3A_208, %gather3A_222 : vector<16xf32>
        %ge3A_225 = arith.constant 0.000000e+00 : f32
        %ge3A_226 = vector.broadcast %ge3A_225 : f32 to vector<16xf32>
        %ge3A_227 = arith.cmpf oge, %add3A_223, %ge3A_226 : vector<16xf32>
        %mul3A_228 = arith.constant 2.000000e-01 : f32
        %mul3A_229 = vector.broadcast %mul3A_228 : f32 to vector<16xf32>
        %mul3A_230 = arith.mulf %add3A_223, %mul3A_229 : vector<16xf32>
        %select_n3A_231 = arith.select %ge3A_227, %add3A_223, %mul3A_230 : vector<16xi1>, vector<16xf32>
        %ge3A_232 = arith.constant 0.000000e+00 : f32
        %ge3A_233 = vector.broadcast %ge3A_232 : f32 to vector<16xf32>
        %ge3A_234 = arith.cmpf oge, %add3A_224, %ge3A_233 : vector<16xf32>
        %mul3A_235 = arith.constant 2.000000e-01 : f32
        %mul3A_236 = vector.broadcast %mul3A_235 : f32 to vector<16xf32>
        %mul3A_237 = arith.mulf %add3A_224, %mul3A_236 : vector<16xf32>
        %select_n3A_238 = arith.select %ge3A_234, %add3A_224, %mul3A_237 : vector<16xi1>, vector<16xf32>
        %add3A_239 = arith.addi %add3A_36, %mul3A_45 : i32
        %add3A_240 = arith.constant 32 : i32
        %add3A_241 = arith.addi %add3A_239, %add3A_240 : i32
        %add3A_242 = vector.broadcast %add3A_241 : i32 to vector<16xi32>
        %add3A_243 = arith.addi %add3A_242, %iota3A : vector<16xi32>
        %lt3A_244 = arith.constant 320000 : i32
        %lt3A_245 = vector.broadcast %lt3A_244 : i32 to vector<16xi32>
        %lt3A_246 = arith.cmpi slt, %add3A_243, %lt3A_245 : vector<16xi32>
        %sub3A_247 = arith.subf %select_n3A_231, %get3A_17 : vector<16xf32>
        %exp3A_248 = math.exp %sub3A_247 : vector<16xf32>
        %jit3A_249 = arith.constant 0.000000e+00 : f32
        %broadcast_in_dim3A_250 = vector.broadcast %jit3A_249 : f32 to vector<16xf32>
        %select_n3A_251 = arith.select %lt3A_246, %exp3A_248, %broadcast_in_dim3A_250 : vector<16xi1>, vector<16xf32>
        %sub3A_252 = arith.subf %select_n3A_238, %get3A_19 : vector<16xf32>
        %exp3A_253 = math.exp %sub3A_252 : vector<16xf32>
        %jit3A_254 = arith.constant 0.000000e+00 : f32
        %broadcast_in_dim3A_255 = vector.broadcast %jit3A_254 : f32 to vector<16xf32>
        %select_n3A_256 = arith.select %lt3A_246, %exp3A_253, %broadcast_in_dim3A_255 : vector<16xi1>, vector<16xf32>
        %swap3A_257 = arith.index_cast %add3A_193 : i32 to index
        %swap3A_258 = tpu.vector_load %arg13[%swap3A_257] {strides = array<i32>} : memref<2048xf32, #tpu.memory_space<vmem>>, vector<16xf32>,
        tpu.vector_store %arg13[%swap3A_257], %select_n3A_251 {strides = array<i32>} : memref<2048xf32, #tpu.memory_space<vmem>>, vector<16xf32>,
        %swap3A_259 = arith.index_cast %add3A_193 : i32 to index
        %swap3A_260 = tpu.vector_load %arg14[%swap3A_259] {strides = array<i32>} : memref<2048xf32, #tpu.memory_space<vmem>>, vector<16xf32>,
        tpu.vector_store %arg14[%swap3A_259], %select_n3A_256 {strides = array<i32>} : memref<2048xf32, #tpu.memory_space<vmem>>, vector<16xf32>,
        %swap3A_261 = arith.constant 32 : index
        %swap3A_262 = tpu.vector_load %arg15[%swap3A_261] {strides = array<i32>} : memref<128xi32, #tpu.memory_space<vmem>>, vector<16xi32>,
        tpu.vector_store %arg15[%swap3A_261], %get3A_197 {strides = array<i32>} : memref<128xi32, #tpu.memory_space<vmem>>, vector<16xi32>,
        %add3A_263 = arith.constant 32 : i32
        %add3A_264 = vector.broadcast %add3A_263 : i32 to vector<16xi32>
        %add3A_265 = arith.addi %iota3A, %add3A_264 : vector<16xi32>
        tpu.vector_store_idx %arg16[%add3A_265, %broadcast_in_dim3A_16], %select_n3A_251 : memref<128x16xf32, #tpu.memory_space<vmem>>[vector<16xi32>, vector<16xi32>], vector<16xf32>,
        %add3A_266 = arith.constant 1 : i32
        %add3A_267 = vector.broadcast %add3A_266 : i32 to vector<16xi32>
        %add3A_268 = arith.addi %broadcast_in_dim3A_16, %add3A_267 : vector<16xi32>
        tpu.vector_store_idx %arg16[%add3A_265, %add3A_268], %select_n3A_256 : memref<128x16xf32, #tpu.memory_space<vmem>>[vector<16xi32>, vector<16xi32>], vector<16xf32>,
        %add3A_269 = arith.constant 48 : i32
        %add3A_270 = arith.addi %mul3A_45, %add3A_269 : i32
        %get3A_271 = arith.index_cast %add3A_270 : i32 to index
        %get3A_272 = tpu.vector_load %arg11[%get3A_271] {strides = array<i32>} : memref<2048xi32, #tpu.memory_space<vmem>>, vector<16xi32>,
        %get3A_273 = arith.index_cast %add3A_270 : i32 to index
        %get3A_274 = tpu.vector_load %arg12[%get3A_273] {strides = array<i32>} : memref<2048xi32, #tpu.memory_space<vmem>>, vector<16xi32>,
        %mul3A_275 = arith.constant 4 : i32
        %mul3A_276 = vector.broadcast %mul3A_275 : i32 to vector<16xi32>
        %mul3A_277 = arith.muli %get3A_272, %mul3A_276 : vector<16xi32>
        %gather3A_278 = tpu.vector_load_idx %arg9[%mul3A_277] : memref<40000xf32, #tpu.memory_space<vmem>>[vector<16xi32>], vector<16xf32>,
        %mul3A_279 = arith.constant 4 : i32
        %mul3A_280 = vector.broadcast %mul3A_279 : i32 to vector<16xi32>
        %mul3A_281 = arith.muli %get3A_272, %mul3A_280 : vector<16xi32>
        %add3A_282 = arith.constant 1 : i32
        %add3A_283 = vector.broadcast %add3A_282 : i32 to vector<16xi32>
        %add3A_284 = arith.addi %mul3A_281, %add3A_283 : vector<16xi32>
        %gather3A_285 = tpu.vector_load_idx %arg9[%add3A_284] : memref<40000xf32, #tpu.memory_space<vmem>>[vector<16xi32>], vector<16xf32>,
        %mul3A_286 = arith.constant 4 : i32
        %mul3A_287 = vector.broadcast %mul3A_286 : i32 to vector<16xi32>
        %mul3A_288 = arith.muli %get3A_274, %mul3A_287 : vector<16xi32>
        %add3A_289 = arith.constant 2 : i32
        %add3A_290 = vector.broadcast %add3A_289 : i32 to vector<16xi32>
        %add3A_291 = arith.addi %mul3A_288, %add3A_290 : vector<16xi32>
        %gather3A_292 = tpu.vector_load_idx %arg9[%add3A_291] : memref<40000xf32, #tpu.memory_space<vmem>>[vector<16xi32>], vector<16xf32>,
        %mul3A_293 = arith.constant 4 : i32
        %mul3A_294 = vector.broadcast %mul3A_293 : i32 to vector<16xi32>
        %mul3A_295 = arith.muli %get3A_274, %mul3A_294 : vector<16xi32>
        %add3A_296 = arith.constant 3 : i32
        %add3A_297 = vector.broadcast %add3A_296 : i32 to vector<16xi32>
        %add3A_298 = arith.addi %mul3A_295, %add3A_297 : vector<16xi32>
        %gather3A_299 = tpu.vector_load_idx %arg9[%add3A_298] : memref<40000xf32, #tpu.memory_space<vmem>>[vector<16xi32>], vector<16xf32>,
        %add3A_300 = arith.addf %gather3A_278, %gather3A_292 : vector<16xf32>
        %add3A_301 = arith.addf %gather3A_285, %gather3A_299 : vector<16xf32>
        %ge3A_302 = arith.constant 0.000000e+00 : f32
        %ge3A_303 = vector.broadcast %ge3A_302 : f32 to vector<16xf32>
        %ge3A_304 = arith.cmpf oge, %add3A_300, %ge3A_303 : vector<16xf32>
        %mul3A_305 = arith.constant 2.000000e-01 : f32
        %mul3A_306 = vector.broadcast %mul3A_305 : f32 to vector<16xf32>
        %mul3A_307 = arith.mulf %add3A_300, %mul3A_306 : vector<16xf32>
        %select_n3A_308 = arith.select %ge3A_304, %add3A_300, %mul3A_307 : vector<16xi1>, vector<16xf32>
        %ge3A_309 = arith.constant 0.000000e+00 : f32
        %ge3A_310 = vector.broadcast %ge3A_309 : f32 to vector<16xf32>
        %ge3A_311 = arith.cmpf oge, %add3A_301, %ge3A_310 : vector<16xf32>
        %mul3A_312 = arith.constant 2.000000e-01 : f32
        %mul3A_313 = vector.broadcast %mul3A_312 : f32 to vector<16xf32>
        %mul3A_314 = arith.mulf %add3A_301, %mul3A_313 : vector<16xf32>
        %select_n3A_315 = arith.select %ge3A_311, %add3A_301, %mul3A_314 : vector<16xi1>, vector<16xf32>
        %add3A_316 = arith.addi %add3A_36, %mul3A_45 : i32
        %add3A_317 = arith.constant 48 : i32
        %add3A_318 = arith.addi %add3A_316, %add3A_317 : i32
        %add3A_319 = vector.broadcast %add3A_318 : i32 to vector<16xi32>
        %add3A_320 = arith.addi %add3A_319, %iota3A : vector<16xi32>
        %lt3A_321 = arith.constant 320000 : i32
        %lt3A_322 = vector.broadcast %lt3A_321 : i32 to vector<16xi32>
        %lt3A_323 = arith.cmpi slt, %add3A_320, %lt3A_322 : vector<16xi32>
        %sub3A_324 = arith.subf %select_n3A_308, %get3A_17 : vector<16xf32>
        %exp3A_325 = math.exp %sub3A_324 : vector<16xf32>
        %jit3A_326 = arith.constant 0.000000e+00 : f32
        %broadcast_in_dim3A_327 = vector.broadcast %jit3A_326 : f32 to vector<16xf32>
        %select_n3A_328 = arith.select %lt3A_323, %exp3A_325, %broadcast_in_dim3A_327 : vector<16xi1>, vector<16xf32>
        %sub3A_329 = arith.subf %select_n3A_315, %get3A_19 : vector<16xf32>
        %exp3A_330 = math.exp %sub3A_329 : vector<16xf32>
        %jit3A_331 = arith.constant 0.000000e+00 : f32
        %broadcast_in_dim3A_332 = vector.broadcast %jit3A_331 : f32 to vector<16xf32>
        %select_n3A_333 = arith.select %lt3A_323, %exp3A_330, %broadcast_in_dim3A_332 : vector<16xi1>, vector<16xf32>
        %swap3A_334 = arith.index_cast %add3A_270 : i32 to index
        %swap3A_335 = tpu.vector_load %arg13[%swap3A_334] {strides = array<i32>} : memref<2048xf32, #tpu.memory_space<vmem>>, vector<16xf32>,
        tpu.vector_store %arg13[%swap3A_334], %select_n3A_328 {strides = array<i32>} : memref<2048xf32, #tpu.memory_space<vmem>>, vector<16xf32>,
        %swap3A_336 = arith.index_cast %add3A_270 : i32 to index
        %swap3A_337 = tpu.vector_load %arg14[%swap3A_336] {strides = array<i32>} : memref<2048xf32, #tpu.memory_space<vmem>>, vector<16xf32>,
        tpu.vector_store %arg14[%swap3A_336], %select_n3A_333 {strides = array<i32>} : memref<2048xf32, #tpu.memory_space<vmem>>, vector<16xf32>,
        %swap3A_338 = arith.constant 48 : index
        %swap3A_339 = tpu.vector_load %arg15[%swap3A_338] {strides = array<i32>} : memref<128xi32, #tpu.memory_space<vmem>>, vector<16xi32>,
        tpu.vector_store %arg15[%swap3A_338], %get3A_274 {strides = array<i32>} : memref<128xi32, #tpu.memory_space<vmem>>, vector<16xi32>,
        %add3A_340 = arith.constant 48 : i32
        %add3A_341 = vector.broadcast %add3A_340 : i32 to vector<16xi32>
        %add3A_342 = arith.addi %iota3A, %add3A_341 : vector<16xi32>
        tpu.vector_store_idx %arg16[%add3A_342, %broadcast_in_dim3A_16], %select_n3A_328 : memref<128x16xf32, #tpu.memory_space<vmem>>[vector<16xi32>, vector<16xi32>], vector<16xf32>,
        %add3A_343 = arith.constant 1 : i32
        %add3A_344 = vector.broadcast %add3A_343 : i32 to vector<16xi32>
        %add3A_345 = arith.addi %broadcast_in_dim3A_16, %add3A_344 : vector<16xi32>
        tpu.vector_store_idx %arg16[%add3A_342, %add3A_345], %select_n3A_333 : memref<128x16xf32, #tpu.memory_space<vmem>>[vector<16xi32>, vector<16xi32>], vector<16xf32>,
        %add3A_346 = arith.constant 64 : i32
        %add3A_347 = arith.addi %mul3A_45, %add3A_346 : i32
        %get3A_348 = arith.index_cast %add3A_347 : i32 to index
        %get3A_349 = tpu.vector_load %arg11[%get3A_348] {strides = array<i32>} : memref<2048xi32, #tpu.memory_space<vmem>>, vector<16xi32>,
        %get3A_350 = arith.index_cast %add3A_347 : i32 to index
        %get3A_351 = tpu.vector_load %arg12[%get3A_350] {strides = array<i32>} : memref<2048xi32, #tpu.memory_space<vmem>>, vector<16xi32>,
        %mul3A_352 = arith.constant 4 : i32
        %mul3A_353 = vector.broadcast %mul3A_352 : i32 to vector<16xi32>
        %mul3A_354 = arith.muli %get3A_349, %mul3A_353 : vector<16xi32>
        %gather3A_355 = tpu.vector_load_idx %arg9[%mul3A_354] : memref<40000xf32, #tpu.memory_space<vmem>>[vector<16xi32>], vector<16xf32>,
        %mul3A_356 = arith.constant 4 : i32
        %mul3A_357 = vector.broadcast %mul3A_356 : i32 to vector<16xi32>
        %mul3A_358 = arith.muli %get3A_349, %mul3A_357 : vector<16xi32>
        %add3A_359 = arith.constant 1 : i32
        %add3A_360 = vector.broadcast %add3A_359 : i32 to vector<16xi32>
        %add3A_361 = arith.addi %mul3A_358, %add3A_360 : vector<16xi32>
        %gather3A_362 = tpu.vector_load_idx %arg9[%add3A_361] : memref<40000xf32, #tpu.memory_space<vmem>>[vector<16xi32>], vector<16xf32>,
        %mul3A_363 = arith.constant 4 : i32
        %mul3A_364 = vector.broadcast %mul3A_363 : i32 to vector<16xi32>
        %mul3A_365 = arith.muli %get3A_351, %mul3A_364 : vector<16xi32>
        %add3A_366 = arith.constant 2 : i32
        %add3A_367 = vector.broadcast %add3A_366 : i32 to vector<16xi32>
        %add3A_368 = arith.addi %mul3A_365, %add3A_367 : vector<16xi32>
        %gather3A_369 = tpu.vector_load_idx %arg9[%add3A_368] : memref<40000xf32, #tpu.memory_space<vmem>>[vector<16xi32>], vector<16xf32>,
        %mul3A_370 = arith.constant 4 : i32
        %mul3A_371 = vector.broadcast %mul3A_370 : i32 to vector<16xi32>
        %mul3A_372 = arith.muli %get3A_351, %mul3A_371 : vector<16xi32>
        %add3A_373 = arith.constant 3 : i32
        %add3A_374 = vector.broadcast %add3A_373 : i32 to vector<16xi32>
        %add3A_375 = arith.addi %mul3A_372, %add3A_374 : vector<16xi32>
        %gather3A_376 = tpu.vector_load_idx %arg9[%add3A_375] : memref<40000xf32, #tpu.memory_space<vmem>>[vector<16xi32>], vector<16xf32>,
        %add3A_377 = arith.addf %gather3A_355, %gather3A_369 : vector<16xf32>
        %add3A_378 = arith.addf %gather3A_362, %gather3A_376 : vector<16xf32>
        %ge3A_379 = arith.constant 0.000000e+00 : f32
        %ge3A_380 = vector.broadcast %ge3A_379 : f32 to vector<16xf32>
        %ge3A_381 = arith.cmpf oge, %add3A_377, %ge3A_380 : vector<16xf32>
        %mul3A_382 = arith.constant 2.000000e-01 : f32
        %mul3A_383 = vector.broadcast %mul3A_382 : f32 to vector<16xf32>
        %mul3A_384 = arith.mulf %add3A_377, %mul3A_383 : vector<16xf32>
        %select_n3A_385 = arith.select %ge3A_381, %add3A_377, %mul3A_384 : vector<16xi1>, vector<16xf32>
        %ge3A_386 = arith.constant 0.000000e+00 : f32
        %ge3A_387 = vector.broadcast %ge3A_386 : f32 to vector<16xf32>
        %ge3A_388 = arith.cmpf oge, %add3A_378, %ge3A_387 : vector<16xf32>
        %mul3A_389 = arith.constant 2.000000e-01 : f32
        %mul3A_390 = vector.broadcast %mul3A_389 : f32 to vector<16xf32>
        %mul3A_391 = arith.mulf %add3A_378, %mul3A_390 : vector<16xf32>
        %select_n3A_392 = arith.select %ge3A_388, %add3A_378, %mul3A_391 : vector<16xi1>, vector<16xf32>
        %add3A_393 = arith.addi %add3A_36, %mul3A_45 : i32
        %add3A_394 = arith.constant 64 : i32
        %add3A_395 = arith.addi %add3A_393, %add3A_394 : i32
        %add3A_396 = vector.broadcast %add3A_395 : i32 to vector<16xi32>
        %add3A_397 = arith.addi %add3A_396, %iota3A : vector<16xi32>
        %lt3A_398 = arith.constant 320000 : i32
        %lt3A_399 = vector.broadcast %lt3A_398 : i32 to vector<16xi32>
        %lt3A_400 = arith.cmpi slt, %add3A_397, %lt3A_399 : vector<16xi32>
        %sub3A_401 = arith.subf %select_n3A_385, %get3A_17 : vector<16xf32>
        %exp3A_402 = math.exp %sub3A_401 : vector<16xf32>
        %jit3A_403 = arith.constant 0.000000e+00 : f32
        %broadcast_in_dim3A_404 = vector.broadcast %jit3A_403 : f32 to vector<16xf32>
        %select_n3A_405 = arith.select %lt3A_400, %exp3A_402, %broadcast_in_dim3A_404 : vector<16xi1>, vector<16xf32>
        %sub3A_406 = arith.subf %select_n3A_392, %get3A_19 : vector<16xf32>
        %exp3A_407 = math.exp %sub3A_406 : vector<16xf32>
        %jit3A_408 = arith.constant 0.000000e+00 : f32
        %broadcast_in_dim3A_409 = vector.broadcast %jit3A_408 : f32 to vector<16xf32>
        %select_n3A_410 = arith.select %lt3A_400, %exp3A_407, %broadcast_in_dim3A_409 : vector<16xi1>, vector<16xf32>
        %swap3A_411 = arith.index_cast %add3A_347 : i32 to index
        %swap3A_412 = tpu.vector_load %arg13[%swap3A_411] {strides = array<i32>} : memref<2048xf32, #tpu.memory_space<vmem>>, vector<16xf32>,
        tpu.vector_store %arg13[%swap3A_411], %select_n3A_405 {strides = array<i32>} : memref<2048xf32, #tpu.memory_space<vmem>>, vector<16xf32>,
        %swap3A_413 = arith.index_cast %add3A_347 : i32 to index
        %swap3A_414 = tpu.vector_load %arg14[%swap3A_413] {strides = array<i32>} : memref<2048xf32, #tpu.memory_space<vmem>>, vector<16xf32>,
        tpu.vector_store %arg14[%swap3A_413], %select_n3A_410 {strides = array<i32>} : memref<2048xf32, #tpu.memory_space<vmem>>, vector<16xf32>,
        %swap3A_415 = arith.constant 64 : index
        %swap3A_416 = tpu.vector_load %arg15[%swap3A_415] {strides = array<i32>} : memref<128xi32, #tpu.memory_space<vmem>>, vector<16xi32>,
        tpu.vector_store %arg15[%swap3A_415], %get3A_351 {strides = array<i32>} : memref<128xi32, #tpu.memory_space<vmem>>, vector<16xi32>,
        %add3A_417 = arith.constant 64 : i32
        %add3A_418 = vector.broadcast %add3A_417 : i32 to vector<16xi32>
        %add3A_419 = arith.addi %iota3A, %add3A_418 : vector<16xi32>
        tpu.vector_store_idx %arg16[%add3A_419, %broadcast_in_dim3A_16], %select_n3A_405 : memref<128x16xf32, #tpu.memory_space<vmem>>[vector<16xi32>, vector<16xi32>], vector<16xf32>,
        %add3A_420 = arith.constant 1 : i32
        %add3A_421 = vector.broadcast %add3A_420 : i32 to vector<16xi32>
        %add3A_422 = arith.addi %broadcast_in_dim3A_16, %add3A_421 : vector<16xi32>
        tpu.vector_store_idx %arg16[%add3A_419, %add3A_422], %select_n3A_410 : memref<128x16xf32, #tpu.memory_space<vmem>>[vector<16xi32>, vector<16xi32>], vector<16xf32>,
        %add3A_423 = arith.constant 80 : i32
        %add3A_424 = arith.addi %mul3A_45, %add3A_423 : i32
        %get3A_425 = arith.index_cast %add3A_424 : i32 to index
        %get3A_426 = tpu.vector_load %arg11[%get3A_425] {strides = array<i32>} : memref<2048xi32, #tpu.memory_space<vmem>>, vector<16xi32>,
        %get3A_427 = arith.index_cast %add3A_424 : i32 to index
        %get3A_428 = tpu.vector_load %arg12[%get3A_427] {strides = array<i32>} : memref<2048xi32, #tpu.memory_space<vmem>>, vector<16xi32>,
        %mul3A_429 = arith.constant 4 : i32
        %mul3A_430 = vector.broadcast %mul3A_429 : i32 to vector<16xi32>
        %mul3A_431 = arith.muli %get3A_426, %mul3A_430 : vector<16xi32>
        %gather3A_432 = tpu.vector_load_idx %arg9[%mul3A_431] : memref<40000xf32, #tpu.memory_space<vmem>>[vector<16xi32>], vector<16xf32>,
        %mul3A_433 = arith.constant 4 : i32
        %mul3A_434 = vector.broadcast %mul3A_433 : i32 to vector<16xi32>
        %mul3A_435 = arith.muli %get3A_426, %mul3A_434 : vector<16xi32>
        %add3A_436 = arith.constant 1 : i32
        %add3A_437 = vector.broadcast %add3A_436 : i32 to vector<16xi32>
        %add3A_438 = arith.addi %mul3A_435, %add3A_437 : vector<16xi32>
        %gather3A_439 = tpu.vector_load_idx %arg9[%add3A_438] : memref<40000xf32, #tpu.memory_space<vmem>>[vector<16xi32>], vector<16xf32>,
        %mul3A_440 = arith.constant 4 : i32
        %mul3A_441 = vector.broadcast %mul3A_440 : i32 to vector<16xi32>
        %mul3A_442 = arith.muli %get3A_428, %mul3A_441 : vector<16xi32>
        %add3A_443 = arith.constant 2 : i32
        %add3A_444 = vector.broadcast %add3A_443 : i32 to vector<16xi32>
        %add3A_445 = arith.addi %mul3A_442, %add3A_444 : vector<16xi32>
        %gather3A_446 = tpu.vector_load_idx %arg9[%add3A_445] : memref<40000xf32, #tpu.memory_space<vmem>>[vector<16xi32>], vector<16xf32>,
        %mul3A_447 = arith.constant 4 : i32
        %mul3A_448 = vector.broadcast %mul3A_447 : i32 to vector<16xi32>
        %mul3A_449 = arith.muli %get3A_428, %mul3A_448 : vector<16xi32>
        %add3A_450 = arith.constant 3 : i32
        %add3A_451 = vector.broadcast %add3A_450 : i32 to vector<16xi32>
        %add3A_452 = arith.addi %mul3A_449, %add3A_451 : vector<16xi32>
        %gather3A_453 = tpu.vector_load_idx %arg9[%add3A_452] : memref<40000xf32, #tpu.memory_space<vmem>>[vector<16xi32>], vector<16xf32>,
        %add3A_454 = arith.addf %gather3A_432, %gather3A_446 : vector<16xf32>
        %add3A_455 = arith.addf %gather3A_439, %gather3A_453 : vector<16xf32>
        %ge3A_456 = arith.constant 0.000000e+00 : f32
        %ge3A_457 = vector.broadcast %ge3A_456 : f32 to vector<16xf32>
        %ge3A_458 = arith.cmpf oge, %add3A_454, %ge3A_457 : vector<16xf32>
        %mul3A_459 = arith.constant 2.000000e-01 : f32
        %mul3A_460 = vector.broadcast %mul3A_459 : f32 to vector<16xf32>
        %mul3A_461 = arith.mulf %add3A_454, %mul3A_460 : vector<16xf32>
        %select_n3A_462 = arith.select %ge3A_458, %add3A_454, %mul3A_461 : vector<16xi1>, vector<16xf32>
        %ge3A_463 = arith.constant 0.000000e+00 : f32
        %ge3A_464 = vector.broadcast %ge3A_463 : f32 to vector<16xf32>
        %ge3A_465 = arith.cmpf oge, %add3A_455, %ge3A_464 : vector<16xf32>
        %mul3A_466 = arith.constant 2.000000e-01 : f32
        %mul3A_467 = vector.broadcast %mul3A_466 : f32 to vector<16xf32>
        %mul3A_468 = arith.mulf %add3A_455, %mul3A_467 : vector<16xf32>
        %select_n3A_469 = arith.select %ge3A_465, %add3A_455, %mul3A_468 : vector<16xi1>, vector<16xf32>
        %add3A_470 = arith.addi %add3A_36, %mul3A_45 : i32
        %add3A_471 = arith.constant 80 : i32
        %add3A_472 = arith.addi %add3A_470, %add3A_471 : i32
        %add3A_473 = vector.broadcast %add3A_472 : i32 to vector<16xi32>
        %add3A_474 = arith.addi %add3A_473, %iota3A : vector<16xi32>
        %lt3A_475 = arith.constant 320000 : i32
        %lt3A_476 = vector.broadcast %lt3A_475 : i32 to vector<16xi32>
        %lt3A_477 = arith.cmpi slt, %add3A_474, %lt3A_476 : vector<16xi32>
        %sub3A_478 = arith.subf %select_n3A_462, %get3A_17 : vector<16xf32>
        %exp3A_479 = math.exp %sub3A_478 : vector<16xf32>
        %jit3A_480 = arith.constant 0.000000e+00 : f32
        %broadcast_in_dim3A_481 = vector.broadcast %jit3A_480 : f32 to vector<16xf32>
        %select_n3A_482 = arith.select %lt3A_477, %exp3A_479, %broadcast_in_dim3A_481 : vector<16xi1>, vector<16xf32>
        %sub3A_483 = arith.subf %select_n3A_469, %get3A_19 : vector<16xf32>
        %exp3A_484 = math.exp %sub3A_483 : vector<16xf32>
        %jit3A_485 = arith.constant 0.000000e+00 : f32
        %broadcast_in_dim3A_486 = vector.broadcast %jit3A_485 : f32 to vector<16xf32>
        %select_n3A_487 = arith.select %lt3A_477, %exp3A_484, %broadcast_in_dim3A_486 : vector<16xi1>, vector<16xf32>
        %swap3A_488 = arith.index_cast %add3A_424 : i32 to index
        %swap3A_489 = tpu.vector_load %arg13[%swap3A_488] {strides = array<i32>} : memref<2048xf32, #tpu.memory_space<vmem>>, vector<16xf32>,
        tpu.vector_store %arg13[%swap3A_488], %select_n3A_482 {strides = array<i32>} : memref<2048xf32, #tpu.memory_space<vmem>>, vector<16xf32>,
        %swap3A_490 = arith.index_cast %add3A_424 : i32 to index
        %swap3A_491 = tpu.vector_load %arg14[%swap3A_490] {strides = array<i32>} : memref<2048xf32, #tpu.memory_space<vmem>>, vector<16xf32>,
        tpu.vector_store %arg14[%swap3A_490], %select_n3A_487 {strides = array<i32>} : memref<2048xf32, #tpu.memory_space<vmem>>, vector<16xf32>,
        %swap3A_492 = arith.constant 80 : index
        %swap3A_493 = tpu.vector_load %arg15[%swap3A_492] {strides = array<i32>} : memref<128xi32, #tpu.memory_space<vmem>>, vector<16xi32>,
        tpu.vector_store %arg15[%swap3A_492], %get3A_428 {strides = array<i32>} : memref<128xi32, #tpu.memory_space<vmem>>, vector<16xi32>,
        %add3A_494 = arith.constant 80 : i32
        %add3A_495 = vector.broadcast %add3A_494 : i32 to vector<16xi32>
        %add3A_496 = arith.addi %iota3A, %add3A_495 : vector<16xi32>
        tpu.vector_store_idx %arg16[%add3A_496, %broadcast_in_dim3A_16], %select_n3A_482 : memref<128x16xf32, #tpu.memory_space<vmem>>[vector<16xi32>, vector<16xi32>], vector<16xf32>,
        %add3A_497 = arith.constant 1 : i32
        %add3A_498 = vector.broadcast %add3A_497 : i32 to vector<16xi32>
        %add3A_499 = arith.addi %broadcast_in_dim3A_16, %add3A_498 : vector<16xi32>
        tpu.vector_store_idx %arg16[%add3A_496, %add3A_499], %select_n3A_487 : memref<128x16xf32, #tpu.memory_space<vmem>>[vector<16xi32>, vector<16xi32>], vector<16xf32>,
        %add3A_500 = arith.constant 96 : i32
        %add3A_501 = arith.addi %mul3A_45, %add3A_500 : i32
        %get3A_502 = arith.index_cast %add3A_501 : i32 to index
        %get3A_503 = tpu.vector_load %arg11[%get3A_502] {strides = array<i32>} : memref<2048xi32, #tpu.memory_space<vmem>>, vector<16xi32>,
        %get3A_504 = arith.index_cast %add3A_501 : i32 to index
        %get3A_505 = tpu.vector_load %arg12[%get3A_504] {strides = array<i32>} : memref<2048xi32, #tpu.memory_space<vmem>>, vector<16xi32>,
        %mul3A_506 = arith.constant 4 : i32
        %mul3A_507 = vector.broadcast %mul3A_506 : i32 to vector<16xi32>
        %mul3A_508 = arith.muli %get3A_503, %mul3A_507 : vector<16xi32>
        %gather3A_509 = tpu.vector_load_idx %arg9[%mul3A_508] : memref<40000xf32, #tpu.memory_space<vmem>>[vector<16xi32>], vector<16xf32>,
        %mul3A_510 = arith.constant 4 : i32
        %mul3A_511 = vector.broadcast %mul3A_510 : i32 to vector<16xi32>
        %mul3A_512 = arith.muli %get3A_503, %mul3A_511 : vector<16xi32>
        %add3A_513 = arith.constant 1 : i32
        %add3A_514 = vector.broadcast %add3A_513 : i32 to vector<16xi32>
        %add3A_515 = arith.addi %mul3A_512, %add3A_514 : vector<16xi32>
        %gather3A_516 = tpu.vector_load_idx %arg9[%add3A_515] : memref<40000xf32, #tpu.memory_space<vmem>>[vector<16xi32>], vector<16xf32>,
        %mul3A_517 = arith.constant 4 : i32
        %mul3A_518 = vector.broadcast %mul3A_517 : i32 to vector<16xi32>
        %mul3A_519 = arith.muli %get3A_505, %mul3A_518 : vector<16xi32>
        %add3A_520 = arith.constant 2 : i32
        %add3A_521 = vector.broadcast %add3A_520 : i32 to vector<16xi32>
        %add3A_522 = arith.addi %mul3A_519, %add3A_521 : vector<16xi32>
        %gather3A_523 = tpu.vector_load_idx %arg9[%add3A_522] : memref<40000xf32, #tpu.memory_space<vmem>>[vector<16xi32>], vector<16xf32>,
        %mul3A_524 = arith.constant 4 : i32
        %mul3A_525 = vector.broadcast %mul3A_524 : i32 to vector<16xi32>
        %mul3A_526 = arith.muli %get3A_505, %mul3A_525 : vector<16xi32>
        %add3A_527 = arith.constant 3 : i32
        %add3A_528 = vector.broadcast %add3A_527 : i32 to vector<16xi32>
        %add3A_529 = arith.addi %mul3A_526, %add3A_528 : vector<16xi32>
        %gather3A_530 = tpu.vector_load_idx %arg9[%add3A_529] : memref<40000xf32, #tpu.memory_space<vmem>>[vector<16xi32>], vector<16xf32>,
        %add3A_531 = arith.addf %gather3A_509, %gather3A_523 : vector<16xf32>
        %add3A_532 = arith.addf %gather3A_516, %gather3A_530 : vector<16xf32>
        %ge3A_533 = arith.constant 0.000000e+00 : f32
        %ge3A_534 = vector.broadcast %ge3A_533 : f32 to vector<16xf32>
        %ge3A_535 = arith.cmpf oge, %add3A_531, %ge3A_534 : vector<16xf32>
        %mul3A_536 = arith.constant 2.000000e-01 : f32
        %mul3A_537 = vector.broadcast %mul3A_536 : f32 to vector<16xf32>
        %mul3A_538 = arith.mulf %add3A_531, %mul3A_537 : vector<16xf32>
        %select_n3A_539 = arith.select %ge3A_535, %add3A_531, %mul3A_538 : vector<16xi1>, vector<16xf32>
        %ge3A_540 = arith.constant 0.000000e+00 : f32
        %ge3A_541 = vector.broadcast %ge3A_540 : f32 to vector<16xf32>
        %ge3A_542 = arith.cmpf oge, %add3A_532, %ge3A_541 : vector<16xf32>
        %mul3A_543 = arith.constant 2.000000e-01 : f32
        %mul3A_544 = vector.broadcast %mul3A_543 : f32 to vector<16xf32>
        %mul3A_545 = arith.mulf %add3A_532, %mul3A_544 : vector<16xf32>
        %select_n3A_546 = arith.select %ge3A_542, %add3A_532, %mul3A_545 : vector<16xi1>, vector<16xf32>
        %add3A_547 = arith.addi %add3A_36, %mul3A_45 : i32
        %add3A_548 = arith.constant 96 : i32
        %add3A_549 = arith.addi %add3A_547, %add3A_548 : i32
        %add3A_550 = vector.broadcast %add3A_549 : i32 to vector<16xi32>
        %add3A_551 = arith.addi %add3A_550, %iota3A : vector<16xi32>
        %lt3A_552 = arith.constant 320000 : i32
        %lt3A_553 = vector.broadcast %lt3A_552 : i32 to vector<16xi32>
        %lt3A_554 = arith.cmpi slt, %add3A_551, %lt3A_553 : vector<16xi32>
        %sub3A_555 = arith.subf %select_n3A_539, %get3A_17 : vector<16xf32>
        %exp3A_556 = math.exp %sub3A_555 : vector<16xf32>
        %jit3A_557 = arith.constant 0.000000e+00 : f32
        %broadcast_in_dim3A_558 = vector.broadcast %jit3A_557 : f32 to vector<16xf32>
        %select_n3A_559 = arith.select %lt3A_554, %exp3A_556, %broadcast_in_dim3A_558 : vector<16xi1>, vector<16xf32>
        %sub3A_560 = arith.subf %select_n3A_546, %get3A_19 : vector<16xf32>
        %exp3A_561 = math.exp %sub3A_560 : vector<16xf32>
        %jit3A_562 = arith.constant 0.000000e+00 : f32
        %broadcast_in_dim3A_563 = vector.broadcast %jit3A_562 : f32 to vector<16xf32>
        %select_n3A_564 = arith.select %lt3A_554, %exp3A_561, %broadcast_in_dim3A_563 : vector<16xi1>, vector<16xf32>
        %swap3A_565 = arith.index_cast %add3A_501 : i32 to index
        %swap3A_566 = tpu.vector_load %arg13[%swap3A_565] {strides = array<i32>} : memref<2048xf32, #tpu.memory_space<vmem>>, vector<16xf32>,
        tpu.vector_store %arg13[%swap3A_565], %select_n3A_559 {strides = array<i32>} : memref<2048xf32, #tpu.memory_space<vmem>>, vector<16xf32>,
        %swap3A_567 = arith.index_cast %add3A_501 : i32 to index
        %swap3A_568 = tpu.vector_load %arg14[%swap3A_567] {strides = array<i32>} : memref<2048xf32, #tpu.memory_space<vmem>>, vector<16xf32>,
        tpu.vector_store %arg14[%swap3A_567], %select_n3A_564 {strides = array<i32>} : memref<2048xf32, #tpu.memory_space<vmem>>, vector<16xf32>,
        %swap3A_569 = arith.constant 96 : index
        %swap3A_570 = tpu.vector_load %arg15[%swap3A_569] {strides = array<i32>} : memref<128xi32, #tpu.memory_space<vmem>>, vector<16xi32>,
        tpu.vector_store %arg15[%swap3A_569], %get3A_505 {strides = array<i32>} : memref<128xi32, #tpu.memory_space<vmem>>, vector<16xi32>,
        %add3A_571 = arith.constant 96 : i32
        %add3A_572 = vector.broadcast %add3A_571 : i32 to vector<16xi32>
        %add3A_573 = arith.addi %iota3A, %add3A_572 : vector<16xi32>
        tpu.vector_store_idx %arg16[%add3A_573, %broadcast_in_dim3A_16], %select_n3A_559 : memref<128x16xf32, #tpu.memory_space<vmem>>[vector<16xi32>, vector<16xi32>], vector<16xf32>,
        %add3A_574 = arith.constant 1 : i32
        %add3A_575 = vector.broadcast %add3A_574 : i32 to vector<16xi32>
        %add3A_576 = arith.addi %broadcast_in_dim3A_16, %add3A_575 : vector<16xi32>
        tpu.vector_store_idx %arg16[%add3A_573, %add3A_576], %select_n3A_564 : memref<128x16xf32, #tpu.memory_space<vmem>>[vector<16xi32>, vector<16xi32>], vector<16xf32>,
        %add3A_577 = arith.constant 112 : i32
        %add3A_578 = arith.addi %mul3A_45, %add3A_577 : i32
        %get3A_579 = arith.index_cast %add3A_578 : i32 to index
        %get3A_580 = tpu.vector_load %arg11[%get3A_579] {strides = array<i32>} : memref<2048xi32, #tpu.memory_space<vmem>>, vector<16xi32>,
        %get3A_581 = arith.index_cast %add3A_578 : i32 to index
        %get3A_582 = tpu.vector_load %arg12[%get3A_581] {strides = array<i32>} : memref<2048xi32, #tpu.memory_space<vmem>>, vector<16xi32>,
        %mul3A_583 = arith.constant 4 : i32
        %mul3A_584 = vector.broadcast %mul3A_583 : i32 to vector<16xi32>
        %mul3A_585 = arith.muli %get3A_580, %mul3A_584 : vector<16xi32>
        %gather3A_586 = tpu.vector_load_idx %arg9[%mul3A_585] : memref<40000xf32, #tpu.memory_space<vmem>>[vector<16xi32>], vector<16xf32>,
        %mul3A_587 = arith.constant 4 : i32
        %mul3A_588 = vector.broadcast %mul3A_587 : i32 to vector<16xi32>
        %mul3A_589 = arith.muli %get3A_580, %mul3A_588 : vector<16xi32>
        %add3A_590 = arith.constant 1 : i32
        %add3A_591 = vector.broadcast %add3A_590 : i32 to vector<16xi32>
        %add3A_592 = arith.addi %mul3A_589, %add3A_591 : vector<16xi32>
        %gather3A_593 = tpu.vector_load_idx %arg9[%add3A_592] : memref<40000xf32, #tpu.memory_space<vmem>>[vector<16xi32>], vector<16xf32>,
        %mul3A_594 = arith.constant 4 : i32
        %mul3A_595 = vector.broadcast %mul3A_594 : i32 to vector<16xi32>
        %mul3A_596 = arith.muli %get3A_582, %mul3A_595 : vector<16xi32>
        %add3A_597 = arith.constant 2 : i32
        %add3A_598 = vector.broadcast %add3A_597 : i32 to vector<16xi32>
        %add3A_599 = arith.addi %mul3A_596, %add3A_598 : vector<16xi32>
        %gather3A_600 = tpu.vector_load_idx %arg9[%add3A_599] : memref<40000xf32, #tpu.memory_space<vmem>>[vector<16xi32>], vector<16xf32>,
        %mul3A_601 = arith.constant 4 : i32
        %mul3A_602 = vector.broadcast %mul3A_601 : i32 to vector<16xi32>
        %mul3A_603 = arith.muli %get3A_582, %mul3A_602 : vector<16xi32>
        %add3A_604 = arith.constant 3 : i32
        %add3A_605 = vector.broadcast %add3A_604 : i32 to vector<16xi32>
        %add3A_606 = arith.addi %mul3A_603, %add3A_605 : vector<16xi32>
        %gather3A_607 = tpu.vector_load_idx %arg9[%add3A_606] : memref<40000xf32, #tpu.memory_space<vmem>>[vector<16xi32>], vector<16xf32>,
        %add3A_608 = arith.addf %gather3A_586, %gather3A_600 : vector<16xf32>
        %add3A_609 = arith.addf %gather3A_593, %gather3A_607 : vector<16xf32>
        %ge3A_610 = arith.constant 0.000000e+00 : f32
        %ge3A_611 = vector.broadcast %ge3A_610 : f32 to vector<16xf32>
        %ge3A_612 = arith.cmpf oge, %add3A_608, %ge3A_611 : vector<16xf32>
        %mul3A_613 = arith.constant 2.000000e-01 : f32
        %mul3A_614 = vector.broadcast %mul3A_613 : f32 to vector<16xf32>
        %mul3A_615 = arith.mulf %add3A_608, %mul3A_614 : vector<16xf32>
        %select_n3A_616 = arith.select %ge3A_612, %add3A_608, %mul3A_615 : vector<16xi1>, vector<16xf32>
        %ge3A_617 = arith.constant 0.000000e+00 : f32
        %ge3A_618 = vector.broadcast %ge3A_617 : f32 to vector<16xf32>
        %ge3A_619 = arith.cmpf oge, %add3A_609, %ge3A_618 : vector<16xf32>
        %mul3A_620 = arith.constant 2.000000e-01 : f32
        %mul3A_621 = vector.broadcast %mul3A_620 : f32 to vector<16xf32>
        %mul3A_622 = arith.mulf %add3A_609, %mul3A_621 : vector<16xf32>
        %select_n3A_623 = arith.select %ge3A_619, %add3A_609, %mul3A_622 : vector<16xi1>, vector<16xf32>
        %add3A_624 = arith.addi %add3A_36, %mul3A_45 : i32
        %add3A_625 = arith.constant 112 : i32
        %add3A_626 = arith.addi %add3A_624, %add3A_625 : i32
        %add3A_627 = vector.broadcast %add3A_626 : i32 to vector<16xi32>
        %add3A_628 = arith.addi %add3A_627, %iota3A : vector<16xi32>
        %lt3A_629 = arith.constant 320000 : i32
        %lt3A_630 = vector.broadcast %lt3A_629 : i32 to vector<16xi32>
        %lt3A_631 = arith.cmpi slt, %add3A_628, %lt3A_630 : vector<16xi32>
        %sub3A_632 = arith.subf %select_n3A_616, %get3A_17 : vector<16xf32>
        %exp3A_633 = math.exp %sub3A_632 : vector<16xf32>
        %jit3A_634 = arith.constant 0.000000e+00 : f32
        %broadcast_in_dim3A_635 = vector.broadcast %jit3A_634 : f32 to vector<16xf32>
        %select_n3A_636 = arith.select %lt3A_631, %exp3A_633, %broadcast_in_dim3A_635 : vector<16xi1>, vector<16xf32>
        %sub3A_637 = arith.subf %select_n3A_623, %get3A_19 : vector<16xf32>
        %exp3A_638 = math.exp %sub3A_637 : vector<16xf32>
        %jit3A_639 = arith.constant 0.000000e+00 : f32
        %broadcast_in_dim3A_640 = vector.broadcast %jit3A_639 : f32 to vector<16xf32>
        %select_n3A_641 = arith.select %lt3A_631, %exp3A_638, %broadcast_in_dim3A_640 : vector<16xi1>, vector<16xf32>
        %swap3A_642 = arith.index_cast %add3A_578 : i32 to index
        %swap3A_643 = tpu.vector_load %arg13[%swap3A_642] {strides = array<i32>} : memref<2048xf32, #tpu.memory_space<vmem>>, vector<16xf32>,
        tpu.vector_store %arg13[%swap3A_642], %select_n3A_636 {strides = array<i32>} : memref<2048xf32, #tpu.memory_space<vmem>>, vector<16xf32>,
        %swap3A_644 = arith.index_cast %add3A_578 : i32 to index
        %swap3A_645 = tpu.vector_load %arg14[%swap3A_644] {strides = array<i32>} : memref<2048xf32, #tpu.memory_space<vmem>>, vector<16xf32>,
        tpu.vector_store %arg14[%swap3A_644], %select_n3A_641 {strides = array<i32>} : memref<2048xf32, #tpu.memory_space<vmem>>, vector<16xf32>,
        %swap3A_646 = arith.constant 112 : index
        %swap3A_647 = tpu.vector_load %arg15[%swap3A_646] {strides = array<i32>} : memref<128xi32, #tpu.memory_space<vmem>>, vector<16xi32>,
        tpu.vector_store %arg15[%swap3A_646], %get3A_582 {strides = array<i32>} : memref<128xi32, #tpu.memory_space<vmem>>, vector<16xi32>,
        %add3A_648 = arith.constant 112 : i32
        %add3A_649 = vector.broadcast %add3A_648 : i32 to vector<16xi32>
        %add3A_650 = arith.addi %iota3A, %add3A_649 : vector<16xi32>
        tpu.vector_store_idx %arg16[%add3A_650, %broadcast_in_dim3A_16], %select_n3A_636 : memref<128x16xf32, #tpu.memory_space<vmem>>[vector<16xi32>, vector<16xi32>], vector<16xf32>,
        %add3A_651 = arith.constant 1 : i32
        %add3A_652 = vector.broadcast %add3A_651 : i32 to vector<16xi32>
        %add3A_653 = arith.addi %broadcast_in_dim3A_16, %add3A_652 : vector<16xi32>
        tpu.vector_store_idx %arg16[%add3A_650, %add3A_653], %select_n3A_641 : memref<128x16xf32, #tpu.memory_space<vmem>>[vector<16xi32>, vector<16xi32>], vector<16xf32>,
        "tpu.region"() ({
          %run_scoped3A = tpu.sem_alloc : memref<!tpu.dma_semaphore, #tpu.memory_space<semaphore_mem>>
          %dma_start3A = arith.constant 0 : i32
          %dma_start3A_654 = arith.constant 0 : i32
          %dma_start3A_655 = tpu.memref_slice %arg18[%dma_start3A, %dma_start3A_654] : memref<10240x16xf32, #tpu.memory_space<vmem_shared>> -> memref<10240x16xf32, #tpu.memory_space<vmem_shared>>
          tpu.enqueue_indirect_dma source(%arg16 : memref<128x16xf32, #tpu.memory_space<vmem>>) target(%dma_start3A_655 : memref<10240x16xf32, #tpu.memory_space<vmem_shared>>) offsets(%arg15 : memref<128xi32, #tpu.memory_space<vmem>>) semaphore(%run_scoped3A : memref<!tpu.dma_semaphore, #tpu.memory_space<semaphore_mem>>) {add = true}
          %dma_wait3A = arith.constant 0 : i32
          %dma_wait3A_656 = arith.constant 0 : i32
          %dma_wait3A_657 = tpu.memref_slice %arg18[%dma_wait3A, %dma_wait3A_656] : memref<10240x16xf32, #tpu.memory_space<vmem_shared>> -> memref<10240x16xf32, #tpu.memory_space<vmem_shared>>
          tpu.wait_indirect_dma semaphore(%run_scoped3A : memref<!tpu.dma_semaphore, #tpu.memory_space<semaphore_mem>>) src(%arg16 : memref<128x16xf32, #tpu.memory_space<vmem>>) dst(%dma_wait3A_657 : memref<10240x16xf32, #tpu.memory_space<vmem_shared>>)
          tpu.yield
        }) : () -> ()
      }
      %scan3A_42 = arith.constant 16 : i32
      "tpu.region"() ({
        %run_scoped3A = tpu.sem_alloc : memref<!tpu.dma_semaphore, #tpu.memory_space<semaphore_mem>>
        %dma_start3A = tpu.memref_slice %arg6[%add3A_36] : memref<327680xf32, #tpu.memory_space<hbm>> -> memref<2048xf32, #tpu.memory_space<hbm>>
        %dma_start3A_43 = tpu.memref_slice %arg6[%add3A_36] : memref<327680xf32, #tpu.memory_space<hbm>> -> memref<2048xf32, #tpu.memory_space<hbm>>
        tpu.enqueue_dma source(%arg13 : memref<2048xf32, #tpu.memory_space<vmem>>) target(%dma_start3A_43 : memref<2048xf32, #tpu.memory_space<hbm>>) target_semaphore(%run_scoped3A : memref<!tpu.dma_semaphore, #tpu.memory_space<semaphore_mem>>)
        %dma_wait3A = tpu.memref_slice %arg6[%add3A_36] : memref<327680xf32, #tpu.memory_space<hbm>> -> memref<2048xf32, #tpu.memory_space<hbm>>
        %dma_wait3A_44 = tpu.memref_slice %arg6[%add3A_36] : memref<327680xf32, #tpu.memory_space<hbm>> -> memref<2048xf32, #tpu.memory_space<hbm>>
        tpu.wait_dma2 semaphore(%run_scoped3A : memref<!tpu.dma_semaphore, #tpu.memory_space<semaphore_mem>>) src(%arg13 : memref<2048xf32, #tpu.memory_space<vmem>>) dst(%dma_wait3A_44 : memref<2048xf32, #tpu.memory_space<hbm>>)
        tpu.yield
      }) : () -> ()
      "tpu.region"() ({
        %run_scoped3A = tpu.sem_alloc : memref<!tpu.dma_semaphore, #tpu.memory_space<semaphore_mem>>
        %dma_start3A = tpu.memref_slice %arg7[%add3A_36] : memref<327680xf32, #tpu.memory_space<hbm>> -> memref<2048xf32, #tpu.memory_space<hbm>>
        %dma_start3A_43 = tpu.memref_slice %arg7[%add3A_36] : memref<327680xf32, #tpu.memory_space<hbm>> -> memref<2048xf32, #tpu.memory_space<hbm>>
        tpu.enqueue_dma source(%arg14 : memref<2048xf32, #tpu.memory_space<vmem>>) target(%dma_start3A_43 : memref<2048xf32, #tpu.memory_space<hbm>>) target_semaphore(%run_scoped3A : memref<!tpu.dma_semaphore, #tpu.memory_space<semaphore_mem>>)
        %dma_wait3A = tpu.memref_slice %arg7[%add3A_36] : memref<327680xf32, #tpu.memory_space<hbm>> -> memref<2048xf32, #tpu.memory_space<hbm>>
        %dma_wait3A_44 = tpu.memref_slice %arg7[%add3A_36] : memref<327680xf32, #tpu.memory_space<hbm>> -> memref<2048xf32, #tpu.memory_space<hbm>>
        tpu.wait_dma2 semaphore(%run_scoped3A : memref<!tpu.dma_semaphore, #tpu.memory_space<semaphore_mem>>) src(%arg14 : memref<2048xf32, #tpu.memory_space<vmem>>) dst(%dma_wait3A_44 : memref<2048xf32, #tpu.memory_space<hbm>>)
        tpu.yield
      }) : () -> ()
    }
    %scan3A_27 = arith.constant 5 : i32
    %barrier3A_28 = arith.constant 0 : index
    tpu.barrier barrier_id(%barrier3A_28)
    %mul3A_29 = arith.constant 640 : i32
    %mul3A_30 = arith.muli %arg1, %mul3A_29 : i32
    "tpu.region"() ({
      %run_scoped3A = tpu.sem_alloc : memref<!tpu.dma_semaphore, #tpu.memory_space<semaphore_mem>>
      %dma_start3A = arith.constant 0 : i32
      %dma_start3A_33 = tpu.memref_slice %arg18[%mul3A_30, %dma_start3A] : memref<10240x16xf32, #tpu.memory_space<vmem_shared>> -> memref<640x16xf32, #tpu.memory_space<vmem_shared>>
      %dma_start3A_34 = arith.constant 0 : i32
      %dma_start3A_35 = tpu.memref_slice %arg18[%mul3A_30, %dma_start3A_34] : memref<10240x16xf32, #tpu.memory_space<vmem_shared>> -> memref<640x16xf32, #tpu.memory_space<vmem_shared>>
      tpu.enqueue_dma source(%dma_start3A_35 : memref<640x16xf32, #tpu.memory_space<vmem_shared>>) target(%arg17 : memref<640x16xf32, #tpu.memory_space<vmem>>) target_semaphore(%run_scoped3A : memref<!tpu.dma_semaphore, #tpu.memory_space<semaphore_mem>>)
      %dma_wait3A = arith.constant 0 : i32
      %dma_wait3A_36 = tpu.memref_slice %arg18[%mul3A_30, %dma_wait3A] : memref<10240x16xf32, #tpu.memory_space<vmem_shared>> -> memref<640x16xf32, #tpu.memory_space<vmem_shared>>
      %dma_wait3A_37 = arith.constant 0 : i32
      %dma_wait3A_38 = tpu.memref_slice %arg18[%mul3A_30, %dma_wait3A_37] : memref<10240x16xf32, #tpu.memory_space<vmem_shared>> -> memref<640x16xf32, #tpu.memory_space<vmem_shared>>
      tpu.wait_dma2 semaphore(%run_scoped3A : memref<!tpu.dma_semaphore, #tpu.memory_space<semaphore_mem>>) src(%dma_wait3A_38 : memref<640x16xf32, #tpu.memory_space<vmem_shared>>) dst(%arg17 : memref<640x16xf32, #tpu.memory_space<vmem>>)
      tpu.yield
    }) : () -> ()
    %mul3A_31 = arith.constant 640 : i32
    %mul3A_32 = arith.muli %arg1, %mul3A_31 : i32
    "tpu.region"() ({
      %run_scoped3A = tpu.sem_alloc : memref<!tpu.dma_semaphore, #tpu.memory_space<semaphore_mem>>
      %dma_start3A = arith.constant 0 : i32
      %dma_start3A_33 = tpu.memref_slice %arg8[%arg0, %mul3A_32, %dma_start3A] : memref<2x10240x16xf32, #tpu.memory_space<hbm>> -> memref<1x640x16xf32, #tpu.memory_space<hbm>>
      %dma_start3A_34 = tpu.memref_squeeze %dma_start3A_33 : memref<1x640x16xf32, #tpu.memory_space<hbm>> -> memref<640x16xf32, #tpu.memory_space<hbm>>
      %dma_start3A_35 = arith.constant 0 : i32
      %dma_start3A_36 = tpu.memref_slice %arg8[%arg0, %mul3A_32, %dma_start3A_35] : memref<2x10240x16xf32, #tpu.memory_space<hbm>> -> memref<1x640x16xf32, #tpu.memory_space<hbm>>
      %dma_start3A_37 = tpu.memref_squeeze %dma_start3A_36 : memref<1x640x16xf32, #tpu.memory_space<hbm>> -> memref<640x16xf32, #tpu.memory_space<hbm>>
      tpu.enqueue_dma source(%arg17 : memref<640x16xf32, #tpu.memory_space<vmem>>) target(%dma_start3A_37 : memref<640x16xf32, #tpu.memory_space<hbm>>) target_semaphore(%run_scoped3A : memref<!tpu.dma_semaphore, #tpu.memory_space<semaphore_mem>>)
      %dma_wait3A = arith.constant 0 : i32
      %dma_wait3A_38 = tpu.memref_slice %arg8[%arg0, %mul3A_32, %dma_wait3A] : memref<2x10240x16xf32, #tpu.memory_space<hbm>> -> memref<1x640x16xf32, #tpu.memory_space<hbm>>
      %dma_wait3A_39 = tpu.memref_squeeze %dma_wait3A_38 : memref<1x640x16xf32, #tpu.memory_space<hbm>> -> memref<640x16xf32, #tpu.memory_space<hbm>>
      %dma_wait3A_40 = arith.constant 0 : i32
      %dma_wait3A_41 = tpu.memref_slice %arg8[%arg0, %mul3A_32, %dma_wait3A_40] : memref<2x10240x16xf32, #tpu.memory_space<hbm>> -> memref<1x640x16xf32, #tpu.memory_space<hbm>>
      %dma_wait3A_42 = tpu.memref_squeeze %dma_wait3A_41 : memref<1x640x16xf32, #tpu.memory_space<hbm>> -> memref<640x16xf32, #tpu.memory_space<hbm>>
      tpu.wait_dma2 semaphore(%run_scoped3A : memref<!tpu.dma_semaphore, #tpu.memory_space<semaphore_mem>>) src(%arg17 : memref<640x16xf32, #tpu.memory_space<vmem>>) dst(%dma_wait3A_42 : memref<640x16xf32, #tpu.memory_space<hbm>>)
      tpu.yield
    }) : () -> ()
    return
  }
}

#map = affine_map<(d0, d1) -> (0)>
#map1 = affine_map<(d0, d1) -> (0, 0)>
#map2 = affine_map<(d0, d1) -> (0, 0, 0)>
module attributes {stable_mosaic.version = 14 : i64} {
  func.func @_sc_agg_body(%arg0: i32, %arg1: i32, %arg2: memref<327680xi32, #tpu.memory_space<hbm>>, %arg3: memref<327680xi32, #tpu.memory_space<hbm>>, %arg4: memref<327680xf32, #tpu.memory_space<hbm>>, %arg5: memref<327680xf32, #tpu.memory_space<hbm>>, %arg6: memref<20000xf32, #tpu.memory_space<hbm>>, %arg7: memref<10000x256xf32, #tpu.memory_space<hbm>>, %arg8: memref<2x10240x128xf32, #tpu.memory_space<hbm>>, %arg9: memref<20000xf32, #tpu.memory_space<vmem>>, %arg10: memref<1024xi32, #tpu.memory_space<vmem>>, %arg11: memref<1024xi32, #tpu.memory_space<vmem>>, %arg12: memref<1024xf32, #tpu.memory_space<vmem>>, %arg13: memref<1024xf32, #tpu.memory_space<vmem>>, %arg14: memref<32xi32, #tpu.memory_space<vmem>>, %arg15: memref<32xi32, #tpu.memory_space<vmem>>, %arg16: memref<32xi32, #tpu.memory_space<vmem>>, %arg17: memref<32xi32, #tpu.memory_space<vmem>>, %arg18: memref<32x256xf32, #tpu.memory_space<vmem>>, %arg19: memref<32x256xf32, #tpu.memory_space<vmem>>, %arg20: memref<32xf32, #tpu.memory_space<vmem>>, %arg21: memref<32xf32, #tpu.memory_space<vmem>>, %arg22: memref<32x128xf32, #tpu.memory_space<vmem>>, %arg23: memref<10240x128xf32, #tpu.memory_space<vmem_shared>>, %arg24: memref<!tpu.dma_semaphore, #tpu.memory_space<semaphore_mem>>, %arg25: memref<!tpu.dma_semaphore, #tpu.memory_space<semaphore_mem>>) attributes {dimension_semantics = [#tpu.dimension_semantics<core_parallel>, #tpu.dimension_semantics<subcore_parallel>], iteration_bounds = array<i64: 2, 16>, scalar_prefetch = 0 : i64, scratch_operands = 17 : i64, tpu.core_type = #tpu.core_type<sc_vector_subcore>, window_params = [{transform_indices = #map}, {transform_indices = #map}, {transform_indices = #map}, {transform_indices = #map}, {transform_indices = #map}, {transform_indices = #map1}, {transform_indices = #map2}]} {
    %mul3A = arith.constant 16 : i32
    %mul3A_0 = arith.muli %arg0, %mul3A : i32
    %add3A = arith.addi %mul3A_0, %arg1 : i32
    %broadcast_in_dim3A = arith.constant 0.000000e+00 : f32
    %broadcast_in_dim3A_1 = vector.broadcast %broadcast_in_dim3A : f32 to vector<16xf32>
    %broadcast_in_dim3A_2 = arith.constant 0 : i32
    %broadcast_in_dim3A_3 = vector.broadcast %broadcast_in_dim3A_2 : i32 to vector<16xi32>
    %scan3A = arith.constant 0 : i32
    %scan3A_4 = arith.constant 0 : i32
    %scan3A_5 = arith.constant 32 : i32
    %scan3A_6 = arith.addi %scan3A_4, %scan3A_5 : i32
    %scan3A_7 = arith.constant 1 : i32
    scf.for %scan3A_178 = %scan3A_4 to %scan3A_6 step %scan3A_7  : i32 {
      %swap3A = arith.index_cast %scan3A_178 : i32 to index
      %swap3A_179 = arith.constant 0 : index
      %swap3A_180 = tpu.vector_load %arg22[%swap3A, %swap3A_179] {strides = array<i32>} : memref<32x128xf32, #tpu.memory_space<vmem>>, vector<16xf32>,
      tpu.vector_store %arg22[%swap3A, %swap3A_179], %broadcast_in_dim3A_1 {strides = array<i32>} : memref<32x128xf32, #tpu.memory_space<vmem>>, vector<16xf32>,
      %swap3A_181 = arith.index_cast %scan3A_178 : i32 to index
      %swap3A_182 = arith.constant 16 : index
      %swap3A_183 = tpu.vector_load %arg22[%swap3A_181, %swap3A_182] {strides = array<i32>} : memref<32x128xf32, #tpu.memory_space<vmem>>, vector<16xf32>,
      tpu.vector_store %arg22[%swap3A_181, %swap3A_182], %broadcast_in_dim3A_1 {strides = array<i32>} : memref<32x128xf32, #tpu.memory_space<vmem>>, vector<16xf32>,
      %swap3A_184 = arith.index_cast %scan3A_178 : i32 to index
      %swap3A_185 = arith.constant 32 : index
      %swap3A_186 = tpu.vector_load %arg22[%swap3A_184, %swap3A_185] {strides = array<i32>} : memref<32x128xf32, #tpu.memory_space<vmem>>, vector<16xf32>,
      tpu.vector_store %arg22[%swap3A_184, %swap3A_185], %broadcast_in_dim3A_1 {strides = array<i32>} : memref<32x128xf32, #tpu.memory_space<vmem>>, vector<16xf32>,
      %swap3A_187 = arith.index_cast %scan3A_178 : i32 to index
      %swap3A_188 = arith.constant 48 : index
      %swap3A_189 = tpu.vector_load %arg22[%swap3A_187, %swap3A_188] {strides = array<i32>} : memref<32x128xf32, #tpu.memory_space<vmem>>, vector<16xf32>,
      tpu.vector_store %arg22[%swap3A_187, %swap3A_188], %broadcast_in_dim3A_1 {strides = array<i32>} : memref<32x128xf32, #tpu.memory_space<vmem>>, vector<16xf32>,
      %swap3A_190 = arith.index_cast %scan3A_178 : i32 to index
      %swap3A_191 = arith.constant 64 : index
      %swap3A_192 = tpu.vector_load %arg22[%swap3A_190, %swap3A_191] {strides = array<i32>} : memref<32x128xf32, #tpu.memory_space<vmem>>, vector<16xf32>,
      tpu.vector_store %arg22[%swap3A_190, %swap3A_191], %broadcast_in_dim3A_1 {strides = array<i32>} : memref<32x128xf32, #tpu.memory_space<vmem>>, vector<16xf32>,
      %swap3A_193 = arith.index_cast %scan3A_178 : i32 to index
      %swap3A_194 = arith.constant 80 : index
      %swap3A_195 = tpu.vector_load %arg22[%swap3A_193, %swap3A_194] {strides = array<i32>} : memref<32x128xf32, #tpu.memory_space<vmem>>, vector<16xf32>,
      tpu.vector_store %arg22[%swap3A_193, %swap3A_194], %broadcast_in_dim3A_1 {strides = array<i32>} : memref<32x128xf32, #tpu.memory_space<vmem>>, vector<16xf32>,
      %swap3A_196 = arith.index_cast %scan3A_178 : i32 to index
      %swap3A_197 = arith.constant 96 : index
      %swap3A_198 = tpu.vector_load %arg22[%swap3A_196, %swap3A_197] {strides = array<i32>} : memref<32x128xf32, #tpu.memory_space<vmem>>, vector<16xf32>,
      tpu.vector_store %arg22[%swap3A_196, %swap3A_197], %broadcast_in_dim3A_1 {strides = array<i32>} : memref<32x128xf32, #tpu.memory_space<vmem>>, vector<16xf32>,
      %swap3A_199 = arith.index_cast %scan3A_178 : i32 to index
      %swap3A_200 = arith.constant 112 : index
      %swap3A_201 = tpu.vector_load %arg22[%swap3A_199, %swap3A_200] {strides = array<i32>} : memref<32x128xf32, #tpu.memory_space<vmem>>, vector<16xf32>,
      tpu.vector_store %arg22[%swap3A_199, %swap3A_200], %broadcast_in_dim3A_1 {strides = array<i32>} : memref<32x128xf32, #tpu.memory_space<vmem>>, vector<16xf32>,
    }
    %scan3A_8 = arith.constant 32 : i32
    %mul3A_9 = arith.constant 640 : i32
    %mul3A_10 = arith.muli %arg1, %mul3A_9 : i32
    %add3A_11 = arith.constant 0 : i32
    %add3A_12 = arith.addi %mul3A_10, %add3A_11 : i32
    "tpu.region"() ({
      %run_scoped3A = tpu.sem_alloc : memref<!tpu.dma_semaphore, #tpu.memory_space<semaphore_mem>>
      %dma_start3A = arith.constant 0 : i32
      %dma_start3A_178 = tpu.memref_slice %arg23[%add3A_12, %dma_start3A] : memref<10240x128xf32, #tpu.memory_space<vmem_shared>> -> memref<32x128xf32, #tpu.memory_space<vmem_shared>>
      %dma_start3A_179 = arith.constant 0 : i32
      %dma_start3A_180 = tpu.memref_slice %arg23[%add3A_12, %dma_start3A_179] : memref<10240x128xf32, #tpu.memory_space<vmem_shared>> -> memref<32x128xf32, #tpu.memory_space<vmem_shared>>
      tpu.enqueue_dma source(%arg22 : memref<32x128xf32, #tpu.memory_space<vmem>>) target(%dma_start3A_180 : memref<32x128xf32, #tpu.memory_space<vmem_shared>>) target_semaphore(%run_scoped3A : memref<!tpu.dma_semaphore, #tpu.memory_space<semaphore_mem>>)
      %dma_wait3A = arith.constant 0 : i32
      %dma_wait3A_181 = tpu.memref_slice %arg23[%add3A_12, %dma_wait3A] : memref<10240x128xf32, #tpu.memory_space<vmem_shared>> -> memref<32x128xf32, #tpu.memory_space<vmem_shared>>
      %dma_wait3A_182 = arith.constant 0 : i32
      %dma_wait3A_183 = tpu.memref_slice %arg23[%add3A_12, %dma_wait3A_182] : memref<10240x128xf32, #tpu.memory_space<vmem_shared>> -> memref<32x128xf32, #tpu.memory_space<vmem_shared>>
      tpu.wait_dma2 semaphore(%run_scoped3A : memref<!tpu.dma_semaphore, #tpu.memory_space<semaphore_mem>>) src(%arg22 : memref<32x128xf32, #tpu.memory_space<vmem>>) dst(%dma_wait3A_183 : memref<32x128xf32, #tpu.memory_space<vmem_shared>>)
      tpu.yield
    }) : () -> ()
    %mul3A_13 = arith.constant 640 : i32
    %mul3A_14 = arith.muli %arg1, %mul3A_13 : i32
    %add3A_15 = arith.constant 32 : i32
    %add3A_16 = arith.addi %mul3A_14, %add3A_15 : i32
    "tpu.region"() ({
      %run_scoped3A = tpu.sem_alloc : memref<!tpu.dma_semaphore, #tpu.memory_space<semaphore_mem>>
      %dma_start3A = arith.constant 0 : i32
      %dma_start3A_178 = tpu.memref_slice %arg23[%add3A_16, %dma_start3A] : memref<10240x128xf32, #tpu.memory_space<vmem_shared>> -> memref<32x128xf32, #tpu.memory_space<vmem_shared>>
      %dma_start3A_179 = arith.constant 0 : i32
      %dma_start3A_180 = tpu.memref_slice %arg23[%add3A_16, %dma_start3A_179] : memref<10240x128xf32, #tpu.memory_space<vmem_shared>> -> memref<32x128xf32, #tpu.memory_space<vmem_shared>>
      tpu.enqueue_dma source(%arg22 : memref<32x128xf32, #tpu.memory_space<vmem>>) target(%dma_start3A_180 : memref<32x128xf32, #tpu.memory_space<vmem_shared>>) target_semaphore(%run_scoped3A : memref<!tpu.dma_semaphore, #tpu.memory_space<semaphore_mem>>)
      %dma_wait3A = arith.constant 0 : i32
      %dma_wait3A_181 = tpu.memref_slice %arg23[%add3A_16, %dma_wait3A] : memref<10240x128xf32, #tpu.memory_space<vmem_shared>> -> memref<32x128xf32, #tpu.memory_space<vmem_shared>>
      %dma_wait3A_182 = arith.constant 0 : i32
      %dma_wait3A_183 = tpu.memref_slice %arg23[%add3A_16, %dma_wait3A_182] : memref<10240x128xf32, #tpu.memory_space<vmem_shared>> -> memref<32x128xf32, #tpu.memory_space<vmem_shared>>
      tpu.wait_dma2 semaphore(%run_scoped3A : memref<!tpu.dma_semaphore, #tpu.memory_space<semaphore_mem>>) src(%arg22 : memref<32x128xf32, #tpu.memory_space<vmem>>) dst(%dma_wait3A_183 : memref<32x128xf32, #tpu.memory_space<vmem_shared>>)
      tpu.yield
    }) : () -> ()
    %mul3A_17 = arith.constant 640 : i32
    %mul3A_18 = arith.muli %arg1, %mul3A_17 : i32
    %add3A_19 = arith.constant 64 : i32
    %add3A_20 = arith.addi %mul3A_18, %add3A_19 : i32
    "tpu.region"() ({
      %run_scoped3A = tpu.sem_alloc : memref<!tpu.dma_semaphore, #tpu.memory_space<semaphore_mem>>
      %dma_start3A = arith.constant 0 : i32
      %dma_start3A_178 = tpu.memref_slice %arg23[%add3A_20, %dma_start3A] : memref<10240x128xf32, #tpu.memory_space<vmem_shared>> -> memref<32x128xf32, #tpu.memory_space<vmem_shared>>
      %dma_start3A_179 = arith.constant 0 : i32
      %dma_start3A_180 = tpu.memref_slice %arg23[%add3A_20, %dma_start3A_179] : memref<10240x128xf32, #tpu.memory_space<vmem_shared>> -> memref<32x128xf32, #tpu.memory_space<vmem_shared>>
      tpu.enqueue_dma source(%arg22 : memref<32x128xf32, #tpu.memory_space<vmem>>) target(%dma_start3A_180 : memref<32x128xf32, #tpu.memory_space<vmem_shared>>) target_semaphore(%run_scoped3A : memref<!tpu.dma_semaphore, #tpu.memory_space<semaphore_mem>>)
      %dma_wait3A = arith.constant 0 : i32
      %dma_wait3A_181 = tpu.memref_slice %arg23[%add3A_20, %dma_wait3A] : memref<10240x128xf32, #tpu.memory_space<vmem_shared>> -> memref<32x128xf32, #tpu.memory_space<vmem_shared>>
      %dma_wait3A_182 = arith.constant 0 : i32
      %dma_wait3A_183 = tpu.memref_slice %arg23[%add3A_20, %dma_wait3A_182] : memref<10240x128xf32, #tpu.memory_space<vmem_shared>> -> memref<32x128xf32, #tpu.memory_space<vmem_shared>>
      tpu.wait_dma2 semaphore(%run_scoped3A : memref<!tpu.dma_semaphore, #tpu.memory_space<semaphore_mem>>) src(%arg22 : memref<32x128xf32, #tpu.memory_space<vmem>>) dst(%dma_wait3A_183 : memref<32x128xf32, #tpu.memory_space<vmem_shared>>)
      tpu.yield
    }) : () -> ()
    %mul3A_21 = arith.constant 640 : i32
    %mul3A_22 = arith.muli %arg1, %mul3A_21 : i32
    %add3A_23 = arith.constant 96 : i32
    %add3A_24 = arith.addi %mul3A_22, %add3A_23 : i32
    "tpu.region"() ({
      %run_scoped3A = tpu.sem_alloc : memref<!tpu.dma_semaphore, #tpu.memory_space<semaphore_mem>>
      %dma_start3A = arith.constant 0 : i32
      %dma_start3A_178 = tpu.memref_slice %arg23[%add3A_24, %dma_start3A] : memref<10240x128xf32, #tpu.memory_space<vmem_shared>> -> memref<32x128xf32, #tpu.memory_space<vmem_shared>>
      %dma_start3A_179 = arith.constant 0 : i32
      %dma_start3A_180 = tpu.memref_slice %arg23[%add3A_24, %dma_start3A_179] : memref<10240x128xf32, #tpu.memory_space<vmem_shared>> -> memref<32x128xf32, #tpu.memory_space<vmem_shared>>
      tpu.enqueue_dma source(%arg22 : memref<32x128xf32, #tpu.memory_space<vmem>>) target(%dma_start3A_180 : memref<32x128xf32, #tpu.memory_space<vmem_shared>>) target_semaphore(%run_scoped3A : memref<!tpu.dma_semaphore, #tpu.memory_space<semaphore_mem>>)
      %dma_wait3A = arith.constant 0 : i32
      %dma_wait3A_181 = tpu.memref_slice %arg23[%add3A_24, %dma_wait3A] : memref<10240x128xf32, #tpu.memory_space<vmem_shared>> -> memref<32x128xf32, #tpu.memory_space<vmem_shared>>
      %dma_wait3A_182 = arith.constant 0 : i32
      %dma_wait3A_183 = tpu.memref_slice %arg23[%add3A_24, %dma_wait3A_182] : memref<10240x128xf32, #tpu.memory_space<vmem_shared>> -> memref<32x128xf32, #tpu.memory_space<vmem_shared>>
      tpu.wait_dma2 semaphore(%run_scoped3A : memref<!tpu.dma_semaphore, #tpu.memory_space<semaphore_mem>>) src(%arg22 : memref<32x128xf32, #tpu.memory_space<vmem>>) dst(%dma_wait3A_183 : memref<32x128xf32, #tpu.memory_space<vmem_shared>>)
      tpu.yield
    }) : () -> ()
    %mul3A_25 = arith.constant 640 : i32
    %mul3A_26 = arith.muli %arg1, %mul3A_25 : i32
    %add3A_27 = arith.constant 128 : i32
    %add3A_28 = arith.addi %mul3A_26, %add3A_27 : i32
    "tpu.region"() ({
      %run_scoped3A = tpu.sem_alloc : memref<!tpu.dma_semaphore, #tpu.memory_space<semaphore_mem>>
      %dma_start3A = arith.constant 0 : i32
      %dma_start3A_178 = tpu.memref_slice %arg23[%add3A_28, %dma_start3A] : memref<10240x128xf32, #tpu.memory_space<vmem_shared>> -> memref<32x128xf32, #tpu.memory_space<vmem_shared>>
      %dma_start3A_179 = arith.constant 0 : i32
      %dma_start3A_180 = tpu.memref_slice %arg23[%add3A_28, %dma_start3A_179] : memref<10240x128xf32, #tpu.memory_space<vmem_shared>> -> memref<32x128xf32, #tpu.memory_space<vmem_shared>>
      tpu.enqueue_dma source(%arg22 : memref<32x128xf32, #tpu.memory_space<vmem>>) target(%dma_start3A_180 : memref<32x128xf32, #tpu.memory_space<vmem_shared>>) target_semaphore(%run_scoped3A : memref<!tpu.dma_semaphore, #tpu.memory_space<semaphore_mem>>)
      %dma_wait3A = arith.constant 0 : i32
      %dma_wait3A_181 = tpu.memref_slice %arg23[%add3A_28, %dma_wait3A] : memref<10240x128xf32, #tpu.memory_space<vmem_shared>> -> memref<32x128xf32, #tpu.memory_space<vmem_shared>>
      %dma_wait3A_182 = arith.constant 0 : i32
      %dma_wait3A_183 = tpu.memref_slice %arg23[%add3A_28, %dma_wait3A_182] : memref<10240x128xf32, #tpu.memory_space<vmem_shared>> -> memref<32x128xf32, #tpu.memory_space<vmem_shared>>
      tpu.wait_dma2 semaphore(%run_scoped3A : memref<!tpu.dma_semaphore, #tpu.memory_space<semaphore_mem>>) src(%arg22 : memref<32x128xf32, #tpu.memory_space<vmem>>) dst(%dma_wait3A_183 : memref<32x128xf32, #tpu.memory_space<vmem_shared>>)
      tpu.yield
    }) : () -> ()
    %mul3A_29 = arith.constant 640 : i32
    %mul3A_30 = arith.muli %arg1, %mul3A_29 : i32
    %add3A_31 = arith.constant 160 : i32
    %add3A_32 = arith.addi %mul3A_30, %add3A_31 : i32
    "tpu.region"() ({
      %run_scoped3A = tpu.sem_alloc : memref<!tpu.dma_semaphore, #tpu.memory_space<semaphore_mem>>
      %dma_start3A = arith.constant 0 : i32
      %dma_start3A_178 = tpu.memref_slice %arg23[%add3A_32, %dma_start3A] : memref<10240x128xf32, #tpu.memory_space<vmem_shared>> -> memref<32x128xf32, #tpu.memory_space<vmem_shared>>
      %dma_start3A_179 = arith.constant 0 : i32
      %dma_start3A_180 = tpu.memref_slice %arg23[%add3A_32, %dma_start3A_179] : memref<10240x128xf32, #tpu.memory_space<vmem_shared>> -> memref<32x128xf32, #tpu.memory_space<vmem_shared>>
      tpu.enqueue_dma source(%arg22 : memref<32x128xf32, #tpu.memory_space<vmem>>) target(%dma_start3A_180 : memref<32x128xf32, #tpu.memory_space<vmem_shared>>) target_semaphore(%run_scoped3A : memref<!tpu.dma_semaphore, #tpu.memory_space<semaphore_mem>>)
      %dma_wait3A = arith.constant 0 : i32
      %dma_wait3A_181 = tpu.memref_slice %arg23[%add3A_32, %dma_wait3A] : memref<10240x128xf32, #tpu.memory_space<vmem_shared>> -> memref<32x128xf32, #tpu.memory_space<vmem_shared>>
      %dma_wait3A_182 = arith.constant 0 : i32
      %dma_wait3A_183 = tpu.memref_slice %arg23[%add3A_32, %dma_wait3A_182] : memref<10240x128xf32, #tpu.memory_space<vmem_shared>> -> memref<32x128xf32, #tpu.memory_space<vmem_shared>>
      tpu.wait_dma2 semaphore(%run_scoped3A : memref<!tpu.dma_semaphore, #tpu.memory_space<semaphore_mem>>) src(%arg22 : memref<32x128xf32, #tpu.memory_space<vmem>>) dst(%dma_wait3A_183 : memref<32x128xf32, #tpu.memory_space<vmem_shared>>)
      tpu.yield
    }) : () -> ()
    %mul3A_33 = arith.constant 640 : i32
    %mul3A_34 = arith.muli %arg1, %mul3A_33 : i32
    %add3A_35 = arith.constant 192 : i32
    %add3A_36 = arith.addi %mul3A_34, %add3A_35 : i32
    "tpu.region"() ({
      %run_scoped3A = tpu.sem_alloc : memref<!tpu.dma_semaphore, #tpu.memory_space<semaphore_mem>>
      %dma_start3A = arith.constant 0 : i32
      %dma_start3A_178 = tpu.memref_slice %arg23[%add3A_36, %dma_start3A] : memref<10240x128xf32, #tpu.memory_space<vmem_shared>> -> memref<32x128xf32, #tpu.memory_space<vmem_shared>>
      %dma_start3A_179 = arith.constant 0 : i32
      %dma_start3A_180 = tpu.memref_slice %arg23[%add3A_36, %dma_start3A_179] : memref<10240x128xf32, #tpu.memory_space<vmem_shared>> -> memref<32x128xf32, #tpu.memory_space<vmem_shared>>
      tpu.enqueue_dma source(%arg22 : memref<32x128xf32, #tpu.memory_space<vmem>>) target(%dma_start3A_180 : memref<32x128xf32, #tpu.memory_space<vmem_shared>>) target_semaphore(%run_scoped3A : memref<!tpu.dma_semaphore, #tpu.memory_space<semaphore_mem>>)
      %dma_wait3A = arith.constant 0 : i32
      %dma_wait3A_181 = tpu.memref_slice %arg23[%add3A_36, %dma_wait3A] : memref<10240x128xf32, #tpu.memory_space<vmem_shared>> -> memref<32x128xf32, #tpu.memory_space<vmem_shared>>
      %dma_wait3A_182 = arith.constant 0 : i32
      %dma_wait3A_183 = tpu.memref_slice %arg23[%add3A_36, %dma_wait3A_182] : memref<10240x128xf32, #tpu.memory_space<vmem_shared>> -> memref<32x128xf32, #tpu.memory_space<vmem_shared>>
      tpu.wait_dma2 semaphore(%run_scoped3A : memref<!tpu.dma_semaphore, #tpu.memory_space<semaphore_mem>>) src(%arg22 : memref<32x128xf32, #tpu.memory_space<vmem>>) dst(%dma_wait3A_183 : memref<32x128xf32, #tpu.memory_space<vmem_shared>>)
      tpu.yield
    }) : () -> ()
    %mul3A_37 = arith.constant 640 : i32
    %mul3A_38 = arith.muli %arg1, %mul3A_37 : i32
    %add3A_39 = arith.constant 224 : i32
    %add3A_40 = arith.addi %mul3A_38, %add3A_39 : i32
    "tpu.region"() ({
      %run_scoped3A = tpu.sem_alloc : memref<!tpu.dma_semaphore, #tpu.memory_space<semaphore_mem>>
      %dma_start3A = arith.constant 0 : i32
      %dma_start3A_178 = tpu.memref_slice %arg23[%add3A_40, %dma_start3A] : memref<10240x128xf32, #tpu.memory_space<vmem_shared>> -> memref<32x128xf32, #tpu.memory_space<vmem_shared>>
      %dma_start3A_179 = arith.constant 0 : i32
      %dma_start3A_180 = tpu.memref_slice %arg23[%add3A_40, %dma_start3A_179] : memref<10240x128xf32, #tpu.memory_space<vmem_shared>> -> memref<32x128xf32, #tpu.memory_space<vmem_shared>>
      tpu.enqueue_dma source(%arg22 : memref<32x128xf32, #tpu.memory_space<vmem>>) target(%dma_start3A_180 : memref<32x128xf32, #tpu.memory_space<vmem_shared>>) target_semaphore(%run_scoped3A : memref<!tpu.dma_semaphore, #tpu.memory_space<semaphore_mem>>)
      %dma_wait3A = arith.constant 0 : i32
      %dma_wait3A_181 = tpu.memref_slice %arg23[%add3A_40, %dma_wait3A] : memref<10240x128xf32, #tpu.memory_space<vmem_shared>> -> memref<32x128xf32, #tpu.memory_space<vmem_shared>>
      %dma_wait3A_182 = arith.constant 0 : i32
      %dma_wait3A_183 = tpu.memref_slice %arg23[%add3A_40, %dma_wait3A_182] : memref<10240x128xf32, #tpu.memory_space<vmem_shared>> -> memref<32x128xf32, #tpu.memory_space<vmem_shared>>
      tpu.wait_dma2 semaphore(%run_scoped3A : memref<!tpu.dma_semaphore, #tpu.memory_space<semaphore_mem>>) src(%arg22 : memref<32x128xf32, #tpu.memory_space<vmem>>) dst(%dma_wait3A_183 : memref<32x128xf32, #tpu.memory_space<vmem_shared>>)
      tpu.yield
    }) : () -> ()
    %mul3A_41 = arith.constant 640 : i32
    %mul3A_42 = arith.muli %arg1, %mul3A_41 : i32
    %add3A_43 = arith.constant 256 : i32
    %add3A_44 = arith.addi %mul3A_42, %add3A_43 : i32
    "tpu.region"() ({
      %run_scoped3A = tpu.sem_alloc : memref<!tpu.dma_semaphore, #tpu.memory_space<semaphore_mem>>
      %dma_start3A = arith.constant 0 : i32
      %dma_start3A_178 = tpu.memref_slice %arg23[%add3A_44, %dma_start3A] : memref<10240x128xf32, #tpu.memory_space<vmem_shared>> -> memref<32x128xf32, #tpu.memory_space<vmem_shared>>
      %dma_start3A_179 = arith.constant 0 : i32
      %dma_start3A_180 = tpu.memref_slice %arg23[%add3A_44, %dma_start3A_179] : memref<10240x128xf32, #tpu.memory_space<vmem_shared>> -> memref<32x128xf32, #tpu.memory_space<vmem_shared>>
      tpu.enqueue_dma source(%arg22 : memref<32x128xf32, #tpu.memory_space<vmem>>) target(%dma_start3A_180 : memref<32x128xf32, #tpu.memory_space<vmem_shared>>) target_semaphore(%run_scoped3A : memref<!tpu.dma_semaphore, #tpu.memory_space<semaphore_mem>>)
      %dma_wait3A = arith.constant 0 : i32
      %dma_wait3A_181 = tpu.memref_slice %arg23[%add3A_44, %dma_wait3A] : memref<10240x128xf32, #tpu.memory_space<vmem_shared>> -> memref<32x128xf32, #tpu.memory_space<vmem_shared>>
      %dma_wait3A_182 = arith.constant 0 : i32
      %dma_wait3A_183 = tpu.memref_slice %arg23[%add3A_44, %dma_wait3A_182] : memref<10240x128xf32, #tpu.memory_space<vmem_shared>> -> memref<32x128xf32, #tpu.memory_space<vmem_shared>>
      tpu.wait_dma2 semaphore(%run_scoped3A : memref<!tpu.dma_semaphore, #tpu.memory_space<semaphore_mem>>) src(%arg22 : memref<32x128xf32, #tpu.memory_space<vmem>>) dst(%dma_wait3A_183 : memref<32x128xf32, #tpu.memory_space<vmem_shared>>)
      tpu.yield
    }) : () -> ()
    %mul3A_45 = arith.constant 640 : i32
    %mul3A_46 = arith.muli %arg1, %mul3A_45 : i32
    %add3A_47 = arith.constant 288 : i32
    %add3A_48 = arith.addi %mul3A_46, %add3A_47 : i32
    "tpu.region"() ({
      %run_scoped3A = tpu.sem_alloc : memref<!tpu.dma_semaphore, #tpu.memory_space<semaphore_mem>>
      %dma_start3A = arith.constant 0 : i32
      %dma_start3A_178 = tpu.memref_slice %arg23[%add3A_48, %dma_start3A] : memref<10240x128xf32, #tpu.memory_space<vmem_shared>> -> memref<32x128xf32, #tpu.memory_space<vmem_shared>>
      %dma_start3A_179 = arith.constant 0 : i32
      %dma_start3A_180 = tpu.memref_slice %arg23[%add3A_48, %dma_start3A_179] : memref<10240x128xf32, #tpu.memory_space<vmem_shared>> -> memref<32x128xf32, #tpu.memory_space<vmem_shared>>
      tpu.enqueue_dma source(%arg22 : memref<32x128xf32, #tpu.memory_space<vmem>>) target(%dma_start3A_180 : memref<32x128xf32, #tpu.memory_space<vmem_shared>>) target_semaphore(%run_scoped3A : memref<!tpu.dma_semaphore, #tpu.memory_space<semaphore_mem>>)
      %dma_wait3A = arith.constant 0 : i32
      %dma_wait3A_181 = tpu.memref_slice %arg23[%add3A_48, %dma_wait3A] : memref<10240x128xf32, #tpu.memory_space<vmem_shared>> -> memref<32x128xf32, #tpu.memory_space<vmem_shared>>
      %dma_wait3A_182 = arith.constant 0 : i32
      %dma_wait3A_183 = tpu.memref_slice %arg23[%add3A_48, %dma_wait3A_182] : memref<10240x128xf32, #tpu.memory_space<vmem_shared>> -> memref<32x128xf32, #tpu.memory_space<vmem_shared>>
      tpu.wait_dma2 semaphore(%run_scoped3A : memref<!tpu.dma_semaphore, #tpu.memory_space<semaphore_mem>>) src(%arg22 : memref<32x128xf32, #tpu.memory_space<vmem>>) dst(%dma_wait3A_183 : memref<32x128xf32, #tpu.memory_space<vmem_shared>>)
      tpu.yield
    }) : () -> ()
    %mul3A_49 = arith.constant 640 : i32
    %mul3A_50 = arith.muli %arg1, %mul3A_49 : i32
    %add3A_51 = arith.constant 320 : i32
    %add3A_52 = arith.addi %mul3A_50, %add3A_51 : i32
    "tpu.region"() ({
      %run_scoped3A = tpu.sem_alloc : memref<!tpu.dma_semaphore, #tpu.memory_space<semaphore_mem>>
      %dma_start3A = arith.constant 0 : i32
      %dma_start3A_178 = tpu.memref_slice %arg23[%add3A_52, %dma_start3A] : memref<10240x128xf32, #tpu.memory_space<vmem_shared>> -> memref<32x128xf32, #tpu.memory_space<vmem_shared>>
      %dma_start3A_179 = arith.constant 0 : i32
      %dma_start3A_180 = tpu.memref_slice %arg23[%add3A_52, %dma_start3A_179] : memref<10240x128xf32, #tpu.memory_space<vmem_shared>> -> memref<32x128xf32, #tpu.memory_space<vmem_shared>>
      tpu.enqueue_dma source(%arg22 : memref<32x128xf32, #tpu.memory_space<vmem>>) target(%dma_start3A_180 : memref<32x128xf32, #tpu.memory_space<vmem_shared>>) target_semaphore(%run_scoped3A : memref<!tpu.dma_semaphore, #tpu.memory_space<semaphore_mem>>)
      %dma_wait3A = arith.constant 0 : i32
      %dma_wait3A_181 = tpu.memref_slice %arg23[%add3A_52, %dma_wait3A] : memref<10240x128xf32, #tpu.memory_space<vmem_shared>> -> memref<32x128xf32, #tpu.memory_space<vmem_shared>>
      %dma_wait3A_182 = arith.constant 0 : i32
      %dma_wait3A_183 = tpu.memref_slice %arg23[%add3A_52, %dma_wait3A_182] : memref<10240x128xf32, #tpu.memory_space<vmem_shared>> -> memref<32x128xf32, #tpu.memory_space<vmem_shared>>
      tpu.wait_dma2 semaphore(%run_scoped3A : memref<!tpu.dma_semaphore, #tpu.memory_space<semaphore_mem>>) src(%arg22 : memref<32x128xf32, #tpu.memory_space<vmem>>) dst(%dma_wait3A_183 : memref<32x128xf32, #tpu.memory_space<vmem_shared>>)
      tpu.yield
    }) : () -> ()
    %mul3A_53 = arith.constant 640 : i32
    %mul3A_54 = arith.muli %arg1, %mul3A_53 : i32
    %add3A_55 = arith.constant 352 : i32
    %add3A_56 = arith.addi %mul3A_54, %add3A_55 : i32
    "tpu.region"() ({
      %run_scoped3A = tpu.sem_alloc : memref<!tpu.dma_semaphore, #tpu.memory_space<semaphore_mem>>
      %dma_start3A = arith.constant 0 : i32
      %dma_start3A_178 = tpu.memref_slice %arg23[%add3A_56, %dma_start3A] : memref<10240x128xf32, #tpu.memory_space<vmem_shared>> -> memref<32x128xf32, #tpu.memory_space<vmem_shared>>
      %dma_start3A_179 = arith.constant 0 : i32
      %dma_start3A_180 = tpu.memref_slice %arg23[%add3A_56, %dma_start3A_179] : memref<10240x128xf32, #tpu.memory_space<vmem_shared>> -> memref<32x128xf32, #tpu.memory_space<vmem_shared>>
      tpu.enqueue_dma source(%arg22 : memref<32x128xf32, #tpu.memory_space<vmem>>) target(%dma_start3A_180 : memref<32x128xf32, #tpu.memory_space<vmem_shared>>) target_semaphore(%run_scoped3A : memref<!tpu.dma_semaphore, #tpu.memory_space<semaphore_mem>>)
      %dma_wait3A = arith.constant 0 : i32
      %dma_wait3A_181 = tpu.memref_slice %arg23[%add3A_56, %dma_wait3A] : memref<10240x128xf32, #tpu.memory_space<vmem_shared>> -> memref<32x128xf32, #tpu.memory_space<vmem_shared>>
      %dma_wait3A_182 = arith.constant 0 : i32
      %dma_wait3A_183 = tpu.memref_slice %arg23[%add3A_56, %dma_wait3A_182] : memref<10240x128xf32, #tpu.memory_space<vmem_shared>> -> memref<32x128xf32, #tpu.memory_space<vmem_shared>>
      tpu.wait_dma2 semaphore(%run_scoped3A : memref<!tpu.dma_semaphore, #tpu.memory_space<semaphore_mem>>) src(%arg22 : memref<32x128xf32, #tpu.memory_space<vmem>>) dst(%dma_wait3A_183 : memref<32x128xf32, #tpu.memory_space<vmem_shared>>)
      tpu.yield
    }) : () -> ()
    %mul3A_57 = arith.constant 640 : i32
    %mul3A_58 = arith.muli %arg1, %mul3A_57 : i32
    %add3A_59 = arith.constant 384 : i32
    %add3A_60 = arith.addi %mul3A_58, %add3A_59 : i32
    "tpu.region"() ({
      %run_scoped3A = tpu.sem_alloc : memref<!tpu.dma_semaphore, #tpu.memory_space<semaphore_mem>>
      %dma_start3A = arith.constant 0 : i32
      %dma_start3A_178 = tpu.memref_slice %arg23[%add3A_60, %dma_start3A] : memref<10240x128xf32, #tpu.memory_space<vmem_shared>> -> memref<32x128xf32, #tpu.memory_space<vmem_shared>>
      %dma_start3A_179 = arith.constant 0 : i32
      %dma_start3A_180 = tpu.memref_slice %arg23[%add3A_60, %dma_start3A_179] : memref<10240x128xf32, #tpu.memory_space<vmem_shared>> -> memref<32x128xf32, #tpu.memory_space<vmem_shared>>
      tpu.enqueue_dma source(%arg22 : memref<32x128xf32, #tpu.memory_space<vmem>>) target(%dma_start3A_180 : memref<32x128xf32, #tpu.memory_space<vmem_shared>>) target_semaphore(%run_scoped3A : memref<!tpu.dma_semaphore, #tpu.memory_space<semaphore_mem>>)
      %dma_wait3A = arith.constant 0 : i32
      %dma_wait3A_181 = tpu.memref_slice %arg23[%add3A_60, %dma_wait3A] : memref<10240x128xf32, #tpu.memory_space<vmem_shared>> -> memref<32x128xf32, #tpu.memory_space<vmem_shared>>
      %dma_wait3A_182 = arith.constant 0 : i32
      %dma_wait3A_183 = tpu.memref_slice %arg23[%add3A_60, %dma_wait3A_182] : memref<10240x128xf32, #tpu.memory_space<vmem_shared>> -> memref<32x128xf32, #tpu.memory_space<vmem_shared>>
      tpu.wait_dma2 semaphore(%run_scoped3A : memref<!tpu.dma_semaphore, #tpu.memory_space<semaphore_mem>>) src(%arg22 : memref<32x128xf32, #tpu.memory_space<vmem>>) dst(%dma_wait3A_183 : memref<32x128xf32, #tpu.memory_space<vmem_shared>>)
      tpu.yield
    }) : () -> ()
    %mul3A_61 = arith.constant 640 : i32
    %mul3A_62 = arith.muli %arg1, %mul3A_61 : i32
    %add3A_63 = arith.constant 416 : i32
    %add3A_64 = arith.addi %mul3A_62, %add3A_63 : i32
    "tpu.region"() ({
      %run_scoped3A = tpu.sem_alloc : memref<!tpu.dma_semaphore, #tpu.memory_space<semaphore_mem>>
      %dma_start3A = arith.constant 0 : i32
      %dma_start3A_178 = tpu.memref_slice %arg23[%add3A_64, %dma_start3A] : memref<10240x128xf32, #tpu.memory_space<vmem_shared>> -> memref<32x128xf32, #tpu.memory_space<vmem_shared>>
      %dma_start3A_179 = arith.constant 0 : i32
      %dma_start3A_180 = tpu.memref_slice %arg23[%add3A_64, %dma_start3A_179] : memref<10240x128xf32, #tpu.memory_space<vmem_shared>> -> memref<32x128xf32, #tpu.memory_space<vmem_shared>>
      tpu.enqueue_dma source(%arg22 : memref<32x128xf32, #tpu.memory_space<vmem>>) target(%dma_start3A_180 : memref<32x128xf32, #tpu.memory_space<vmem_shared>>) target_semaphore(%run_scoped3A : memref<!tpu.dma_semaphore, #tpu.memory_space<semaphore_mem>>)
      %dma_wait3A = arith.constant 0 : i32
      %dma_wait3A_181 = tpu.memref_slice %arg23[%add3A_64, %dma_wait3A] : memref<10240x128xf32, #tpu.memory_space<vmem_shared>> -> memref<32x128xf32, #tpu.memory_space<vmem_shared>>
      %dma_wait3A_182 = arith.constant 0 : i32
      %dma_wait3A_183 = tpu.memref_slice %arg23[%add3A_64, %dma_wait3A_182] : memref<10240x128xf32, #tpu.memory_space<vmem_shared>> -> memref<32x128xf32, #tpu.memory_space<vmem_shared>>
      tpu.wait_dma2 semaphore(%run_scoped3A : memref<!tpu.dma_semaphore, #tpu.memory_space<semaphore_mem>>) src(%arg22 : memref<32x128xf32, #tpu.memory_space<vmem>>) dst(%dma_wait3A_183 : memref<32x128xf32, #tpu.memory_space<vmem_shared>>)
      tpu.yield
    }) : () -> ()
    %mul3A_65 = arith.constant 640 : i32
    %mul3A_66 = arith.muli %arg1, %mul3A_65 : i32
    %add3A_67 = arith.constant 448 : i32
    %add3A_68 = arith.addi %mul3A_66, %add3A_67 : i32
    "tpu.region"() ({
      %run_scoped3A = tpu.sem_alloc : memref<!tpu.dma_semaphore, #tpu.memory_space<semaphore_mem>>
      %dma_start3A = arith.constant 0 : i32
      %dma_start3A_178 = tpu.memref_slice %arg23[%add3A_68, %dma_start3A] : memref<10240x128xf32, #tpu.memory_space<vmem_shared>> -> memref<32x128xf32, #tpu.memory_space<vmem_shared>>
      %dma_start3A_179 = arith.constant 0 : i32
      %dma_start3A_180 = tpu.memref_slice %arg23[%add3A_68, %dma_start3A_179] : memref<10240x128xf32, #tpu.memory_space<vmem_shared>> -> memref<32x128xf32, #tpu.memory_space<vmem_shared>>
      tpu.enqueue_dma source(%arg22 : memref<32x128xf32, #tpu.memory_space<vmem>>) target(%dma_start3A_180 : memref<32x128xf32, #tpu.memory_space<vmem_shared>>) target_semaphore(%run_scoped3A : memref<!tpu.dma_semaphore, #tpu.memory_space<semaphore_mem>>)
      %dma_wait3A = arith.constant 0 : i32
      %dma_wait3A_181 = tpu.memref_slice %arg23[%add3A_68, %dma_wait3A] : memref<10240x128xf32, #tpu.memory_space<vmem_shared>> -> memref<32x128xf32, #tpu.memory_space<vmem_shared>>
      %dma_wait3A_182 = arith.constant 0 : i32
      %dma_wait3A_183 = tpu.memref_slice %arg23[%add3A_68, %dma_wait3A_182] : memref<10240x128xf32, #tpu.memory_space<vmem_shared>> -> memref<32x128xf32, #tpu.memory_space<vmem_shared>>
      tpu.wait_dma2 semaphore(%run_scoped3A : memref<!tpu.dma_semaphore, #tpu.memory_space<semaphore_mem>>) src(%arg22 : memref<32x128xf32, #tpu.memory_space<vmem>>) dst(%dma_wait3A_183 : memref<32x128xf32, #tpu.memory_space<vmem_shared>>)
      tpu.yield
    }) : () -> ()
    %mul3A_69 = arith.constant 640 : i32
    %mul3A_70 = arith.muli %arg1, %mul3A_69 : i32
    %add3A_71 = arith.constant 480 : i32
    %add3A_72 = arith.addi %mul3A_70, %add3A_71 : i32
    "tpu.region"() ({
      %run_scoped3A = tpu.sem_alloc : memref<!tpu.dma_semaphore, #tpu.memory_space<semaphore_mem>>
      %dma_start3A = arith.constant 0 : i32
      %dma_start3A_178 = tpu.memref_slice %arg23[%add3A_72, %dma_start3A] : memref<10240x128xf32, #tpu.memory_space<vmem_shared>> -> memref<32x128xf32, #tpu.memory_space<vmem_shared>>
      %dma_start3A_179 = arith.constant 0 : i32
      %dma_start3A_180 = tpu.memref_slice %arg23[%add3A_72, %dma_start3A_179] : memref<10240x128xf32, #tpu.memory_space<vmem_shared>> -> memref<32x128xf32, #tpu.memory_space<vmem_shared>>
      tpu.enqueue_dma source(%arg22 : memref<32x128xf32, #tpu.memory_space<vmem>>) target(%dma_start3A_180 : memref<32x128xf32, #tpu.memory_space<vmem_shared>>) target_semaphore(%run_scoped3A : memref<!tpu.dma_semaphore, #tpu.memory_space<semaphore_mem>>)
      %dma_wait3A = arith.constant 0 : i32
      %dma_wait3A_181 = tpu.memref_slice %arg23[%add3A_72, %dma_wait3A] : memref<10240x128xf32, #tpu.memory_space<vmem_shared>> -> memref<32x128xf32, #tpu.memory_space<vmem_shared>>
      %dma_wait3A_182 = arith.constant 0 : i32
      %dma_wait3A_183 = tpu.memref_slice %arg23[%add3A_72, %dma_wait3A_182] : memref<10240x128xf32, #tpu.memory_space<vmem_shared>> -> memref<32x128xf32, #tpu.memory_space<vmem_shared>>
      tpu.wait_dma2 semaphore(%run_scoped3A : memref<!tpu.dma_semaphore, #tpu.memory_space<semaphore_mem>>) src(%arg22 : memref<32x128xf32, #tpu.memory_space<vmem>>) dst(%dma_wait3A_183 : memref<32x128xf32, #tpu.memory_space<vmem_shared>>)
      tpu.yield
    }) : () -> ()
    %mul3A_73 = arith.constant 640 : i32
    %mul3A_74 = arith.muli %arg1, %mul3A_73 : i32
    %add3A_75 = arith.constant 512 : i32
    %add3A_76 = arith.addi %mul3A_74, %add3A_75 : i32
    "tpu.region"() ({
      %run_scoped3A = tpu.sem_alloc : memref<!tpu.dma_semaphore, #tpu.memory_space<semaphore_mem>>
      %dma_start3A = arith.constant 0 : i32
      %dma_start3A_178 = tpu.memref_slice %arg23[%add3A_76, %dma_start3A] : memref<10240x128xf32, #tpu.memory_space<vmem_shared>> -> memref<32x128xf32, #tpu.memory_space<vmem_shared>>
      %dma_start3A_179 = arith.constant 0 : i32
      %dma_start3A_180 = tpu.memref_slice %arg23[%add3A_76, %dma_start3A_179] : memref<10240x128xf32, #tpu.memory_space<vmem_shared>> -> memref<32x128xf32, #tpu.memory_space<vmem_shared>>
      tpu.enqueue_dma source(%arg22 : memref<32x128xf32, #tpu.memory_space<vmem>>) target(%dma_start3A_180 : memref<32x128xf32, #tpu.memory_space<vmem_shared>>) target_semaphore(%run_scoped3A : memref<!tpu.dma_semaphore, #tpu.memory_space<semaphore_mem>>)
      %dma_wait3A = arith.constant 0 : i32
      %dma_wait3A_181 = tpu.memref_slice %arg23[%add3A_76, %dma_wait3A] : memref<10240x128xf32, #tpu.memory_space<vmem_shared>> -> memref<32x128xf32, #tpu.memory_space<vmem_shared>>
      %dma_wait3A_182 = arith.constant 0 : i32
      %dma_wait3A_183 = tpu.memref_slice %arg23[%add3A_76, %dma_wait3A_182] : memref<10240x128xf32, #tpu.memory_space<vmem_shared>> -> memref<32x128xf32, #tpu.memory_space<vmem_shared>>
      tpu.wait_dma2 semaphore(%run_scoped3A : memref<!tpu.dma_semaphore, #tpu.memory_space<semaphore_mem>>) src(%arg22 : memref<32x128xf32, #tpu.memory_space<vmem>>) dst(%dma_wait3A_183 : memref<32x128xf32, #tpu.memory_space<vmem_shared>>)
      tpu.yield
    }) : () -> ()
    %mul3A_77 = arith.constant 640 : i32
    %mul3A_78 = arith.muli %arg1, %mul3A_77 : i32
    %add3A_79 = arith.constant 544 : i32
    %add3A_80 = arith.addi %mul3A_78, %add3A_79 : i32
    "tpu.region"() ({
      %run_scoped3A = tpu.sem_alloc : memref<!tpu.dma_semaphore, #tpu.memory_space<semaphore_mem>>
      %dma_start3A = arith.constant 0 : i32
      %dma_start3A_178 = tpu.memref_slice %arg23[%add3A_80, %dma_start3A] : memref<10240x128xf32, #tpu.memory_space<vmem_shared>> -> memref<32x128xf32, #tpu.memory_space<vmem_shared>>
      %dma_start3A_179 = arith.constant 0 : i32
      %dma_start3A_180 = tpu.memref_slice %arg23[%add3A_80, %dma_start3A_179] : memref<10240x128xf32, #tpu.memory_space<vmem_shared>> -> memref<32x128xf32, #tpu.memory_space<vmem_shared>>
      tpu.enqueue_dma source(%arg22 : memref<32x128xf32, #tpu.memory_space<vmem>>) target(%dma_start3A_180 : memref<32x128xf32, #tpu.memory_space<vmem_shared>>) target_semaphore(%run_scoped3A : memref<!tpu.dma_semaphore, #tpu.memory_space<semaphore_mem>>)
      %dma_wait3A = arith.constant 0 : i32
      %dma_wait3A_181 = tpu.memref_slice %arg23[%add3A_80, %dma_wait3A] : memref<10240x128xf32, #tpu.memory_space<vmem_shared>> -> memref<32x128xf32, #tpu.memory_space<vmem_shared>>
      %dma_wait3A_182 = arith.constant 0 : i32
      %dma_wait3A_183 = tpu.memref_slice %arg23[%add3A_80, %dma_wait3A_182] : memref<10240x128xf32, #tpu.memory_space<vmem_shared>> -> memref<32x128xf32, #tpu.memory_space<vmem_shared>>
      tpu.wait_dma2 semaphore(%run_scoped3A : memref<!tpu.dma_semaphore, #tpu.memory_space<semaphore_mem>>) src(%arg22 : memref<32x128xf32, #tpu.memory_space<vmem>>) dst(%dma_wait3A_183 : memref<32x128xf32, #tpu.memory_space<vmem_shared>>)
      tpu.yield
    }) : () -> ()
    %mul3A_81 = arith.constant 640 : i32
    %mul3A_82 = arith.muli %arg1, %mul3A_81 : i32
    %add3A_83 = arith.constant 576 : i32
    %add3A_84 = arith.addi %mul3A_82, %add3A_83 : i32
    "tpu.region"() ({
      %run_scoped3A = tpu.sem_alloc : memref<!tpu.dma_semaphore, #tpu.memory_space<semaphore_mem>>
      %dma_start3A = arith.constant 0 : i32
      %dma_start3A_178 = tpu.memref_slice %arg23[%add3A_84, %dma_start3A] : memref<10240x128xf32, #tpu.memory_space<vmem_shared>> -> memref<32x128xf32, #tpu.memory_space<vmem_shared>>
      %dma_start3A_179 = arith.constant 0 : i32
      %dma_start3A_180 = tpu.memref_slice %arg23[%add3A_84, %dma_start3A_179] : memref<10240x128xf32, #tpu.memory_space<vmem_shared>> -> memref<32x128xf32, #tpu.memory_space<vmem_shared>>
      tpu.enqueue_dma source(%arg22 : memref<32x128xf32, #tpu.memory_space<vmem>>) target(%dma_start3A_180 : memref<32x128xf32, #tpu.memory_space<vmem_shared>>) target_semaphore(%run_scoped3A : memref<!tpu.dma_semaphore, #tpu.memory_space<semaphore_mem>>)
      %dma_wait3A = arith.constant 0 : i32
      %dma_wait3A_181 = tpu.memref_slice %arg23[%add3A_84, %dma_wait3A] : memref<10240x128xf32, #tpu.memory_space<vmem_shared>> -> memref<32x128xf32, #tpu.memory_space<vmem_shared>>
      %dma_wait3A_182 = arith.constant 0 : i32
      %dma_wait3A_183 = tpu.memref_slice %arg23[%add3A_84, %dma_wait3A_182] : memref<10240x128xf32, #tpu.memory_space<vmem_shared>> -> memref<32x128xf32, #tpu.memory_space<vmem_shared>>
      tpu.wait_dma2 semaphore(%run_scoped3A : memref<!tpu.dma_semaphore, #tpu.memory_space<semaphore_mem>>) src(%arg22 : memref<32x128xf32, #tpu.memory_space<vmem>>) dst(%dma_wait3A_183 : memref<32x128xf32, #tpu.memory_space<vmem_shared>>)
      tpu.yield
    }) : () -> ()
    %mul3A_85 = arith.constant 640 : i32
    %mul3A_86 = arith.muli %arg1, %mul3A_85 : i32
    %add3A_87 = arith.constant 608 : i32
    %add3A_88 = arith.addi %mul3A_86, %add3A_87 : i32
    "tpu.region"() ({
      %run_scoped3A = tpu.sem_alloc : memref<!tpu.dma_semaphore, #tpu.memory_space<semaphore_mem>>
      %dma_start3A = arith.constant 0 : i32
      %dma_start3A_178 = tpu.memref_slice %arg23[%add3A_88, %dma_start3A] : memref<10240x128xf32, #tpu.memory_space<vmem_shared>> -> memref<32x128xf32, #tpu.memory_space<vmem_shared>>
      %dma_start3A_179 = arith.constant 0 : i32
      %dma_start3A_180 = tpu.memref_slice %arg23[%add3A_88, %dma_start3A_179] : memref<10240x128xf32, #tpu.memory_space<vmem_shared>> -> memref<32x128xf32, #tpu.memory_space<vmem_shared>>
      tpu.enqueue_dma source(%arg22 : memref<32x128xf32, #tpu.memory_space<vmem>>) target(%dma_start3A_180 : memref<32x128xf32, #tpu.memory_space<vmem_shared>>) target_semaphore(%run_scoped3A : memref<!tpu.dma_semaphore, #tpu.memory_space<semaphore_mem>>)
      %dma_wait3A = arith.constant 0 : i32
      %dma_wait3A_181 = tpu.memref_slice %arg23[%add3A_88, %dma_wait3A] : memref<10240x128xf32, #tpu.memory_space<vmem_shared>> -> memref<32x128xf32, #tpu.memory_space<vmem_shared>>
      %dma_wait3A_182 = arith.constant 0 : i32
      %dma_wait3A_183 = tpu.memref_slice %arg23[%add3A_88, %dma_wait3A_182] : memref<10240x128xf32, #tpu.memory_space<vmem_shared>> -> memref<32x128xf32, #tpu.memory_space<vmem_shared>>
      tpu.wait_dma2 semaphore(%run_scoped3A : memref<!tpu.dma_semaphore, #tpu.memory_space<semaphore_mem>>) src(%arg22 : memref<32x128xf32, #tpu.memory_space<vmem>>) dst(%dma_wait3A_183 : memref<32x128xf32, #tpu.memory_space<vmem_shared>>)
      tpu.yield
    }) : () -> ()
    %barrier3A = arith.constant 0 : index
    tpu.barrier barrier_id(%barrier3A)
    "tpu.region"() ({
      %run_scoped3A = tpu.sem_alloc : memref<!tpu.dma_semaphore, #tpu.memory_space<semaphore_mem>>
      tpu.enqueue_dma source(%arg6 : memref<20000xf32, #tpu.memory_space<hbm>>) target(%arg9 : memref<20000xf32, #tpu.memory_space<vmem>>) target_semaphore(%run_scoped3A : memref<!tpu.dma_semaphore, #tpu.memory_space<semaphore_mem>>)
      tpu.wait_dma2 semaphore(%run_scoped3A : memref<!tpu.dma_semaphore, #tpu.memory_space<semaphore_mem>>) src(%arg6 : memref<20000xf32, #tpu.memory_space<hbm>>) dst(%arg9 : memref<20000xf32, #tpu.memory_space<vmem>>)
      tpu.yield
    }) : () -> ()
    %mul3A_89 = arith.constant 10240 : i32
    %mul3A_90 = arith.muli %add3A, %mul3A_89 : i32
    %scan3A_91 = arith.constant 0 : i32
    %scan3A_92 = arith.constant 0 : i32
    %scan3A_93 = arith.constant 10 : i32
    %scan3A_94 = arith.addi %scan3A_92, %scan3A_93 : i32
    %scan3A_95 = arith.constant 1 : i32
    scf.for %scan3A_178 = %scan3A_92 to %scan3A_94 step %scan3A_95  : i32 {
      %mul3A_179 = arith.constant 1024 : i32
      %mul3A_180 = arith.muli %scan3A_178, %mul3A_179 : i32
      %add3A_181 = arith.addi %mul3A_90, %mul3A_180 : i32
      "tpu.region"() ({
        %run_scoped3A = tpu.sem_alloc : memref<!tpu.dma_semaphore, #tpu.memory_space<semaphore_mem>>
        %dma_start3A_198 = tpu.memref_slice %arg2[%add3A_181] : memref<327680xi32, #tpu.memory_space<hbm>> -> memref<1024xi32, #tpu.memory_space<hbm>>
        %dma_start3A_199 = tpu.memref_slice %arg2[%add3A_181] : memref<327680xi32, #tpu.memory_space<hbm>> -> memref<1024xi32, #tpu.memory_space<hbm>>
        tpu.enqueue_dma source(%dma_start3A_199 : memref<1024xi32, #tpu.memory_space<hbm>>) target(%arg10 : memref<1024xi32, #tpu.memory_space<vmem>>) target_semaphore(%run_scoped3A : memref<!tpu.dma_semaphore, #tpu.memory_space<semaphore_mem>>)
        %dma_wait3A_200 = tpu.memref_slice %arg2[%add3A_181] : memref<327680xi32, #tpu.memory_space<hbm>> -> memref<1024xi32, #tpu.memory_space<hbm>>
        %dma_wait3A_201 = tpu.memref_slice %arg2[%add3A_181] : memref<327680xi32, #tpu.memory_space<hbm>> -> memref<1024xi32, #tpu.memory_space<hbm>>
        tpu.wait_dma2 semaphore(%run_scoped3A : memref<!tpu.dma_semaphore, #tpu.memory_space<semaphore_mem>>) src(%dma_wait3A_201 : memref<1024xi32, #tpu.memory_space<hbm>>) dst(%arg10 : memref<1024xi32, #tpu.memory_space<vmem>>)
        tpu.yield
      }) : () -> ()
      "tpu.region"() ({
        %run_scoped3A = tpu.sem_alloc : memref<!tpu.dma_semaphore, #tpu.memory_space<semaphore_mem>>
        %dma_start3A_198 = tpu.memref_slice %arg3[%add3A_181] : memref<327680xi32, #tpu.memory_space<hbm>> -> memref<1024xi32, #tpu.memory_space<hbm>>
        %dma_start3A_199 = tpu.memref_slice %arg3[%add3A_181] : memref<327680xi32, #tpu.memory_space<hbm>> -> memref<1024xi32, #tpu.memory_space<hbm>>
        tpu.enqueue_dma source(%dma_start3A_199 : memref<1024xi32, #tpu.memory_space<hbm>>) target(%arg11 : memref<1024xi32, #tpu.memory_space<vmem>>) target_semaphore(%run_scoped3A : memref<!tpu.dma_semaphore, #tpu.memory_space<semaphore_mem>>)
        %dma_wait3A_200 = tpu.memref_slice %arg3[%add3A_181] : memref<327680xi32, #tpu.memory_space<hbm>> -> memref<1024xi32, #tpu.memory_space<hbm>>
        %dma_wait3A_201 = tpu.memref_slice %arg3[%add3A_181] : memref<327680xi32, #tpu.memory_space<hbm>> -> memref<1024xi32, #tpu.memory_space<hbm>>
        tpu.wait_dma2 semaphore(%run_scoped3A : memref<!tpu.dma_semaphore, #tpu.memory_space<semaphore_mem>>) src(%dma_wait3A_201 : memref<1024xi32, #tpu.memory_space<hbm>>) dst(%arg11 : memref<1024xi32, #tpu.memory_space<vmem>>)
        tpu.yield
      }) : () -> ()
      "tpu.region"() ({
        %run_scoped3A = tpu.sem_alloc : memref<!tpu.dma_semaphore, #tpu.memory_space<semaphore_mem>>
        %dma_start3A_198 = tpu.memref_slice %arg4[%add3A_181] : memref<327680xf32, #tpu.memory_space<hbm>> -> memref<1024xf32, #tpu.memory_space<hbm>>
        %dma_start3A_199 = tpu.memref_slice %arg4[%add3A_181] : memref<327680xf32, #tpu.memory_space<hbm>> -> memref<1024xf32, #tpu.memory_space<hbm>>
        tpu.enqueue_dma source(%dma_start3A_199 : memref<1024xf32, #tpu.memory_space<hbm>>) target(%arg12 : memref<1024xf32, #tpu.memory_space<vmem>>) target_semaphore(%run_scoped3A : memref<!tpu.dma_semaphore, #tpu.memory_space<semaphore_mem>>)
        %dma_wait3A_200 = tpu.memref_slice %arg4[%add3A_181] : memref<327680xf32, #tpu.memory_space<hbm>> -> memref<1024xf32, #tpu.memory_space<hbm>>
        %dma_wait3A_201 = tpu.memref_slice %arg4[%add3A_181] : memref<327680xf32, #tpu.memory_space<hbm>> -> memref<1024xf32, #tpu.memory_space<hbm>>
        tpu.wait_dma2 semaphore(%run_scoped3A : memref<!tpu.dma_semaphore, #tpu.memory_space<semaphore_mem>>) src(%dma_wait3A_201 : memref<1024xf32, #tpu.memory_space<hbm>>) dst(%arg12 : memref<1024xf32, #tpu.memory_space<vmem>>)
        tpu.yield
      }) : () -> ()
      "tpu.region"() ({
        %run_scoped3A = tpu.sem_alloc : memref<!tpu.dma_semaphore, #tpu.memory_space<semaphore_mem>>
        %dma_start3A_198 = tpu.memref_slice %arg5[%add3A_181] : memref<327680xf32, #tpu.memory_space<hbm>> -> memref<1024xf32, #tpu.memory_space<hbm>>
        %dma_start3A_199 = tpu.memref_slice %arg5[%add3A_181] : memref<327680xf32, #tpu.memory_space<hbm>> -> memref<1024xf32, #tpu.memory_space<hbm>>
        tpu.enqueue_dma source(%dma_start3A_199 : memref<1024xf32, #tpu.memory_space<hbm>>) target(%arg13 : memref<1024xf32, #tpu.memory_space<vmem>>) target_semaphore(%run_scoped3A : memref<!tpu.dma_semaphore, #tpu.memory_space<semaphore_mem>>)
        %dma_wait3A_200 = tpu.memref_slice %arg5[%add3A_181] : memref<327680xf32, #tpu.memory_space<hbm>> -> memref<1024xf32, #tpu.memory_space<hbm>>
        %dma_wait3A_201 = tpu.memref_slice %arg5[%add3A_181] : memref<327680xf32, #tpu.memory_space<hbm>> -> memref<1024xf32, #tpu.memory_space<hbm>>
        tpu.wait_dma2 semaphore(%run_scoped3A : memref<!tpu.dma_semaphore, #tpu.memory_space<semaphore_mem>>) src(%dma_wait3A_201 : memref<1024xf32, #tpu.memory_space<hbm>>) dst(%arg13 : memref<1024xf32, #tpu.memory_space<vmem>>)
        tpu.yield
      }) : () -> ()
      %get3A = arith.constant 0 : index
      %get3A_182 = tpu.vector_load %arg10[%get3A] {strides = array<i32>} : memref<1024xi32, #tpu.memory_space<vmem>>, vector<16xi32>,
      %swap3A = arith.constant 0 : index
      %swap3A_183 = tpu.vector_load %arg14[%swap3A] {strides = array<i32>} : memref<32xi32, #tpu.memory_space<vmem>>, vector<16xi32>,
      tpu.vector_store %arg14[%swap3A], %get3A_182 {strides = array<i32>} : memref<32xi32, #tpu.memory_space<vmem>>, vector<16xi32>,
      %get3A_184 = arith.constant 16 : index
      %get3A_185 = tpu.vector_load %arg10[%get3A_184] {strides = array<i32>} : memref<1024xi32, #tpu.memory_space<vmem>>, vector<16xi32>,
      %swap3A_186 = arith.constant 16 : index
      %swap3A_187 = tpu.vector_load %arg14[%swap3A_186] {strides = array<i32>} : memref<32xi32, #tpu.memory_space<vmem>>, vector<16xi32>,
      tpu.vector_store %arg14[%swap3A_186], %get3A_185 {strides = array<i32>} : memref<32xi32, #tpu.memory_space<vmem>>, vector<16xi32>,
      %dma_start3A = arith.constant 0 : i32
      %dma_start3A_188 = arith.constant 0 : i32
      %dma_start3A_189 = tpu.memref_slice %arg7[%dma_start3A, %dma_start3A_188] : memref<10000x256xf32, #tpu.memory_space<hbm>> -> memref<10000x256xf32, #tpu.memory_space<hbm>>
      tpu.enqueue_indirect_dma source(%dma_start3A_189 : memref<10000x256xf32, #tpu.memory_space<hbm>>) target(%arg18 : memref<32x256xf32, #tpu.memory_space<vmem>>) offsets(%arg14 : memref<32xi32, #tpu.memory_space<vmem>>) semaphore(%arg24 : memref<!tpu.dma_semaphore, #tpu.memory_space<semaphore_mem>>)
      %scan3A_190 = arith.constant 0 : i32
      %scan3A_191 = arith.constant 0 : i32
      %scan3A_192 = arith.constant 16 : i32
      %scan3A_193 = arith.addi %scan3A_191, %scan3A_192 : i32
      %scan3A_194 = arith.constant 1 : i32
      scf.for %scan3A_198 = %scan3A_191 to %scan3A_193 step %scan3A_194  : i32 {
        %mul3A_199 = arith.constant 2 : i32
        %mul3A_200 = arith.muli %mul3A_199, %scan3A_198 : i32
        %add3A_201 = arith.constant 1 : i32
        %add3A_202 = arith.addi %mul3A_200, %add3A_201 : i32
        %mul3A_203 = arith.constant 32 : i32
        %mul3A_204 = arith.muli %add3A_202, %mul3A_203 : i32
        %get3A_205 = arith.index_cast %mul3A_204 : i32 to index
        %get3A_206 = tpu.vector_load %arg10[%get3A_205] {strides = array<i32>} : memref<1024xi32, #tpu.memory_space<vmem>>, vector<16xi32>,
        %swap3A_207 = arith.constant 0 : index
        %swap3A_208 = tpu.vector_load %arg15[%swap3A_207] {strides = array<i32>} : memref<32xi32, #tpu.memory_space<vmem>>, vector<16xi32>,
        tpu.vector_store %arg15[%swap3A_207], %get3A_206 {strides = array<i32>} : memref<32xi32, #tpu.memory_space<vmem>>, vector<16xi32>,
        %add3A_209 = arith.constant 16 : i32
        %add3A_210 = arith.addi %mul3A_204, %add3A_209 : i32
        %get3A_211 = arith.index_cast %add3A_210 : i32 to index
        %get3A_212 = tpu.vector_load %arg10[%get3A_211] {strides = array<i32>} : memref<1024xi32, #tpu.memory_space<vmem>>, vector<16xi32>,
        %swap3A_213 = arith.constant 16 : index
        %swap3A_214 = tpu.vector_load %arg15[%swap3A_213] {strides = array<i32>} : memref<32xi32, #tpu.memory_space<vmem>>, vector<16xi32>,
        tpu.vector_store %arg15[%swap3A_213], %get3A_212 {strides = array<i32>} : memref<32xi32, #tpu.memory_space<vmem>>, vector<16xi32>,
        %dma_start3A_215 = arith.constant 0 : i32
        %dma_start3A_216 = arith.constant 0 : i32
        %dma_start3A_217 = tpu.memref_slice %arg7[%dma_start3A_215, %dma_start3A_216] : memref<10000x256xf32, #tpu.memory_space<hbm>> -> memref<10000x256xf32, #tpu.memory_space<hbm>>
        tpu.enqueue_indirect_dma source(%dma_start3A_217 : memref<10000x256xf32, #tpu.memory_space<hbm>>) target(%arg19 : memref<32x256xf32, #tpu.memory_space<vmem>>) offsets(%arg15 : memref<32xi32, #tpu.memory_space<vmem>>) semaphore(%arg25 : memref<!tpu.dma_semaphore, #tpu.memory_space<semaphore_mem>>)
        %dma_wait3A_218 = arith.constant 0 : i32
        %dma_wait3A_219 = arith.constant 0 : i32
        %dma_wait3A_220 = tpu.memref_slice %arg7[%dma_wait3A_218, %dma_wait3A_219] : memref<10000x256xf32, #tpu.memory_space<hbm>> -> memref<10000x256xf32, #tpu.memory_space<hbm>>
        tpu.wait_indirect_dma semaphore(%arg24 : memref<!tpu.dma_semaphore, #tpu.memory_space<semaphore_mem>>) src(%dma_wait3A_220 : memref<10000x256xf32, #tpu.memory_space<hbm>>) dst(%arg18 : memref<32x256xf32, #tpu.memory_space<vmem>>)
        %mul3A_221 = arith.constant 2 : i32
        %mul3A_222 = arith.muli %mul3A_221, %scan3A_198 : i32
        %mul3A_223 = arith.constant 32 : i32
        %mul3A_224 = arith.muli %mul3A_222, %mul3A_223 : i32
        %add3A_225 = arith.constant 0 : i32
        %add3A_226 = arith.addi %mul3A_224, %add3A_225 : i32
        %get3A_227 = arith.index_cast %add3A_226 : i32 to index
        %get3A_228 = tpu.vector_load %arg11[%get3A_227] {strides = array<i32>} : memref<1024xi32, #tpu.memory_space<vmem>>, vector<16xi32>,
        %swap3A_229 = arith.constant 0 : index
        %swap3A_230 = tpu.vector_load %arg16[%swap3A_229] {strides = array<i32>} : memref<32xi32, #tpu.memory_space<vmem>>, vector<16xi32>,
        tpu.vector_store %arg16[%swap3A_229], %get3A_228 {strides = array<i32>} : memref<32xi32, #tpu.memory_space<vmem>>, vector<16xi32>,
        %mul3A_231 = arith.constant 2 : i32
        %mul3A_232 = vector.broadcast %mul3A_231 : i32 to vector<16xi32>
        %mul3A_233 = arith.muli %get3A_228, %mul3A_232 : vector<16xi32>
        %gather3A = tpu.vector_load_idx %arg9[%mul3A_233] : memref<20000xf32, #tpu.memory_space<vmem>>[vector<16xi32>], vector<16xf32>,
        %mul3A_234 = arith.constant 2 : i32
        %mul3A_235 = vector.broadcast %mul3A_234 : i32 to vector<16xi32>
        %mul3A_236 = arith.muli %get3A_228, %mul3A_235 : vector<16xi32>
        %add3A_237 = arith.constant 1 : i32
        %add3A_238 = vector.broadcast %add3A_237 : i32 to vector<16xi32>
        %add3A_239 = arith.addi %mul3A_236, %add3A_238 : vector<16xi32>
        %gather3A_240 = tpu.vector_load_idx %arg9[%add3A_239] : memref<20000xf32, #tpu.memory_space<vmem>>[vector<16xi32>], vector<16xf32>,
        %add3A_241 = arith.constant 0 : i32
        %add3A_242 = arith.addi %mul3A_224, %add3A_241 : i32
        %get3A_243 = arith.index_cast %add3A_242 : i32 to index
        %get3A_244 = tpu.vector_load %arg12[%get3A_243] {strides = array<i32>} : memref<1024xf32, #tpu.memory_space<vmem>>, vector<16xf32>,
        %mul3A_245 = arith.mulf %get3A_244, %gather3A : vector<16xf32>
        %swap3A_246 = arith.constant 0 : index
        %swap3A_247 = tpu.vector_load %arg20[%swap3A_246] {strides = array<i32>} : memref<32xf32, #tpu.memory_space<vmem>>, vector<16xf32>,
        tpu.vector_store %arg20[%swap3A_246], %mul3A_245 {strides = array<i32>} : memref<32xf32, #tpu.memory_space<vmem>>, vector<16xf32>,
        %add3A_248 = arith.constant 0 : i32
        %add3A_249 = arith.addi %mul3A_224, %add3A_248 : i32
        %get3A_250 = arith.index_cast %add3A_249 : i32 to index
        %get3A_251 = tpu.vector_load %arg13[%get3A_250] {strides = array<i32>} : memref<1024xf32, #tpu.memory_space<vmem>>, vector<16xf32>,
        %mul3A_252 = arith.mulf %get3A_251, %gather3A_240 : vector<16xf32>
        %swap3A_253 = arith.constant 0 : index
        %swap3A_254 = tpu.vector_load %arg21[%swap3A_253] {strides = array<i32>} : memref<32xf32, #tpu.memory_space<vmem>>, vector<16xf32>,
        tpu.vector_store %arg21[%swap3A_253], %mul3A_252 {strides = array<i32>} : memref<32xf32, #tpu.memory_space<vmem>>, vector<16xf32>,
        %add3A_255 = arith.constant 16 : i32
        %add3A_256 = arith.addi %mul3A_224, %add3A_255 : i32
        %get3A_257 = arith.index_cast %add3A_256 : i32 to index
        %get3A_258 = tpu.vector_load %arg11[%get3A_257] {strides = array<i32>} : memref<1024xi32, #tpu.memory_space<vmem>>, vector<16xi32>,
        %swap3A_259 = arith.constant 16 : index
        %swap3A_260 = tpu.vector_load %arg16[%swap3A_259] {strides = array<i32>} : memref<32xi32, #tpu.memory_space<vmem>>, vector<16xi32>,
        tpu.vector_store %arg16[%swap3A_259], %get3A_258 {strides = array<i32>} : memref<32xi32, #tpu.memory_space<vmem>>, vector<16xi32>,
        %mul3A_261 = arith.constant 2 : i32
        %mul3A_262 = vector.broadcast %mul3A_261 : i32 to vector<16xi32>
        %mul3A_263 = arith.muli %get3A_258, %mul3A_262 : vector<16xi32>
        %gather3A_264 = tpu.vector_load_idx %arg9[%mul3A_263] : memref<20000xf32, #tpu.memory_space<vmem>>[vector<16xi32>], vector<16xf32>,
        %mul3A_265 = arith.constant 2 : i32
        %mul3A_266 = vector.broadcast %mul3A_265 : i32 to vector<16xi32>
        %mul3A_267 = arith.muli %get3A_258, %mul3A_266 : vector<16xi32>
        %add3A_268 = arith.constant 1 : i32
        %add3A_269 = vector.broadcast %add3A_268 : i32 to vector<16xi32>
        %add3A_270 = arith.addi %mul3A_267, %add3A_269 : vector<16xi32>
        %gather3A_271 = tpu.vector_load_idx %arg9[%add3A_270] : memref<20000xf32, #tpu.memory_space<vmem>>[vector<16xi32>], vector<16xf32>,
        %add3A_272 = arith.constant 16 : i32
        %add3A_273 = arith.addi %mul3A_224, %add3A_272 : i32
        %get3A_274 = arith.index_cast %add3A_273 : i32 to index
        %get3A_275 = tpu.vector_load %arg12[%get3A_274] {strides = array<i32>} : memref<1024xf32, #tpu.memory_space<vmem>>, vector<16xf32>,
        %mul3A_276 = arith.mulf %get3A_275, %gather3A_264 : vector<16xf32>
        %swap3A_277 = arith.constant 16 : index
        %swap3A_278 = tpu.vector_load %arg20[%swap3A_277] {strides = array<i32>} : memref<32xf32, #tpu.memory_space<vmem>>, vector<16xf32>,
        tpu.vector_store %arg20[%swap3A_277], %mul3A_276 {strides = array<i32>} : memref<32xf32, #tpu.memory_space<vmem>>, vector<16xf32>,
        %add3A_279 = arith.constant 16 : i32
        %add3A_280 = arith.addi %mul3A_224, %add3A_279 : i32
        %get3A_281 = arith.index_cast %add3A_280 : i32 to index
        %get3A_282 = tpu.vector_load %arg13[%get3A_281] {strides = array<i32>} : memref<1024xf32, #tpu.memory_space<vmem>>, vector<16xf32>,
        %mul3A_283 = arith.mulf %get3A_282, %gather3A_271 : vector<16xf32>
        %swap3A_284 = arith.constant 16 : index
        %swap3A_285 = tpu.vector_load %arg21[%swap3A_284] {strides = array<i32>} : memref<32xf32, #tpu.memory_space<vmem>>, vector<16xf32>,
        tpu.vector_store %arg21[%swap3A_284], %mul3A_283 {strides = array<i32>} : memref<32xf32, #tpu.memory_space<vmem>>, vector<16xf32>,
        %parallel_loop3A = arith.constant 0 : i32
        %parallel_loop3A_286 = arith.constant 32 : i32
        %parallel_loop3A_287 = arith.constant 1 : i32
        scf.for %parallel_loop3A_382 = %parallel_loop3A to %parallel_loop3A_286 step %parallel_loop3A_287  : i32 {
          %parallel_loop3A_383 = vector.broadcast %parallel_loop3A_382 : i32 to vector<16xi32>
          %parallel_loop3A_384 = arith.addi %broadcast_in_dim3A_3, %parallel_loop3A_383 : vector<16xi32>
          %parallel_loop3A_385 = tpu.vector_load_idx %arg20[%parallel_loop3A_384] : memref<32xf32, #tpu.memory_space<vmem>>[vector<16xi32>], vector<16xf32>,
          %parallel_loop3A_386 = tpu.vector_load_idx %arg21[%parallel_loop3A_384] : memref<32xf32, #tpu.memory_space<vmem>>[vector<16xi32>], vector<16xf32>,
          %parallel_loop3A_387 = arith.index_cast %parallel_loop3A_382 : i32 to index
          %parallel_loop3A_388 = arith.constant 0 : index
          %parallel_loop3A_389 = tpu.vector_load %arg18[%parallel_loop3A_387, %parallel_loop3A_388] {strides = array<i32>} : memref<32x256xf32, #tpu.memory_space<vmem>>, vector<16xf32>,
          %parallel_loop3A_390 = arith.index_cast %parallel_loop3A_382 : i32 to index
          %parallel_loop3A_391 = arith.constant 128 : index
          %parallel_loop3A_392 = tpu.vector_load %arg18[%parallel_loop3A_390, %parallel_loop3A_391] {strides = array<i32>} : memref<32x256xf32, #tpu.memory_space<vmem>>, vector<16xf32>,
          %parallel_loop3A_393 = arith.mulf %parallel_loop3A_385, %parallel_loop3A_389 : vector<16xf32>
          %parallel_loop3A_394 = arith.mulf %parallel_loop3A_386, %parallel_loop3A_392 : vector<16xf32>
          %parallel_loop3A_395 = arith.addf %parallel_loop3A_393, %parallel_loop3A_394 : vector<16xf32>
          %parallel_loop3A_396 = arith.index_cast %parallel_loop3A_382 : i32 to index
          %parallel_loop3A_397 = arith.constant 0 : index
          %parallel_loop3A_398 = tpu.vector_load %arg22[%parallel_loop3A_396, %parallel_loop3A_397] {strides = array<i32>} : memref<32x128xf32, #tpu.memory_space<vmem>>, vector<16xf32>,
          tpu.vector_store %arg22[%parallel_loop3A_396, %parallel_loop3A_397], %parallel_loop3A_395 {strides = array<i32>} : memref<32x128xf32, #tpu.memory_space<vmem>>, vector<16xf32>,
          %parallel_loop3A_399 = arith.index_cast %parallel_loop3A_382 : i32 to index
          %parallel_loop3A_400 = arith.constant 16 : index
          %parallel_loop3A_401 = tpu.vector_load %arg18[%parallel_loop3A_399, %parallel_loop3A_400] {strides = array<i32>} : memref<32x256xf32, #tpu.memory_space<vmem>>, vector<16xf32>,
          %parallel_loop3A_402 = arith.index_cast %parallel_loop3A_382 : i32 to index
          %parallel_loop3A_403 = arith.constant 144 : index
          %parallel_loop3A_404 = tpu.vector_load %arg18[%parallel_loop3A_402, %parallel_loop3A_403] {strides = array<i32>} : memref<32x256xf32, #tpu.memory_space<vmem>>, vector<16xf32>,
          %parallel_loop3A_405 = arith.mulf %parallel_loop3A_385, %parallel_loop3A_401 : vector<16xf32>
          %parallel_loop3A_406 = arith.mulf %parallel_loop3A_386, %parallel_loop3A_404 : vector<16xf32>
          %parallel_loop3A_407 = arith.addf %parallel_loop3A_405, %parallel_loop3A_406 : vector<16xf32>
          %parallel_loop3A_408 = arith.index_cast %parallel_loop3A_382 : i32 to index
          %parallel_loop3A_409 = arith.constant 16 : index
          %parallel_loop3A_410 = tpu.vector_load %arg22[%parallel_loop3A_408, %parallel_loop3A_409] {strides = array<i32>} : memref<32x128xf32, #tpu.memory_space<vmem>>, vector<16xf32>,
          tpu.vector_store %arg22[%parallel_loop3A_408, %parallel_loop3A_409], %parallel_loop3A_407 {strides = array<i32>} : memref<32x128xf32, #tpu.memory_space<vmem>>, vector<16xf32>,
          %parallel_loop3A_411 = arith.index_cast %parallel_loop3A_382 : i32 to index
          %parallel_loop3A_412 = arith.constant 32 : index
          %parallel_loop3A_413 = tpu.vector_load %arg18[%parallel_loop3A_411, %parallel_loop3A_412] {strides = array<i32>} : memref<32x256xf32, #tpu.memory_space<vmem>>, vector<16xf32>,
          %parallel_loop3A_414 = arith.index_cast %parallel_loop3A_382 : i32 to index
          %parallel_loop3A_415 = arith.constant 160 : index
          %parallel_loop3A_416 = tpu.vector_load %arg18[%parallel_loop3A_414, %parallel_loop3A_415] {strides = array<i32>} : memref<32x256xf32, #tpu.memory_space<vmem>>, vector<16xf32>,
          %parallel_loop3A_417 = arith.mulf %parallel_loop3A_385, %parallel_loop3A_413 : vector<16xf32>
          %parallel_loop3A_418 = arith.mulf %parallel_loop3A_386, %parallel_loop3A_416 : vector<16xf32>
          %parallel_loop3A_419 = arith.addf %parallel_loop3A_417, %parallel_loop3A_418 : vector<16xf32>
          %parallel_loop3A_420 = arith.index_cast %parallel_loop3A_382 : i32 to index
          %parallel_loop3A_421 = arith.constant 32 : index
          %parallel_loop3A_422 = tpu.vector_load %arg22[%parallel_loop3A_420, %parallel_loop3A_421] {strides = array<i32>} : memref<32x128xf32, #tpu.memory_space<vmem>>, vector<16xf32>,
          tpu.vector_store %arg22[%parallel_loop3A_420, %parallel_loop3A_421], %parallel_loop3A_419 {strides = array<i32>} : memref<32x128xf32, #tpu.memory_space<vmem>>, vector<16xf32>,
          %parallel_loop3A_423 = arith.index_cast %parallel_loop3A_382 : i32 to index
          %parallel_loop3A_424 = arith.constant 48 : index
          %parallel_loop3A_425 = tpu.vector_load %arg18[%parallel_loop3A_423, %parallel_loop3A_424] {strides = array<i32>} : memref<32x256xf32, #tpu.memory_space<vmem>>, vector<16xf32>,
          %parallel_loop3A_426 = arith.index_cast %parallel_loop3A_382 : i32 to index
          %parallel_loop3A_427 = arith.constant 176 : index
          %parallel_loop3A_428 = tpu.vector_load %arg18[%parallel_loop3A_426, %parallel_loop3A_427] {strides = array<i32>} : memref<32x256xf32, #tpu.memory_space<vmem>>, vector<16xf32>,
          %parallel_loop3A_429 = arith.mulf %parallel_loop3A_385, %parallel_loop3A_425 : vector<16xf32>
          %parallel_loop3A_430 = arith.mulf %parallel_loop3A_386, %parallel_loop3A_428 : vector<16xf32>
          %parallel_loop3A_431 = arith.addf %parallel_loop3A_429, %parallel_loop3A_430 : vector<16xf32>
          %parallel_loop3A_432 = arith.index_cast %parallel_loop3A_382 : i32 to index
          %parallel_loop3A_433 = arith.constant 48 : index
          %parallel_loop3A_434 = tpu.vector_load %arg22[%parallel_loop3A_432, %parallel_loop3A_433] {strides = array<i32>} : memref<32x128xf32, #tpu.memory_space<vmem>>, vector<16xf32>,
          tpu.vector_store %arg22[%parallel_loop3A_432, %parallel_loop3A_433], %parallel_loop3A_431 {strides = array<i32>} : memref<32x128xf32, #tpu.memory_space<vmem>>, vector<16xf32>,
          %parallel_loop3A_435 = arith.index_cast %parallel_loop3A_382 : i32 to index
          %parallel_loop3A_436 = arith.constant 64 : index
          %parallel_loop3A_437 = tpu.vector_load %arg18[%parallel_loop3A_435, %parallel_loop3A_436] {strides = array<i32>} : memref<32x256xf32, #tpu.memory_space<vmem>>, vector<16xf32>,
          %parallel_loop3A_438 = arith.index_cast %parallel_loop3A_382 : i32 to index
          %parallel_loop3A_439 = arith.constant 192 : index
          %parallel_loop3A_440 = tpu.vector_load %arg18[%parallel_loop3A_438, %parallel_loop3A_439] {strides = array<i32>} : memref<32x256xf32, #tpu.memory_space<vmem>>, vector<16xf32>,
          %parallel_loop3A_441 = arith.mulf %parallel_loop3A_385, %parallel_loop3A_437 : vector<16xf32>
          %parallel_loop3A_442 = arith.mulf %parallel_loop3A_386, %parallel_loop3A_440 : vector<16xf32>
          %parallel_loop3A_443 = arith.addf %parallel_loop3A_441, %parallel_loop3A_442 : vector<16xf32>
          %parallel_loop3A_444 = arith.index_cast %parallel_loop3A_382 : i32 to index
          %parallel_loop3A_445 = arith.constant 64 : index
          %parallel_loop3A_446 = tpu.vector_load %arg22[%parallel_loop3A_444, %parallel_loop3A_445] {strides = array<i32>} : memref<32x128xf32, #tpu.memory_space<vmem>>, vector<16xf32>,
          tpu.vector_store %arg22[%parallel_loop3A_444, %parallel_loop3A_445], %parallel_loop3A_443 {strides = array<i32>} : memref<32x128xf32, #tpu.memory_space<vmem>>, vector<16xf32>,
          %parallel_loop3A_447 = arith.index_cast %parallel_loop3A_382 : i32 to index
          %parallel_loop3A_448 = arith.constant 80 : index
          %parallel_loop3A_449 = tpu.vector_load %arg18[%parallel_loop3A_447, %parallel_loop3A_448] {strides = array<i32>} : memref<32x256xf32, #tpu.memory_space<vmem>>, vector<16xf32>,
          %parallel_loop3A_450 = arith.index_cast %parallel_loop3A_382 : i32 to index
          %parallel_loop3A_451 = arith.constant 208 : index
          %parallel_loop3A_452 = tpu.vector_load %arg18[%parallel_loop3A_450, %parallel_loop3A_451] {strides = array<i32>} : memref<32x256xf32, #tpu.memory_space<vmem>>, vector<16xf32>,
          %parallel_loop3A_453 = arith.mulf %parallel_loop3A_385, %parallel_loop3A_449 : vector<16xf32>
          %parallel_loop3A_454 = arith.mulf %parallel_loop3A_386, %parallel_loop3A_452 : vector<16xf32>
          %parallel_loop3A_455 = arith.addf %parallel_loop3A_453, %parallel_loop3A_454 : vector<16xf32>
          %parallel_loop3A_456 = arith.index_cast %parallel_loop3A_382 : i32 to index
          %parallel_loop3A_457 = arith.constant 80 : index
          %parallel_loop3A_458 = tpu.vector_load %arg22[%parallel_loop3A_456, %parallel_loop3A_457] {strides = array<i32>} : memref<32x128xf32, #tpu.memory_space<vmem>>, vector<16xf32>,
          tpu.vector_store %arg22[%parallel_loop3A_456, %parallel_loop3A_457], %parallel_loop3A_455 {strides = array<i32>} : memref<32x128xf32, #tpu.memory_space<vmem>>, vector<16xf32>,
          %parallel_loop3A_459 = arith.index_cast %parallel_loop3A_382 : i32 to index
          %parallel_loop3A_460 = arith.constant 96 : index
          %parallel_loop3A_461 = tpu.vector_load %arg18[%parallel_loop3A_459, %parallel_loop3A_460] {strides = array<i32>} : memref<32x256xf32, #tpu.memory_space<vmem>>, vector<16xf32>,
          %parallel_loop3A_462 = arith.index_cast %parallel_loop3A_382 : i32 to index
          %parallel_loop3A_463 = arith.constant 224 : index
          %parallel_loop3A_464 = tpu.vector_load %arg18[%parallel_loop3A_462, %parallel_loop3A_463] {strides = array<i32>} : memref<32x256xf32, #tpu.memory_space<vmem>>, vector<16xf32>,
          %parallel_loop3A_465 = arith.mulf %parallel_loop3A_385, %parallel_loop3A_461 : vector<16xf32>
          %parallel_loop3A_466 = arith.mulf %parallel_loop3A_386, %parallel_loop3A_464 : vector<16xf32>
          %parallel_loop3A_467 = arith.addf %parallel_loop3A_465, %parallel_loop3A_466 : vector<16xf32>
          %parallel_loop3A_468 = arith.index_cast %parallel_loop3A_382 : i32 to index
          %parallel_loop3A_469 = arith.constant 96 : index
          %parallel_loop3A_470 = tpu.vector_load %arg22[%parallel_loop3A_468, %parallel_loop3A_469] {strides = array<i32>} : memref<32x128xf32, #tpu.memory_space<vmem>>, vector<16xf32>,
          tpu.vector_store %arg22[%parallel_loop3A_468, %parallel_loop3A_469], %parallel_loop3A_467 {strides = array<i32>} : memref<32x128xf32, #tpu.memory_space<vmem>>, vector<16xf32>,
          %parallel_loop3A_471 = arith.index_cast %parallel_loop3A_382 : i32 to index
          %parallel_loop3A_472 = arith.constant 112 : index
          %parallel_loop3A_473 = tpu.vector_load %arg18[%parallel_loop3A_471, %parallel_loop3A_472] {strides = array<i32>} : memref<32x256xf32, #tpu.memory_space<vmem>>, vector<16xf32>,
          %parallel_loop3A_474 = arith.index_cast %parallel_loop3A_382 : i32 to index
          %parallel_loop3A_475 = arith.constant 240 : index
          %parallel_loop3A_476 = tpu.vector_load %arg18[%parallel_loop3A_474, %parallel_loop3A_475] {strides = array<i32>} : memref<32x256xf32, #tpu.memory_space<vmem>>, vector<16xf32>,
          %parallel_loop3A_477 = arith.mulf %parallel_loop3A_385, %parallel_loop3A_473 : vector<16xf32>
          %parallel_loop3A_478 = arith.mulf %parallel_loop3A_386, %parallel_loop3A_476 : vector<16xf32>
          %parallel_loop3A_479 = arith.addf %parallel_loop3A_477, %parallel_loop3A_478 : vector<16xf32>
          %parallel_loop3A_480 = arith.index_cast %parallel_loop3A_382 : i32 to index
          %parallel_loop3A_481 = arith.constant 112 : index
          %parallel_loop3A_482 = tpu.vector_load %arg22[%parallel_loop3A_480, %parallel_loop3A_481] {strides = array<i32>} : memref<32x128xf32, #tpu.memory_space<vmem>>, vector<16xf32>,
          tpu.vector_store %arg22[%parallel_loop3A_480, %parallel_loop3A_481], %parallel_loop3A_479 {strides = array<i32>} : memref<32x128xf32, #tpu.memory_space<vmem>>, vector<16xf32>,
        } {sc.loop_unroll_factor = 8 : i64, sc.parallel_access}
        "tpu.region"() ({
          %run_scoped3A = tpu.sem_alloc : memref<!tpu.dma_semaphore, #tpu.memory_space<semaphore_mem>>
          %dma_start3A_382 = arith.constant 0 : i32
          %dma_start3A_383 = arith.constant 0 : i32
          %dma_start3A_384 = tpu.memref_slice %arg23[%dma_start3A_382, %dma_start3A_383] : memref<10240x128xf32, #tpu.memory_space<vmem_shared>> -> memref<10240x128xf32, #tpu.memory_space<vmem_shared>>
          tpu.enqueue_indirect_dma source(%arg22 : memref<32x128xf32, #tpu.memory_space<vmem>>) target(%dma_start3A_384 : memref<10240x128xf32, #tpu.memory_space<vmem_shared>>) offsets(%arg16 : memref<32xi32, #tpu.memory_space<vmem>>) semaphore(%run_scoped3A : memref<!tpu.dma_semaphore, #tpu.memory_space<semaphore_mem>>) {add = true}
          %dma_wait3A_385 = arith.constant 0 : i32
          %dma_wait3A_386 = arith.constant 0 : i32
          %dma_wait3A_387 = tpu.memref_slice %arg23[%dma_wait3A_385, %dma_wait3A_386] : memref<10240x128xf32, #tpu.memory_space<vmem_shared>> -> memref<10240x128xf32, #tpu.memory_space<vmem_shared>>
          tpu.wait_indirect_dma semaphore(%run_scoped3A : memref<!tpu.dma_semaphore, #tpu.memory_space<semaphore_mem>>) src(%arg22 : memref<32x128xf32, #tpu.memory_space<vmem>>) dst(%dma_wait3A_387 : memref<10240x128xf32, #tpu.memory_space<vmem_shared>>)
          tpu.yield
        }) : () -> ()
        %mul3A_288 = arith.constant 2 : i32
        %mul3A_289 = arith.muli %mul3A_288, %scan3A_198 : i32
        %add3A_290 = arith.constant 2 : i32
        %add3A_291 = arith.addi %mul3A_289, %add3A_290 : i32
        %mul3A_292 = arith.constant 32 : i32
        %mul3A_293 = arith.muli %add3A_291, %mul3A_292 : i32
        %min3A = arith.constant 992 : i32
        %min3A_294 = arith.minsi %mul3A_293, %min3A : i32
        %get3A_295 = arith.index_cast %min3A_294 : i32 to index
        %get3A_296 = tpu.vector_load %arg10[%get3A_295] {strides = array<i32>} : memref<1024xi32, #tpu.memory_space<vmem>>, vector<16xi32>,
        %swap3A_297 = arith.constant 0 : index
        %swap3A_298 = tpu.vector_load %arg14[%swap3A_297] {strides = array<i32>} : memref<32xi32, #tpu.memory_space<vmem>>, vector<16xi32>,
        tpu.vector_store %arg14[%swap3A_297], %get3A_296 {strides = array<i32>} : memref<32xi32, #tpu.memory_space<vmem>>, vector<16xi32>,
        %add3A_299 = arith.constant 16 : i32
        %add3A_300 = arith.addi %min3A_294, %add3A_299 : i32
        %get3A_301 = arith.index_cast %add3A_300 : i32 to index
        %get3A_302 = tpu.vector_load %arg10[%get3A_301] {strides = array<i32>} : memref<1024xi32, #tpu.memory_space<vmem>>, vector<16xi32>,
        %swap3A_303 = arith.constant 16 : index
        %swap3A_304 = tpu.vector_load %arg14[%swap3A_303] {strides = array<i32>} : memref<32xi32, #tpu.memory_space<vmem>>, vector<16xi32>,
        tpu.vector_store %arg14[%swap3A_303], %get3A_302 {strides = array<i32>} : memref<32xi32, #tpu.memory_space<vmem>>, vector<16xi32>,
        %dma_start3A_305 = arith.constant 0 : i32
        %dma_start3A_306 = arith.constant 0 : i32
        %dma_start3A_307 = tpu.memref_slice %arg7[%dma_start3A_305, %dma_start3A_306] : memref<10000x256xf32, #tpu.memory_space<hbm>> -> memref<10000x256xf32, #tpu.memory_space<hbm>>
        tpu.enqueue_indirect_dma source(%dma_start3A_307 : memref<10000x256xf32, #tpu.memory_space<hbm>>) target(%arg18 : memref<32x256xf32, #tpu.memory_space<vmem>>) offsets(%arg14 : memref<32xi32, #tpu.memory_space<vmem>>) semaphore(%arg24 : memref<!tpu.dma_semaphore, #tpu.memory_space<semaphore_mem>>)
        %dma_wait3A_308 = arith.constant 0 : i32
        %dma_wait3A_309 = arith.constant 0 : i32
        %dma_wait3A_310 = tpu.memref_slice %arg7[%dma_wait3A_308, %dma_wait3A_309] : memref<10000x256xf32, #tpu.memory_space<hbm>> -> memref<10000x256xf32, #tpu.memory_space<hbm>>
        tpu.wait_indirect_dma semaphore(%arg25 : memref<!tpu.dma_semaphore, #tpu.memory_space<semaphore_mem>>) src(%dma_wait3A_310 : memref<10000x256xf32, #tpu.memory_space<hbm>>) dst(%arg19 : memref<32x256xf32, #tpu.memory_space<vmem>>)
        %mul3A_311 = arith.constant 2 : i32
        %mul3A_312 = arith.muli %mul3A_311, %scan3A_198 : i32
        %add3A_313 = arith.constant 1 : i32
        %add3A_314 = arith.addi %mul3A_312, %add3A_313 : i32
        %mul3A_315 = arith.constant 32 : i32
        %mul3A_316 = arith.muli %add3A_314, %mul3A_315 : i32
        %add3A_317 = arith.constant 0 : i32
        %add3A_318 = arith.addi %mul3A_316, %add3A_317 : i32
        %get3A_319 = arith.index_cast %add3A_318 : i32 to index
        %get3A_320 = tpu.vector_load %arg11[%get3A_319] {strides = array<i32>} : memref<1024xi32, #tpu.memory_space<vmem>>, vector<16xi32>,
        %swap3A_321 = arith.constant 0 : index
        %swap3A_322 = tpu.vector_load %arg17[%swap3A_321] {strides = array<i32>} : memref<32xi32, #tpu.memory_space<vmem>>, vector<16xi32>,
        tpu.vector_store %arg17[%swap3A_321], %get3A_320 {strides = array<i32>} : memref<32xi32, #tpu.memory_space<vmem>>, vector<16xi32>,
        %mul3A_323 = arith.constant 2 : i32
        %mul3A_324 = vector.broadcast %mul3A_323 : i32 to vector<16xi32>
        %mul3A_325 = arith.muli %get3A_320, %mul3A_324 : vector<16xi32>
        %gather3A_326 = tpu.vector_load_idx %arg9[%mul3A_325] : memref<20000xf32, #tpu.memory_space<vmem>>[vector<16xi32>], vector<16xf32>,
        %mul3A_327 = arith.constant 2 : i32
        %mul3A_328 = vector.broadcast %mul3A_327 : i32 to vector<16xi32>
        %mul3A_329 = arith.muli %get3A_320, %mul3A_328 : vector<16xi32>
        %add3A_330 = arith.constant 1 : i32
        %add3A_331 = vector.broadcast %add3A_330 : i32 to vector<16xi32>
        %add3A_332 = arith.addi %mul3A_329, %add3A_331 : vector<16xi32>
        %gather3A_333 = tpu.vector_load_idx %arg9[%add3A_332] : memref<20000xf32, #tpu.memory_space<vmem>>[vector<16xi32>], vector<16xf32>,
        %add3A_334 = arith.constant 0 : i32
        %add3A_335 = arith.addi %mul3A_316, %add3A_334 : i32
        %get3A_336 = arith.index_cast %add3A_335 : i32 to index
        %get3A_337 = tpu.vector_load %arg12[%get3A_336] {strides = array<i32>} : memref<1024xf32, #tpu.memory_space<vmem>>, vector<16xf32>,
        %mul3A_338 = arith.mulf %get3A_337, %gather3A_326 : vector<16xf32>
        %swap3A_339 = arith.constant 0 : index
        %swap3A_340 = tpu.vector_load %arg20[%swap3A_339] {strides = array<i32>} : memref<32xf32, #tpu.memory_space<vmem>>, vector<16xf32>,
        tpu.vector_store %arg20[%swap3A_339], %mul3A_338 {strides = array<i32>} : memref<32xf32, #tpu.memory_space<vmem>>, vector<16xf32>,
        %add3A_341 = arith.constant 0 : i32
        %add3A_342 = arith.addi %mul3A_316, %add3A_341 : i32
        %get3A_343 = arith.index_cast %add3A_342 : i32 to index
        %get3A_344 = tpu.vector_load %arg13[%get3A_343] {strides = array<i32>} : memref<1024xf32, #tpu.memory_space<vmem>>, vector<16xf32>,
        %mul3A_345 = arith.mulf %get3A_344, %gather3A_333 : vector<16xf32>
        %swap3A_346 = arith.constant 0 : index
        %swap3A_347 = tpu.vector_load %arg21[%swap3A_346] {strides = array<i32>} : memref<32xf32, #tpu.memory_space<vmem>>, vector<16xf32>,
        tpu.vector_store %arg21[%swap3A_346], %mul3A_345 {strides = array<i32>} : memref<32xf32, #tpu.memory_space<vmem>>, vector<16xf32>,
        %add3A_348 = arith.constant 16 : i32
        %add3A_349 = arith.addi %mul3A_316, %add3A_348 : i32
        %get3A_350 = arith.index_cast %add3A_349 : i32 to index
        %get3A_351 = tpu.vector_load %arg11[%get3A_350] {strides = array<i32>} : memref<1024xi32, #tpu.memory_space<vmem>>, vector<16xi32>,
        %swap3A_352 = arith.constant 16 : index
        %swap3A_353 = tpu.vector_load %arg17[%swap3A_352] {strides = array<i32>} : memref<32xi32, #tpu.memory_space<vmem>>, vector<16xi32>,
        tpu.vector_store %arg17[%swap3A_352], %get3A_351 {strides = array<i32>} : memref<32xi32, #tpu.memory_space<vmem>>, vector<16xi32>,
        %mul3A_354 = arith.constant 2 : i32
        %mul3A_355 = vector.broadcast %mul3A_354 : i32 to vector<16xi32>
        %mul3A_356 = arith.muli %get3A_351, %mul3A_355 : vector<16xi32>
        %gather3A_357 = tpu.vector_load_idx %arg9[%mul3A_356] : memref<20000xf32, #tpu.memory_space<vmem>>[vector<16xi32>], vector<16xf32>,
        %mul3A_358 = arith.constant 2 : i32
        %mul3A_359 = vector.broadcast %mul3A_358 : i32 to vector<16xi32>
        %mul3A_360 = arith.muli %get3A_351, %mul3A_359 : vector<16xi32>
        %add3A_361 = arith.constant 1 : i32
        %add3A_362 = vector.broadcast %add3A_361 : i32 to vector<16xi32>
        %add3A_363 = arith.addi %mul3A_360, %add3A_362 : vector<16xi32>
        %gather3A_364 = tpu.vector_load_idx %arg9[%add3A_363] : memref<20000xf32, #tpu.memory_space<vmem>>[vector<16xi32>], vector<16xf32>,
        %add3A_365 = arith.constant 16 : i32
        %add3A_366 = arith.addi %mul3A_316, %add3A_365 : i32
        %get3A_367 = arith.index_cast %add3A_366 : i32 to index
        %get3A_368 = tpu.vector_load %arg12[%get3A_367] {strides = array<i32>} : memref<1024xf32, #tpu.memory_space<vmem>>, vector<16xf32>,
        %mul3A_369 = arith.mulf %get3A_368, %gather3A_357 : vector<16xf32>
        %swap3A_370 = arith.constant 16 : index
        %swap3A_371 = tpu.vector_load %arg20[%swap3A_370] {strides = array<i32>} : memref<32xf32, #tpu.memory_space<vmem>>, vector<16xf32>,
        tpu.vector_store %arg20[%swap3A_370], %mul3A_369 {strides = array<i32>} : memref<32xf32, #tpu.memory_space<vmem>>, vector<16xf32>,
        %add3A_372 = arith.constant 16 : i32
        %add3A_373 = arith.addi %mul3A_316, %add3A_372 : i32
        %get3A_374 = arith.index_cast %add3A_373 : i32 to index
        %get3A_375 = tpu.vector_load %arg13[%get3A_374] {strides = array<i32>} : memref<1024xf32, #tpu.memory_space<vmem>>, vector<16xf32>,
        %mul3A_376 = arith.mulf %get3A_375, %gather3A_364 : vector<16xf32>
        %swap3A_377 = arith.constant 16 : index
        %swap3A_378 = tpu.vector_load %arg21[%swap3A_377] {strides = array<i32>} : memref<32xf32, #tpu.memory_space<vmem>>, vector<16xf32>,
        tpu.vector_store %arg21[%swap3A_377], %mul3A_376 {strides = array<i32>} : memref<32xf32, #tpu.memory_space<vmem>>, vector<16xf32>,
        %parallel_loop3A_379 = arith.constant 0 : i32
        %parallel_loop3A_380 = arith.constant 32 : i32
        %parallel_loop3A_381 = arith.constant 1 : i32
        scf.for %parallel_loop3A_382 = %parallel_loop3A_379 to %parallel_loop3A_380 step %parallel_loop3A_381  : i32 {
          %parallel_loop3A_383 = vector.broadcast %parallel_loop3A_382 : i32 to vector<16xi32>
          %parallel_loop3A_384 = arith.addi %broadcast_in_dim3A_3, %parallel_loop3A_383 : vector<16xi32>
          %parallel_loop3A_385 = tpu.vector_load_idx %arg20[%parallel_loop3A_384] : memref<32xf32, #tpu.memory_space<vmem>>[vector<16xi32>], vector<16xf32>,
          %parallel_loop3A_386 = tpu.vector_load_idx %arg21[%parallel_loop3A_384] : memref<32xf32, #tpu.memory_space<vmem>>[vector<16xi32>], vector<16xf32>,
          %parallel_loop3A_387 = arith.index_cast %parallel_loop3A_382 : i32 to index
          %parallel_loop3A_388 = arith.constant 0 : index
          %parallel_loop3A_389 = tpu.vector_load %arg19[%parallel_loop3A_387, %parallel_loop3A_388] {strides = array<i32>} : memref<32x256xf32, #tpu.memory_space<vmem>>, vector<16xf32>,
          %parallel_loop3A_390 = arith.index_cast %parallel_loop3A_382 : i32 to index
          %parallel_loop3A_391 = arith.constant 128 : index
          %parallel_loop3A_392 = tpu.vector_load %arg19[%parallel_loop3A_390, %parallel_loop3A_391] {strides = array<i32>} : memref<32x256xf32, #tpu.memory_space<vmem>>, vector<16xf32>,
          %parallel_loop3A_393 = arith.mulf %parallel_loop3A_385, %parallel_loop3A_389 : vector<16xf32>
          %parallel_loop3A_394 = arith.mulf %parallel_loop3A_386, %parallel_loop3A_392 : vector<16xf32>
          %parallel_loop3A_395 = arith.addf %parallel_loop3A_393, %parallel_loop3A_394 : vector<16xf32>
          %parallel_loop3A_396 = arith.index_cast %parallel_loop3A_382 : i32 to index
          %parallel_loop3A_397 = arith.constant 0 : index
          %parallel_loop3A_398 = tpu.vector_load %arg22[%parallel_loop3A_396, %parallel_loop3A_397] {strides = array<i32>} : memref<32x128xf32, #tpu.memory_space<vmem>>, vector<16xf32>,
          tpu.vector_store %arg22[%parallel_loop3A_396, %parallel_loop3A_397], %parallel_loop3A_395 {strides = array<i32>} : memref<32x128xf32, #tpu.memory_space<vmem>>, vector<16xf32>,
          %parallel_loop3A_399 = arith.index_cast %parallel_loop3A_382 : i32 to index
          %parallel_loop3A_400 = arith.constant 16 : index
          %parallel_loop3A_401 = tpu.vector_load %arg19[%parallel_loop3A_399, %parallel_loop3A_400] {strides = array<i32>} : memref<32x256xf32, #tpu.memory_space<vmem>>, vector<16xf32>,
          %parallel_loop3A_402 = arith.index_cast %parallel_loop3A_382 : i32 to index
          %parallel_loop3A_403 = arith.constant 144 : index
          %parallel_loop3A_404 = tpu.vector_load %arg19[%parallel_loop3A_402, %parallel_loop3A_403] {strides = array<i32>} : memref<32x256xf32, #tpu.memory_space<vmem>>, vector<16xf32>,
          %parallel_loop3A_405 = arith.mulf %parallel_loop3A_385, %parallel_loop3A_401 : vector<16xf32>
          %parallel_loop3A_406 = arith.mulf %parallel_loop3A_386, %parallel_loop3A_404 : vector<16xf32>
          %parallel_loop3A_407 = arith.addf %parallel_loop3A_405, %parallel_loop3A_406 : vector<16xf32>
          %parallel_loop3A_408 = arith.index_cast %parallel_loop3A_382 : i32 to index
          %parallel_loop3A_409 = arith.constant 16 : index
          %parallel_loop3A_410 = tpu.vector_load %arg22[%parallel_loop3A_408, %parallel_loop3A_409] {strides = array<i32>} : memref<32x128xf32, #tpu.memory_space<vmem>>, vector<16xf32>,
          tpu.vector_store %arg22[%parallel_loop3A_408, %parallel_loop3A_409], %parallel_loop3A_407 {strides = array<i32>} : memref<32x128xf32, #tpu.memory_space<vmem>>, vector<16xf32>,
          %parallel_loop3A_411 = arith.index_cast %parallel_loop3A_382 : i32 to index
          %parallel_loop3A_412 = arith.constant 32 : index
          %parallel_loop3A_413 = tpu.vector_load %arg19[%parallel_loop3A_411, %parallel_loop3A_412] {strides = array<i32>} : memref<32x256xf32, #tpu.memory_space<vmem>>, vector<16xf32>,
          %parallel_loop3A_414 = arith.index_cast %parallel_loop3A_382 : i32 to index
          %parallel_loop3A_415 = arith.constant 160 : index
          %parallel_loop3A_416 = tpu.vector_load %arg19[%parallel_loop3A_414, %parallel_loop3A_415] {strides = array<i32>} : memref<32x256xf32, #tpu.memory_space<vmem>>, vector<16xf32>,
          %parallel_loop3A_417 = arith.mulf %parallel_loop3A_385, %parallel_loop3A_413 : vector<16xf32>
          %parallel_loop3A_418 = arith.mulf %parallel_loop3A_386, %parallel_loop3A_416 : vector<16xf32>
          %parallel_loop3A_419 = arith.addf %parallel_loop3A_417, %parallel_loop3A_418 : vector<16xf32>
          %parallel_loop3A_420 = arith.index_cast %parallel_loop3A_382 : i32 to index
          %parallel_loop3A_421 = arith.constant 32 : index
          %parallel_loop3A_422 = tpu.vector_load %arg22[%parallel_loop3A_420, %parallel_loop3A_421] {strides = array<i32>} : memref<32x128xf32, #tpu.memory_space<vmem>>, vector<16xf32>,
          tpu.vector_store %arg22[%parallel_loop3A_420, %parallel_loop3A_421], %parallel_loop3A_419 {strides = array<i32>} : memref<32x128xf32, #tpu.memory_space<vmem>>, vector<16xf32>,
          %parallel_loop3A_423 = arith.index_cast %parallel_loop3A_382 : i32 to index
          %parallel_loop3A_424 = arith.constant 48 : index
          %parallel_loop3A_425 = tpu.vector_load %arg19[%parallel_loop3A_423, %parallel_loop3A_424] {strides = array<i32>} : memref<32x256xf32, #tpu.memory_space<vmem>>, vector<16xf32>,
          %parallel_loop3A_426 = arith.index_cast %parallel_loop3A_382 : i32 to index
          %parallel_loop3A_427 = arith.constant 176 : index
          %parallel_loop3A_428 = tpu.vector_load %arg19[%parallel_loop3A_426, %parallel_loop3A_427] {strides = array<i32>} : memref<32x256xf32, #tpu.memory_space<vmem>>, vector<16xf32>,
          %parallel_loop3A_429 = arith.mulf %parallel_loop3A_385, %parallel_loop3A_425 : vector<16xf32>
          %parallel_loop3A_430 = arith.mulf %parallel_loop3A_386, %parallel_loop3A_428 : vector<16xf32>
          %parallel_loop3A_431 = arith.addf %parallel_loop3A_429, %parallel_loop3A_430 : vector<16xf32>
          %parallel_loop3A_432 = arith.index_cast %parallel_loop3A_382 : i32 to index
          %parallel_loop3A_433 = arith.constant 48 : index
          %parallel_loop3A_434 = tpu.vector_load %arg22[%parallel_loop3A_432, %parallel_loop3A_433] {strides = array<i32>} : memref<32x128xf32, #tpu.memory_space<vmem>>, vector<16xf32>,
          tpu.vector_store %arg22[%parallel_loop3A_432, %parallel_loop3A_433], %parallel_loop3A_431 {strides = array<i32>} : memref<32x128xf32, #tpu.memory_space<vmem>>, vector<16xf32>,
          %parallel_loop3A_435 = arith.index_cast %parallel_loop3A_382 : i32 to index
          %parallel_loop3A_436 = arith.constant 64 : index
          %parallel_loop3A_437 = tpu.vector_load %arg19[%parallel_loop3A_435, %parallel_loop3A_436] {strides = array<i32>} : memref<32x256xf32, #tpu.memory_space<vmem>>, vector<16xf32>,
          %parallel_loop3A_438 = arith.index_cast %parallel_loop3A_382 : i32 to index
          %parallel_loop3A_439 = arith.constant 192 : index
          %parallel_loop3A_440 = tpu.vector_load %arg19[%parallel_loop3A_438, %parallel_loop3A_439] {strides = array<i32>} : memref<32x256xf32, #tpu.memory_space<vmem>>, vector<16xf32>,
          %parallel_loop3A_441 = arith.mulf %parallel_loop3A_385, %parallel_loop3A_437 : vector<16xf32>
          %parallel_loop3A_442 = arith.mulf %parallel_loop3A_386, %parallel_loop3A_440 : vector<16xf32>
          %parallel_loop3A_443 = arith.addf %parallel_loop3A_441, %parallel_loop3A_442 : vector<16xf32>
          %parallel_loop3A_444 = arith.index_cast %parallel_loop3A_382 : i32 to index
          %parallel_loop3A_445 = arith.constant 64 : index
          %parallel_loop3A_446 = tpu.vector_load %arg22[%parallel_loop3A_444, %parallel_loop3A_445] {strides = array<i32>} : memref<32x128xf32, #tpu.memory_space<vmem>>, vector<16xf32>,
          tpu.vector_store %arg22[%parallel_loop3A_444, %parallel_loop3A_445], %parallel_loop3A_443 {strides = array<i32>} : memref<32x128xf32, #tpu.memory_space<vmem>>, vector<16xf32>,
          %parallel_loop3A_447 = arith.index_cast %parallel_loop3A_382 : i32 to index
          %parallel_loop3A_448 = arith.constant 80 : index
          %parallel_loop3A_449 = tpu.vector_load %arg19[%parallel_loop3A_447, %parallel_loop3A_448] {strides = array<i32>} : memref<32x256xf32, #tpu.memory_space<vmem>>, vector<16xf32>,
          %parallel_loop3A_450 = arith.index_cast %parallel_loop3A_382 : i32 to index
          %parallel_loop3A_451 = arith.constant 208 : index
          %parallel_loop3A_452 = tpu.vector_load %arg19[%parallel_loop3A_450, %parallel_loop3A_451] {strides = array<i32>} : memref<32x256xf32, #tpu.memory_space<vmem>>, vector<16xf32>,
          %parallel_loop3A_453 = arith.mulf %parallel_loop3A_385, %parallel_loop3A_449 : vector<16xf32>
          %parallel_loop3A_454 = arith.mulf %parallel_loop3A_386, %parallel_loop3A_452 : vector<16xf32>
          %parallel_loop3A_455 = arith.addf %parallel_loop3A_453, %parallel_loop3A_454 : vector<16xf32>
          %parallel_loop3A_456 = arith.index_cast %parallel_loop3A_382 : i32 to index
          %parallel_loop3A_457 = arith.constant 80 : index
          %parallel_loop3A_458 = tpu.vector_load %arg22[%parallel_loop3A_456, %parallel_loop3A_457] {strides = array<i32>} : memref<32x128xf32, #tpu.memory_space<vmem>>, vector<16xf32>,
          tpu.vector_store %arg22[%parallel_loop3A_456, %parallel_loop3A_457], %parallel_loop3A_455 {strides = array<i32>} : memref<32x128xf32, #tpu.memory_space<vmem>>, vector<16xf32>,
          %parallel_loop3A_459 = arith.index_cast %parallel_loop3A_382 : i32 to index
          %parallel_loop3A_460 = arith.constant 96 : index
          %parallel_loop3A_461 = tpu.vector_load %arg19[%parallel_loop3A_459, %parallel_loop3A_460] {strides = array<i32>} : memref<32x256xf32, #tpu.memory_space<vmem>>, vector<16xf32>,
          %parallel_loop3A_462 = arith.index_cast %parallel_loop3A_382 : i32 to index
          %parallel_loop3A_463 = arith.constant 224 : index
          %parallel_loop3A_464 = tpu.vector_load %arg19[%parallel_loop3A_462, %parallel_loop3A_463] {strides = array<i32>} : memref<32x256xf32, #tpu.memory_space<vmem>>, vector<16xf32>,
          %parallel_loop3A_465 = arith.mulf %parallel_loop3A_385, %parallel_loop3A_461 : vector<16xf32>
          %parallel_loop3A_466 = arith.mulf %parallel_loop3A_386, %parallel_loop3A_464 : vector<16xf32>
          %parallel_loop3A_467 = arith.addf %parallel_loop3A_465, %parallel_loop3A_466 : vector<16xf32>
          %parallel_loop3A_468 = arith.index_cast %parallel_loop3A_382 : i32 to index
          %parallel_loop3A_469 = arith.constant 96 : index
          %parallel_loop3A_470 = tpu.vector_load %arg22[%parallel_loop3A_468, %parallel_loop3A_469] {strides = array<i32>} : memref<32x128xf32, #tpu.memory_space<vmem>>, vector<16xf32>,
          tpu.vector_store %arg22[%parallel_loop3A_468, %parallel_loop3A_469], %parallel_loop3A_467 {strides = array<i32>} : memref<32x128xf32, #tpu.memory_space<vmem>>, vector<16xf32>,
          %parallel_loop3A_471 = arith.index_cast %parallel_loop3A_382 : i32 to index
          %parallel_loop3A_472 = arith.constant 112 : index
          %parallel_loop3A_473 = tpu.vector_load %arg19[%parallel_loop3A_471, %parallel_loop3A_472] {strides = array<i32>} : memref<32x256xf32, #tpu.memory_space<vmem>>, vector<16xf32>,
          %parallel_loop3A_474 = arith.index_cast %parallel_loop3A_382 : i32 to index
          %parallel_loop3A_475 = arith.constant 240 : index
          %parallel_loop3A_476 = tpu.vector_load %arg19[%parallel_loop3A_474, %parallel_loop3A_475] {strides = array<i32>} : memref<32x256xf32, #tpu.memory_space<vmem>>, vector<16xf32>,
          %parallel_loop3A_477 = arith.mulf %parallel_loop3A_385, %parallel_loop3A_473 : vector<16xf32>
          %parallel_loop3A_478 = arith.mulf %parallel_loop3A_386, %parallel_loop3A_476 : vector<16xf32>
          %parallel_loop3A_479 = arith.addf %parallel_loop3A_477, %parallel_loop3A_478 : vector<16xf32>
          %parallel_loop3A_480 = arith.index_cast %parallel_loop3A_382 : i32 to index
          %parallel_loop3A_481 = arith.constant 112 : index
          %parallel_loop3A_482 = tpu.vector_load %arg22[%parallel_loop3A_480, %parallel_loop3A_481] {strides = array<i32>} : memref<32x128xf32, #tpu.memory_space<vmem>>, vector<16xf32>,
          tpu.vector_store %arg22[%parallel_loop3A_480, %parallel_loop3A_481], %parallel_loop3A_479 {strides = array<i32>} : memref<32x128xf32, #tpu.memory_space<vmem>>, vector<16xf32>,
        } {sc.loop_unroll_factor = 8 : i64, sc.parallel_access}
        "tpu.region"() ({
          %run_scoped3A = tpu.sem_alloc : memref<!tpu.dma_semaphore, #tpu.memory_space<semaphore_mem>>
          %dma_start3A_382 = arith.constant 0 : i32
          %dma_start3A_383 = arith.constant 0 : i32
          %dma_start3A_384 = tpu.memref_slice %arg23[%dma_start3A_382, %dma_start3A_383] : memref<10240x128xf32, #tpu.memory_space<vmem_shared>> -> memref<10240x128xf32, #tpu.memory_space<vmem_shared>>
          tpu.enqueue_indirect_dma source(%arg22 : memref<32x128xf32, #tpu.memory_space<vmem>>) target(%dma_start3A_384 : memref<10240x128xf32, #tpu.memory_space<vmem_shared>>) offsets(%arg17 : memref<32xi32, #tpu.memory_space<vmem>>) semaphore(%run_scoped3A : memref<!tpu.dma_semaphore, #tpu.memory_space<semaphore_mem>>) {add = true}
          %dma_wait3A_385 = arith.constant 0 : i32
          %dma_wait3A_386 = arith.constant 0 : i32
          %dma_wait3A_387 = tpu.memref_slice %arg23[%dma_wait3A_385, %dma_wait3A_386] : memref<10240x128xf32, #tpu.memory_space<vmem_shared>> -> memref<10240x128xf32, #tpu.memory_space<vmem_shared>>
          tpu.wait_indirect_dma semaphore(%run_scoped3A : memref<!tpu.dma_semaphore, #tpu.memory_space<semaphore_mem>>) src(%arg22 : memref<32x128xf32, #tpu.memory_space<vmem>>) dst(%dma_wait3A_387 : memref<10240x128xf32, #tpu.memory_space<vmem_shared>>)
          tpu.yield
        }) : () -> ()
      }
      %scan3A_195 = arith.constant 16 : i32
      %dma_wait3A = arith.constant 0 : i32
      %dma_wait3A_196 = arith.constant 0 : i32
      %dma_wait3A_197 = tpu.memref_slice %arg7[%dma_wait3A, %dma_wait3A_196] : memref<10000x256xf32, #tpu.memory_space<hbm>> -> memref<10000x256xf32, #tpu.memory_space<hbm>>
      tpu.wait_indirect_dma semaphore(%arg24 : memref<!tpu.dma_semaphore, #tpu.memory_space<semaphore_mem>>) src(%dma_wait3A_197 : memref<10000x256xf32, #tpu.memory_space<hbm>>) dst(%arg18 : memref<32x256xf32, #tpu.memory_space<vmem>>)
    }
    %scan3A_96 = arith.constant 10 : i32
    %barrier3A_97 = arith.constant 0 : index
    tpu.barrier barrier_id(%barrier3A_97)
    %mul3A_98 = arith.constant 640 : i32
    %mul3A_99 = arith.muli %arg1, %mul3A_98 : i32
    %add3A_100 = arith.constant 0 : i32
    %add3A_101 = arith.addi %mul3A_99, %add3A_100 : i32
    "tpu.region"() ({
      %run_scoped3A = tpu.sem_alloc : memref<!tpu.dma_semaphore, #tpu.memory_space<semaphore_mem>>
      %dma_start3A = arith.constant 0 : i32
      %dma_start3A_178 = tpu.memref_slice %arg23[%add3A_101, %dma_start3A] : memref<10240x128xf32, #tpu.memory_space<vmem_shared>> -> memref<32x128xf32, #tpu.memory_space<vmem_shared>>
      %dma_start3A_179 = arith.constant 0 : i32
      %dma_start3A_180 = tpu.memref_slice %arg23[%add3A_101, %dma_start3A_179] : memref<10240x128xf32, #tpu.memory_space<vmem_shared>> -> memref<32x128xf32, #tpu.memory_space<vmem_shared>>
      tpu.enqueue_dma source(%dma_start3A_180 : memref<32x128xf32, #tpu.memory_space<vmem_shared>>) target(%arg22 : memref<32x128xf32, #tpu.memory_space<vmem>>) target_semaphore(%run_scoped3A : memref<!tpu.dma_semaphore, #tpu.memory_space<semaphore_mem>>)
      %dma_wait3A = arith.constant 0 : i32
      %dma_wait3A_181 = tpu.memref_slice %arg23[%add3A_101, %dma_wait3A] : memref<10240x128xf32, #tpu.memory_space<vmem_shared>> -> memref<32x128xf32, #tpu.memory_space<vmem_shared>>
      %dma_wait3A_182 = arith.constant 0 : i32
      %dma_wait3A_183 = tpu.memref_slice %arg23[%add3A_101, %dma_wait3A_182] : memref<10240x128xf32, #tpu.memory_space<vmem_shared>> -> memref<32x128xf32, #tpu.memory_space<vmem_shared>>
      tpu.wait_dma2 semaphore(%run_scoped3A : memref<!tpu.dma_semaphore, #tpu.memory_space<semaphore_mem>>) src(%dma_wait3A_183 : memref<32x128xf32, #tpu.memory_space<vmem_shared>>) dst(%arg22 : memref<32x128xf32, #tpu.memory_space<vmem>>)
      tpu.yield
    }) : () -> ()
    "tpu.region"() ({
      %run_scoped3A = tpu.sem_alloc : memref<!tpu.dma_semaphore, #tpu.memory_space<semaphore_mem>>
      %dma_start3A = arith.constant 0 : i32
      %dma_start3A_178 = tpu.memref_slice %arg8[%arg0, %add3A_101, %dma_start3A] : memref<2x10240x128xf32, #tpu.memory_space<hbm>> -> memref<1x32x128xf32, #tpu.memory_space<hbm>>
      %dma_start3A_179 = tpu.memref_squeeze %dma_start3A_178 : memref<1x32x128xf32, #tpu.memory_space<hbm>> -> memref<32x128xf32, #tpu.memory_space<hbm>>
      %dma_start3A_180 = arith.constant 0 : i32
      %dma_start3A_181 = tpu.memref_slice %arg8[%arg0, %add3A_101, %dma_start3A_180] : memref<2x10240x128xf32, #tpu.memory_space<hbm>> -> memref<1x32x128xf32, #tpu.memory_space<hbm>>
      %dma_start3A_182 = tpu.memref_squeeze %dma_start3A_181 : memref<1x32x128xf32, #tpu.memory_space<hbm>> -> memref<32x128xf32, #tpu.memory_space<hbm>>
      tpu.enqueue_dma source(%arg22 : memref<32x128xf32, #tpu.memory_space<vmem>>) target(%dma_start3A_182 : memref<32x128xf32, #tpu.memory_space<hbm>>) target_semaphore(%run_scoped3A : memref<!tpu.dma_semaphore, #tpu.memory_space<semaphore_mem>>)
      %dma_wait3A = arith.constant 0 : i32
      %dma_wait3A_183 = tpu.memref_slice %arg8[%arg0, %add3A_101, %dma_wait3A] : memref<2x10240x128xf32, #tpu.memory_space<hbm>> -> memref<1x32x128xf32, #tpu.memory_space<hbm>>
      %dma_wait3A_184 = tpu.memref_squeeze %dma_wait3A_183 : memref<1x32x128xf32, #tpu.memory_space<hbm>> -> memref<32x128xf32, #tpu.memory_space<hbm>>
      %dma_wait3A_185 = arith.constant 0 : i32
      %dma_wait3A_186 = tpu.memref_slice %arg8[%arg0, %add3A_101, %dma_wait3A_185] : memref<2x10240x128xf32, #tpu.memory_space<hbm>> -> memref<1x32x128xf32, #tpu.memory_space<hbm>>
      %dma_wait3A_187 = tpu.memref_squeeze %dma_wait3A_186 : memref<1x32x128xf32, #tpu.memory_space<hbm>> -> memref<32x128xf32, #tpu.memory_space<hbm>>
      tpu.wait_dma2 semaphore(%run_scoped3A : memref<!tpu.dma_semaphore, #tpu.memory_space<semaphore_mem>>) src(%arg22 : memref<32x128xf32, #tpu.memory_space<vmem>>) dst(%dma_wait3A_187 : memref<32x128xf32, #tpu.memory_space<hbm>>)
      tpu.yield
    }) : () -> ()
    %mul3A_102 = arith.constant 640 : i32
    %mul3A_103 = arith.muli %arg1, %mul3A_102 : i32
    %add3A_104 = arith.constant 32 : i32
    %add3A_105 = arith.addi %mul3A_103, %add3A_104 : i32
    "tpu.region"() ({
      %run_scoped3A = tpu.sem_alloc : memref<!tpu.dma_semaphore, #tpu.memory_space<semaphore_mem>>
      %dma_start3A = arith.constant 0 : i32
      %dma_start3A_178 = tpu.memref_slice %arg23[%add3A_105, %dma_start3A] : memref<10240x128xf32, #tpu.memory_space<vmem_shared>> -> memref<32x128xf32, #tpu.memory_space<vmem_shared>>
      %dma_start3A_179 = arith.constant 0 : i32
      %dma_start3A_180 = tpu.memref_slice %arg23[%add3A_105, %dma_start3A_179] : memref<10240x128xf32, #tpu.memory_space<vmem_shared>> -> memref<32x128xf32, #tpu.memory_space<vmem_shared>>
      tpu.enqueue_dma source(%dma_start3A_180 : memref<32x128xf32, #tpu.memory_space<vmem_shared>>) target(%arg22 : memref<32x128xf32, #tpu.memory_space<vmem>>) target_semaphore(%run_scoped3A : memref<!tpu.dma_semaphore, #tpu.memory_space<semaphore_mem>>)
      %dma_wait3A = arith.constant 0 : i32
      %dma_wait3A_181 = tpu.memref_slice %arg23[%add3A_105, %dma_wait3A] : memref<10240x128xf32, #tpu.memory_space<vmem_shared>> -> memref<32x128xf32, #tpu.memory_space<vmem_shared>>
      %dma_wait3A_182 = arith.constant 0 : i32
      %dma_wait3A_183 = tpu.memref_slice %arg23[%add3A_105, %dma_wait3A_182] : memref<10240x128xf32, #tpu.memory_space<vmem_shared>> -> memref<32x128xf32, #tpu.memory_space<vmem_shared>>
      tpu.wait_dma2 semaphore(%run_scoped3A : memref<!tpu.dma_semaphore, #tpu.memory_space<semaphore_mem>>) src(%dma_wait3A_183 : memref<32x128xf32, #tpu.memory_space<vmem_shared>>) dst(%arg22 : memref<32x128xf32, #tpu.memory_space<vmem>>)
      tpu.yield
    }) : () -> ()
    "tpu.region"() ({
      %run_scoped3A = tpu.sem_alloc : memref<!tpu.dma_semaphore, #tpu.memory_space<semaphore_mem>>
      %dma_start3A = arith.constant 0 : i32
      %dma_start3A_178 = tpu.memref_slice %arg8[%arg0, %add3A_105, %dma_start3A] : memref<2x10240x128xf32, #tpu.memory_space<hbm>> -> memref<1x32x128xf32, #tpu.memory_space<hbm>>
      %dma_start3A_179 = tpu.memref_squeeze %dma_start3A_178 : memref<1x32x128xf32, #tpu.memory_space<hbm>> -> memref<32x128xf32, #tpu.memory_space<hbm>>
      %dma_start3A_180 = arith.constant 0 : i32
      %dma_start3A_181 = tpu.memref_slice %arg8[%arg0, %add3A_105, %dma_start3A_180] : memref<2x10240x128xf32, #tpu.memory_space<hbm>> -> memref<1x32x128xf32, #tpu.memory_space<hbm>>
      %dma_start3A_182 = tpu.memref_squeeze %dma_start3A_181 : memref<1x32x128xf32, #tpu.memory_space<hbm>> -> memref<32x128xf32, #tpu.memory_space<hbm>>
      tpu.enqueue_dma source(%arg22 : memref<32x128xf32, #tpu.memory_space<vmem>>) target(%dma_start3A_182 : memref<32x128xf32, #tpu.memory_space<hbm>>) target_semaphore(%run_scoped3A : memref<!tpu.dma_semaphore, #tpu.memory_space<semaphore_mem>>)
      %dma_wait3A = arith.constant 0 : i32
      %dma_wait3A_183 = tpu.memref_slice %arg8[%arg0, %add3A_105, %dma_wait3A] : memref<2x10240x128xf32, #tpu.memory_space<hbm>> -> memref<1x32x128xf32, #tpu.memory_space<hbm>>
      %dma_wait3A_184 = tpu.memref_squeeze %dma_wait3A_183 : memref<1x32x128xf32, #tpu.memory_space<hbm>> -> memref<32x128xf32, #tpu.memory_space<hbm>>
      %dma_wait3A_185 = arith.constant 0 : i32
      %dma_wait3A_186 = tpu.memref_slice %arg8[%arg0, %add3A_105, %dma_wait3A_185] : memref<2x10240x128xf32, #tpu.memory_space<hbm>> -> memref<1x32x128xf32, #tpu.memory_space<hbm>>
      %dma_wait3A_187 = tpu.memref_squeeze %dma_wait3A_186 : memref<1x32x128xf32, #tpu.memory_space<hbm>> -> memref<32x128xf32, #tpu.memory_space<hbm>>
      tpu.wait_dma2 semaphore(%run_scoped3A : memref<!tpu.dma_semaphore, #tpu.memory_space<semaphore_mem>>) src(%arg22 : memref<32x128xf32, #tpu.memory_space<vmem>>) dst(%dma_wait3A_187 : memref<32x128xf32, #tpu.memory_space<hbm>>)
      tpu.yield
    }) : () -> ()
    %mul3A_106 = arith.constant 640 : i32
    %mul3A_107 = arith.muli %arg1, %mul3A_106 : i32
    %add3A_108 = arith.constant 64 : i32
    %add3A_109 = arith.addi %mul3A_107, %add3A_108 : i32
    "tpu.region"() ({
      %run_scoped3A = tpu.sem_alloc : memref<!tpu.dma_semaphore, #tpu.memory_space<semaphore_mem>>
      %dma_start3A = arith.constant 0 : i32
      %dma_start3A_178 = tpu.memref_slice %arg23[%add3A_109, %dma_start3A] : memref<10240x128xf32, #tpu.memory_space<vmem_shared>> -> memref<32x128xf32, #tpu.memory_space<vmem_shared>>
      %dma_start3A_179 = arith.constant 0 : i32
      %dma_start3A_180 = tpu.memref_slice %arg23[%add3A_109, %dma_start3A_179] : memref<10240x128xf32, #tpu.memory_space<vmem_shared>> -> memref<32x128xf32, #tpu.memory_space<vmem_shared>>
      tpu.enqueue_dma source(%dma_start3A_180 : memref<32x128xf32, #tpu.memory_space<vmem_shared>>) target(%arg22 : memref<32x128xf32, #tpu.memory_space<vmem>>) target_semaphore(%run_scoped3A : memref<!tpu.dma_semaphore, #tpu.memory_space<semaphore_mem>>)
      %dma_wait3A = arith.constant 0 : i32
      %dma_wait3A_181 = tpu.memref_slice %arg23[%add3A_109, %dma_wait3A] : memref<10240x128xf32, #tpu.memory_space<vmem_shared>> -> memref<32x128xf32, #tpu.memory_space<vmem_shared>>
      %dma_wait3A_182 = arith.constant 0 : i32
      %dma_wait3A_183 = tpu.memref_slice %arg23[%add3A_109, %dma_wait3A_182] : memref<10240x128xf32, #tpu.memory_space<vmem_shared>> -> memref<32x128xf32, #tpu.memory_space<vmem_shared>>
      tpu.wait_dma2 semaphore(%run_scoped3A : memref<!tpu.dma_semaphore, #tpu.memory_space<semaphore_mem>>) src(%dma_wait3A_183 : memref<32x128xf32, #tpu.memory_space<vmem_shared>>) dst(%arg22 : memref<32x128xf32, #tpu.memory_space<vmem>>)
      tpu.yield
    }) : () -> ()
    "tpu.region"() ({
      %run_scoped3A = tpu.sem_alloc : memref<!tpu.dma_semaphore, #tpu.memory_space<semaphore_mem>>
      %dma_start3A = arith.constant 0 : i32
      %dma_start3A_178 = tpu.memref_slice %arg8[%arg0, %add3A_109, %dma_start3A] : memref<2x10240x128xf32, #tpu.memory_space<hbm>> -> memref<1x32x128xf32, #tpu.memory_space<hbm>>
      %dma_start3A_179 = tpu.memref_squeeze %dma_start3A_178 : memref<1x32x128xf32, #tpu.memory_space<hbm>> -> memref<32x128xf32, #tpu.memory_space<hbm>>
      %dma_start3A_180 = arith.constant 0 : i32
      %dma_start3A_181 = tpu.memref_slice %arg8[%arg0, %add3A_109, %dma_start3A_180] : memref<2x10240x128xf32, #tpu.memory_space<hbm>> -> memref<1x32x128xf32, #tpu.memory_space<hbm>>
      %dma_start3A_182 = tpu.memref_squeeze %dma_start3A_181 : memref<1x32x128xf32, #tpu.memory_space<hbm>> -> memref<32x128xf32, #tpu.memory_space<hbm>>
      tpu.enqueue_dma source(%arg22 : memref<32x128xf32, #tpu.memory_space<vmem>>) target(%dma_start3A_182 : memref<32x128xf32, #tpu.memory_space<hbm>>) target_semaphore(%run_scoped3A : memref<!tpu.dma_semaphore, #tpu.memory_space<semaphore_mem>>)
      %dma_wait3A = arith.constant 0 : i32
      %dma_wait3A_183 = tpu.memref_slice %arg8[%arg0, %add3A_109, %dma_wait3A] : memref<2x10240x128xf32, #tpu.memory_space<hbm>> -> memref<1x32x128xf32, #tpu.memory_space<hbm>>
      %dma_wait3A_184 = tpu.memref_squeeze %dma_wait3A_183 : memref<1x32x128xf32, #tpu.memory_space<hbm>> -> memref<32x128xf32, #tpu.memory_space<hbm>>
      %dma_wait3A_185 = arith.constant 0 : i32
      %dma_wait3A_186 = tpu.memref_slice %arg8[%arg0, %add3A_109, %dma_wait3A_185] : memref<2x10240x128xf32, #tpu.memory_space<hbm>> -> memref<1x32x128xf32, #tpu.memory_space<hbm>>
      %dma_wait3A_187 = tpu.memref_squeeze %dma_wait3A_186 : memref<1x32x128xf32, #tpu.memory_space<hbm>> -> memref<32x128xf32, #tpu.memory_space<hbm>>
      tpu.wait_dma2 semaphore(%run_scoped3A : memref<!tpu.dma_semaphore, #tpu.memory_space<semaphore_mem>>) src(%arg22 : memref<32x128xf32, #tpu.memory_space<vmem>>) dst(%dma_wait3A_187 : memref<32x128xf32, #tpu.memory_space<hbm>>)
      tpu.yield
    }) : () -> ()
    %mul3A_110 = arith.constant 640 : i32
    %mul3A_111 = arith.muli %arg1, %mul3A_110 : i32
    %add3A_112 = arith.constant 96 : i32
    %add3A_113 = arith.addi %mul3A_111, %add3A_112 : i32
    "tpu.region"() ({
      %run_scoped3A = tpu.sem_alloc : memref<!tpu.dma_semaphore, #tpu.memory_space<semaphore_mem>>
      %dma_start3A = arith.constant 0 : i32
      %dma_start3A_178 = tpu.memref_slice %arg23[%add3A_113, %dma_start3A] : memref<10240x128xf32, #tpu.memory_space<vmem_shared>> -> memref<32x128xf32, #tpu.memory_space<vmem_shared>>
      %dma_start3A_179 = arith.constant 0 : i32
      %dma_start3A_180 = tpu.memref_slice %arg23[%add3A_113, %dma_start3A_179] : memref<10240x128xf32, #tpu.memory_space<vmem_shared>> -> memref<32x128xf32, #tpu.memory_space<vmem_shared>>
      tpu.enqueue_dma source(%dma_start3A_180 : memref<32x128xf32, #tpu.memory_space<vmem_shared>>) target(%arg22 : memref<32x128xf32, #tpu.memory_space<vmem>>) target_semaphore(%run_scoped3A : memref<!tpu.dma_semaphore, #tpu.memory_space<semaphore_mem>>)
      %dma_wait3A = arith.constant 0 : i32
      %dma_wait3A_181 = tpu.memref_slice %arg23[%add3A_113, %dma_wait3A] : memref<10240x128xf32, #tpu.memory_space<vmem_shared>> -> memref<32x128xf32, #tpu.memory_space<vmem_shared>>
      %dma_wait3A_182 = arith.constant 0 : i32
      %dma_wait3A_183 = tpu.memref_slice %arg23[%add3A_113, %dma_wait3A_182] : memref<10240x128xf32, #tpu.memory_space<vmem_shared>> -> memref<32x128xf32, #tpu.memory_space<vmem_shared>>
      tpu.wait_dma2 semaphore(%run_scoped3A : memref<!tpu.dma_semaphore, #tpu.memory_space<semaphore_mem>>) src(%dma_wait3A_183 : memref<32x128xf32, #tpu.memory_space<vmem_shared>>) dst(%arg22 : memref<32x128xf32, #tpu.memory_space<vmem>>)
      tpu.yield
    }) : () -> ()
    "tpu.region"() ({
      %run_scoped3A = tpu.sem_alloc : memref<!tpu.dma_semaphore, #tpu.memory_space<semaphore_mem>>
      %dma_start3A = arith.constant 0 : i32
      %dma_start3A_178 = tpu.memref_slice %arg8[%arg0, %add3A_113, %dma_start3A] : memref<2x10240x128xf32, #tpu.memory_space<hbm>> -> memref<1x32x128xf32, #tpu.memory_space<hbm>>
      %dma_start3A_179 = tpu.memref_squeeze %dma_start3A_178 : memref<1x32x128xf32, #tpu.memory_space<hbm>> -> memref<32x128xf32, #tpu.memory_space<hbm>>
      %dma_start3A_180 = arith.constant 0 : i32
      %dma_start3A_181 = tpu.memref_slice %arg8[%arg0, %add3A_113, %dma_start3A_180] : memref<2x10240x128xf32, #tpu.memory_space<hbm>> -> memref<1x32x128xf32, #tpu.memory_space<hbm>>
      %dma_start3A_182 = tpu.memref_squeeze %dma_start3A_181 : memref<1x32x128xf32, #tpu.memory_space<hbm>> -> memref<32x128xf32, #tpu.memory_space<hbm>>
      tpu.enqueue_dma source(%arg22 : memref<32x128xf32, #tpu.memory_space<vmem>>) target(%dma_start3A_182 : memref<32x128xf32, #tpu.memory_space<hbm>>) target_semaphore(%run_scoped3A : memref<!tpu.dma_semaphore, #tpu.memory_space<semaphore_mem>>)
      %dma_wait3A = arith.constant 0 : i32
      %dma_wait3A_183 = tpu.memref_slice %arg8[%arg0, %add3A_113, %dma_wait3A] : memref<2x10240x128xf32, #tpu.memory_space<hbm>> -> memref<1x32x128xf32, #tpu.memory_space<hbm>>
      %dma_wait3A_184 = tpu.memref_squeeze %dma_wait3A_183 : memref<1x32x128xf32, #tpu.memory_space<hbm>> -> memref<32x128xf32, #tpu.memory_space<hbm>>
      %dma_wait3A_185 = arith.constant 0 : i32
      %dma_wait3A_186 = tpu.memref_slice %arg8[%arg0, %add3A_113, %dma_wait3A_185] : memref<2x10240x128xf32, #tpu.memory_space<hbm>> -> memref<1x32x128xf32, #tpu.memory_space<hbm>>
      %dma_wait3A_187 = tpu.memref_squeeze %dma_wait3A_186 : memref<1x32x128xf32, #tpu.memory_space<hbm>> -> memref<32x128xf32, #tpu.memory_space<hbm>>
      tpu.wait_dma2 semaphore(%run_scoped3A : memref<!tpu.dma_semaphore, #tpu.memory_space<semaphore_mem>>) src(%arg22 : memref<32x128xf32, #tpu.memory_space<vmem>>) dst(%dma_wait3A_187 : memref<32x128xf32, #tpu.memory_space<hbm>>)
      tpu.yield
    }) : () -> ()
    %mul3A_114 = arith.constant 640 : i32
    %mul3A_115 = arith.muli %arg1, %mul3A_114 : i32
    %add3A_116 = arith.constant 128 : i32
    %add3A_117 = arith.addi %mul3A_115, %add3A_116 : i32
    "tpu.region"() ({
      %run_scoped3A = tpu.sem_alloc : memref<!tpu.dma_semaphore, #tpu.memory_space<semaphore_mem>>
      %dma_start3A = arith.constant 0 : i32
      %dma_start3A_178 = tpu.memref_slice %arg23[%add3A_117, %dma_start3A] : memref<10240x128xf32, #tpu.memory_space<vmem_shared>> -> memref<32x128xf32, #tpu.memory_space<vmem_shared>>
      %dma_start3A_179 = arith.constant 0 : i32
      %dma_start3A_180 = tpu.memref_slice %arg23[%add3A_117, %dma_start3A_179] : memref<10240x128xf32, #tpu.memory_space<vmem_shared>> -> memref<32x128xf32, #tpu.memory_space<vmem_shared>>
      tpu.enqueue_dma source(%dma_start3A_180 : memref<32x128xf32, #tpu.memory_space<vmem_shared>>) target(%arg22 : memref<32x128xf32, #tpu.memory_space<vmem>>) target_semaphore(%run_scoped3A : memref<!tpu.dma_semaphore, #tpu.memory_space<semaphore_mem>>)
      %dma_wait3A = arith.constant 0 : i32
      %dma_wait3A_181 = tpu.memref_slice %arg23[%add3A_117, %dma_wait3A] : memref<10240x128xf32, #tpu.memory_space<vmem_shared>> -> memref<32x128xf32, #tpu.memory_space<vmem_shared>>
      %dma_wait3A_182 = arith.constant 0 : i32
      %dma_wait3A_183 = tpu.memref_slice %arg23[%add3A_117, %dma_wait3A_182] : memref<10240x128xf32, #tpu.memory_space<vmem_shared>> -> memref<32x128xf32, #tpu.memory_space<vmem_shared>>
      tpu.wait_dma2 semaphore(%run_scoped3A : memref<!tpu.dma_semaphore, #tpu.memory_space<semaphore_mem>>) src(%dma_wait3A_183 : memref<32x128xf32, #tpu.memory_space<vmem_shared>>) dst(%arg22 : memref<32x128xf32, #tpu.memory_space<vmem>>)
      tpu.yield
    }) : () -> ()
    "tpu.region"() ({
      %run_scoped3A = tpu.sem_alloc : memref<!tpu.dma_semaphore, #tpu.memory_space<semaphore_mem>>
      %dma_start3A = arith.constant 0 : i32
      %dma_start3A_178 = tpu.memref_slice %arg8[%arg0, %add3A_117, %dma_start3A] : memref<2x10240x128xf32, #tpu.memory_space<hbm>> -> memref<1x32x128xf32, #tpu.memory_space<hbm>>
      %dma_start3A_179 = tpu.memref_squeeze %dma_start3A_178 : memref<1x32x128xf32, #tpu.memory_space<hbm>> -> memref<32x128xf32, #tpu.memory_space<hbm>>
      %dma_start3A_180 = arith.constant 0 : i32
      %dma_start3A_181 = tpu.memref_slice %arg8[%arg0, %add3A_117, %dma_start3A_180] : memref<2x10240x128xf32, #tpu.memory_space<hbm>> -> memref<1x32x128xf32, #tpu.memory_space<hbm>>
      %dma_start3A_182 = tpu.memref_squeeze %dma_start3A_181 : memref<1x32x128xf32, #tpu.memory_space<hbm>> -> memref<32x128xf32, #tpu.memory_space<hbm>>
      tpu.enqueue_dma source(%arg22 : memref<32x128xf32, #tpu.memory_space<vmem>>) target(%dma_start3A_182 : memref<32x128xf32, #tpu.memory_space<hbm>>) target_semaphore(%run_scoped3A : memref<!tpu.dma_semaphore, #tpu.memory_space<semaphore_mem>>)
      %dma_wait3A = arith.constant 0 : i32
      %dma_wait3A_183 = tpu.memref_slice %arg8[%arg0, %add3A_117, %dma_wait3A] : memref<2x10240x128xf32, #tpu.memory_space<hbm>> -> memref<1x32x128xf32, #tpu.memory_space<hbm>>
      %dma_wait3A_184 = tpu.memref_squeeze %dma_wait3A_183 : memref<1x32x128xf32, #tpu.memory_space<hbm>> -> memref<32x128xf32, #tpu.memory_space<hbm>>
      %dma_wait3A_185 = arith.constant 0 : i32
      %dma_wait3A_186 = tpu.memref_slice %arg8[%arg0, %add3A_117, %dma_wait3A_185] : memref<2x10240x128xf32, #tpu.memory_space<hbm>> -> memref<1x32x128xf32, #tpu.memory_space<hbm>>
      %dma_wait3A_187 = tpu.memref_squeeze %dma_wait3A_186 : memref<1x32x128xf32, #tpu.memory_space<hbm>> -> memref<32x128xf32, #tpu.memory_space<hbm>>
      tpu.wait_dma2 semaphore(%run_scoped3A : memref<!tpu.dma_semaphore, #tpu.memory_space<semaphore_mem>>) src(%arg22 : memref<32x128xf32, #tpu.memory_space<vmem>>) dst(%dma_wait3A_187 : memref<32x128xf32, #tpu.memory_space<hbm>>)
      tpu.yield
    }) : () -> ()
    %mul3A_118 = arith.constant 640 : i32
    %mul3A_119 = arith.muli %arg1, %mul3A_118 : i32
    %add3A_120 = arith.constant 160 : i32
    %add3A_121 = arith.addi %mul3A_119, %add3A_120 : i32
    "tpu.region"() ({
      %run_scoped3A = tpu.sem_alloc : memref<!tpu.dma_semaphore, #tpu.memory_space<semaphore_mem>>
      %dma_start3A = arith.constant 0 : i32
      %dma_start3A_178 = tpu.memref_slice %arg23[%add3A_121, %dma_start3A] : memref<10240x128xf32, #tpu.memory_space<vmem_shared>> -> memref<32x128xf32, #tpu.memory_space<vmem_shared>>
      %dma_start3A_179 = arith.constant 0 : i32
      %dma_start3A_180 = tpu.memref_slice %arg23[%add3A_121, %dma_start3A_179] : memref<10240x128xf32, #tpu.memory_space<vmem_shared>> -> memref<32x128xf32, #tpu.memory_space<vmem_shared>>
      tpu.enqueue_dma source(%dma_start3A_180 : memref<32x128xf32, #tpu.memory_space<vmem_shared>>) target(%arg22 : memref<32x128xf32, #tpu.memory_space<vmem>>) target_semaphore(%run_scoped3A : memref<!tpu.dma_semaphore, #tpu.memory_space<semaphore_mem>>)
      %dma_wait3A = arith.constant 0 : i32
      %dma_wait3A_181 = tpu.memref_slice %arg23[%add3A_121, %dma_wait3A] : memref<10240x128xf32, #tpu.memory_space<vmem_shared>> -> memref<32x128xf32, #tpu.memory_space<vmem_shared>>
      %dma_wait3A_182 = arith.constant 0 : i32
      %dma_wait3A_183 = tpu.memref_slice %arg23[%add3A_121, %dma_wait3A_182] : memref<10240x128xf32, #tpu.memory_space<vmem_shared>> -> memref<32x128xf32, #tpu.memory_space<vmem_shared>>
      tpu.wait_dma2 semaphore(%run_scoped3A : memref<!tpu.dma_semaphore, #tpu.memory_space<semaphore_mem>>) src(%dma_wait3A_183 : memref<32x128xf32, #tpu.memory_space<vmem_shared>>) dst(%arg22 : memref<32x128xf32, #tpu.memory_space<vmem>>)
      tpu.yield
    }) : () -> ()
    "tpu.region"() ({
      %run_scoped3A = tpu.sem_alloc : memref<!tpu.dma_semaphore, #tpu.memory_space<semaphore_mem>>
      %dma_start3A = arith.constant 0 : i32
      %dma_start3A_178 = tpu.memref_slice %arg8[%arg0, %add3A_121, %dma_start3A] : memref<2x10240x128xf32, #tpu.memory_space<hbm>> -> memref<1x32x128xf32, #tpu.memory_space<hbm>>
      %dma_start3A_179 = tpu.memref_squeeze %dma_start3A_178 : memref<1x32x128xf32, #tpu.memory_space<hbm>> -> memref<32x128xf32, #tpu.memory_space<hbm>>
      %dma_start3A_180 = arith.constant 0 : i32
      %dma_start3A_181 = tpu.memref_slice %arg8[%arg0, %add3A_121, %dma_start3A_180] : memref<2x10240x128xf32, #tpu.memory_space<hbm>> -> memref<1x32x128xf32, #tpu.memory_space<hbm>>
      %dma_start3A_182 = tpu.memref_squeeze %dma_start3A_181 : memref<1x32x128xf32, #tpu.memory_space<hbm>> -> memref<32x128xf32, #tpu.memory_space<hbm>>
      tpu.enqueue_dma source(%arg22 : memref<32x128xf32, #tpu.memory_space<vmem>>) target(%dma_start3A_182 : memref<32x128xf32, #tpu.memory_space<hbm>>) target_semaphore(%run_scoped3A : memref<!tpu.dma_semaphore, #tpu.memory_space<semaphore_mem>>)
      %dma_wait3A = arith.constant 0 : i32
      %dma_wait3A_183 = tpu.memref_slice %arg8[%arg0, %add3A_121, %dma_wait3A] : memref<2x10240x128xf32, #tpu.memory_space<hbm>> -> memref<1x32x128xf32, #tpu.memory_space<hbm>>
      %dma_wait3A_184 = tpu.memref_squeeze %dma_wait3A_183 : memref<1x32x128xf32, #tpu.memory_space<hbm>> -> memref<32x128xf32, #tpu.memory_space<hbm>>
      %dma_wait3A_185 = arith.constant 0 : i32
      %dma_wait3A_186 = tpu.memref_slice %arg8[%arg0, %add3A_121, %dma_wait3A_185] : memref<2x10240x128xf32, #tpu.memory_space<hbm>> -> memref<1x32x128xf32, #tpu.memory_space<hbm>>
      %dma_wait3A_187 = tpu.memref_squeeze %dma_wait3A_186 : memref<1x32x128xf32, #tpu.memory_space<hbm>> -> memref<32x128xf32, #tpu.memory_space<hbm>>
      tpu.wait_dma2 semaphore(%run_scoped3A : memref<!tpu.dma_semaphore, #tpu.memory_space<semaphore_mem>>) src(%arg22 : memref<32x128xf32, #tpu.memory_space<vmem>>) dst(%dma_wait3A_187 : memref<32x128xf32, #tpu.memory_space<hbm>>)
      tpu.yield
    }) : () -> ()
    %mul3A_122 = arith.constant 640 : i32
    %mul3A_123 = arith.muli %arg1, %mul3A_122 : i32
    %add3A_124 = arith.constant 192 : i32
    %add3A_125 = arith.addi %mul3A_123, %add3A_124 : i32
    "tpu.region"() ({
      %run_scoped3A = tpu.sem_alloc : memref<!tpu.dma_semaphore, #tpu.memory_space<semaphore_mem>>
      %dma_start3A = arith.constant 0 : i32
      %dma_start3A_178 = tpu.memref_slice %arg23[%add3A_125, %dma_start3A] : memref<10240x128xf32, #tpu.memory_space<vmem_shared>> -> memref<32x128xf32, #tpu.memory_space<vmem_shared>>
      %dma_start3A_179 = arith.constant 0 : i32
      %dma_start3A_180 = tpu.memref_slice %arg23[%add3A_125, %dma_start3A_179] : memref<10240x128xf32, #tpu.memory_space<vmem_shared>> -> memref<32x128xf32, #tpu.memory_space<vmem_shared>>
      tpu.enqueue_dma source(%dma_start3A_180 : memref<32x128xf32, #tpu.memory_space<vmem_shared>>) target(%arg22 : memref<32x128xf32, #tpu.memory_space<vmem>>) target_semaphore(%run_scoped3A : memref<!tpu.dma_semaphore, #tpu.memory_space<semaphore_mem>>)
      %dma_wait3A = arith.constant 0 : i32
      %dma_wait3A_181 = tpu.memref_slice %arg23[%add3A_125, %dma_wait3A] : memref<10240x128xf32, #tpu.memory_space<vmem_shared>> -> memref<32x128xf32, #tpu.memory_space<vmem_shared>>
      %dma_wait3A_182 = arith.constant 0 : i32
      %dma_wait3A_183 = tpu.memref_slice %arg23[%add3A_125, %dma_wait3A_182] : memref<10240x128xf32, #tpu.memory_space<vmem_shared>> -> memref<32x128xf32, #tpu.memory_space<vmem_shared>>
      tpu.wait_dma2 semaphore(%run_scoped3A : memref<!tpu.dma_semaphore, #tpu.memory_space<semaphore_mem>>) src(%dma_wait3A_183 : memref<32x128xf32, #tpu.memory_space<vmem_shared>>) dst(%arg22 : memref<32x128xf32, #tpu.memory_space<vmem>>)
      tpu.yield
    }) : () -> ()
    "tpu.region"() ({
      %run_scoped3A = tpu.sem_alloc : memref<!tpu.dma_semaphore, #tpu.memory_space<semaphore_mem>>
      %dma_start3A = arith.constant 0 : i32
      %dma_start3A_178 = tpu.memref_slice %arg8[%arg0, %add3A_125, %dma_start3A] : memref<2x10240x128xf32, #tpu.memory_space<hbm>> -> memref<1x32x128xf32, #tpu.memory_space<hbm>>
      %dma_start3A_179 = tpu.memref_squeeze %dma_start3A_178 : memref<1x32x128xf32, #tpu.memory_space<hbm>> -> memref<32x128xf32, #tpu.memory_space<hbm>>
      %dma_start3A_180 = arith.constant 0 : i32
      %dma_start3A_181 = tpu.memref_slice %arg8[%arg0, %add3A_125, %dma_start3A_180] : memref<2x10240x128xf32, #tpu.memory_space<hbm>> -> memref<1x32x128xf32, #tpu.memory_space<hbm>>
      %dma_start3A_182 = tpu.memref_squeeze %dma_start3A_181 : memref<1x32x128xf32, #tpu.memory_space<hbm>> -> memref<32x128xf32, #tpu.memory_space<hbm>>
      tpu.enqueue_dma source(%arg22 : memref<32x128xf32, #tpu.memory_space<vmem>>) target(%dma_start3A_182 : memref<32x128xf32, #tpu.memory_space<hbm>>) target_semaphore(%run_scoped3A : memref<!tpu.dma_semaphore, #tpu.memory_space<semaphore_mem>>)
      %dma_wait3A = arith.constant 0 : i32
      %dma_wait3A_183 = tpu.memref_slice %arg8[%arg0, %add3A_125, %dma_wait3A] : memref<2x10240x128xf32, #tpu.memory_space<hbm>> -> memref<1x32x128xf32, #tpu.memory_space<hbm>>
      %dma_wait3A_184 = tpu.memref_squeeze %dma_wait3A_183 : memref<1x32x128xf32, #tpu.memory_space<hbm>> -> memref<32x128xf32, #tpu.memory_space<hbm>>
      %dma_wait3A_185 = arith.constant 0 : i32
      %dma_wait3A_186 = tpu.memref_slice %arg8[%arg0, %add3A_125, %dma_wait3A_185] : memref<2x10240x128xf32, #tpu.memory_space<hbm>> -> memref<1x32x128xf32, #tpu.memory_space<hbm>>
      %dma_wait3A_187 = tpu.memref_squeeze %dma_wait3A_186 : memref<1x32x128xf32, #tpu.memory_space<hbm>> -> memref<32x128xf32, #tpu.memory_space<hbm>>
      tpu.wait_dma2 semaphore(%run_scoped3A : memref<!tpu.dma_semaphore, #tpu.memory_space<semaphore_mem>>) src(%arg22 : memref<32x128xf32, #tpu.memory_space<vmem>>) dst(%dma_wait3A_187 : memref<32x128xf32, #tpu.memory_space<hbm>>)
      tpu.yield
    }) : () -> ()
    %mul3A_126 = arith.constant 640 : i32
    %mul3A_127 = arith.muli %arg1, %mul3A_126 : i32
    %add3A_128 = arith.constant 224 : i32
    %add3A_129 = arith.addi %mul3A_127, %add3A_128 : i32
    "tpu.region"() ({
      %run_scoped3A = tpu.sem_alloc : memref<!tpu.dma_semaphore, #tpu.memory_space<semaphore_mem>>
      %dma_start3A = arith.constant 0 : i32
      %dma_start3A_178 = tpu.memref_slice %arg23[%add3A_129, %dma_start3A] : memref<10240x128xf32, #tpu.memory_space<vmem_shared>> -> memref<32x128xf32, #tpu.memory_space<vmem_shared>>
      %dma_start3A_179 = arith.constant 0 : i32
      %dma_start3A_180 = tpu.memref_slice %arg23[%add3A_129, %dma_start3A_179] : memref<10240x128xf32, #tpu.memory_space<vmem_shared>> -> memref<32x128xf32, #tpu.memory_space<vmem_shared>>
      tpu.enqueue_dma source(%dma_start3A_180 : memref<32x128xf32, #tpu.memory_space<vmem_shared>>) target(%arg22 : memref<32x128xf32, #tpu.memory_space<vmem>>) target_semaphore(%run_scoped3A : memref<!tpu.dma_semaphore, #tpu.memory_space<semaphore_mem>>)
      %dma_wait3A = arith.constant 0 : i32
      %dma_wait3A_181 = tpu.memref_slice %arg23[%add3A_129, %dma_wait3A] : memref<10240x128xf32, #tpu.memory_space<vmem_shared>> -> memref<32x128xf32, #tpu.memory_space<vmem_shared>>
      %dma_wait3A_182 = arith.constant 0 : i32
      %dma_wait3A_183 = tpu.memref_slice %arg23[%add3A_129, %dma_wait3A_182] : memref<10240x128xf32, #tpu.memory_space<vmem_shared>> -> memref<32x128xf32, #tpu.memory_space<vmem_shared>>
      tpu.wait_dma2 semaphore(%run_scoped3A : memref<!tpu.dma_semaphore, #tpu.memory_space<semaphore_mem>>) src(%dma_wait3A_183 : memref<32x128xf32, #tpu.memory_space<vmem_shared>>) dst(%arg22 : memref<32x128xf32, #tpu.memory_space<vmem>>)
      tpu.yield
    }) : () -> ()
    "tpu.region"() ({
      %run_scoped3A = tpu.sem_alloc : memref<!tpu.dma_semaphore, #tpu.memory_space<semaphore_mem>>
      %dma_start3A = arith.constant 0 : i32
      %dma_start3A_178 = tpu.memref_slice %arg8[%arg0, %add3A_129, %dma_start3A] : memref<2x10240x128xf32, #tpu.memory_space<hbm>> -> memref<1x32x128xf32, #tpu.memory_space<hbm>>
      %dma_start3A_179 = tpu.memref_squeeze %dma_start3A_178 : memref<1x32x128xf32, #tpu.memory_space<hbm>> -> memref<32x128xf32, #tpu.memory_space<hbm>>
      %dma_start3A_180 = arith.constant 0 : i32
      %dma_start3A_181 = tpu.memref_slice %arg8[%arg0, %add3A_129, %dma_start3A_180] : memref<2x10240x128xf32, #tpu.memory_space<hbm>> -> memref<1x32x128xf32, #tpu.memory_space<hbm>>
      %dma_start3A_182 = tpu.memref_squeeze %dma_start3A_181 : memref<1x32x128xf32, #tpu.memory_space<hbm>> -> memref<32x128xf32, #tpu.memory_space<hbm>>
      tpu.enqueue_dma source(%arg22 : memref<32x128xf32, #tpu.memory_space<vmem>>) target(%dma_start3A_182 : memref<32x128xf32, #tpu.memory_space<hbm>>) target_semaphore(%run_scoped3A : memref<!tpu.dma_semaphore, #tpu.memory_space<semaphore_mem>>)
      %dma_wait3A = arith.constant 0 : i32
      %dma_wait3A_183 = tpu.memref_slice %arg8[%arg0, %add3A_129, %dma_wait3A] : memref<2x10240x128xf32, #tpu.memory_space<hbm>> -> memref<1x32x128xf32, #tpu.memory_space<hbm>>
      %dma_wait3A_184 = tpu.memref_squeeze %dma_wait3A_183 : memref<1x32x128xf32, #tpu.memory_space<hbm>> -> memref<32x128xf32, #tpu.memory_space<hbm>>
      %dma_wait3A_185 = arith.constant 0 : i32
      %dma_wait3A_186 = tpu.memref_slice %arg8[%arg0, %add3A_129, %dma_wait3A_185] : memref<2x10240x128xf32, #tpu.memory_space<hbm>> -> memref<1x32x128xf32, #tpu.memory_space<hbm>>
      %dma_wait3A_187 = tpu.memref_squeeze %dma_wait3A_186 : memref<1x32x128xf32, #tpu.memory_space<hbm>> -> memref<32x128xf32, #tpu.memory_space<hbm>>
      tpu.wait_dma2 semaphore(%run_scoped3A : memref<!tpu.dma_semaphore, #tpu.memory_space<semaphore_mem>>) src(%arg22 : memref<32x128xf32, #tpu.memory_space<vmem>>) dst(%dma_wait3A_187 : memref<32x128xf32, #tpu.memory_space<hbm>>)
      tpu.yield
    }) : () -> ()
    %mul3A_130 = arith.constant 640 : i32
    %mul3A_131 = arith.muli %arg1, %mul3A_130 : i32
    %add3A_132 = arith.constant 256 : i32
    %add3A_133 = arith.addi %mul3A_131, %add3A_132 : i32
    "tpu.region"() ({
      %run_scoped3A = tpu.sem_alloc : memref<!tpu.dma_semaphore, #tpu.memory_space<semaphore_mem>>
      %dma_start3A = arith.constant 0 : i32
      %dma_start3A_178 = tpu.memref_slice %arg23[%add3A_133, %dma_start3A] : memref<10240x128xf32, #tpu.memory_space<vmem_shared>> -> memref<32x128xf32, #tpu.memory_space<vmem_shared>>
      %dma_start3A_179 = arith.constant 0 : i32
      %dma_start3A_180 = tpu.memref_slice %arg23[%add3A_133, %dma_start3A_179] : memref<10240x128xf32, #tpu.memory_space<vmem_shared>> -> memref<32x128xf32, #tpu.memory_space<vmem_shared>>
      tpu.enqueue_dma source(%dma_start3A_180 : memref<32x128xf32, #tpu.memory_space<vmem_shared>>) target(%arg22 : memref<32x128xf32, #tpu.memory_space<vmem>>) target_semaphore(%run_scoped3A : memref<!tpu.dma_semaphore, #tpu.memory_space<semaphore_mem>>)
      %dma_wait3A = arith.constant 0 : i32
      %dma_wait3A_181 = tpu.memref_slice %arg23[%add3A_133, %dma_wait3A] : memref<10240x128xf32, #tpu.memory_space<vmem_shared>> -> memref<32x128xf32, #tpu.memory_space<vmem_shared>>
      %dma_wait3A_182 = arith.constant 0 : i32
      %dma_wait3A_183 = tpu.memref_slice %arg23[%add3A_133, %dma_wait3A_182] : memref<10240x128xf32, #tpu.memory_space<vmem_shared>> -> memref<32x128xf32, #tpu.memory_space<vmem_shared>>
      tpu.wait_dma2 semaphore(%run_scoped3A : memref<!tpu.dma_semaphore, #tpu.memory_space<semaphore_mem>>) src(%dma_wait3A_183 : memref<32x128xf32, #tpu.memory_space<vmem_shared>>) dst(%arg22 : memref<32x128xf32, #tpu.memory_space<vmem>>)
      tpu.yield
    }) : () -> ()
    "tpu.region"() ({
      %run_scoped3A = tpu.sem_alloc : memref<!tpu.dma_semaphore, #tpu.memory_space<semaphore_mem>>
      %dma_start3A = arith.constant 0 : i32
      %dma_start3A_178 = tpu.memref_slice %arg8[%arg0, %add3A_133, %dma_start3A] : memref<2x10240x128xf32, #tpu.memory_space<hbm>> -> memref<1x32x128xf32, #tpu.memory_space<hbm>>
      %dma_start3A_179 = tpu.memref_squeeze %dma_start3A_178 : memref<1x32x128xf32, #tpu.memory_space<hbm>> -> memref<32x128xf32, #tpu.memory_space<hbm>>
      %dma_start3A_180 = arith.constant 0 : i32
      %dma_start3A_181 = tpu.memref_slice %arg8[%arg0, %add3A_133, %dma_start3A_180] : memref<2x10240x128xf32, #tpu.memory_space<hbm>> -> memref<1x32x128xf32, #tpu.memory_space<hbm>>
      %dma_start3A_182 = tpu.memref_squeeze %dma_start3A_181 : memref<1x32x128xf32, #tpu.memory_space<hbm>> -> memref<32x128xf32, #tpu.memory_space<hbm>>
      tpu.enqueue_dma source(%arg22 : memref<32x128xf32, #tpu.memory_space<vmem>>) target(%dma_start3A_182 : memref<32x128xf32, #tpu.memory_space<hbm>>) target_semaphore(%run_scoped3A : memref<!tpu.dma_semaphore, #tpu.memory_space<semaphore_mem>>)
      %dma_wait3A = arith.constant 0 : i32
      %dma_wait3A_183 = tpu.memref_slice %arg8[%arg0, %add3A_133, %dma_wait3A] : memref<2x10240x128xf32, #tpu.memory_space<hbm>> -> memref<1x32x128xf32, #tpu.memory_space<hbm>>
      %dma_wait3A_184 = tpu.memref_squeeze %dma_wait3A_183 : memref<1x32x128xf32, #tpu.memory_space<hbm>> -> memref<32x128xf32, #tpu.memory_space<hbm>>
      %dma_wait3A_185 = arith.constant 0 : i32
      %dma_wait3A_186 = tpu.memref_slice %arg8[%arg0, %add3A_133, %dma_wait3A_185] : memref<2x10240x128xf32, #tpu.memory_space<hbm>> -> memref<1x32x128xf32, #tpu.memory_space<hbm>>
      %dma_wait3A_187 = tpu.memref_squeeze %dma_wait3A_186 : memref<1x32x128xf32, #tpu.memory_space<hbm>> -> memref<32x128xf32, #tpu.memory_space<hbm>>
      tpu.wait_dma2 semaphore(%run_scoped3A : memref<!tpu.dma_semaphore, #tpu.memory_space<semaphore_mem>>) src(%arg22 : memref<32x128xf32, #tpu.memory_space<vmem>>) dst(%dma_wait3A_187 : memref<32x128xf32, #tpu.memory_space<hbm>>)
      tpu.yield
    }) : () -> ()
    %mul3A_134 = arith.constant 640 : i32
    %mul3A_135 = arith.muli %arg1, %mul3A_134 : i32
    %add3A_136 = arith.constant 288 : i32
    %add3A_137 = arith.addi %mul3A_135, %add3A_136 : i32
    "tpu.region"() ({
      %run_scoped3A = tpu.sem_alloc : memref<!tpu.dma_semaphore, #tpu.memory_space<semaphore_mem>>
      %dma_start3A = arith.constant 0 : i32
      %dma_start3A_178 = tpu.memref_slice %arg23[%add3A_137, %dma_start3A] : memref<10240x128xf32, #tpu.memory_space<vmem_shared>> -> memref<32x128xf32, #tpu.memory_space<vmem_shared>>
      %dma_start3A_179 = arith.constant 0 : i32
      %dma_start3A_180 = tpu.memref_slice %arg23[%add3A_137, %dma_start3A_179] : memref<10240x128xf32, #tpu.memory_space<vmem_shared>> -> memref<32x128xf32, #tpu.memory_space<vmem_shared>>
      tpu.enqueue_dma source(%dma_start3A_180 : memref<32x128xf32, #tpu.memory_space<vmem_shared>>) target(%arg22 : memref<32x128xf32, #tpu.memory_space<vmem>>) target_semaphore(%run_scoped3A : memref<!tpu.dma_semaphore, #tpu.memory_space<semaphore_mem>>)
      %dma_wait3A = arith.constant 0 : i32
      %dma_wait3A_181 = tpu.memref_slice %arg23[%add3A_137, %dma_wait3A] : memref<10240x128xf32, #tpu.memory_space<vmem_shared>> -> memref<32x128xf32, #tpu.memory_space<vmem_shared>>
      %dma_wait3A_182 = arith.constant 0 : i32
      %dma_wait3A_183 = tpu.memref_slice %arg23[%add3A_137, %dma_wait3A_182] : memref<10240x128xf32, #tpu.memory_space<vmem_shared>> -> memref<32x128xf32, #tpu.memory_space<vmem_shared>>
      tpu.wait_dma2 semaphore(%run_scoped3A : memref<!tpu.dma_semaphore, #tpu.memory_space<semaphore_mem>>) src(%dma_wait3A_183 : memref<32x128xf32, #tpu.memory_space<vmem_shared>>) dst(%arg22 : memref<32x128xf32, #tpu.memory_space<vmem>>)
      tpu.yield
    }) : () -> ()
    "tpu.region"() ({
      %run_scoped3A = tpu.sem_alloc : memref<!tpu.dma_semaphore, #tpu.memory_space<semaphore_mem>>
      %dma_start3A = arith.constant 0 : i32
      %dma_start3A_178 = tpu.memref_slice %arg8[%arg0, %add3A_137, %dma_start3A] : memref<2x10240x128xf32, #tpu.memory_space<hbm>> -> memref<1x32x128xf32, #tpu.memory_space<hbm>>
      %dma_start3A_179 = tpu.memref_squeeze %dma_start3A_178 : memref<1x32x128xf32, #tpu.memory_space<hbm>> -> memref<32x128xf32, #tpu.memory_space<hbm>>
      %dma_start3A_180 = arith.constant 0 : i32
      %dma_start3A_181 = tpu.memref_slice %arg8[%arg0, %add3A_137, %dma_start3A_180] : memref<2x10240x128xf32, #tpu.memory_space<hbm>> -> memref<1x32x128xf32, #tpu.memory_space<hbm>>
      %dma_start3A_182 = tpu.memref_squeeze %dma_start3A_181 : memref<1x32x128xf32, #tpu.memory_space<hbm>> -> memref<32x128xf32, #tpu.memory_space<hbm>>
      tpu.enqueue_dma source(%arg22 : memref<32x128xf32, #tpu.memory_space<vmem>>) target(%dma_start3A_182 : memref<32x128xf32, #tpu.memory_space<hbm>>) target_semaphore(%run_scoped3A : memref<!tpu.dma_semaphore, #tpu.memory_space<semaphore_mem>>)
      %dma_wait3A = arith.constant 0 : i32
      %dma_wait3A_183 = tpu.memref_slice %arg8[%arg0, %add3A_137, %dma_wait3A] : memref<2x10240x128xf32, #tpu.memory_space<hbm>> -> memref<1x32x128xf32, #tpu.memory_space<hbm>>
      %dma_wait3A_184 = tpu.memref_squeeze %dma_wait3A_183 : memref<1x32x128xf32, #tpu.memory_space<hbm>> -> memref<32x128xf32, #tpu.memory_space<hbm>>
      %dma_wait3A_185 = arith.constant 0 : i32
      %dma_wait3A_186 = tpu.memref_slice %arg8[%arg0, %add3A_137, %dma_wait3A_185] : memref<2x10240x128xf32, #tpu.memory_space<hbm>> -> memref<1x32x128xf32, #tpu.memory_space<hbm>>
      %dma_wait3A_187 = tpu.memref_squeeze %dma_wait3A_186 : memref<1x32x128xf32, #tpu.memory_space<hbm>> -> memref<32x128xf32, #tpu.memory_space<hbm>>
      tpu.wait_dma2 semaphore(%run_scoped3A : memref<!tpu.dma_semaphore, #tpu.memory_space<semaphore_mem>>) src(%arg22 : memref<32x128xf32, #tpu.memory_space<vmem>>) dst(%dma_wait3A_187 : memref<32x128xf32, #tpu.memory_space<hbm>>)
      tpu.yield
    }) : () -> ()
    %mul3A_138 = arith.constant 640 : i32
    %mul3A_139 = arith.muli %arg1, %mul3A_138 : i32
    %add3A_140 = arith.constant 320 : i32
    %add3A_141 = arith.addi %mul3A_139, %add3A_140 : i32
    "tpu.region"() ({
      %run_scoped3A = tpu.sem_alloc : memref<!tpu.dma_semaphore, #tpu.memory_space<semaphore_mem>>
      %dma_start3A = arith.constant 0 : i32
      %dma_start3A_178 = tpu.memref_slice %arg23[%add3A_141, %dma_start3A] : memref<10240x128xf32, #tpu.memory_space<vmem_shared>> -> memref<32x128xf32, #tpu.memory_space<vmem_shared>>
      %dma_start3A_179 = arith.constant 0 : i32
      %dma_start3A_180 = tpu.memref_slice %arg23[%add3A_141, %dma_start3A_179] : memref<10240x128xf32, #tpu.memory_space<vmem_shared>> -> memref<32x128xf32, #tpu.memory_space<vmem_shared>>
      tpu.enqueue_dma source(%dma_start3A_180 : memref<32x128xf32, #tpu.memory_space<vmem_shared>>) target(%arg22 : memref<32x128xf32, #tpu.memory_space<vmem>>) target_semaphore(%run_scoped3A : memref<!tpu.dma_semaphore, #tpu.memory_space<semaphore_mem>>)
      %dma_wait3A = arith.constant 0 : i32
      %dma_wait3A_181 = tpu.memref_slice %arg23[%add3A_141, %dma_wait3A] : memref<10240x128xf32, #tpu.memory_space<vmem_shared>> -> memref<32x128xf32, #tpu.memory_space<vmem_shared>>
      %dma_wait3A_182 = arith.constant 0 : i32
      %dma_wait3A_183 = tpu.memref_slice %arg23[%add3A_141, %dma_wait3A_182] : memref<10240x128xf32, #tpu.memory_space<vmem_shared>> -> memref<32x128xf32, #tpu.memory_space<vmem_shared>>
      tpu.wait_dma2 semaphore(%run_scoped3A : memref<!tpu.dma_semaphore, #tpu.memory_space<semaphore_mem>>) src(%dma_wait3A_183 : memref<32x128xf32, #tpu.memory_space<vmem_shared>>) dst(%arg22 : memref<32x128xf32, #tpu.memory_space<vmem>>)
      tpu.yield
    }) : () -> ()
    "tpu.region"() ({
      %run_scoped3A = tpu.sem_alloc : memref<!tpu.dma_semaphore, #tpu.memory_space<semaphore_mem>>
      %dma_start3A = arith.constant 0 : i32
      %dma_start3A_178 = tpu.memref_slice %arg8[%arg0, %add3A_141, %dma_start3A] : memref<2x10240x128xf32, #tpu.memory_space<hbm>> -> memref<1x32x128xf32, #tpu.memory_space<hbm>>
      %dma_start3A_179 = tpu.memref_squeeze %dma_start3A_178 : memref<1x32x128xf32, #tpu.memory_space<hbm>> -> memref<32x128xf32, #tpu.memory_space<hbm>>
      %dma_start3A_180 = arith.constant 0 : i32
      %dma_start3A_181 = tpu.memref_slice %arg8[%arg0, %add3A_141, %dma_start3A_180] : memref<2x10240x128xf32, #tpu.memory_space<hbm>> -> memref<1x32x128xf32, #tpu.memory_space<hbm>>
      %dma_start3A_182 = tpu.memref_squeeze %dma_start3A_181 : memref<1x32x128xf32, #tpu.memory_space<hbm>> -> memref<32x128xf32, #tpu.memory_space<hbm>>
      tpu.enqueue_dma source(%arg22 : memref<32x128xf32, #tpu.memory_space<vmem>>) target(%dma_start3A_182 : memref<32x128xf32, #tpu.memory_space<hbm>>) target_semaphore(%run_scoped3A : memref<!tpu.dma_semaphore, #tpu.memory_space<semaphore_mem>>)
      %dma_wait3A = arith.constant 0 : i32
      %dma_wait3A_183 = tpu.memref_slice %arg8[%arg0, %add3A_141, %dma_wait3A] : memref<2x10240x128xf32, #tpu.memory_space<hbm>> -> memref<1x32x128xf32, #tpu.memory_space<hbm>>
      %dma_wait3A_184 = tpu.memref_squeeze %dma_wait3A_183 : memref<1x32x128xf32, #tpu.memory_space<hbm>> -> memref<32x128xf32, #tpu.memory_space<hbm>>
      %dma_wait3A_185 = arith.constant 0 : i32
      %dma_wait3A_186 = tpu.memref_slice %arg8[%arg0, %add3A_141, %dma_wait3A_185] : memref<2x10240x128xf32, #tpu.memory_space<hbm>> -> memref<1x32x128xf32, #tpu.memory_space<hbm>>
      %dma_wait3A_187 = tpu.memref_squeeze %dma_wait3A_186 : memref<1x32x128xf32, #tpu.memory_space<hbm>> -> memref<32x128xf32, #tpu.memory_space<hbm>>
      tpu.wait_dma2 semaphore(%run_scoped3A : memref<!tpu.dma_semaphore, #tpu.memory_space<semaphore_mem>>) src(%arg22 : memref<32x128xf32, #tpu.memory_space<vmem>>) dst(%dma_wait3A_187 : memref<32x128xf32, #tpu.memory_space<hbm>>)
      tpu.yield
    }) : () -> ()
    %mul3A_142 = arith.constant 640 : i32
    %mul3A_143 = arith.muli %arg1, %mul3A_142 : i32
    %add3A_144 = arith.constant 352 : i32
    %add3A_145 = arith.addi %mul3A_143, %add3A_144 : i32
    "tpu.region"() ({
      %run_scoped3A = tpu.sem_alloc : memref<!tpu.dma_semaphore, #tpu.memory_space<semaphore_mem>>
      %dma_start3A = arith.constant 0 : i32
      %dma_start3A_178 = tpu.memref_slice %arg23[%add3A_145, %dma_start3A] : memref<10240x128xf32, #tpu.memory_space<vmem_shared>> -> memref<32x128xf32, #tpu.memory_space<vmem_shared>>
      %dma_start3A_179 = arith.constant 0 : i32
      %dma_start3A_180 = tpu.memref_slice %arg23[%add3A_145, %dma_start3A_179] : memref<10240x128xf32, #tpu.memory_space<vmem_shared>> -> memref<32x128xf32, #tpu.memory_space<vmem_shared>>
      tpu.enqueue_dma source(%dma_start3A_180 : memref<32x128xf32, #tpu.memory_space<vmem_shared>>) target(%arg22 : memref<32x128xf32, #tpu.memory_space<vmem>>) target_semaphore(%run_scoped3A : memref<!tpu.dma_semaphore, #tpu.memory_space<semaphore_mem>>)
      %dma_wait3A = arith.constant 0 : i32
      %dma_wait3A_181 = tpu.memref_slice %arg23[%add3A_145, %dma_wait3A] : memref<10240x128xf32, #tpu.memory_space<vmem_shared>> -> memref<32x128xf32, #tpu.memory_space<vmem_shared>>
      %dma_wait3A_182 = arith.constant 0 : i32
      %dma_wait3A_183 = tpu.memref_slice %arg23[%add3A_145, %dma_wait3A_182] : memref<10240x128xf32, #tpu.memory_space<vmem_shared>> -> memref<32x128xf32, #tpu.memory_space<vmem_shared>>
      tpu.wait_dma2 semaphore(%run_scoped3A : memref<!tpu.dma_semaphore, #tpu.memory_space<semaphore_mem>>) src(%dma_wait3A_183 : memref<32x128xf32, #tpu.memory_space<vmem_shared>>) dst(%arg22 : memref<32x128xf32, #tpu.memory_space<vmem>>)
      tpu.yield
    }) : () -> ()
    "tpu.region"() ({
      %run_scoped3A = tpu.sem_alloc : memref<!tpu.dma_semaphore, #tpu.memory_space<semaphore_mem>>
      %dma_start3A = arith.constant 0 : i32
      %dma_start3A_178 = tpu.memref_slice %arg8[%arg0, %add3A_145, %dma_start3A] : memref<2x10240x128xf32, #tpu.memory_space<hbm>> -> memref<1x32x128xf32, #tpu.memory_space<hbm>>
      %dma_start3A_179 = tpu.memref_squeeze %dma_start3A_178 : memref<1x32x128xf32, #tpu.memory_space<hbm>> -> memref<32x128xf32, #tpu.memory_space<hbm>>
      %dma_start3A_180 = arith.constant 0 : i32
      %dma_start3A_181 = tpu.memref_slice %arg8[%arg0, %add3A_145, %dma_start3A_180] : memref<2x10240x128xf32, #tpu.memory_space<hbm>> -> memref<1x32x128xf32, #tpu.memory_space<hbm>>
      %dma_start3A_182 = tpu.memref_squeeze %dma_start3A_181 : memref<1x32x128xf32, #tpu.memory_space<hbm>> -> memref<32x128xf32, #tpu.memory_space<hbm>>
      tpu.enqueue_dma source(%arg22 : memref<32x128xf32, #tpu.memory_space<vmem>>) target(%dma_start3A_182 : memref<32x128xf32, #tpu.memory_space<hbm>>) target_semaphore(%run_scoped3A : memref<!tpu.dma_semaphore, #tpu.memory_space<semaphore_mem>>)
      %dma_wait3A = arith.constant 0 : i32
      %dma_wait3A_183 = tpu.memref_slice %arg8[%arg0, %add3A_145, %dma_wait3A] : memref<2x10240x128xf32, #tpu.memory_space<hbm>> -> memref<1x32x128xf32, #tpu.memory_space<hbm>>
      %dma_wait3A_184 = tpu.memref_squeeze %dma_wait3A_183 : memref<1x32x128xf32, #tpu.memory_space<hbm>> -> memref<32x128xf32, #tpu.memory_space<hbm>>
      %dma_wait3A_185 = arith.constant 0 : i32
      %dma_wait3A_186 = tpu.memref_slice %arg8[%arg0, %add3A_145, %dma_wait3A_185] : memref<2x10240x128xf32, #tpu.memory_space<hbm>> -> memref<1x32x128xf32, #tpu.memory_space<hbm>>
      %dma_wait3A_187 = tpu.memref_squeeze %dma_wait3A_186 : memref<1x32x128xf32, #tpu.memory_space<hbm>> -> memref<32x128xf32, #tpu.memory_space<hbm>>
      tpu.wait_dma2 semaphore(%run_scoped3A : memref<!tpu.dma_semaphore, #tpu.memory_space<semaphore_mem>>) src(%arg22 : memref<32x128xf32, #tpu.memory_space<vmem>>) dst(%dma_wait3A_187 : memref<32x128xf32, #tpu.memory_space<hbm>>)
      tpu.yield
    }) : () -> ()
    %mul3A_146 = arith.constant 640 : i32
    %mul3A_147 = arith.muli %arg1, %mul3A_146 : i32
    %add3A_148 = arith.constant 384 : i32
    %add3A_149 = arith.addi %mul3A_147, %add3A_148 : i32
    "tpu.region"() ({
      %run_scoped3A = tpu.sem_alloc : memref<!tpu.dma_semaphore, #tpu.memory_space<semaphore_mem>>
      %dma_start3A = arith.constant 0 : i32
      %dma_start3A_178 = tpu.memref_slice %arg23[%add3A_149, %dma_start3A] : memref<10240x128xf32, #tpu.memory_space<vmem_shared>> -> memref<32x128xf32, #tpu.memory_space<vmem_shared>>
      %dma_start3A_179 = arith.constant 0 : i32
      %dma_start3A_180 = tpu.memref_slice %arg23[%add3A_149, %dma_start3A_179] : memref<10240x128xf32, #tpu.memory_space<vmem_shared>> -> memref<32x128xf32, #tpu.memory_space<vmem_shared>>
      tpu.enqueue_dma source(%dma_start3A_180 : memref<32x128xf32, #tpu.memory_space<vmem_shared>>) target(%arg22 : memref<32x128xf32, #tpu.memory_space<vmem>>) target_semaphore(%run_scoped3A : memref<!tpu.dma_semaphore, #tpu.memory_space<semaphore_mem>>)
      %dma_wait3A = arith.constant 0 : i32
      %dma_wait3A_181 = tpu.memref_slice %arg23[%add3A_149, %dma_wait3A] : memref<10240x128xf32, #tpu.memory_space<vmem_shared>> -> memref<32x128xf32, #tpu.memory_space<vmem_shared>>
      %dma_wait3A_182 = arith.constant 0 : i32
      %dma_wait3A_183 = tpu.memref_slice %arg23[%add3A_149, %dma_wait3A_182] : memref<10240x128xf32, #tpu.memory_space<vmem_shared>> -> memref<32x128xf32, #tpu.memory_space<vmem_shared>>
      tpu.wait_dma2 semaphore(%run_scoped3A : memref<!tpu.dma_semaphore, #tpu.memory_space<semaphore_mem>>) src(%dma_wait3A_183 : memref<32x128xf32, #tpu.memory_space<vmem_shared>>) dst(%arg22 : memref<32x128xf32, #tpu.memory_space<vmem>>)
      tpu.yield
    }) : () -> ()
    "tpu.region"() ({
      %run_scoped3A = tpu.sem_alloc : memref<!tpu.dma_semaphore, #tpu.memory_space<semaphore_mem>>
      %dma_start3A = arith.constant 0 : i32
      %dma_start3A_178 = tpu.memref_slice %arg8[%arg0, %add3A_149, %dma_start3A] : memref<2x10240x128xf32, #tpu.memory_space<hbm>> -> memref<1x32x128xf32, #tpu.memory_space<hbm>>
      %dma_start3A_179 = tpu.memref_squeeze %dma_start3A_178 : memref<1x32x128xf32, #tpu.memory_space<hbm>> -> memref<32x128xf32, #tpu.memory_space<hbm>>
      %dma_start3A_180 = arith.constant 0 : i32
      %dma_start3A_181 = tpu.memref_slice %arg8[%arg0, %add3A_149, %dma_start3A_180] : memref<2x10240x128xf32, #tpu.memory_space<hbm>> -> memref<1x32x128xf32, #tpu.memory_space<hbm>>
      %dma_start3A_182 = tpu.memref_squeeze %dma_start3A_181 : memref<1x32x128xf32, #tpu.memory_space<hbm>> -> memref<32x128xf32, #tpu.memory_space<hbm>>
      tpu.enqueue_dma source(%arg22 : memref<32x128xf32, #tpu.memory_space<vmem>>) target(%dma_start3A_182 : memref<32x128xf32, #tpu.memory_space<hbm>>) target_semaphore(%run_scoped3A : memref<!tpu.dma_semaphore, #tpu.memory_space<semaphore_mem>>)
      %dma_wait3A = arith.constant 0 : i32
      %dma_wait3A_183 = tpu.memref_slice %arg8[%arg0, %add3A_149, %dma_wait3A] : memref<2x10240x128xf32, #tpu.memory_space<hbm>> -> memref<1x32x128xf32, #tpu.memory_space<hbm>>
      %dma_wait3A_184 = tpu.memref_squeeze %dma_wait3A_183 : memref<1x32x128xf32, #tpu.memory_space<hbm>> -> memref<32x128xf32, #tpu.memory_space<hbm>>
      %dma_wait3A_185 = arith.constant 0 : i32
      %dma_wait3A_186 = tpu.memref_slice %arg8[%arg0, %add3A_149, %dma_wait3A_185] : memref<2x10240x128xf32, #tpu.memory_space<hbm>> -> memref<1x32x128xf32, #tpu.memory_space<hbm>>
      %dma_wait3A_187 = tpu.memref_squeeze %dma_wait3A_186 : memref<1x32x128xf32, #tpu.memory_space<hbm>> -> memref<32x128xf32, #tpu.memory_space<hbm>>
      tpu.wait_dma2 semaphore(%run_scoped3A : memref<!tpu.dma_semaphore, #tpu.memory_space<semaphore_mem>>) src(%arg22 : memref<32x128xf32, #tpu.memory_space<vmem>>) dst(%dma_wait3A_187 : memref<32x128xf32, #tpu.memory_space<hbm>>)
      tpu.yield
    }) : () -> ()
    %mul3A_150 = arith.constant 640 : i32
    %mul3A_151 = arith.muli %arg1, %mul3A_150 : i32
    %add3A_152 = arith.constant 416 : i32
    %add3A_153 = arith.addi %mul3A_151, %add3A_152 : i32
    "tpu.region"() ({
      %run_scoped3A = tpu.sem_alloc : memref<!tpu.dma_semaphore, #tpu.memory_space<semaphore_mem>>
      %dma_start3A = arith.constant 0 : i32
      %dma_start3A_178 = tpu.memref_slice %arg23[%add3A_153, %dma_start3A] : memref<10240x128xf32, #tpu.memory_space<vmem_shared>> -> memref<32x128xf32, #tpu.memory_space<vmem_shared>>
      %dma_start3A_179 = arith.constant 0 : i32
      %dma_start3A_180 = tpu.memref_slice %arg23[%add3A_153, %dma_start3A_179] : memref<10240x128xf32, #tpu.memory_space<vmem_shared>> -> memref<32x128xf32, #tpu.memory_space<vmem_shared>>
      tpu.enqueue_dma source(%dma_start3A_180 : memref<32x128xf32, #tpu.memory_space<vmem_shared>>) target(%arg22 : memref<32x128xf32, #tpu.memory_space<vmem>>) target_semaphore(%run_scoped3A : memref<!tpu.dma_semaphore, #tpu.memory_space<semaphore_mem>>)
      %dma_wait3A = arith.constant 0 : i32
      %dma_wait3A_181 = tpu.memref_slice %arg23[%add3A_153, %dma_wait3A] : memref<10240x128xf32, #tpu.memory_space<vmem_shared>> -> memref<32x128xf32, #tpu.memory_space<vmem_shared>>
      %dma_wait3A_182 = arith.constant 0 : i32
      %dma_wait3A_183 = tpu.memref_slice %arg23[%add3A_153, %dma_wait3A_182] : memref<10240x128xf32, #tpu.memory_space<vmem_shared>> -> memref<32x128xf32, #tpu.memory_space<vmem_shared>>
      tpu.wait_dma2 semaphore(%run_scoped3A : memref<!tpu.dma_semaphore, #tpu.memory_space<semaphore_mem>>) src(%dma_wait3A_183 : memref<32x128xf32, #tpu.memory_space<vmem_shared>>) dst(%arg22 : memref<32x128xf32, #tpu.memory_space<vmem>>)
      tpu.yield
    }) : () -> ()
    "tpu.region"() ({
      %run_scoped3A = tpu.sem_alloc : memref<!tpu.dma_semaphore, #tpu.memory_space<semaphore_mem>>
      %dma_start3A = arith.constant 0 : i32
      %dma_start3A_178 = tpu.memref_slice %arg8[%arg0, %add3A_153, %dma_start3A] : memref<2x10240x128xf32, #tpu.memory_space<hbm>> -> memref<1x32x128xf32, #tpu.memory_space<hbm>>
      %dma_start3A_179 = tpu.memref_squeeze %dma_start3A_178 : memref<1x32x128xf32, #tpu.memory_space<hbm>> -> memref<32x128xf32, #tpu.memory_space<hbm>>
      %dma_start3A_180 = arith.constant 0 : i32
      %dma_start3A_181 = tpu.memref_slice %arg8[%arg0, %add3A_153, %dma_start3A_180] : memref<2x10240x128xf32, #tpu.memory_space<hbm>> -> memref<1x32x128xf32, #tpu.memory_space<hbm>>
      %dma_start3A_182 = tpu.memref_squeeze %dma_start3A_181 : memref<1x32x128xf32, #tpu.memory_space<hbm>> -> memref<32x128xf32, #tpu.memory_space<hbm>>
      tpu.enqueue_dma source(%arg22 : memref<32x128xf32, #tpu.memory_space<vmem>>) target(%dma_start3A_182 : memref<32x128xf32, #tpu.memory_space<hbm>>) target_semaphore(%run_scoped3A : memref<!tpu.dma_semaphore, #tpu.memory_space<semaphore_mem>>)
      %dma_wait3A = arith.constant 0 : i32
      %dma_wait3A_183 = tpu.memref_slice %arg8[%arg0, %add3A_153, %dma_wait3A] : memref<2x10240x128xf32, #tpu.memory_space<hbm>> -> memref<1x32x128xf32, #tpu.memory_space<hbm>>
      %dma_wait3A_184 = tpu.memref_squeeze %dma_wait3A_183 : memref<1x32x128xf32, #tpu.memory_space<hbm>> -> memref<32x128xf32, #tpu.memory_space<hbm>>
      %dma_wait3A_185 = arith.constant 0 : i32
      %dma_wait3A_186 = tpu.memref_slice %arg8[%arg0, %add3A_153, %dma_wait3A_185] : memref<2x10240x128xf32, #tpu.memory_space<hbm>> -> memref<1x32x128xf32, #tpu.memory_space<hbm>>
      %dma_wait3A_187 = tpu.memref_squeeze %dma_wait3A_186 : memref<1x32x128xf32, #tpu.memory_space<hbm>> -> memref<32x128xf32, #tpu.memory_space<hbm>>
      tpu.wait_dma2 semaphore(%run_scoped3A : memref<!tpu.dma_semaphore, #tpu.memory_space<semaphore_mem>>) src(%arg22 : memref<32x128xf32, #tpu.memory_space<vmem>>) dst(%dma_wait3A_187 : memref<32x128xf32, #tpu.memory_space<hbm>>)
      tpu.yield
    }) : () -> ()
    %mul3A_154 = arith.constant 640 : i32
    %mul3A_155 = arith.muli %arg1, %mul3A_154 : i32
    %add3A_156 = arith.constant 448 : i32
    %add3A_157 = arith.addi %mul3A_155, %add3A_156 : i32
    "tpu.region"() ({
      %run_scoped3A = tpu.sem_alloc : memref<!tpu.dma_semaphore, #tpu.memory_space<semaphore_mem>>
      %dma_start3A = arith.constant 0 : i32
      %dma_start3A_178 = tpu.memref_slice %arg23[%add3A_157, %dma_start3A] : memref<10240x128xf32, #tpu.memory_space<vmem_shared>> -> memref<32x128xf32, #tpu.memory_space<vmem_shared>>
      %dma_start3A_179 = arith.constant 0 : i32
      %dma_start3A_180 = tpu.memref_slice %arg23[%add3A_157, %dma_start3A_179] : memref<10240x128xf32, #tpu.memory_space<vmem_shared>> -> memref<32x128xf32, #tpu.memory_space<vmem_shared>>
      tpu.enqueue_dma source(%dma_start3A_180 : memref<32x128xf32, #tpu.memory_space<vmem_shared>>) target(%arg22 : memref<32x128xf32, #tpu.memory_space<vmem>>) target_semaphore(%run_scoped3A : memref<!tpu.dma_semaphore, #tpu.memory_space<semaphore_mem>>)
      %dma_wait3A = arith.constant 0 : i32
      %dma_wait3A_181 = tpu.memref_slice %arg23[%add3A_157, %dma_wait3A] : memref<10240x128xf32, #tpu.memory_space<vmem_shared>> -> memref<32x128xf32, #tpu.memory_space<vmem_shared>>
      %dma_wait3A_182 = arith.constant 0 : i32
      %dma_wait3A_183 = tpu.memref_slice %arg23[%add3A_157, %dma_wait3A_182] : memref<10240x128xf32, #tpu.memory_space<vmem_shared>> -> memref<32x128xf32, #tpu.memory_space<vmem_shared>>
      tpu.wait_dma2 semaphore(%run_scoped3A : memref<!tpu.dma_semaphore, #tpu.memory_space<semaphore_mem>>) src(%dma_wait3A_183 : memref<32x128xf32, #tpu.memory_space<vmem_shared>>) dst(%arg22 : memref<32x128xf32, #tpu.memory_space<vmem>>)
      tpu.yield
    }) : () -> ()
    "tpu.region"() ({
      %run_scoped3A = tpu.sem_alloc : memref<!tpu.dma_semaphore, #tpu.memory_space<semaphore_mem>>
      %dma_start3A = arith.constant 0 : i32
      %dma_start3A_178 = tpu.memref_slice %arg8[%arg0, %add3A_157, %dma_start3A] : memref<2x10240x128xf32, #tpu.memory_space<hbm>> -> memref<1x32x128xf32, #tpu.memory_space<hbm>>
      %dma_start3A_179 = tpu.memref_squeeze %dma_start3A_178 : memref<1x32x128xf32, #tpu.memory_space<hbm>> -> memref<32x128xf32, #tpu.memory_space<hbm>>
      %dma_start3A_180 = arith.constant 0 : i32
      %dma_start3A_181 = tpu.memref_slice %arg8[%arg0, %add3A_157, %dma_start3A_180] : memref<2x10240x128xf32, #tpu.memory_space<hbm>> -> memref<1x32x128xf32, #tpu.memory_space<hbm>>
      %dma_start3A_182 = tpu.memref_squeeze %dma_start3A_181 : memref<1x32x128xf32, #tpu.memory_space<hbm>> -> memref<32x128xf32, #tpu.memory_space<hbm>>
      tpu.enqueue_dma source(%arg22 : memref<32x128xf32, #tpu.memory_space<vmem>>) target(%dma_start3A_182 : memref<32x128xf32, #tpu.memory_space<hbm>>) target_semaphore(%run_scoped3A : memref<!tpu.dma_semaphore, #tpu.memory_space<semaphore_mem>>)
      %dma_wait3A = arith.constant 0 : i32
      %dma_wait3A_183 = tpu.memref_slice %arg8[%arg0, %add3A_157, %dma_wait3A] : memref<2x10240x128xf32, #tpu.memory_space<hbm>> -> memref<1x32x128xf32, #tpu.memory_space<hbm>>
      %dma_wait3A_184 = tpu.memref_squeeze %dma_wait3A_183 : memref<1x32x128xf32, #tpu.memory_space<hbm>> -> memref<32x128xf32, #tpu.memory_space<hbm>>
      %dma_wait3A_185 = arith.constant 0 : i32
      %dma_wait3A_186 = tpu.memref_slice %arg8[%arg0, %add3A_157, %dma_wait3A_185] : memref<2x10240x128xf32, #tpu.memory_space<hbm>> -> memref<1x32x128xf32, #tpu.memory_space<hbm>>
      %dma_wait3A_187 = tpu.memref_squeeze %dma_wait3A_186 : memref<1x32x128xf32, #tpu.memory_space<hbm>> -> memref<32x128xf32, #tpu.memory_space<hbm>>
      tpu.wait_dma2 semaphore(%run_scoped3A : memref<!tpu.dma_semaphore, #tpu.memory_space<semaphore_mem>>) src(%arg22 : memref<32x128xf32, #tpu.memory_space<vmem>>) dst(%dma_wait3A_187 : memref<32x128xf32, #tpu.memory_space<hbm>>)
      tpu.yield
    }) : () -> ()
    %mul3A_158 = arith.constant 640 : i32
    %mul3A_159 = arith.muli %arg1, %mul3A_158 : i32
    %add3A_160 = arith.constant 480 : i32
    %add3A_161 = arith.addi %mul3A_159, %add3A_160 : i32
    "tpu.region"() ({
      %run_scoped3A = tpu.sem_alloc : memref<!tpu.dma_semaphore, #tpu.memory_space<semaphore_mem>>
      %dma_start3A = arith.constant 0 : i32
      %dma_start3A_178 = tpu.memref_slice %arg23[%add3A_161, %dma_start3A] : memref<10240x128xf32, #tpu.memory_space<vmem_shared>> -> memref<32x128xf32, #tpu.memory_space<vmem_shared>>
      %dma_start3A_179 = arith.constant 0 : i32
      %dma_start3A_180 = tpu.memref_slice %arg23[%add3A_161, %dma_start3A_179] : memref<10240x128xf32, #tpu.memory_space<vmem_shared>> -> memref<32x128xf32, #tpu.memory_space<vmem_shared>>
      tpu.enqueue_dma source(%dma_start3A_180 : memref<32x128xf32, #tpu.memory_space<vmem_shared>>) target(%arg22 : memref<32x128xf32, #tpu.memory_space<vmem>>) target_semaphore(%run_scoped3A : memref<!tpu.dma_semaphore, #tpu.memory_space<semaphore_mem>>)
      %dma_wait3A = arith.constant 0 : i32
      %dma_wait3A_181 = tpu.memref_slice %arg23[%add3A_161, %dma_wait3A] : memref<10240x128xf32, #tpu.memory_space<vmem_shared>> -> memref<32x128xf32, #tpu.memory_space<vmem_shared>>
      %dma_wait3A_182 = arith.constant 0 : i32
      %dma_wait3A_183 = tpu.memref_slice %arg23[%add3A_161, %dma_wait3A_182] : memref<10240x128xf32, #tpu.memory_space<vmem_shared>> -> memref<32x128xf32, #tpu.memory_space<vmem_shared>>
      tpu.wait_dma2 semaphore(%run_scoped3A : memref<!tpu.dma_semaphore, #tpu.memory_space<semaphore_mem>>) src(%dma_wait3A_183 : memref<32x128xf32, #tpu.memory_space<vmem_shared>>) dst(%arg22 : memref<32x128xf32, #tpu.memory_space<vmem>>)
      tpu.yield
    }) : () -> ()
    "tpu.region"() ({
      %run_scoped3A = tpu.sem_alloc : memref<!tpu.dma_semaphore, #tpu.memory_space<semaphore_mem>>
      %dma_start3A = arith.constant 0 : i32
      %dma_start3A_178 = tpu.memref_slice %arg8[%arg0, %add3A_161, %dma_start3A] : memref<2x10240x128xf32, #tpu.memory_space<hbm>> -> memref<1x32x128xf32, #tpu.memory_space<hbm>>
      %dma_start3A_179 = tpu.memref_squeeze %dma_start3A_178 : memref<1x32x128xf32, #tpu.memory_space<hbm>> -> memref<32x128xf32, #tpu.memory_space<hbm>>
      %dma_start3A_180 = arith.constant 0 : i32
      %dma_start3A_181 = tpu.memref_slice %arg8[%arg0, %add3A_161, %dma_start3A_180] : memref<2x10240x128xf32, #tpu.memory_space<hbm>> -> memref<1x32x128xf32, #tpu.memory_space<hbm>>
      %dma_start3A_182 = tpu.memref_squeeze %dma_start3A_181 : memref<1x32x128xf32, #tpu.memory_space<hbm>> -> memref<32x128xf32, #tpu.memory_space<hbm>>
      tpu.enqueue_dma source(%arg22 : memref<32x128xf32, #tpu.memory_space<vmem>>) target(%dma_start3A_182 : memref<32x128xf32, #tpu.memory_space<hbm>>) target_semaphore(%run_scoped3A : memref<!tpu.dma_semaphore, #tpu.memory_space<semaphore_mem>>)
      %dma_wait3A = arith.constant 0 : i32
      %dma_wait3A_183 = tpu.memref_slice %arg8[%arg0, %add3A_161, %dma_wait3A] : memref<2x10240x128xf32, #tpu.memory_space<hbm>> -> memref<1x32x128xf32, #tpu.memory_space<hbm>>
      %dma_wait3A_184 = tpu.memref_squeeze %dma_wait3A_183 : memref<1x32x128xf32, #tpu.memory_space<hbm>> -> memref<32x128xf32, #tpu.memory_space<hbm>>
      %dma_wait3A_185 = arith.constant 0 : i32
      %dma_wait3A_186 = tpu.memref_slice %arg8[%arg0, %add3A_161, %dma_wait3A_185] : memref<2x10240x128xf32, #tpu.memory_space<hbm>> -> memref<1x32x128xf32, #tpu.memory_space<hbm>>
      %dma_wait3A_187 = tpu.memref_squeeze %dma_wait3A_186 : memref<1x32x128xf32, #tpu.memory_space<hbm>> -> memref<32x128xf32, #tpu.memory_space<hbm>>
      tpu.wait_dma2 semaphore(%run_scoped3A : memref<!tpu.dma_semaphore, #tpu.memory_space<semaphore_mem>>) src(%arg22 : memref<32x128xf32, #tpu.memory_space<vmem>>) dst(%dma_wait3A_187 : memref<32x128xf32, #tpu.memory_space<hbm>>)
      tpu.yield
    }) : () -> ()
    %mul3A_162 = arith.constant 640 : i32
    %mul3A_163 = arith.muli %arg1, %mul3A_162 : i32
    %add3A_164 = arith.constant 512 : i32
    %add3A_165 = arith.addi %mul3A_163, %add3A_164 : i32
    "tpu.region"() ({
      %run_scoped3A = tpu.sem_alloc : memref<!tpu.dma_semaphore, #tpu.memory_space<semaphore_mem>>
      %dma_start3A = arith.constant 0 : i32
      %dma_start3A_178 = tpu.memref_slice %arg23[%add3A_165, %dma_start3A] : memref<10240x128xf32, #tpu.memory_space<vmem_shared>> -> memref<32x128xf32, #tpu.memory_space<vmem_shared>>
      %dma_start3A_179 = arith.constant 0 : i32
      %dma_start3A_180 = tpu.memref_slice %arg23[%add3A_165, %dma_start3A_179] : memref<10240x128xf32, #tpu.memory_space<vmem_shared>> -> memref<32x128xf32, #tpu.memory_space<vmem_shared>>
      tpu.enqueue_dma source(%dma_start3A_180 : memref<32x128xf32, #tpu.memory_space<vmem_shared>>) target(%arg22 : memref<32x128xf32, #tpu.memory_space<vmem>>) target_semaphore(%run_scoped3A : memref<!tpu.dma_semaphore, #tpu.memory_space<semaphore_mem>>)
      %dma_wait3A = arith.constant 0 : i32
      %dma_wait3A_181 = tpu.memref_slice %arg23[%add3A_165, %dma_wait3A] : memref<10240x128xf32, #tpu.memory_space<vmem_shared>> -> memref<32x128xf32, #tpu.memory_space<vmem_shared>>
      %dma_wait3A_182 = arith.constant 0 : i32
      %dma_wait3A_183 = tpu.memref_slice %arg23[%add3A_165, %dma_wait3A_182] : memref<10240x128xf32, #tpu.memory_space<vmem_shared>> -> memref<32x128xf32, #tpu.memory_space<vmem_shared>>
      tpu.wait_dma2 semaphore(%run_scoped3A : memref<!tpu.dma_semaphore, #tpu.memory_space<semaphore_mem>>) src(%dma_wait3A_183 : memref<32x128xf32, #tpu.memory_space<vmem_shared>>) dst(%arg22 : memref<32x128xf32, #tpu.memory_space<vmem>>)
      tpu.yield
    }) : () -> ()
    "tpu.region"() ({
      %run_scoped3A = tpu.sem_alloc : memref<!tpu.dma_semaphore, #tpu.memory_space<semaphore_mem>>
      %dma_start3A = arith.constant 0 : i32
      %dma_start3A_178 = tpu.memref_slice %arg8[%arg0, %add3A_165, %dma_start3A] : memref<2x10240x128xf32, #tpu.memory_space<hbm>> -> memref<1x32x128xf32, #tpu.memory_space<hbm>>
      %dma_start3A_179 = tpu.memref_squeeze %dma_start3A_178 : memref<1x32x128xf32, #tpu.memory_space<hbm>> -> memref<32x128xf32, #tpu.memory_space<hbm>>
      %dma_start3A_180 = arith.constant 0 : i32
      %dma_start3A_181 = tpu.memref_slice %arg8[%arg0, %add3A_165, %dma_start3A_180] : memref<2x10240x128xf32, #tpu.memory_space<hbm>> -> memref<1x32x128xf32, #tpu.memory_space<hbm>>
      %dma_start3A_182 = tpu.memref_squeeze %dma_start3A_181 : memref<1x32x128xf32, #tpu.memory_space<hbm>> -> memref<32x128xf32, #tpu.memory_space<hbm>>
      tpu.enqueue_dma source(%arg22 : memref<32x128xf32, #tpu.memory_space<vmem>>) target(%dma_start3A_182 : memref<32x128xf32, #tpu.memory_space<hbm>>) target_semaphore(%run_scoped3A : memref<!tpu.dma_semaphore, #tpu.memory_space<semaphore_mem>>)
      %dma_wait3A = arith.constant 0 : i32
      %dma_wait3A_183 = tpu.memref_slice %arg8[%arg0, %add3A_165, %dma_wait3A] : memref<2x10240x128xf32, #tpu.memory_space<hbm>> -> memref<1x32x128xf32, #tpu.memory_space<hbm>>
      %dma_wait3A_184 = tpu.memref_squeeze %dma_wait3A_183 : memref<1x32x128xf32, #tpu.memory_space<hbm>> -> memref<32x128xf32, #tpu.memory_space<hbm>>
      %dma_wait3A_185 = arith.constant 0 : i32
      %dma_wait3A_186 = tpu.memref_slice %arg8[%arg0, %add3A_165, %dma_wait3A_185] : memref<2x10240x128xf32, #tpu.memory_space<hbm>> -> memref<1x32x128xf32, #tpu.memory_space<hbm>>
      %dma_wait3A_187 = tpu.memref_squeeze %dma_wait3A_186 : memref<1x32x128xf32, #tpu.memory_space<hbm>> -> memref<32x128xf32, #tpu.memory_space<hbm>>
      tpu.wait_dma2 semaphore(%run_scoped3A : memref<!tpu.dma_semaphore, #tpu.memory_space<semaphore_mem>>) src(%arg22 : memref<32x128xf32, #tpu.memory_space<vmem>>) dst(%dma_wait3A_187 : memref<32x128xf32, #tpu.memory_space<hbm>>)
      tpu.yield
    }) : () -> ()
    %mul3A_166 = arith.constant 640 : i32
    %mul3A_167 = arith.muli %arg1, %mul3A_166 : i32
    %add3A_168 = arith.constant 544 : i32
    %add3A_169 = arith.addi %mul3A_167, %add3A_168 : i32
    "tpu.region"() ({
      %run_scoped3A = tpu.sem_alloc : memref<!tpu.dma_semaphore, #tpu.memory_space<semaphore_mem>>
      %dma_start3A = arith.constant 0 : i32
      %dma_start3A_178 = tpu.memref_slice %arg23[%add3A_169, %dma_start3A] : memref<10240x128xf32, #tpu.memory_space<vmem_shared>> -> memref<32x128xf32, #tpu.memory_space<vmem_shared>>
      %dma_start3A_179 = arith.constant 0 : i32
      %dma_start3A_180 = tpu.memref_slice %arg23[%add3A_169, %dma_start3A_179] : memref<10240x128xf32, #tpu.memory_space<vmem_shared>> -> memref<32x128xf32, #tpu.memory_space<vmem_shared>>
      tpu.enqueue_dma source(%dma_start3A_180 : memref<32x128xf32, #tpu.memory_space<vmem_shared>>) target(%arg22 : memref<32x128xf32, #tpu.memory_space<vmem>>) target_semaphore(%run_scoped3A : memref<!tpu.dma_semaphore, #tpu.memory_space<semaphore_mem>>)
      %dma_wait3A = arith.constant 0 : i32
      %dma_wait3A_181 = tpu.memref_slice %arg23[%add3A_169, %dma_wait3A] : memref<10240x128xf32, #tpu.memory_space<vmem_shared>> -> memref<32x128xf32, #tpu.memory_space<vmem_shared>>
      %dma_wait3A_182 = arith.constant 0 : i32
      %dma_wait3A_183 = tpu.memref_slice %arg23[%add3A_169, %dma_wait3A_182] : memref<10240x128xf32, #tpu.memory_space<vmem_shared>> -> memref<32x128xf32, #tpu.memory_space<vmem_shared>>
      tpu.wait_dma2 semaphore(%run_scoped3A : memref<!tpu.dma_semaphore, #tpu.memory_space<semaphore_mem>>) src(%dma_wait3A_183 : memref<32x128xf32, #tpu.memory_space<vmem_shared>>) dst(%arg22 : memref<32x128xf32, #tpu.memory_space<vmem>>)
      tpu.yield
    }) : () -> ()
    "tpu.region"() ({
      %run_scoped3A = tpu.sem_alloc : memref<!tpu.dma_semaphore, #tpu.memory_space<semaphore_mem>>
      %dma_start3A = arith.constant 0 : i32
      %dma_start3A_178 = tpu.memref_slice %arg8[%arg0, %add3A_169, %dma_start3A] : memref<2x10240x128xf32, #tpu.memory_space<hbm>> -> memref<1x32x128xf32, #tpu.memory_space<hbm>>
      %dma_start3A_179 = tpu.memref_squeeze %dma_start3A_178 : memref<1x32x128xf32, #tpu.memory_space<hbm>> -> memref<32x128xf32, #tpu.memory_space<hbm>>
      %dma_start3A_180 = arith.constant 0 : i32
      %dma_start3A_181 = tpu.memref_slice %arg8[%arg0, %add3A_169, %dma_start3A_180] : memref<2x10240x128xf32, #tpu.memory_space<hbm>> -> memref<1x32x128xf32, #tpu.memory_space<hbm>>
      %dma_start3A_182 = tpu.memref_squeeze %dma_start3A_181 : memref<1x32x128xf32, #tpu.memory_space<hbm>> -> memref<32x128xf32, #tpu.memory_space<hbm>>
      tpu.enqueue_dma source(%arg22 : memref<32x128xf32, #tpu.memory_space<vmem>>) target(%dma_start3A_182 : memref<32x128xf32, #tpu.memory_space<hbm>>) target_semaphore(%run_scoped3A : memref<!tpu.dma_semaphore, #tpu.memory_space<semaphore_mem>>)
      %dma_wait3A = arith.constant 0 : i32
      %dma_wait3A_183 = tpu.memref_slice %arg8[%arg0, %add3A_169, %dma_wait3A] : memref<2x10240x128xf32, #tpu.memory_space<hbm>> -> memref<1x32x128xf32, #tpu.memory_space<hbm>>
      %dma_wait3A_184 = tpu.memref_squeeze %dma_wait3A_183 : memref<1x32x128xf32, #tpu.memory_space<hbm>> -> memref<32x128xf32, #tpu.memory_space<hbm>>
      %dma_wait3A_185 = arith.constant 0 : i32
      %dma_wait3A_186 = tpu.memref_slice %arg8[%arg0, %add3A_169, %dma_wait3A_185] : memref<2x10240x128xf32, #tpu.memory_space<hbm>> -> memref<1x32x128xf32, #tpu.memory_space<hbm>>
      %dma_wait3A_187 = tpu.memref_squeeze %dma_wait3A_186 : memref<1x32x128xf32, #tpu.memory_space<hbm>> -> memref<32x128xf32, #tpu.memory_space<hbm>>
      tpu.wait_dma2 semaphore(%run_scoped3A : memref<!tpu.dma_semaphore, #tpu.memory_space<semaphore_mem>>) src(%arg22 : memref<32x128xf32, #tpu.memory_space<vmem>>) dst(%dma_wait3A_187 : memref<32x128xf32, #tpu.memory_space<hbm>>)
      tpu.yield
    }) : () -> ()
    %mul3A_170 = arith.constant 640 : i32
    %mul3A_171 = arith.muli %arg1, %mul3A_170 : i32
    %add3A_172 = arith.constant 576 : i32
    %add3A_173 = arith.addi %mul3A_171, %add3A_172 : i32
    "tpu.region"() ({
      %run_scoped3A = tpu.sem_alloc : memref<!tpu.dma_semaphore, #tpu.memory_space<semaphore_mem>>
      %dma_start3A = arith.constant 0 : i32
      %dma_start3A_178 = tpu.memref_slice %arg23[%add3A_173, %dma_start3A] : memref<10240x128xf32, #tpu.memory_space<vmem_shared>> -> memref<32x128xf32, #tpu.memory_space<vmem_shared>>
      %dma_start3A_179 = arith.constant 0 : i32
      %dma_start3A_180 = tpu.memref_slice %arg23[%add3A_173, %dma_start3A_179] : memref<10240x128xf32, #tpu.memory_space<vmem_shared>> -> memref<32x128xf32, #tpu.memory_space<vmem_shared>>
      tpu.enqueue_dma source(%dma_start3A_180 : memref<32x128xf32, #tpu.memory_space<vmem_shared>>) target(%arg22 : memref<32x128xf32, #tpu.memory_space<vmem>>) target_semaphore(%run_scoped3A : memref<!tpu.dma_semaphore, #tpu.memory_space<semaphore_mem>>)
      %dma_wait3A = arith.constant 0 : i32
      %dma_wait3A_181 = tpu.memref_slice %arg23[%add3A_173, %dma_wait3A] : memref<10240x128xf32, #tpu.memory_space<vmem_shared>> -> memref<32x128xf32, #tpu.memory_space<vmem_shared>>
      %dma_wait3A_182 = arith.constant 0 : i32
      %dma_wait3A_183 = tpu.memref_slice %arg23[%add3A_173, %dma_wait3A_182] : memref<10240x128xf32, #tpu.memory_space<vmem_shared>> -> memref<32x128xf32, #tpu.memory_space<vmem_shared>>
      tpu.wait_dma2 semaphore(%run_scoped3A : memref<!tpu.dma_semaphore, #tpu.memory_space<semaphore_mem>>) src(%dma_wait3A_183 : memref<32x128xf32, #tpu.memory_space<vmem_shared>>) dst(%arg22 : memref<32x128xf32, #tpu.memory_space<vmem>>)
      tpu.yield
    }) : () -> ()
    "tpu.region"() ({
      %run_scoped3A = tpu.sem_alloc : memref<!tpu.dma_semaphore, #tpu.memory_space<semaphore_mem>>
      %dma_start3A = arith.constant 0 : i32
      %dma_start3A_178 = tpu.memref_slice %arg8[%arg0, %add3A_173, %dma_start3A] : memref<2x10240x128xf32, #tpu.memory_space<hbm>> -> memref<1x32x128xf32, #tpu.memory_space<hbm>>
      %dma_start3A_179 = tpu.memref_squeeze %dma_start3A_178 : memref<1x32x128xf32, #tpu.memory_space<hbm>> -> memref<32x128xf32, #tpu.memory_space<hbm>>
      %dma_start3A_180 = arith.constant 0 : i32
      %dma_start3A_181 = tpu.memref_slice %arg8[%arg0, %add3A_173, %dma_start3A_180] : memref<2x10240x128xf32, #tpu.memory_space<hbm>> -> memref<1x32x128xf32, #tpu.memory_space<hbm>>
      %dma_start3A_182 = tpu.memref_squeeze %dma_start3A_181 : memref<1x32x128xf32, #tpu.memory_space<hbm>> -> memref<32x128xf32, #tpu.memory_space<hbm>>
      tpu.enqueue_dma source(%arg22 : memref<32x128xf32, #tpu.memory_space<vmem>>) target(%dma_start3A_182 : memref<32x128xf32, #tpu.memory_space<hbm>>) target_semaphore(%run_scoped3A : memref<!tpu.dma_semaphore, #tpu.memory_space<semaphore_mem>>)
      %dma_wait3A = arith.constant 0 : i32
      %dma_wait3A_183 = tpu.memref_slice %arg8[%arg0, %add3A_173, %dma_wait3A] : memref<2x10240x128xf32, #tpu.memory_space<hbm>> -> memref<1x32x128xf32, #tpu.memory_space<hbm>>
      %dma_wait3A_184 = tpu.memref_squeeze %dma_wait3A_183 : memref<1x32x128xf32, #tpu.memory_space<hbm>> -> memref<32x128xf32, #tpu.memory_space<hbm>>
      %dma_wait3A_185 = arith.constant 0 : i32
      %dma_wait3A_186 = tpu.memref_slice %arg8[%arg0, %add3A_173, %dma_wait3A_185] : memref<2x10240x128xf32, #tpu.memory_space<hbm>> -> memref<1x32x128xf32, #tpu.memory_space<hbm>>
      %dma_wait3A_187 = tpu.memref_squeeze %dma_wait3A_186 : memref<1x32x128xf32, #tpu.memory_space<hbm>> -> memref<32x128xf32, #tpu.memory_space<hbm>>
      tpu.wait_dma2 semaphore(%run_scoped3A : memref<!tpu.dma_semaphore, #tpu.memory_space<semaphore_mem>>) src(%arg22 : memref<32x128xf32, #tpu.memory_space<vmem>>) dst(%dma_wait3A_187 : memref<32x128xf32, #tpu.memory_space<hbm>>)
      tpu.yield
    }) : () -> ()
    %mul3A_174 = arith.constant 640 : i32
    %mul3A_175 = arith.muli %arg1, %mul3A_174 : i32
    %add3A_176 = arith.constant 608 : i32
    %add3A_177 = arith.addi %mul3A_175, %add3A_176 : i32
    "tpu.region"() ({
      %run_scoped3A = tpu.sem_alloc : memref<!tpu.dma_semaphore, #tpu.memory_space<semaphore_mem>>
      %dma_start3A = arith.constant 0 : i32
      %dma_start3A_178 = tpu.memref_slice %arg23[%add3A_177, %dma_start3A] : memref<10240x128xf32, #tpu.memory_space<vmem_shared>> -> memref<32x128xf32, #tpu.memory_space<vmem_shared>>
      %dma_start3A_179 = arith.constant 0 : i32
      %dma_start3A_180 = tpu.memref_slice %arg23[%add3A_177, %dma_start3A_179] : memref<10240x128xf32, #tpu.memory_space<vmem_shared>> -> memref<32x128xf32, #tpu.memory_space<vmem_shared>>
      tpu.enqueue_dma source(%dma_start3A_180 : memref<32x128xf32, #tpu.memory_space<vmem_shared>>) target(%arg22 : memref<32x128xf32, #tpu.memory_space<vmem>>) target_semaphore(%run_scoped3A : memref<!tpu.dma_semaphore, #tpu.memory_space<semaphore_mem>>)
      %dma_wait3A = arith.constant 0 : i32
      %dma_wait3A_181 = tpu.memref_slice %arg23[%add3A_177, %dma_wait3A] : memref<10240x128xf32, #tpu.memory_space<vmem_shared>> -> memref<32x128xf32, #tpu.memory_space<vmem_shared>>
      %dma_wait3A_182 = arith.constant 0 : i32
      %dma_wait3A_183 = tpu.memref_slice %arg23[%add3A_177, %dma_wait3A_182] : memref<10240x128xf32, #tpu.memory_space<vmem_shared>> -> memref<32x128xf32, #tpu.memory_space<vmem_shared>>
      tpu.wait_dma2 semaphore(%run_scoped3A : memref<!tpu.dma_semaphore, #tpu.memory_space<semaphore_mem>>) src(%dma_wait3A_183 : memref<32x128xf32, #tpu.memory_space<vmem_shared>>) dst(%arg22 : memref<32x128xf32, #tpu.memory_space<vmem>>)
      tpu.yield
    }) : () -> ()
    "tpu.region"() ({
      %run_scoped3A = tpu.sem_alloc : memref<!tpu.dma_semaphore, #tpu.memory_space<semaphore_mem>>
      %dma_start3A = arith.constant 0 : i32
      %dma_start3A_178 = tpu.memref_slice %arg8[%arg0, %add3A_177, %dma_start3A] : memref<2x10240x128xf32, #tpu.memory_space<hbm>> -> memref<1x32x128xf32, #tpu.memory_space<hbm>>
      %dma_start3A_179 = tpu.memref_squeeze %dma_start3A_178 : memref<1x32x128xf32, #tpu.memory_space<hbm>> -> memref<32x128xf32, #tpu.memory_space<hbm>>
      %dma_start3A_180 = arith.constant 0 : i32
      %dma_start3A_181 = tpu.memref_slice %arg8[%arg0, %add3A_177, %dma_start3A_180] : memref<2x10240x128xf32, #tpu.memory_space<hbm>> -> memref<1x32x128xf32, #tpu.memory_space<hbm>>
      %dma_start3A_182 = tpu.memref_squeeze %dma_start3A_181 : memref<1x32x128xf32, #tpu.memory_space<hbm>> -> memref<32x128xf32, #tpu.memory_space<hbm>>
      tpu.enqueue_dma source(%arg22 : memref<32x128xf32, #tpu.memory_space<vmem>>) target(%dma_start3A_182 : memref<32x128xf32, #tpu.memory_space<hbm>>) target_semaphore(%run_scoped3A : memref<!tpu.dma_semaphore, #tpu.memory_space<semaphore_mem>>)
      %dma_wait3A = arith.constant 0 : i32
      %dma_wait3A_183 = tpu.memref_slice %arg8[%arg0, %add3A_177, %dma_wait3A] : memref<2x10240x128xf32, #tpu.memory_space<hbm>> -> memref<1x32x128xf32, #tpu.memory_space<hbm>>
      %dma_wait3A_184 = tpu.memref_squeeze %dma_wait3A_183 : memref<1x32x128xf32, #tpu.memory_space<hbm>> -> memref<32x128xf32, #tpu.memory_space<hbm>>
      %dma_wait3A_185 = arith.constant 0 : i32
      %dma_wait3A_186 = tpu.memref_slice %arg8[%arg0, %add3A_177, %dma_wait3A_185] : memref<2x10240x128xf32, #tpu.memory_space<hbm>> -> memref<1x32x128xf32, #tpu.memory_space<hbm>>
      %dma_wait3A_187 = tpu.memref_squeeze %dma_wait3A_186 : memref<1x32x128xf32, #tpu.memory_space<hbm>> -> memref<32x128xf32, #tpu.memory_space<hbm>>
      tpu.wait_dma2 semaphore(%run_scoped3A : memref<!tpu.dma_semaphore, #tpu.memory_space<semaphore_mem>>) src(%arg22 : memref<32x128xf32, #tpu.memory_space<vmem>>) dst(%dma_wait3A_187 : memref<32x128xf32, #tpu.memory_space<hbm>>)
      tpu.yield
    }) : () -> ()
    return
  }
}

module attributes {stable_mosaic.version = 14 : i64} {
  func.func @_tc_prep_body(%arg0: memref<10000x128xf32, #tpu.memory_space<vmem>>, %arg1: memref<128x256xf32, #tpu.memory_space<vmem>>, %arg2: memref<2x128xf32, #tpu.memory_space<vmem>>, %arg3: memref<2x128xf32, #tpu.memory_space<vmem>>, %arg4: memref<10000x256xf32, #tpu.memory_space<vmem>>, %arg5: memref<10000x4xf32, #tpu.memory_space<vmem>>, %arg6: memref<1x128xf32, #tpu.memory_space<vmem>>) attributes {dimension_semantics = [], scalar_prefetch = 0 : i64, scratch_operands = 0 : i64, tpu.core_type = #tpu.core_type<tc>} {
    %get3A = arith.constant 0 : index
    %get3A_0 = arith.constant 0 : index
    %get3A_1 = vector.load %arg0[%get3A, %get3A_0] : memref<10000x128xf32, #tpu.memory_space<vmem>>, vector<10000x128xf32>
    %get3A_2 = arith.constant 0 : index
    %get3A_3 = arith.constant 0 : index
    %get3A_4 = vector.load %arg1[%get3A_2, %get3A_3] : memref<128x256xf32, #tpu.memory_space<vmem>>, vector<128x256xf32>
    %dot_general3A = arith.constant dense<0.000000e+00> : vector<10000x256xf32>
    %dot_general3A_5 = tpu.matmul %get3A_1, %get3A_4, %dot_general3A {dimension_numbers = #tpu.dot_dimension_numbers<[1], [0], [0], [1], [0, 0, 1, 1], [], []>, transpose_lhs_hint = false} : vector<10000x128xf32>, vector<128x256xf32>, vector<10000x256xf32> -> vector<10000x256xf32>
    %swap3A = arith.constant 0 : index
    %swap3A_6 = arith.constant 0 : index
    %swap3A_7 = vector.load %arg4[%swap3A, %swap3A_6] : memref<10000x256xf32, #tpu.memory_space<vmem>>, vector<10000x256xf32>
    tpu.vector_store %arg4[%swap3A, %swap3A_6], %dot_general3A_5 {strides = array<i32>} : memref<10000x256xf32, #tpu.memory_space<vmem>>, vector<10000x256xf32>,
    %get3A_8 = arith.constant 0 : index
    %get3A_9 = arith.constant 0 : index
    %get3A_10 = vector.load %arg2[%get3A_8, %get3A_9] : memref<2x128xf32, #tpu.memory_space<vmem>>, vector<2x128xf32>
    %get3A_11 = arith.constant 0 : index
    %get3A_12 = arith.constant 0 : index
    %get3A_13 = vector.load %arg3[%get3A_11, %get3A_12] : memref<2x128xf32, #tpu.memory_space<vmem>>, vector<2x128xf32>
    %slice3A = vector.extract_strided_slice %dot_general3A_5 {offsets = [0, 0], sizes = [10000, 128], strides = [1, 1]} : vector<10000x256xf32> to vector<10000x128xf32>
    %slice3A_14 = vector.extract_strided_slice %get3A_10 {offsets = [0, 0], sizes = [1, 128], strides = [1, 1]} : vector<2x128xf32> to vector<1x128xf32>
    %mul3A = vector.broadcast %slice3A_14 : vector<1x128xf32> to vector<10000x128xf32>
    %mul3A_15 = arith.mulf %slice3A, %mul3A : vector<10000x128xf32>
    %reduce_sum3A = arith.constant dense<0.000000e+00> : vector<10000xf32>
    %reduce_sum3A_16 = vector.multi_reduction <add>, %mul3A_15, %reduce_sum3A [1] : vector<10000x128xf32> to vector<10000xf32>
    %broadcast_in_dim3A = vector.shape_cast %reduce_sum3A_16 : vector<10000xf32> to vector<10000x1xf32>
    %slice3A_17 = vector.extract_strided_slice %dot_general3A_5 {offsets = [0, 128], sizes = [10000, 128], strides = [1, 1]} : vector<10000x256xf32> to vector<10000x128xf32>
    %slice3A_18 = vector.extract_strided_slice %get3A_10 {offsets = [1, 0], sizes = [1, 128], strides = [1, 1]} : vector<2x128xf32> to vector<1x128xf32>
    %mul3A_19 = vector.broadcast %slice3A_18 : vector<1x128xf32> to vector<10000x128xf32>
    %mul3A_20 = arith.mulf %slice3A_17, %mul3A_19 : vector<10000x128xf32>
    %reduce_sum3A_21 = arith.constant dense<0.000000e+00> : vector<10000xf32>
    %reduce_sum3A_22 = vector.multi_reduction <add>, %mul3A_20, %reduce_sum3A_21 [1] : vector<10000x128xf32> to vector<10000xf32>
    %broadcast_in_dim3A_23 = vector.shape_cast %reduce_sum3A_22 : vector<10000xf32> to vector<10000x1xf32>
    %slice3A_24 = vector.extract_strided_slice %dot_general3A_5 {offsets = [0, 0], sizes = [10000, 128], strides = [1, 1]} : vector<10000x256xf32> to vector<10000x128xf32>
    %slice3A_25 = vector.extract_strided_slice %get3A_13 {offsets = [0, 0], sizes = [1, 128], strides = [1, 1]} : vector<2x128xf32> to vector<1x128xf32>
    %mul3A_26 = vector.broadcast %slice3A_25 : vector<1x128xf32> to vector<10000x128xf32>
    %mul3A_27 = arith.mulf %slice3A_24, %mul3A_26 : vector<10000x128xf32>
    %reduce_sum3A_28 = arith.constant dense<0.000000e+00> : vector<10000xf32>
    %reduce_sum3A_29 = vector.multi_reduction <add>, %mul3A_27, %reduce_sum3A_28 [1] : vector<10000x128xf32> to vector<10000xf32>
    %broadcast_in_dim3A_30 = vector.shape_cast %reduce_sum3A_29 : vector<10000xf32> to vector<10000x1xf32>
    %slice3A_31 = vector.extract_strided_slice %dot_general3A_5 {offsets = [0, 128], sizes = [10000, 128], strides = [1, 1]} : vector<10000x256xf32> to vector<10000x128xf32>
    %slice3A_32 = vector.extract_strided_slice %get3A_13 {offsets = [1, 0], sizes = [1, 128], strides = [1, 1]} : vector<2x128xf32> to vector<1x128xf32>
    %mul3A_33 = vector.broadcast %slice3A_32 : vector<1x128xf32> to vector<10000x128xf32>
    %mul3A_34 = arith.mulf %slice3A_31, %mul3A_33 : vector<10000x128xf32>
    %reduce_sum3A_35 = arith.constant dense<0.000000e+00> : vector<10000xf32>
    %reduce_sum3A_36 = vector.multi_reduction <add>, %mul3A_34, %reduce_sum3A_35 [1] : vector<10000x128xf32> to vector<10000xf32>
    %broadcast_in_dim3A_37 = vector.shape_cast %reduce_sum3A_36 : vector<10000xf32> to vector<10000x1xf32>
    %concatenate3A = tpu.concatenate %broadcast_in_dim3A, %broadcast_in_dim3A_23, %broadcast_in_dim3A_30, %broadcast_in_dim3A_37 in 1 : vector<10000x1xf32>, vector<10000x1xf32>, vector<10000x1xf32>, vector<10000x1xf32> -> vector<10000x4xf32>
    %swap3A_38 = arith.constant 0 : index
    %swap3A_39 = arith.constant 0 : index
    %swap3A_40 = vector.load %arg5[%swap3A_38, %swap3A_39] : memref<10000x4xf32, #tpu.memory_space<vmem>>, vector<10000x4xf32>
    tpu.vector_store %arg5[%swap3A_38, %swap3A_39], %concatenate3A {strides = array<i32>} : memref<10000x4xf32, #tpu.memory_space<vmem>>, vector<10000x4xf32>,
    %reduce_max3A = vector.shape_cast %broadcast_in_dim3A : vector<10000x1xf32> to vector<1x10000x1xf32>
    %reduce_max3A_41 = arith.constant dense<0xFF800000> : vector<1xf32>
    %reduce_max3A_42 = vector.multi_reduction <maximumf>, %reduce_max3A, %reduce_max3A_41 [1, 2] : vector<1x10000x1xf32> to vector<1xf32>
    %reduce_max3A_43 = vector.shape_cast %reduce_max3A_42 : vector<1xf32> to vector<1x1x1xf32>
    %reduce_max3A_44 = vector.extract %reduce_max3A_43[0, 0, 0] : f32 from vector<1x1x1xf32>
    %reduce_max3A_45 = vector.shape_cast %broadcast_in_dim3A_30 : vector<10000x1xf32> to vector<1x10000x1xf32>
    %reduce_max3A_46 = arith.constant dense<0xFF800000> : vector<1xf32>
    %reduce_max3A_47 = vector.multi_reduction <maximumf>, %reduce_max3A_45, %reduce_max3A_46 [1, 2] : vector<1x10000x1xf32> to vector<1xf32>
    %reduce_max3A_48 = vector.shape_cast %reduce_max3A_47 : vector<1xf32> to vector<1x1x1xf32>
    %reduce_max3A_49 = vector.extract %reduce_max3A_48[0, 0, 0] : f32 from vector<1x1x1xf32>
    %add3A = arith.addf %reduce_max3A_44, %reduce_max3A_49 : f32
    %max3A = arith.constant 0.000000e+00 : f32
    %max3A_50 = arith.maximumf %add3A, %max3A : f32
    %reduce_max3A_51 = vector.shape_cast %broadcast_in_dim3A_23 : vector<10000x1xf32> to vector<1x10000x1xf32>
    %reduce_max3A_52 = arith.constant dense<0xFF800000> : vector<1xf32>
    %reduce_max3A_53 = vector.multi_reduction <maximumf>, %reduce_max3A_51, %reduce_max3A_52 [1, 2] : vector<1x10000x1xf32> to vector<1xf32>
    %reduce_max3A_54 = vector.shape_cast %reduce_max3A_53 : vector<1xf32> to vector<1x1x1xf32>
    %reduce_max3A_55 = vector.extract %reduce_max3A_54[0, 0, 0] : f32 from vector<1x1x1xf32>
    %reduce_max3A_56 = vector.shape_cast %broadcast_in_dim3A_37 : vector<10000x1xf32> to vector<1x10000x1xf32>
    %reduce_max3A_57 = arith.constant dense<0xFF800000> : vector<1xf32>
    %reduce_max3A_58 = vector.multi_reduction <maximumf>, %reduce_max3A_56, %reduce_max3A_57 [1, 2] : vector<1x10000x1xf32> to vector<1xf32>
    %reduce_max3A_59 = vector.shape_cast %reduce_max3A_58 : vector<1xf32> to vector<1x1x1xf32>
    %reduce_max3A_60 = vector.extract %reduce_max3A_59[0, 0, 0] : f32 from vector<1x1x1xf32>
    %add3A_61 = arith.addf %reduce_max3A_55, %reduce_max3A_60 : f32
    %max3A_62 = arith.constant 0.000000e+00 : f32
    %max3A_63 = arith.maximumf %add3A_61, %max3A_62 : f32
    %iota3A = tpu.iota {dimensions = array<i32: 1>} : vector<1x128xi32>
    %lt3A = arith.constant 16 : i32
    %lt3A_64 = vector.broadcast %lt3A : i32 to vector<1x128xi32>
    %lt3A_65 = arith.cmpi slt, %iota3A, %lt3A_64 : vector<1x128xi32>
    %lt3A_66 = arith.constant 32 : i32
    %lt3A_67 = vector.broadcast %lt3A_66 : i32 to vector<1x128xi32>
    %lt3A_68 = arith.cmpi slt, %iota3A, %lt3A_67 : vector<1x128xi32>
    %jit3A = arith.constant 0.000000e+00 : f32
    %broadcast_in_dim3A_69 = vector.broadcast %max3A_63 : f32 to vector<1x128xf32>
    %broadcast_in_dim3A_70 = vector.broadcast %jit3A : f32 to vector<1x128xf32>
    %select_n3A = arith.select %lt3A_68, %broadcast_in_dim3A_69, %broadcast_in_dim3A_70 : vector<1x128xi1>, vector<1x128xf32>
    %broadcast_in_dim3A_71 = vector.broadcast %max3A_50 : f32 to vector<1x128xf32>
    %select_n3A_72 = arith.select %lt3A_65, %broadcast_in_dim3A_71, %select_n3A : vector<1x128xi1>, vector<1x128xf32>
    %swap3A_73 = arith.constant 0 : index
    %swap3A_74 = arith.constant 0 : index
    %swap3A_75 = vector.load %arg6[%swap3A_73, %swap3A_74] : memref<1x128xf32, #tpu.memory_space<vmem>>, vector<1x128xf32>
    tpu.vector_store %arg6[%swap3A_73, %swap3A_74], %select_n3A_72 {strides = array<i32>} : memref<1x128xf32, #tpu.memory_space<vmem>>, vector<1x128xf32>,
    return
  }
}

module attributes {stable_mosaic.version = 14 : i64} {
  func.func @_tc_denom_body(%arg0: memref<2x10240x16xf32, #tpu.memory_space<vmem>>, %arg1: memref<10000x4xf32, #tpu.memory_space<vmem>>, %arg2: memref<1x128xf32, #tpu.memory_space<vmem>>, %arg3: memref<10000x256xf32, #tpu.memory_space<vmem>>, %arg4: memref<1x128xf32, #tpu.memory_space<vmem>>, %arg5: memref<10000x2xf32, #tpu.memory_space<vmem>>, %arg6: memref<10000x128xf32, #tpu.memory_space<vmem>>) attributes {dimension_semantics = [], scalar_prefetch = 0 : i64, scratch_operands = 0 : i64, tpu.core_type = #tpu.core_type<tc>} {
    %get3A = arith.constant 0 : index
    %get3A_0 = arith.constant 0 : index
    %get3A_1 = arith.constant 0 : index
    %get3A_2 = vector.load %arg0[%get3A, %get3A_0, %get3A_1] : memref<2x10240x16xf32, #tpu.memory_space<vmem>>, vector<1x10240x16xf32>
    %get3A_3 = vector.shape_cast %get3A_2 : vector<1x10240x16xf32> to vector<10240x16xf32>
    %get3A_4 = arith.constant 1 : index
    %get3A_5 = arith.constant 0 : index
    %get3A_6 = arith.constant 0 : index
    %get3A_7 = vector.load %arg0[%get3A_4, %get3A_5, %get3A_6] : memref<2x10240x16xf32, #tpu.memory_space<vmem>>, vector<1x10240x16xf32>
    %get3A_8 = vector.shape_cast %get3A_7 : vector<1x10240x16xf32> to vector<10240x16xf32>
    %add3A = arith.addf %get3A_3, %get3A_8 : vector<10240x16xf32>
    %slice3A = vector.extract_strided_slice %add3A {offsets = [0, 0], sizes = [10000, 2], strides = [1, 1]} : vector<10240x16xf32> to vector<10000x2xf32>
    %get3A_9 = arith.constant 0 : index
    %get3A_10 = arith.constant 0 : index
    %get3A_11 = vector.load %arg1[%get3A_9, %get3A_10] : memref<10000x4xf32, #tpu.memory_space<vmem>>, vector<10000x4xf32>
    %get3A_12 = arith.constant 0 : index
    %get3A_13 = arith.constant 0 : index
    %get3A_14 = vector.load %arg2[%get3A_12, %get3A_13] : memref<1x128xf32, #tpu.memory_space<vmem>>, vector<1x1xf32>
    %get3A_15 = arith.constant 0 : index
    %get3A_16 = arith.constant 16 : index
    %get3A_17 = vector.load %arg2[%get3A_15, %get3A_16] : memref<1x128xf32, #tpu.memory_space<vmem>>, vector<1x1xf32>
    %concatenate3A = tpu.concatenate %get3A_14, %get3A_17 in 1 : vector<1x1xf32>, vector<1x1xf32> -> vector<1x2xf32>
    %slice3A_18 = vector.extract_strided_slice %get3A_11 {offsets = [0, 0], sizes = [10000, 2], strides = [1, 1]} : vector<10000x4xf32> to vector<10000x2xf32>
    %slice3A_19 = vector.extract_strided_slice %get3A_11 {offsets = [0, 2], sizes = [10000, 2], strides = [1, 1]} : vector<10000x4xf32> to vector<10000x2xf32>
    %add3A_20 = arith.addf %slice3A_18, %slice3A_19 : vector<10000x2xf32>
    %ge3A = arith.constant 0.000000e+00 : f32
    %ge3A_21 = vector.broadcast %ge3A : f32 to vector<10000x2xf32>
    %ge3A_22 = arith.cmpf oge, %add3A_20, %ge3A_21 : vector<10000x2xf32>
    %mul3A = arith.constant 2.000000e-01 : f32
    %mul3A_23 = vector.broadcast %mul3A : f32 to vector<10000x2xf32>
    %mul3A_24 = arith.mulf %add3A_20, %mul3A_23 : vector<10000x2xf32>
    %select_n3A = arith.select %ge3A_22, %add3A_20, %mul3A_24 : vector<10000x2xi1>, vector<10000x2xf32>
    %sub3A = vector.broadcast %concatenate3A : vector<1x2xf32> to vector<10000x2xf32>
    %sub3A_25 = arith.subf %select_n3A, %sub3A : vector<10000x2xf32>
    %exp3A = math.exp %sub3A_25 : vector<10000x2xf32>
    %add3A_26 = arith.addf %slice3A, %exp3A : vector<10000x2xf32>
    %div3A = arith.constant 5.000000e-01 : f32
    %div3A_27 = vector.broadcast %div3A : f32 to vector<10000x2xf32>
    %div3A_28 = arith.divf %div3A_27, %add3A_26 : vector<10000x2xf32>
    %swap3A = arith.constant 0 : index
    %swap3A_29 = arith.constant 0 : index
    %swap3A_30 = vector.load %arg5[%swap3A, %swap3A_29] : memref<10000x2xf32, #tpu.memory_space<vmem>>, vector<10000x2xf32>
    tpu.vector_store %arg5[%swap3A, %swap3A_29], %div3A_28 {strides = array<i32>} : memref<10000x2xf32, #tpu.memory_space<vmem>>, vector<10000x2xf32>,
    %get3A_31 = arith.constant 0 : index
    %get3A_32 = arith.constant 0 : index
    %get3A_33 = vector.load %arg3[%get3A_31, %get3A_32] : memref<10000x256xf32, #tpu.memory_space<vmem>>, vector<10000x256xf32>
    %slice3A_34 = vector.extract_strided_slice %exp3A {offsets = [0, 0], sizes = [10000, 1], strides = [1, 1]} : vector<10000x2xf32> to vector<10000x1xf32>
    %slice3A_35 = vector.extract_strided_slice %div3A_28 {offsets = [0, 0], sizes = [10000, 1], strides = [1, 1]} : vector<10000x2xf32> to vector<10000x1xf32>
    %mul3A_36 = arith.mulf %slice3A_34, %slice3A_35 : vector<10000x1xf32>
    %slice3A_37 = vector.extract_strided_slice %get3A_33 {offsets = [0, 0], sizes = [10000, 128], strides = [1, 1]} : vector<10000x256xf32> to vector<10000x128xf32>
    %mul3A_38 = vector.broadcast %mul3A_36 : vector<10000x1xf32> to vector<10000x128xf32>
    %mul3A_39 = arith.mulf %mul3A_38, %slice3A_37 : vector<10000x128xf32>
    %slice3A_40 = vector.extract_strided_slice %exp3A {offsets = [0, 1], sizes = [10000, 1], strides = [1, 1]} : vector<10000x2xf32> to vector<10000x1xf32>
    %slice3A_41 = vector.extract_strided_slice %div3A_28 {offsets = [0, 1], sizes = [10000, 1], strides = [1, 1]} : vector<10000x2xf32> to vector<10000x1xf32>
    %mul3A_42 = arith.mulf %slice3A_40, %slice3A_41 : vector<10000x1xf32>
    %slice3A_43 = vector.extract_strided_slice %get3A_33 {offsets = [0, 128], sizes = [10000, 128], strides = [1, 1]} : vector<10000x256xf32> to vector<10000x128xf32>
    %mul3A_44 = vector.broadcast %mul3A_42 : vector<10000x1xf32> to vector<10000x128xf32>
    %mul3A_45 = arith.mulf %mul3A_44, %slice3A_43 : vector<10000x128xf32>
    %add3A_46 = arith.addf %mul3A_39, %mul3A_45 : vector<10000x128xf32>
    %get3A_47 = arith.constant 0 : index
    %get3A_48 = arith.constant 0 : index
    %get3A_49 = vector.load %arg4[%get3A_47, %get3A_48] : memref<1x128xf32, #tpu.memory_space<vmem>>, vector<1x128xf32>
    %add3A_50 = vector.broadcast %get3A_49 : vector<1x128xf32> to vector<10000x128xf32>
    %add3A_51 = arith.addf %add3A_46, %add3A_50 : vector<10000x128xf32>
    %swap3A_52 = arith.constant 0 : index
    %swap3A_53 = arith.constant 0 : index
    %swap3A_54 = vector.load %arg6[%swap3A_52, %swap3A_53] : memref<10000x128xf32, #tpu.memory_space<vmem>>, vector<10000x128xf32>
    tpu.vector_store %arg6[%swap3A_52, %swap3A_53], %add3A_51 {strides = array<i32>} : memref<10000x128xf32, #tpu.memory_space<vmem>>, vector<10000x128xf32>,
    return
  }
}

module attributes {stable_mosaic.version = 14 : i64} {
  func.func @_tc_pool_body(%arg0: memref<10000x128xf32, #tpu.memory_space<vmem>>, %arg1: memref<2x10240x128xf32, #tpu.memory_space<vmem>>, %arg2: memref<1x10000xi32, #tpu.memory_space<vmem>>, %arg3: memref<10000x128xf32, #tpu.memory_space<vmem>>, %arg4: memref<256x128xf32, #tpu.memory_space<vmem>>) attributes {dimension_semantics = [], scalar_prefetch = 0 : i64, scratch_operands = 0 : i64, tpu.core_type = #tpu.core_type<tc>} {
    %get3A = arith.constant 0 : index
    %get3A_0 = arith.constant 0 : index
    %get3A_1 = vector.load %arg0[%get3A, %get3A_0] : memref<10000x128xf32, #tpu.memory_space<vmem>>, vector<10000x128xf32>
    %get3A_2 = arith.constant 0 : index
    %get3A_3 = arith.constant 0 : index
    %get3A_4 = arith.constant 0 : index
    %get3A_5 = vector.load %arg1[%get3A_2, %get3A_3, %get3A_4] : memref<2x10240x128xf32, #tpu.memory_space<vmem>>, vector<1x10000x128xf32>
    %get3A_6 = vector.shape_cast %get3A_5 : vector<1x10000x128xf32> to vector<10000x128xf32>
    %add3A = arith.addf %get3A_1, %get3A_6 : vector<10000x128xf32>
    %get3A_7 = arith.constant 1 : index
    %get3A_8 = arith.constant 0 : index
    %get3A_9 = arith.constant 0 : index
    %get3A_10 = vector.load %arg1[%get3A_7, %get3A_8, %get3A_9] : memref<2x10240x128xf32, #tpu.memory_space<vmem>>, vector<1x10000x128xf32>
    %get3A_11 = vector.shape_cast %get3A_10 : vector<1x10000x128xf32> to vector<10000x128xf32>
    %add3A_12 = arith.addf %add3A, %get3A_11 : vector<10000x128xf32>
    %swap3A = arith.constant 0 : index
    %swap3A_13 = arith.constant 0 : index
    %swap3A_14 = vector.load %arg3[%swap3A, %swap3A_13] : memref<10000x128xf32, #tpu.memory_space<vmem>>, vector<10000x128xf32>
    tpu.vector_store %arg3[%swap3A, %swap3A_13], %add3A_12 {strides = array<i32>} : memref<10000x128xf32, #tpu.memory_space<vmem>>, vector<10000x128xf32>,
    %get3A_15 = arith.constant 0 : index
    %get3A_16 = arith.constant 0 : index
    %get3A_17 = vector.load %arg2[%get3A_15, %get3A_16] : memref<1x10000xi32, #tpu.memory_space<vmem>>, vector<1x10000xi32>
    %iota3A = tpu.iota {dimensions = array<i32: 0>} : vector<256x10000xi32>
    %eq3A = vector.broadcast %get3A_17 : vector<1x10000xi32> to vector<256x10000xi32>
    %eq3A_18 = arith.cmpi eq, %eq3A, %iota3A : vector<256x10000xi32>
    %convert_element_type3A = arith.extui %eq3A_18 : vector<256x10000xi1> to vector<256x10000xi32>
    %convert_element_type3A_19 = arith.sitofp %convert_element_type3A : vector<256x10000xi32> to vector<256x10000xf32>
    %reduce_sum3A = arith.constant dense<0.000000e+00> : vector<256xf32>
    %reduce_sum3A_20 = vector.multi_reduction <add>, %convert_element_type3A_19, %reduce_sum3A [1] : vector<256x10000xf32> to vector<256xf32>
    %broadcast_in_dim3A = vector.shape_cast %reduce_sum3A_20 : vector<256xf32> to vector<256x1xf32>
    %dot_general3A = arith.constant dense<0.000000e+00> : vector<256x128xf32>
    %dot_general3A_21 = tpu.matmul %convert_element_type3A_19, %add3A_12, %dot_general3A {dimension_numbers = #tpu.dot_dimension_numbers<[1], [0], [0], [1], [0, 0, 1, 1], [], []>, transpose_lhs_hint = false} : vector<256x10000xf32>, vector<10000x128xf32>, vector<256x128xf32> -> vector<256x128xf32>
    %max3A = arith.constant 1.000000e+00 : f32
    %max3A_22 = vector.broadcast %max3A : f32 to vector<256x1xf32>
    %max3A_23 = arith.maximumf %broadcast_in_dim3A, %max3A_22 : vector<256x1xf32>
    %div3A = vector.broadcast %max3A_23 : vector<256x1xf32> to vector<256x128xf32>
    %div3A_24 = arith.divf %dot_general3A_21, %div3A : vector<256x128xf32>
    %swap3A_25 = arith.constant 0 : index
    %swap3A_26 = arith.constant 0 : index
    %swap3A_27 = vector.load %arg4[%swap3A_25, %swap3A_26] : memref<256x128xf32, #tpu.memory_space<vmem>>, vector<256x128xf32>
    tpu.vector_store %arg4[%swap3A_25, %swap3A_26], %div3A_24 {strides = array<i32>} : memref<256x128xf32, #tpu.memory_space<vmem>>, vector<256x128xf32>,
    return
  }
}

</mosaic_0001>

<sc_bundles>
// kernel: kernel.10.cloned.1.call-start
scs
__scs_entry_jumppad:
0x0: {  	(pc) =	sbr.rel $0x88, $3  }
0x1: {  	(tag) =	ssettag $0x0;
	lr =	simm.s32 $0x1  }
0x2: {  	[smem:$0x3F9A] =	sst lr;
	_ =	strace $0xD0000000  }
0x3: {  	_ = 	snop  }
0x4: {  	_ = 	snop  }
0x5: {  	_ = 	snop  }
0x6: {  	_ = 	snop  }
0x7: {  	_ = 	snop  }
__scs_overlays_trampoline_lowered:
0x8: {  	[smem:$0x3FA9] =	sst s0  }
0x9: {  	[smem:$0x3FAA] =	sst s1  }
0xa: {  	[smem:$0x3FAB] =	sst s2  }
0xb: {  	[smem:$0x3FAC] =	sst s3  }
0xc: {  	[smem:$0x3FAD] =	sst s4  }
0xd: {  	[smem:$0x3FAE] =	sst s5  }
0xe: {  	[smem:$0x3FAF] =	sst s6  }
0xf: {  	[smem:$0x3FB0] =	sst s7  }
0x10: {  	[smem:$0x3FB1] =	sst s8  }
0x11: {  	[smem:$0x3FB2] =	sst s9;
	s0 =	simm.s32 @!p0 $0x0  }
0x12: {  	s1 =	sld [smem:$0x3F98];
	s0 =	simm.s32 @p0 $0x1  }
0x13: {  	[smem:$0x3FB3] =	sst s0;
	s0 =	simm.s32 @!p1 $0x0  }
0x14: {  	s2 =	sld [smem:$0x3F97];
	s0 =	simm.s32 @p1 $0x1  }
0x15: {  	[smem:$0x3FB4] =	sst s0;
	s0 =	simm.s32 @!p2 $0x0  }
0x16: {  	s3 =	sld [smem:$0x3FDB];
	s0 =	simm.s32 @p2 $0x1  }
0x17: {  	s4 =	simm.s32 $0x1BF5;
	[smem:$0x3FB6] =	sst s0  }
0x18: {  	s0 =	sld [smem:$0x3F99];
	_ =	swait.ge [sflag:s4], $0x0  }
0x19: {  	s7 =	sld [smem:$0x3F9A]  }
0x1a: {  	s8 =	sadd.s32 $0xFFFFE003, lr  }
0x1b: {  	s9 =	sadd.s32 $0xFFFFFEF7, lr;
	s5 =	simm.s32 $0xFFFFFFFF;
	p2 =	slt.u32 s8, $0xFFFFF086  }
0x1c: {  	p1 =	slt.u32 s9, $0xF7A;
	s5 =	simm.s32 @!p2 $0x0  }
0x1d: {  	s5 =	simm.s32 @p1 $0x1;
	p0 =	seq.s32 s7, s2  }
0x1e: {  	s7 =	smul.u32 @!p0 $0xF7A, s2;
	p2 =	seq.s32 @!p0 s5, $0x0  }
0x1f: {  	s9 =	smul.u32 $0xF7A, s1;
	s8 =	simm.s32 @!p0 $0x1BF5;
	p2 =	por !p2, p0  }
0x20: {  	[sflag:s8] =	ssyncset.s32 @!p0 $0xFFFFF086;
	s6 =	sadd.s32 @!p0 s3, s7;
	s7 =	simm.s32 @!p0 $0x108  }
0x21: {  	s3 =	sadd.s32 s3, s9;
	s6 =	sadd.s32 @!p0 $0x88, s6;
	s7 =	simm.s32 @p2 $0x1082  }
0x22: {  	[simem:s7], [sflag:s8] =	dma.local @!p0 [hbm:s6], $0xF7A  }
0x23: {  	s9 =	sor.u32 $0xD0000000, s2;
	s6 =	simm.s32 $0x108;
	_ =	swait.ge @!p0 [sflag:s8], $0x0  }
0x24: {  	s3 =	sadd.s32 $0x88, s3;
	s6 =	simm.s32 @!p1 $0x1082;
	[sflag:s4] =	ssyncset.s32 $0xFFFFF086  }
0x25: {  	[simem:s6], [sflag:s4] =	dma.local [hbm:s3], $0xF7A  }
0x26: {  	[smem:$0x3F9A] =	sst s1;
	(tag) =	ssettag s2;
	_ =	strace s9  }
0x27: {  	s1 =	sld [smem:$0x3FAA]  }
0x28: {  	s2 =	sld [smem:$0x3FAB]  }
0x29: {  	s4 =	sld [smem:$0x3FAD]  }
0x2a: {  	p0 =	seq.s32 s5, $0x0;
	s5 =	sld [smem:$0x3FAE]  }
0x2b: {  	s6 =	sld [smem:$0x3FAF]  }
0x2c: {  	s7 =	sld [smem:$0x3FB0]  }
0x2d: {  	s3 =	simm.s32 $0x108;
	s8 =	sld [smem:$0x3FB1]  }
0x2e: {  	s3 =	simm.s32 @!p0 $0x1082;
	s9 =	sld [smem:$0x3FB2]  }
0x2f: {  	lr =	sadd.s32 s0, s3;
	s0 =	sld [smem:$0x3FA9]  }
0x30: {  	s3 =	sld [smem:$0x3FAC]  }
0x31: {  	[smem:$0x3FB5] =	sst s10  }
0x32: {  	s10 =	sld [smem:$0x3FB3];
	_ =	sdelay $0x3  }
0x33: {  	p0 =	seq.s32 s10, $0x1;
	s10 =	sld [smem:$0x3FB5];
	_ =	sdelay $0x3  }
0x34: {  	[smem:$0x3FB5] =	sst s10  }
0x35: {  	s10 =	sld [smem:$0x3FB4];
	_ =	sdelay $0x3  }
0x36: {  	p1 =	seq.s32 s10, $0x1;
	s10 =	sld [smem:$0x3FB5];
	_ =	sdelay $0x3  }
0x37: {  	[smem:$0x3FB5] =	sst s10  }
0x38: {  	s10 =	sld [smem:$0x3FB6]  }
0x39: {  	_ = 	snop;
	(pc) =	sbr.ind lr, $3  }
0x3a: {  	_ = 	snop  }
0x3b: {  	_ = 	snop  }
0x3c: {  	p2 =	seq.s32 s10, $0x1;
	s10 =	sld [smem:$0x3FB5]  }
0x3d: {  	_ =	shalt  }
0x3e: {  	_ =	shalt  }
0x3f: {  	_ =	shalt  }
0x40: {  	_ =	shalt  }
0x41: {  	_ =	shalt  }
0x42: {  	_ =	shalt  }
0x43: {  	_ =	shalt  }
0x44: {  	_ =	shalt  }
0x45: {  	_ =	shalt  }
0x46: {  	_ =	shalt  }
0x47: {  	_ =	shalt  }
0x48: {  	_ =	shalt  }
0x49: {  	_ =	shalt  }
0x4a: {  	_ =	shalt  }
0x4b: {  	_ =	shalt  }
0x4c: {  	_ =	shalt  }
0x4d: {  	_ =	shalt  }
0x4e: {  	_ =	shalt  }
0x4f: {  	_ =	shalt  }
0x50: {  	_ =	shalt  }
0x51: {  	_ =	shalt  }
0x52: {  	_ =	shalt  }
0x53: {  	_ =	shalt  }
0x54: {  	_ =	shalt  }
0x55: {  	_ =	shalt  }
0x56: {  	_ =	shalt  }
0x57: {  	_ =	shalt  }
0x58: {  	_ =	shalt  }
0x59: {  	_ =	shalt  }
0x5a: {  	_ =	shalt  }
0x5b: {  	_ =	shalt  }
0x5c: {  	_ =	shalt  }
0x5d: {  	_ =	shalt  }
0x5e: {  	_ =	shalt  }
0x5f: {  	_ =	shalt  }
0x60: {  	_ =	shalt  }
0x61: {  	_ =	shalt  }
0x62: {  	_ =	shalt  }
0x63: {  	_ =	shalt  }
0x64: {  	_ =	shalt  }
0x65: {  	_ =	shalt  }
0x66: {  	_ =	shalt  }
0x67: {  	_ =	shalt  }
0x68: {  	_ =	shalt  }
0x69: {  	_ =	shalt  }
0x6a: {  	_ =	shalt  }
0x6b: {  	_ =	shalt  }
0x6c: {  	_ =	shalt  }
0x6d: {  	_ =	shalt  }
0x6e: {  	_ =	shalt  }
0x6f: {  	_ =	shalt  }
0x70: {  	_ =	shalt  }
0x71: {  	_ =	shalt  }
0x72: {  	_ =	shalt  }
0x73: {  	_ =	shalt  }
0x74: {  	_ =	shalt  }
0x75: {  	_ =	shalt  }
0x76: {  	_ =	shalt  }
0x77: {  	_ =	shalt  }
0x78: {  	_ =	shalt  }
0x79: {  	_ =	shalt  }
0x7a: {  	_ =	shalt  }
0x7b: {  	_ =	shalt  }
0x7c: {  	_ =	shalt  }
0x7d: {  	_ =	shalt  }
0x7e: {  	_ =	shalt  }
0x7f: {  	_ =	shalt  }
0x80: {  	_ =	shalt  }
0x81: {  	_ =	shalt  }
0x82: {  	_ =	shalt  }
0x83: {  	_ =	shalt  }
0x84: {  	_ =	shalt  }
0x85: {  	_ =	shalt  }
0x86: {  	_ =	shalt  }
0x87: {  	_ =	shalt  }
.Lfunc_end0:
.L_simem_size_0:
called_computation.1_lowered:
.L_overlay_start_0:
0x88: {  	s2 =	sld [smem:$0x3FD9]  }
0x89: {  	s3 =	sld [smem:$0x3FFE];
	_ =	sdelay $0x1  }
0x8a: {  	s1 =	srdreg.scid  }
0x8b: {  	s0 =	sand.u32 $0x1, s1  }
0x8c: {  	s14 =	sshll.u32 s0, $0xA;
	s2 =	sadd.s32 s3, s2  }
0x8d: {  	s2 =	sadd.s32 s2, s14  }
0x8e: {  	[smem:$0x3FC1] =	sst s2  }
0x8f: {  	_ = 	snop  }
0x90: {  	s2 =	sld [smem:$0x3FD0];
	_ =	sdelay $0x2  }
0x91: {  	s15 =	simm.s32 $0xA;
	s4 =	simm.s32 $0x10  }
0x92: {  	[smem:s4], [sflag:s15] =	dma.local [hbm:s2], $0x1  }
0x93: {  	_ =	swait.eq [sflag:s15], $0x1  }
0x94: {  	[sflag:s15] =	ssyncset.done $0x0  }
0x95: {  	s16 =	sld [smem:$0x10];
	[sflag:s15] =	ssyncadd.s32 $0xFFFFFFFF  }
0x96: {  	s17 =	sld [smem:$0x11];
	(tm) =	ssettm $0x1  }
0x97: {  	s18 =	sld [smem:$0x3FFB];
	_ =	sdelay $0x3  }
0x98: {  	_ =	strace s18  }
0x99: {  	s4 =	sld [smem:$0x3FFC];
	_ =	sdelay $0x3  }
0x9a: {  	_ =	strace s4  }
0x9b: {  	s4 =	sld [smem:$0x3FFD];
	_ =	sdelay $0x3  }
0x9c: {  	_ =	strace s4  }
0x9d: {  	_ =	strace $0x8FFFFFFF  }
0x9e: {  	s19 =	sld [smem:$0x3FDB];
	_ =	sdelay $0x1  }
0x9f: {  	s5 =	simm.s32 $_scs_section_size  }
0xa0: {  	s6 =	simm.s32 $_size__tile_overlayer_lowered;
	s7 =	simm.s32 $_tile_overlayer_lowered  }
0xa1: {  	s22 =	simm.s32 $0x1BFF;
	s21 =	sshll.u32 s7, $0x1;
	s4 =	sadd.s32 s5, s19  }
0xa2: {  	s8 =	simm.s32 $0x0;
	s20 =	sshll.u32 s6, $0x1;
	s6 =	sadd.s32 s21, s4  }
0xa3: {  	[timem:s8], [sflag:s22] =	dma.local [hbm:s6], s20  }
0xa4: {  	_ =	swait.ge [sflag:s22], s20  }
0xa5: {  	s5 =	ssub.s32 $0x0, s20;
	[sflag:s22] =	ssyncset.done $0x0  }
0xa6: {  	[sflag:s22] =	ssyncadd.s32 s5;
	_ =	sdelay $0x1  }
0xa7: {  	s23 =	simm.s32 $0x1B8B  }
0xa8: {  	_ =	swait.ge [sflag:s23], $0x1  }
0xa9: {  	[sflag:s23] =	ssyncset.done $0x0  }
0xaa: {  	s25 =	simm.s32 $0x1B8E;
	s24 =	sld [smem:$0x3FFE];
	[sflag:s23] =	ssyncadd.s32 $0xFFFFFFFF  }
0xab: {  	s26 =	simm.s32 $execute0_lowered;
	[smem:$0x3FD2] =	sst s25  }
0xac: {  	s6 =	sshll.u32 s26, $0x1;
	_ =	strace $0x80000049;
	[dreg:$0x1] =	wrdreg $0xFFFFFFFF  }
0xad: {  	s28 =	simm.s32 $_size_execute0_lowered;
	s4 =	sadd.s32 s4, s6;
	[dreg:$0x0] =	wrdreg $0x0  }
0xae: {  	s6 =	sshll.u32 s28, $0x1;
	[dreg:$0x2] =	wrdreg s4  }
0xaf: {  	[dreg:$0x3] =	wrdreg s6  }
0xb0: {  	[dreg:$0x4] =	wrdreg $0xC0  }
0xb1: {  	_ =	task [dreg:s8], $0x5FFFF  }
0xb2: {  	[dreg:$0x1] =	wrdreg $0xFFFFFFFF  }
0xb3: {  	[dreg:$0x0] =	wrdreg $0x60  }
0xb4: {  	[dreg:$0x2] =	wrdreg s16  }
0xb5: {  	[dreg:$0x3] =	wrdreg s24  }
0xb6: {  	[dreg:$0x4] =	wrdreg s17  }
0xb7: {  	[dreg:$0x5] =	wrdreg $0xAEE00  }
0xb8: {  	[dreg:$0x6] =	wrdreg $0x9  }
0xb9: {  	_ =	task.clear_ibuf [dreg:s8], $0x7FFFF;
	_ =	strace $0x90000049  }
0xba: {  	s29 =	simm.s32 $0x9;
	_ =	strace $0x8000004B  }
0xbb: {  	_ =	swait.ge [sflag:s29], $0x1  }
0xbc: {  	[sflag:s29] =	ssyncadd.s32 $0xFFFFFFFF  }
0xbd: {  	_ =	strace $0x9000004B  }
0xbe: {  	_ =	sfence  }
0xbf: {  	s30 =	sld [smem:$0x0];
	_ =	sdelay $0x2  }
0xc0: {  	s31 =	sshll.u32 s1, $0xD;
	s1 =	sshrl.u32 s1, $0x2  }
0xc1: {  	s3 =	sand.u32 $0x4000, s31;
	s1 =	sadd.s32 s1, s30  }
0xc2: {  	s0 =	sor.u32 s3, s0;
	s1 =	sshll.u32 s1, $0x11  }
0xc3: {  	s0 =	sor.u32 s1, s0  }
0xc4: {  	s0 =	sadd.s32 $0x8F2B, s0  }
0xc5: {  	[sflag:s0] =	ssyncadd.remote.s32 $0x1  }
0xc6: {  	_ =	sfence.sel $0xFFFF  }
0xc7: {  	[dreg:$0x0] =	wrdreg $0xFFFFFFFF;
	(pc) =	sbr.abs _section_cstart, $3  }
0xc8: {  	[dreg:$0x1] =	wrdreg $0xFFFFFFFF  }
0xc9: {  	_ =	task.clear_ibuf [dreg:s8], $0x2FFFF;
	_ =	strace $0x9FFFFFFF  }
0xca: {  	(tm) =	ssettm $0x7FFFFFFF  }
0xcb: {  	_ =	shalt  }
tec
execute0_lowered:
.L_overlay_start_1:
0x0: {  	(tag) =	ssettag $0x1  }
0x1: {  	s0 =	srdreg.scid  }
0x2: {  	s1 =	rddreg [dreg:$0x1];
	s28 =	stileid.u32;
	s4 =	simm.s32 $0x0  }
0x3: {  	s3 =	sand.u32 $0x1, s0;
	s2 =	smul.u32 $0x14000, s28;
	[smem:$0x7FF] =	sst s4  }
0x4: {  	s13 =	sadd.s32 $0xC7600, s1;
	s0 =	ssub.s32 $0x2, s3;
	s14 =	smul.u32 $0x140000, s3  }
0x5: {  	s20 =	sshrl.u32 s0, $0x1;
	s4 =	sor.u32 $0x1000, s2;
	s5 =	sor.u32 $0x2000, s2  }
0x6: {  	s6 =	sor.u32 $0x3000, s2;
	s7 =	sadd.s32 $0x4000, s2;
	s8 =	sadd.s32 $0x5000, s2  }
0x7: {  	s9 =	sadd.s32 $0x6000, s2;
	s10 =	sadd.s32 $0x7000, s2;
	s11 =	sadd.s32 $0x8000, s2  }
0x8: {  	s12 =	sadd.s32 $0x9000, s2;
	s0 =	ssub.s32 s0, s20;
	s15 =	sadd.s32 s2, s14  }
0x9: {  	s16 =	sadd.s32 s14, s4;
	s17 =	sadd.s32 s14, s5;
	s24 =	sadd.s32 s14, s6  }
0xa: {  	s25 =	sadd.s32 s14, s7;
	s26 =	sadd.s32 s14, s8;
	s20 =	sadd.s32 s14, s9  }
0xb: {  	s15 =	sshrl.u32 s15, $0x3;
	s21 =	sshrl.u32 s16, $0x3;
	s22 =	sshrl.u32 s17, $0x3  }
0xc: {  	s16 =	sshrl.u32 s25, $0x3;
	s18 =	sshrl.u32 s26, $0x3;
	s15 =	sadd.s32 s13, s15  }
0xd: {  	s26 =	sadd.s32 s14, s12;
	s23 =	sadd.s32 s13, s22;
	[dreg:$0x5] =	wrdreg s15  }
0xe: {  	s19 =	sadd.s32 s13, s18;
	s22 =	sadd.s32 s14, s11;
	[dreg:$0x7] =	wrdreg s23  }
0xf: {  	s17 =	sshrl.u32 s26, $0x3;
	s15 =	sadd.s32 s13, s21;
	[dreg:$0xa] =	wrdreg s19  }
0x10: {  	s17 =	sadd.s32 s13, s17;
	[dreg:$0x6] =	wrdreg s15;
	s15 =	sshrl.u32 s24, $0x3  }
0x11: {  	s21 =	sadd.s32 s14, s10;
	[dreg:$0xe] =	wrdreg s17;
	s15 =	sadd.s32 s13, s15  }
0x12: {  	s23 =	sshrl.u32 s21, $0x3;
	[dreg:$0x8] =	wrdreg s15;
	s15 =	sadd.s32 s13, s16  }
0x13: {  	s24 =	sshrl.u32 s22, $0x3;
	[dreg:$0x9] =	wrdreg s15;
	s15 =	sshrl.u32 s20, $0x3  }
0x14: {  	s25 =	sadd.s32 s13, s24;
	s16 =	sadd.s32 $0xB000, s2;
	s15 =	sadd.s32 s13, s15  }
0x15: {  	s19 =	sadd.s32 s14, s16;
	[dreg:$0xb] =	wrdreg s15;
	s15 =	sadd.s32 s13, s23  }
0x16: {  	s20 =	sshrl.u32 s19, $0x3;
	[dreg:$0xc] =	wrdreg s15;
	s15 =	sadd.s32 $0xA000, s2  }
0x17: {  	s19 =	sadd.s32 $0xE000, s2;
	s17 =	sadd.s32 s13, s20;
	s18 =	sadd.s32 s14, s15  }
0x18: {  	[dreg:$0x10] =	wrdreg s17;
	s17 =	sadd.s32 $0xC000, s2;
	s18 =	sshrl.u32 s18, $0x3  }
0x19: {  	s22 =	sadd.s32 s14, s19;
	s20 =	sadd.s32 s14, s17;
	s18 =	sadd.s32 s13, s18  }
0x1a: {  	s20 =	sshrl.u32 s20, $0x3;
	[dreg:$0xf] =	wrdreg s18;
	s18 =	sadd.s32 $0xD000, s2  }
0x1b: {  	s23 =	sshrl.u32 s22, $0x3;
	s20 =	sadd.s32 s13, s20;
	s21 =	sadd.s32 s14, s18  }
0x1c: {  	[dreg:$0x11] =	wrdreg s20;
	s20 =	sadd.s32 s13, s23;
	s21 =	sshrl.u32 s21, $0x3  }
0x1d: {  	[dreg:$0x13] =	wrdreg s20;
	s20 =	sadd.s32 $0xF000, s2;
	s21 =	sadd.s32 s13, s21  }
0x1e: {  	s23 =	sadd.s32 s14, s20;
	[dreg:$0x12] =	wrdreg s21;
	s21 =	sadd.s32 $0x10000, s2  }
0x1f: {  	[dreg:$0xd] =	wrdreg s25;
	s23 =	sshrl.u32 s23, $0x3;
	s24 =	sadd.s32 s14, s21  }
0x20: {  	s22 =	sadd.s32 $0x11000, s2;
	s23 =	sadd.s32 s13, s23;
	s24 =	sshrl.u32 s24, $0x3  }
0x21: {  	s25 =	sadd.s32 s14, s22;
	[dreg:$0x14] =	wrdreg s23;
	s24 =	sadd.s32 s13, s24  }
0x22: {  	s25 =	sshrl.u32 s25, $0x3;
	[dreg:$0x15] =	wrdreg s24;
	s24 =	sadd.s32 $0x12000, s2  }
0x23: {  	s23 =	sadd.s32 s13, s25;
	s25 =	sadd.s32 $0x13000, s2;
	s26 =	sadd.s32 s14, s24  }
0x24: {  	[dreg:$0x16] =	wrdreg s23;
	s14 =	sadd.s32 s14, s25;
	s26 =	sshrl.u32 s26, $0x3  }
0x25: {  	s23 =	rddreg [dreg:$0x3];
	s14 =	sshrl.u32 s14, $0x3;
	s26 =	sadd.s32 s13, s26  }
0x26: {  	s13 =	sadd.s32 s13, s14;
	[dreg:$0x17] =	wrdreg s26  }
0x27: {  	s14 =	sadd.s32 $0x51400, s1;
	[dreg:$0x18] =	wrdreg s13  }
0x28: {  	s26 =	sadd.s32 $0x65400, s1;
	_ =	strace $0x8000004A;
	[dreg:$0x19] =	wrdreg s14  }
0x29: {  	s25 =	sadd.s32 s25, s23;
	[dreg:$0x1a] =	wrdreg s26  }
0x2a: {  	s0 =	smax.u32 s0, $0x1;
	[smem:$0x7EC] =	sst s25  }
0x2b: {  	s2 =	sadd.s32 s2, s23;
	[smem:$0x7EE] =	sst s0  }
0x2c: {  	s4 =	sadd.s32 s4, s23;
	[dreg:$0x1c] =	wrdreg s2  }
0x2d: {  	s5 =	sadd.s32 s5, s23;
	[dreg:$0x1d] =	wrdreg s4  }
0x2e: {  	s13 =	sadd.s32 s6, s23;
	[dreg:$0x1e] =	wrdreg s5  }
0x2f: {  	s9 =	sadd.s32 s9, s23;
	[dreg:$0x1f] =	wrdreg s13  }
0x30: {  	s11 =	sadd.s32 s11, s23;
	[smem:$0x7F1] =	sst s9  }
0x31: {  	s12 =	sadd.s32 s12, s23;
	[smem:$0x7F3] =	sst s11  }
0x32: {  	s15 =	sadd.s32 s15, s23;
	[smem:$0x7F4] =	sst s12  }
0x33: {  	s16 =	sadd.s32 s16, s23;
	[smem:$0x7F5] =	sst s15  }
0x34: {  	s17 =	sadd.s32 s17, s23;
	[smem:$0x7F6] =	sst s16  }
0x35: {  	s18 =	sadd.s32 s18, s23;
	[smem:$0x7F7] =	sst s17  }
0x36: {  	s30 =	sadd.s32 $0x79400, s1;
	s19 =	sadd.s32 s19, s23;
	[smem:$0x7F8] =	sst s18  }
0x37: {  	s3 =	sshll.u32 s3, $0x4;
	s20 =	sadd.s32 s20, s23;
	[smem:$0x7F9] =	sst s19  }
0x38: {  	s29 =	sadd.s32 s21, s23;
	s22 =	sadd.s32 s22, s23;
	[smem:$0x7FA] =	sst s20  }
0x39: {  	s21 =	simm.s32 $0x20;
	s31 =	sadd.s32 s24, s23;
	[smem:$0x7FB] =	sst s29  }
0x3a: {  	s24 =	simm.s32 $0x9EE0;
	s6 =	simm.s32 $0x1;
	[smem:$0x7FC] =	sst s22  }
0x3b: {  	s14 =	sadd.s32 $0x6F400, s1;
	s1 =	sor.u32 s28, s3;
	[smem:$0x7FD] =	sst s31  }
0x3c: {  	s26 =	sadd.s32 s8, s23;
	s28 =	sadd.s32 s10, s23;
	[dreg:$0x1b] =	wrdreg s14  }
0x3d: {  	s25 =	simm.s32 $0x3;
	s3 =	simm.s32 $0x5EA0;
	[smem:$0x7F0] =	sst s26  }
0x3e: {  	s14 =	sadd.s32 s7, s23;
	s1 =	smul.u32 $0x2800, s1;
	[smem:$0x7F2] =	sst s28  }
0x3f: {  	v1 =	vimm.s32 $0x0;
	vm0 =	vcmask $0x300;
	s8 =	simm.s32 $0x9EC0;
	s10 =	simm.s32 $0x2;
	[smem:$0x7EF] =	sst s14  }
0x40: {  	v0 =	vimm.f32 $0.0e+00;
	v1 =	vsel vm0, $0x3, v1;
	s7 =	simm.s32 $0x9EA0;
	[smem:$0x7ED] =	sst s1;
	s1 =	simm.s32 $0x0  }
.LBB2_1:
0x41: {  	[smem:$0x7EB] =	sst s1;
	s0 =	simm.s32 $0x0;
	s1 =	simm.s32 $0x200  }
.LBB2_2:
0x42: {  	p0 =	sne.s32 s1, $0x3E00;
	[tilespmem:s0+$0x9F50] =	vst v0  }
0x43: {  	[tilespmem:s0+$0x9EE0] =	vst v0  }
0x44: {  	[tilespmem:s0+$0x9EF0] =	vst v0  }
.Ltmp0:
0x45: {  	[tilespmem:s0+$0x9F00] =	vst v0;
	(pc) =	sbr.rel @p0 .LBB2_2-.Ltmp0, $4  }
0x46: {  	[tilespmem:s0+$0x9F10] =	vst v0  }
0x47: {  	[tilespmem:s0+$0x9F20] =	vst v0  }
0x48: {  	[tilespmem:s0+$0x9F30] =	vst v0  }
0x49: {  	[tilespmem:s0+$0x9F40] =	vst v0;
	s0 =	sshra.s32 s1, $0x2;
	s1 =	sadd.s32 $0x200, s1  }
0x4a: {  	[tilespmem:s0+$0x9F50] =	vst v0  }
0x4b: {  	[tilespmem:s0+$0x9EE0] =	vst v0  }
0x4c: {  	[tilespmem:s0+$0x9EF0] =	vst v0  }
0x4d: {  	[tilespmem:s0+$0x9F00] =	vst v0  }
0x4e: {  	[tilespmem:s0+$0x9F10] =	vst v0  }
0x4f: {  	[tilespmem:s0+$0x9F20] =	vst v0  }
0x50: {  	[tilespmem:s0+$0x9F30] =	vst v0  }
0x51: {  	[tilespmem:s0+$0x9F40] =	vst v0  }
0x52: {  	[spmem:s2] =	stream.linear.scatter [tilespmem:s24], [sflag:$0x3], $0x1000, $0x38;
	[tilespmem:$0x1EEE0] =	vst v63  }
0x53: {  	_ =	swait.ge [sflag:s25], $0x1000  }
0x54: {  	[sflag:s25] =	ssyncset.done $0x0  }
0x55: {  	[sflag:s25] =	ssyncadd.s32 $0xFFFFF000  }
0x56: {  	[spmem:s4] =	stream.linear.scatter [tilespmem:s24], [sflag:$0x3], $0x1000, $0x38;
	[tilespmem:$0x1EEE0] =	vst v63  }
0x57: {  	_ =	swait.ge [sflag:s25], $0x1000  }
0x58: {  	[sflag:s25] =	ssyncset.done $0x0  }
0x59: {  	[sflag:s25] =	ssyncadd.s32 $0xFFFFF000  }
0x5a: {  	[spmem:s5] =	stream.linear.scatter [tilespmem:s24], [sflag:$0x3], $0x1000, $0x38;
	[tilespmem:$0x1EEE0] =	vst v63  }
0x5b: {  	_ =	swait.ge [sflag:s25], $0x1000  }
0x5c: {  	[sflag:s25] =	ssyncset.done $0x0  }
0x5d: {  	[sflag:s25] =	ssyncadd.s32 $0xFFFFF000  }
0x5e: {  	[spmem:s13] =	stream.linear.scatter [tilespmem:s24], [sflag:$0x3], $0x1000, $0x38;
	[tilespmem:$0x1EEE0] =	vst v63  }
0x5f: {  	_ =	swait.ge [sflag:s25], $0x1000  }
0x60: {  	[sflag:s25] =	ssyncset.done $0x0  }
0x61: {  	[sflag:s25] =	ssyncadd.s32 $0xFFFFF000  }
0x62: {  	[spmem:s14] =	stream.linear.scatter [tilespmem:s24], [sflag:$0x3], $0x1000, $0x38;
	[tilespmem:$0x1EEE0] =	vst v63  }
0x63: {  	_ =	swait.ge [sflag:s25], $0x1000  }
0x64: {  	[sflag:s25] =	ssyncset.done $0x0  }
0x65: {  	[sflag:s25] =	ssyncadd.s32 $0xFFFFF000  }
0x66: {  	[spmem:s26] =	stream.linear.scatter [tilespmem:s24], [sflag:$0x3], $0x1000, $0x38;
	[tilespmem:$0x1EEE0] =	vst v63  }
0x67: {  	_ =	swait.ge [sflag:s25], $0x1000  }
0x68: {  	[sflag:s25] =	ssyncset.done $0x0  }
0x69: {  	[sflag:s25] =	ssyncadd.s32 $0xFFFFF000  }
0x6a: {  	[spmem:s9] =	stream.linear.scatter [tilespmem:s24], [sflag:$0x3], $0x1000, $0x38;
	[tilespmem:$0x1EEE0] =	vst v63  }
0x6b: {  	_ =	swait.ge [sflag:s25], $0x1000  }
0x6c: {  	[sflag:s25] =	ssyncset.done $0x0  }
0x6d: {  	[sflag:s25] =	ssyncadd.s32 $0xFFFFF000  }
0x6e: {  	[spmem:s28] =	stream.linear.scatter [tilespmem:s24], [sflag:$0x3], $0x1000, $0x38;
	[tilespmem:$0x1EEE0] =	vst v63  }
0x6f: {  	_ =	swait.ge [sflag:s25], $0x1000  }
0x70: {  	[sflag:s25] =	ssyncset.done $0x0  }
0x71: {  	[sflag:s25] =	ssyncadd.s32 $0xFFFFF000  }
0x72: {  	[spmem:s11] =	stream.linear.scatter [tilespmem:s24], [sflag:$0x3], $0x1000, $0x38;
	[tilespmem:$0x1EEE0] =	vst v63  }
0x73: {  	_ =	swait.ge [sflag:s25], $0x1000  }
0x74: {  	[sflag:s25] =	ssyncset.done $0x0  }
0x75: {  	[sflag:s25] =	ssyncadd.s32 $0xFFFFF000  }
0x76: {  	[spmem:s12] =	stream.linear.scatter [tilespmem:s24], [sflag:$0x3], $0x1000, $0x38;
	[tilespmem:$0x1EEE0] =	vst v63  }
0x77: {  	_ =	swait.ge [sflag:s25], $0x1000  }
0x78: {  	[sflag:s25] =	ssyncset.done $0x0  }
0x79: {  	[sflag:s25] =	ssyncadd.s32 $0xFFFFF000  }
0x7a: {  	[spmem:s15] =	stream.linear.scatter [tilespmem:s24], [sflag:$0x3], $0x1000, $0x38;
	[tilespmem:$0x1EEE0] =	vst v63  }
0x7b: {  	_ =	swait.ge [sflag:s25], $0x1000  }
0x7c: {  	[sflag:s25] =	ssyncset.done $0x0  }
0x7d: {  	[sflag:s25] =	ssyncadd.s32 $0xFFFFF000  }
0x7e: {  	[spmem:s16] =	stream.linear.scatter [tilespmem:s24], [sflag:$0x3], $0x1000, $0x38;
	[tilespmem:$0x1EEE0] =	vst v63  }
0x7f: {  	_ =	swait.ge [sflag:s25], $0x1000  }
0x80: {  	[sflag:s25] =	ssyncset.done $0x0  }
0x81: {  	[sflag:s25] =	ssyncadd.s32 $0xFFFFF000  }
0x82: {  	[spmem:s17] =	stream.linear.scatter [tilespmem:s24], [sflag:$0x3], $0x1000, $0x38;
	[tilespmem:$0x1EEE0] =	vst v63  }
0x83: {  	_ =	swait.ge [sflag:s25], $0x1000  }
0x84: {  	[sflag:s25] =	ssyncset.done $0x0  }
0x85: {  	[sflag:s25] =	ssyncadd.s32 $0xFFFFF000  }
0x86: {  	[spmem:s18] =	stream.linear.scatter [tilespmem:s24], [sflag:$0x3], $0x1000, $0x38;
	[tilespmem:$0x1EEE0] =	vst v63  }
0x87: {  	_ =	swait.ge [sflag:s25], $0x1000  }
0x88: {  	[sflag:s25] =	ssyncset.done $0x0  }
0x89: {  	[sflag:s25] =	ssyncadd.s32 $0xFFFFF000  }
0x8a: {  	[spmem:s19] =	stream.linear.scatter [tilespmem:s24], [sflag:$0x3], $0x1000, $0x38;
	[tilespmem:$0x1EEE0] =	vst v63  }
0x8b: {  	_ =	swait.ge [sflag:s25], $0x1000  }
0x8c: {  	[sflag:s25] =	ssyncset.done $0x0  }
0x8d: {  	[sflag:s25] =	ssyncadd.s32 $0xFFFFF000  }
0x8e: {  	[spmem:s20] =	stream.linear.scatter [tilespmem:s24], [sflag:$0x3], $0x1000, $0x38;
	[tilespmem:$0x1EEE0] =	vst v63  }
0x8f: {  	_ =	swait.ge [sflag:s25], $0x1000  }
0x90: {  	[sflag:s25] =	ssyncset.done $0x0  }
0x91: {  	[sflag:s25] =	ssyncadd.s32 $0xFFFFF000  }
0x92: {  	[spmem:s29] =	stream.linear.scatter [tilespmem:s24], [sflag:$0x3], $0x1000, $0x38;
	[tilespmem:$0x1EEE0] =	vst v63  }
0x93: {  	_ =	swait.ge [sflag:s25], $0x1000  }
0x94: {  	[sflag:s25] =	ssyncset.done $0x0  }
0x95: {  	[sflag:s25] =	ssyncadd.s32 $0xFFFFF000  }
0x96: {  	[spmem:s22] =	stream.linear.scatter [tilespmem:s24], [sflag:$0x3], $0x1000, $0x38;
	[tilespmem:$0x1EEE0] =	vst v63  }
0x97: {  	_ =	swait.ge [sflag:s25], $0x1000  }
0x98: {  	[sflag:s25] =	ssyncset.done $0x0  }
0x99: {  	[sflag:s25] =	ssyncadd.s32 $0xFFFFF000  }
0x9a: {  	[spmem:s31] =	stream.linear.scatter [tilespmem:s24], [sflag:$0x3], $0x1000, $0x38;
	[tilespmem:$0x1EEE0] =	vst v63  }
0x9b: {  	_ =	swait.ge [sflag:s25], $0x1000  }
0x9c: {  	s29 =	sld [smem:$0x7EC]  }
0x9d: {  	[sflag:s25] =	ssyncset.done $0x0  }
0x9e: {  	[sflag:s25] =	ssyncadd.s32 $0xFFFFF000  }
0x9f: {  	[spmem:s29] =	stream.linear.scatter [tilespmem:s24], [sflag:$0x3], $0x1000, $0x38;
	[tilespmem:$0x1EEE0] =	vst v63  }
0xa0: {  	_ =	swait.ge [sflag:s25], $0x1000  }
0xa1: {  	[sflag:s25] =	ssyncset.done $0x0  }
0xa2: {  	[sflag:s25] =	ssyncadd.s32 $0xFFFFF000  }
0xa3: {  	[bflag:$0x0] =	sbarrier.arrive $0xFFFF  }
0xa4: {  	s1 =	simm.s32 $0x0;
	s31 =	rddreg [dreg:$0x2]  }
0xa5: {  	[tilespmem:s1], [sflag:$0x3] =	stream.linear.gather [hbm4b:s31+s1], $0x4E20, $0x38;
	[tilespmem:$0x1EEE0] =	vst v63  }
0xa6: {  	_ =	swait.ge [sflag:s25], $0x4E20  }
0xa7: {  	[sflag:s25] =	ssyncset.done $0x0  }
0xa8: {  	s0 =	simm.s32 $0x0;
	[sflag:s25] =	ssyncadd.s32 $0xFFFFB1E0  }
.LBB2_4:
0xa9: {  	s1 =	sld [smem:$0x7ED];
	_ =	sdelay $0x1  }
0xaa: {  	s17 =	sshll.u32 s0, $0xA  }
0xab: {  	[smem:$0x7EA] =	sst s0;
	s0 =	sadd.s32 s1, s17  }
0xac: {  	s18 =	rddreg [dreg:$0x0];
	s0 =	sshrl.u32 s0, $0x3  }
0xad: {  	s2 =	simm.s32 $0x4E20;
	s4 =	simm.s32 $0x0;
	s1 =	sadd.s32 s18, s0  }
0xae: {  	[tilespmem:s2], [sflag:$0x3] =	stream.linear.gather [hbm4b:s1+s4], $0x400, $0x38;
	[tilespmem:$0x1EEE0] =	vst v63  }
0xaf: {  	_ =	swait.ge [sflag:s25], $0x400  }
0xb0: {  	[sflag:s25] =	ssyncset.done $0x0;
	s19 =	rddreg [dreg:$0x19]  }
0xb1: {  	s20 =	simm.s32 $0x5220;
	[sflag:s25] =	ssyncadd.s32 $0xFFFFFC00;
	s1 =	sadd.s32 s19, s0  }
0xb2: {  	[tilespmem:s20], [sflag:$0x3] =	stream.linear.gather [hbm4b:s1+s4], $0x400, $0x38;
	[tilespmem:$0x1EEE0] =	vst v63  }
0xb3: {  	_ =	swait.ge [sflag:s25], $0x400  }
0xb4: {  	[sflag:s25] =	ssyncset.done $0x0;
	s22 =	rddreg [dreg:$0x1a]  }
0xb5: {  	s26 =	simm.s32 $0x5620;
	[sflag:s25] =	ssyncadd.s32 $0xFFFFFC00;
	s1 =	sadd.s32 s22, s0  }
0xb6: {  	[tilespmem:s26], [sflag:$0x3] =	stream.linear.gather [hbm4b:s1+s4], $0x400, $0x38;
	[tilespmem:$0x1EEE0] =	vst v63  }
0xb7: {  	_ =	swait.ge [sflag:s25], $0x400  }
0xb8: {  	[sflag:s25] =	ssyncset.done $0x0;
	s28 =	rddreg [dreg:$0x1b]  }
0xb9: {  	s29 =	simm.s32 $0x5A20;
	[sflag:s25] =	ssyncadd.s32 $0xFFFFFC00;
	s0 =	sadd.s32 s28, s0  }
0xba: {  	[tilespmem:s29], [sflag:$0x3] =	stream.linear.gather [hbm4b:s0+s4], $0x400, $0x38;
	[tilespmem:$0x1EEE0] =	vst v63  }
0xbb: {  	_ =	swait.ge [sflag:s25], $0x400  }
0xbc: {  	[sflag:s25] =	ssyncset.done $0x0  }
0xbd: {  	[sflag:s25] =	ssyncadd.s32 $0xFFFFFC00  }
0xbe: {  	v2 =	vld [tilespmem:$0x4E20]  }
0xbf: {  	v3 =	vld [tilespmem:$0x4E30];
	_ =	sdelay $0x3  }
0xc0: {  	[tilespmem:$0x5E20] =	vst v2  }
0xc1: {  	s31 =	simm.s32 $0x5E20;
	s15 =	simm.s32 $0x0;
	[tilespmem:$0x5E30] =	vst v3  }
0xc2: {  	[tilespmem:s3], [sflag:$0x1] =	stream.indirect.gather [hbm4b:s30+s21], $0x100, s31, s21, $0xb8;
	[tilespmem:$0x1EEE0] =	vst v63  }
.LBB2_5:
0xc3: {  	s16 =	sshll.u32 s15, $0x6  }
0xc4: {  	v2 =	vld [tilespmem:s16+$0x4E40];
	_ =	sdelay $0x4  }
0xc5: {  	[tilespmem:$0x5E40] =	vst v2  }
0xc6: {  	v2 =	vld [tilespmem:s16+$0x4E50];
	_ =	sdelay $0x4  }
0xc7: {  	s0 =	simm.s32 $0x5E40;
	s1 =	simm.s32 $0x7EA0;
	[tilespmem:$0x5E50] =	vst v2  }
0xc8: {  	[tilespmem:s1], [sflag:$0x2] =	stream.indirect.gather [hbm4b:s30+s21], $0x100, s0, s21, $0xb8;
	[tilespmem:$0x1EEE0] =	vst v63  }
0xc9: {  	_ =	swait.ge [sflag:s6], $0x2000  }
0xca: {  	[sflag:s6] =	ssyncset.done $0x0  }
0xcb: {  	[sflag:s6] =	ssyncadd.s32 $0xFFFFE000  }
0xcc: {  	v2 =	vld [tilespmem:s16+$0x5220];
	_ =	sdelay $0x4  }
0xcd: {  	v3 =	vshll.u32 v2, $0x1;
	_ =	sdelay $0x2  }
0xce: {  	[tilespmem:$0x5E60] =	vst v2  }
0xcf: {  	s1 =	simm.s32 $0x0;
	v4 =	vld [tilespmem:s16+$0x5620]  }
0xd0: {  	v2 =	vld.idx.msk [tilespmem:v3+s1+$0x0], $0xffff;
	_ =	sdelay $0x1  }
0xd1: {  	v3 =	vor.u32 $0x1, v3;
	_ =	sdelay $0x2  }
0xd2: {  	v2 =	vmul.f32 v4, v2;
	_ =	sdelay $0x1  }
0xd3: {  	v3 =	vld.idx.msk [tilespmem:v3+s1+$0x0], $0xffff;
	[tilespmem:$0x9EA0] =	vst v2  }
0xd4: {  	v2 =	vld [tilespmem:s16+$0x5A20];
	_ =	sdelay $0x4  }
0xd5: {  	v2 =	vmul.f32 v2, v3;
	_ =	sdelay $0x1  }
0xd6: {  	[tilespmem:$0x9EC0] =	vst v2  }
0xd7: {  	v2 =	vld [tilespmem:s16+$0x5230];
	_ =	sdelay $0x4  }
0xd8: {  	v3 =	vshll.u32 v2, $0x1;
	_ =	sdelay $0x2  }
0xd9: {  	[tilespmem:$0x5E70] =	vst v2  }
0xda: {  	v63 =	vld [tilespmem:s16+$0x5630]  }
0xdb: {  	v2 =	vld.idx.msk [tilespmem:v3+s1+$0x0], $0xffff;
	_ =	sdelay $0x1  }
0xdc: {  	v3 =	vor.u32 $0x1, v3;
	_ =	sdelay $0x2  }
0xdd: {  	v2 =	vmul.f32 v63, v2;
	_ =	sdelay $0x1  }
0xde: {  	v3 =	vld.idx.msk [tilespmem:v3+s1+$0x0], $0xffff;
	[tilespmem:$0x9EB0] =	vst v2  }
0xdf: {  	v2 =	vld [tilespmem:s16+$0x5A30];
	_ =	sdelay $0x4  }
0xe0: {  	v2 =	vmul.f32 v2, v3;
	_ =	sdelay $0x1  }
0xe1: {  	s12 =	sor.u32 $0x20, s16;
	s17 =	sor.u32 $0x30, s16;
	[tilespmem:$0x9ED0] =	vst v2  }
.LBB2_6:
0xe2: {  	v2 =	vmov s1  }
0xe3: {  	v2 =	vshrl.u32 v2, $0x3  }
0xe4: {  	s2 =	sor.u32 $0x1, s1;
	v2 =	vshll.u32 v2, v1  }
0xe5: {  	v3 =	vbroadcast v2, $0x0;
	v2 =	vmov s2  }
0xe6: {  	v2 =	vshrl.u32 v2, $0x3  }
0xe7: {  	s0 =	sshll.u32 s1, $0x8;
	v2 =	vshll.u32 v2, v1  }
0xe8: {  	s4 =	sand.u32 $0x3FFFFF00, s0;
	v2 =	vadd.s32 $0x1, v2  }
0xe9: {  	v6 =	vld [tilespmem:s4+$0x5EA0];
	v5 =	vbroadcast v2, $0x0  }
0xea: {  	v7 =	vld [tilespmem:s4+$0x5F20]  }
0xeb: {  	s29 =	sshll.u32 s2, $0x8;
	v2 =	vld.idx.msk [tilespmem:v3+s7+$0x0], $0xffff  }
0xec: {  	s0 =	sand.u32 $0x3FFFFF00, s29;
	v3 =	vld.idx.msk [tilespmem:v3+s8+$0x0], $0xffff  }
0xed: {  	v8 =	vld [tilespmem:s0+$0x5EA0]  }
0xee: {  	v9 =	vld [tilespmem:s0+$0x5F20]  }
0xef: {  	v4 =	vld.idx.msk [tilespmem:v5+s7+$0x0], $0xffff  }
0xf0: {  	v5 =	vld.idx.msk [tilespmem:v5+s8+$0x0], $0xffff  }
0xf1: {  	v6 =	vmul.f32 v6, v2;
	v7 =	vmul.f32 v7, v3;
	_ =	sdelay $0x1  }
0xf2: {  	s5 =	sshll.u32 s1, $0x7;
	v6 =	vadd.f32 v7, v6  }
0xf3: {  	s20 =	sand.u32 $0x3FFFFF80, s5  }
0xf4: {  	v63 =	vmul.f32 v8, v4;
	v12 =	vmul.f32 v9, v5;
	[tilespmem:s20+$0x9EE0] =	vst v6  }
0xf5: {  	v6 =	vld [tilespmem:s4+$0x5EB0]  }
0xf6: {  	s2 =	sshll.u32 s2, $0x7;
	v13 =	vld [tilespmem:s4+$0x5F30];
	v7 =	vadd.f32 v12, v63  }
0xf7: {  	s19 =	sand.u32 $0x3FFFFF80, s2  }
0xf8: {  	[tilespmem:s19+$0x9EE0] =	vst v7  }
0xf9: {  	v7 =	vld [tilespmem:s0+$0x5EB0]  }
0xfa: {  	v14 =	vld [tilespmem:s0+$0x5F30]  }
0xfb: {  	v6 =	vmul.f32 v6, v2;
	v8 =	vmul.f32 v13, v3;
	_ =	sdelay $0x1  }
0xfc: {  	v6 =	vadd.f32 v8, v6;
	_ =	sdelay $0x1  }
0xfd: {  	v7 =	vmul.f32 v7, v4;
	v15 =	vmul.f32 v14, v5;
	[tilespmem:s20+$0x9EF0] =	vst v6  }
0xfe: {  	v6 =	vld [tilespmem:s4+$0x5EC0]  }
0xff: {  	v16 =	vld [tilespmem:s4+$0x5F40];
	v7 =	vadd.f32 v15, v7;
	_ =	sdelay $0x1  }
0x100: {  	[tilespmem:s19+$0x9EF0] =	vst v7  }
0x101: {  	v7 =	vld [tilespmem:s0+$0x5EC0]  }
0x102: {  	v17 =	vld [tilespmem:s0+$0x5F40]  }
0x103: {  	s31 =	sor.u32 $0x2, s1;
	v6 =	vmul.f32 v6, v2;
	v8 =	vmul.f32 v16, v3  }
0x104: {  	v10 =	vmov s31  }
0x105: {  	v10 =	vshrl.u32 v10, $0x3;
	v6 =	vadd.f32 v8, v6  }
0x106: {  	v18 =	vshll.u32 v10, v1  }
0x107: {  	v8 =	vadd.s32 $0x2, v18;
	v7 =	vmul.f32 v7, v4;
	v9 =	vmul.f32 v17, v5;
	[tilespmem:s20+$0x9F00] =	vst v6  }
0x108: {  	s9 =	sshll.u32 s31, $0x8;
	v8 =	vbroadcast v8, $0x0;
	v20 =	vld [tilespmem:s4+$0x5ED0]  }
0x109: {  	s22 =	sand.u32 $0x3FFFFF00, s9;
	v21 =	vld [tilespmem:s4+$0x5F50];
	v19 =	vadd.f32 v9, v7  }
0x10a: {  	v22 =	vld [tilespmem:s22+$0x5EA0]  }
0x10b: {  	v13 =	vld [tilespmem:s22+$0x5F20];
	[tilespmem:s19+$0x9F00] =	vst v19  }
0x10c: {  	v11 =	vld [tilespmem:s0+$0x5ED0]  }
0x10d: {  	v12 =	vld [tilespmem:s0+$0x5F50]  }
0x10e: {  	v6 =	vld.idx.msk [tilespmem:v8+s7+$0x0], $0xffff;
	v9 =	vmul.f32 v20, v2;
	v10 =	vmul.f32 v21, v3  }
0x10f: {  	v7 =	vld.idx.msk [tilespmem:v8+s8+$0x0], $0xffff  }
0x110: {  	v9 =	vadd.f32 v10, v9;
	_ =	sdelay $0x1  }
0x111: {  	v23 =	vmul.f32 v11, v4;
	v24 =	vmul.f32 v12, v5;
	[tilespmem:s20+$0x9F10] =	vst v9  }
0x112: {  	v26 =	vld [tilespmem:s4+$0x5EE0]  }
0x113: {  	v8 =	vmul.f32 v22, v6;
	v27 =	vmul.f32 v13, v7;
	v28 =	vld [tilespmem:s4+$0x5F60];
	v25 =	vadd.f32 v24, v23;
	_ =	sdelay $0x1  }
0x114: {  	s2 =	sshll.u32 s31, $0x7;
	v8 =	vadd.f32 v27, v8;
	[tilespmem:s19+$0x9F10] =	vst v25  }
0x115: {  	s31 =	sand.u32 $0x3FFFFF80, s2;
	v9 =	vld [tilespmem:s0+$0x5EE0]  }
0x116: {  	[tilespmem:s31+$0x9EE0] =	vst v8;
	v29 =	vld [tilespmem:s0+$0x5F60]  }
0x117: {  	v8 =	vld [tilespmem:s22+$0x5EB0];
	v10 =	vmul.f32 v26, v2;
	v12 =	vmul.f32 v28, v3  }
0x118: {  	v30 =	vld [tilespmem:s22+$0x5F30]  }
0x119: {  	v10 =	vadd.f32 v12, v10;
	_ =	sdelay $0x1  }
0x11a: {  	v9 =	vmul.f32 v9, v4;
	v11 =	vmul.f32 v29, v5;
	[tilespmem:s20+$0x9F20] =	vst v10  }
0x11b: {  	v10 =	vld [tilespmem:s4+$0x5EF0]  }
0x11c: {  	v8 =	vmul.f32 v8, v6;
	v31 =	vmul.f32 v30, v7;
	v32 =	vld [tilespmem:s4+$0x5F70];
	v9 =	vadd.f32 v11, v9  }
0x11d: {  	s5 =	sor.u32 $0x3, s1  }
0x11e: {  	v14 =	vmov s5;
	v8 =	vadd.f32 v31, v8;
	[tilespmem:s19+$0x9F20] =	vst v9  }
0x11f: {  	v14 =	vshrl.u32 v14, $0x3;
	v9 =	vld [tilespmem:s0+$0x5EF0]  }
0x120: {  	v39 =	vshll.u32 v14, v1;
	[tilespmem:s31+$0x9EF0] =	vst v8;
	v33 =	vld [tilespmem:s0+$0x5F70]  }
0x121: {  	v41 =	vadd.s32 $0x3, v39;
	v8 =	vld [tilespmem:s22+$0x5EC0];
	v10 =	vmul.f32 v10, v2;
	v12 =	vmul.f32 v32, v3  }
0x122: {  	v43 =	vbroadcast v41, $0x0;
	v34 =	vld [tilespmem:s22+$0x5F40]  }
0x123: {  	v10 =	vadd.f32 v12, v10;
	_ =	sdelay $0x1  }
0x124: {  	v9 =	vmul.f32 v9, v4;
	v11 =	vmul.f32 v33, v5;
	[tilespmem:s20+$0x9F30] =	vst v10  }
0x125: {  	s9 =	sor.u32 $0x4, s1;
	v10 =	vld [tilespmem:s4+$0x5F00]  }
0x126: {  	s14 =	sshll.u32 s9, $0x8;
	v8 =	vmul.f32 v8, v6;
	v35 =	vmul.f32 v34, v7;
	v36 =	vld [tilespmem:s4+$0x5F80];
	v9 =	vadd.f32 v11, v9  }
0x127: {  	s28 =	sand.u32 $0x3FFFFF00, s14;
	v13 =	vld.idx.msk [tilespmem:v43+s8+$0x0], $0xffff  }
0x128: {  	v23 =	vld [tilespmem:s28+$0x5EA0];
	v8 =	vadd.f32 v35, v8;
	[tilespmem:s19+$0x9F30] =	vst v9  }
0x129: {  	v9 =	vld [tilespmem:s0+$0x5F00]  }
0x12a: {  	[tilespmem:s31+$0x9F00] =	vst v8;
	v37 =	vld [tilespmem:s0+$0x5F80]  }
0x12b: {  	s13 =	sor.u32 $0x5, s1;
	v8 =	vld [tilespmem:s22+$0x5ED0];
	v10 =	vmul.f32 v10, v2;
	v12 =	vmul.f32 v36, v3  }
0x12c: {  	s18 =	sshll.u32 s13, $0x8;
	v24 =	vld [tilespmem:s28+$0x5F20]  }
0x12d: {  	s18 =	sand.u32 $0x3FFFFF00, s18;
	v38 =	vld [tilespmem:s22+$0x5F50];
	v10 =	vadd.f32 v12, v10  }
0x12e: {  	v27 =	vld [tilespmem:s18+$0x5F20]  }
0x12f: {  	s2 =	sor.u32 $0x7, s1;
	v25 =	vld [tilespmem:s18+$0x5EA0];
	v9 =	vmul.f32 v9, v4;
	v11 =	vmul.f32 v37, v5;
	[tilespmem:s20+$0x9F40] =	vst v10  }
0x130: {  	v44 =	vmov s9;
	s29 =	sshll.u32 s2, $0x8;
	v40 =	vmul.f32 v8, v6;
	v8 =	vld [tilespmem:s4+$0x5F10]  }
0x131: {  	v45 =	vshrl.u32 v44, $0x3;
	v11 =	vadd.f32 v11, v9;
	v9 =	vld [tilespmem:s4+$0x5F90];
	s4 =	sand.u32 $0x3FFFFF00, s29  }
0x132: {  	v12 =	vshll.u32 v45, v1;
	v42 =	vmul.f32 v38, v7;
	v53 =	vld [tilespmem:s4+$0x5EA0]  }
0x133: {  	v47 =	vadd.s32 $0x4, v12;
	v54 =	vld [tilespmem:s4+$0x5F20]  }
0x134: {  	v48 =	vmov s13;
	v15 =	vbroadcast v47, $0x0;
	v46 =	vadd.f32 v42, v40;
	[tilespmem:s19+$0x9F40] =	vst v11;
	v11 =	vld.idx.msk [tilespmem:v43+s7+$0x0], $0xffff  }
0x135: {  	v49 =	vshrl.u32 v48, $0x3;
	v10 =	vld [tilespmem:s0+$0x5F10]  }
0x136: {  	s11 =	sshll.u32 s5, $0x8;
	v51 =	vmov s2;
	v14 =	vshll.u32 v49, v1;
	[tilespmem:s31+$0x9F10] =	vst v46;
	v12 =	vld [tilespmem:s0+$0x5F90]  }
0x137: {  	v14 =	vadd.s32 $0x5, v14;
	v18 =	vshrl.u32 v51, $0x3;
	v22 =	vld [tilespmem:s22+$0x5EE0];
	s0 =	sand.u32 $0x3FFFFF00, s11;
	s11 =	sor.u32 $0x6, s1  }
0x138: {  	v18 =	vshll.u32 v18, v1;
	v17 =	vbroadcast v14, $0x0;
	v20 =	vld [tilespmem:s0+$0x5EA0];
	v50 =	vmov s11  }
0x139: {  	v18 =	vadd.s32 $0x7, v18;
	v21 =	vld [tilespmem:s0+$0x5F20];
	v16 =	vshrl.u32 v50, $0x3  }
0x13a: {  	v26 =	vbroadcast v18, $0x0;
	v14 =	vld.idx.msk [tilespmem:v15+s7+$0x0], $0xffff;
	s26 =	sshll.u32 s11, $0x8;
	v16 =	vshll.u32 v16, v1  }
0x13b: {  	v15 =	vld.idx.msk [tilespmem:v15+s8+$0x0], $0xffff;
	s14 =	sand.u32 $0x3FFFFF00, s26;
	v16 =	vadd.s32 $0x6, v16  }
0x13c: {  	v28 =	vld [tilespmem:s14+$0x5EA0];
	v19 =	vbroadcast v16, $0x0  }
0x13d: {  	v29 =	vld [tilespmem:s14+$0x5F20]  }
0x13e: {  	v16 =	vld.idx.msk [tilespmem:v17+s7+$0x0], $0xffff  }
0x13f: {  	v17 =	vld.idx.msk [tilespmem:v17+s8+$0x0], $0xffff  }
0x140: {  	v30 =	vmul.f32 v20, v11;
	v31 =	vmul.f32 v21, v13;
	v20 =	vld.idx.msk [tilespmem:v26+s7+$0x0], $0xffff  }
0x141: {  	v21 =	vld.idx.msk [tilespmem:v26+s8+$0x0], $0xffff  }
0x142: {  	s5 =	sshll.u32 s5, $0x7;
	v23 =	vmul.f32 v23, v14;
	v24 =	vmul.f32 v24, v15;
	v52 =	vadd.f32 v31, v30;
	v18 =	vld.idx.msk [tilespmem:v19+s7+$0x0], $0xffff  }
0x143: {  	s26 =	sand.u32 $0x3FFFFF80, s5;
	v19 =	vld.idx.msk [tilespmem:v19+s8+$0x0], $0xffff  }
0x144: {  	s9 =	sshll.u32 s9, $0x7;
	v32 =	vld [tilespmem:s22+$0x5F60];
	v23 =	vadd.f32 v24, v23;
	[tilespmem:s26+$0x9EE0] =	vst v52;
	v55 =	vmul.f32 v25, v16;
	v56 =	vmul.f32 v27, v17  }
0x145: {  	s29 =	sand.u32 $0x3FFFFF80, s9;
	v26 =	vld [tilespmem:s0+$0x5EB0]  }
0x146: {  	s13 =	sshll.u32 s13, $0x7;
	[tilespmem:s29+$0x9EE0] =	vst v23;
	v57 =	vld [tilespmem:s0+$0x5F30];
	v36 =	vmul.f32 v53, v20;
	v37 =	vmul.f32 v54, v21;
	v58 =	vadd.f32 v56, v55  }
0x147: {  	s13 =	sand.u32 $0x3FFFFF80, s13;
	v61 =	vld [tilespmem:s28+$0x5EB0]  }
0x148: {  	s2 =	sshll.u32 s2, $0x7;
	v62 =	vld [tilespmem:s28+$0x5F30];
	v41 =	vadd.f32 v37, v36;
	[tilespmem:s13+$0x9EE0] =	vst v58;
	v59 =	vmul.f32 v28, v18;
	v60 =	vmul.f32 v29, v19  }
0x149: {  	s9 =	sshll.u32 s11, $0x7;
	s11 =	sand.u32 $0x3FFFFF80, s2;
	v38 =	vld [tilespmem:s18+$0x5EB0]  }
0x14a: {  	v40 =	vld [tilespmem:s18+$0x5F30];
	[tilespmem:s11+$0x9EE0] =	vst v41;
	v63 =	vadd.f32 v60, v59  }
0x14b: {  	s5 =	sand.u32 $0x3FFFFF80, s9;
	v42 =	vmul.f32 v26, v11;
	v43 =	vmul.f32 v57, v13;
	v49 =	vld [tilespmem:s4+$0x5EB0]  }
0x14c: {  	v22 =	vmul.f32 v22, v6;
	v39 =	vmul.f32 v32, v7;
	v50 =	vld [tilespmem:s4+$0x5F30];
	[tilespmem:s5+$0x9EE0] =	vst v63  }
0x14d: {  	v47 =	vmul.f32 v61, v14;
	v48 =	vmul.f32 v62, v15;
	v46 =	vadd.f32 v43, v42;
	v44 =	vld [tilespmem:s14+$0x5EB0]  }
0x14e: {  	v22 =	vadd.f32 v39, v22;
	v45 =	vld [tilespmem:s14+$0x5F30]  }
0x14f: {  	v51 =	vadd.f32 v48, v47;
	[tilespmem:s26+$0x9EF0] =	vst v46;
	v52 =	vmul.f32 v38, v16;
	v53 =	vmul.f32 v40, v17  }
0x150: {  	[tilespmem:s31+$0x9F20] =	vst v22;
	v54 =	vld [tilespmem:s0+$0x5EC0]  }
0x151: {  	[tilespmem:s29+$0x9EF0] =	vst v51;
	v55 =	vld [tilespmem:s0+$0x5F40];
	v62 =	vmul.f32 v49, v20;
	v22 =	vmul.f32 v50, v21;
	v56 =	vadd.f32 v53, v52  }
0x152: {  	v59 =	vld [tilespmem:s28+$0x5EC0]  }
0x153: {  	v60 =	vld [tilespmem:s28+$0x5F40];
	v22 =	vadd.f32 v22, v62;
	[tilespmem:s13+$0x9EF0] =	vst v56;
	v57 =	vmul.f32 v44, v18;
	v58 =	vmul.f32 v45, v19  }
0x154: {  	v63 =	vld [tilespmem:s18+$0x5EC0]  }
0x155: {  	v36 =	vld [tilespmem:s18+$0x5F40];
	[tilespmem:s11+$0x9EF0] =	vst v22;
	v61 =	vadd.f32 v58, v57  }
0x156: {  	v37 =	vmul.f32 v54, v11;
	v38 =	vmul.f32 v55, v13;
	v44 =	vld [tilespmem:s4+$0x5EC0]  }
0x157: {  	v45 =	vld [tilespmem:s4+$0x5F40];
	[tilespmem:s5+$0x9EF0] =	vst v61  }
0x158: {  	v42 =	vmul.f32 v59, v14;
	v43 =	vmul.f32 v60, v15;
	v41 =	vadd.f32 v38, v37;
	v39 =	vld [tilespmem:s14+$0x5EC0]  }
0x159: {  	v40 =	vld [tilespmem:s14+$0x5F40]  }
0x15a: {  	v46 =	vld [tilespmem:s22+$0x5F70];
	v47 =	vadd.f32 v43, v42;
	[tilespmem:s26+$0x9F00] =	vst v41;
	v48 =	vmul.f32 v63, v16;
	v49 =	vmul.f32 v36, v17  }
0x15b: {  	v50 =	vld [tilespmem:s0+$0x5ED0]  }
0x15c: {  	[tilespmem:s29+$0x9F00] =	vst v47;
	v51 =	vld [tilespmem:s0+$0x5F50];
	v58 =	vmul.f32 v44, v20;
	v59 =	vmul.f32 v45, v21;
	v52 =	vadd.f32 v49, v48  }
0x15d: {  	v55 =	vld [tilespmem:s28+$0x5ED0]  }
0x15e: {  	v56 =	vld [tilespmem:s28+$0x5F50];
	v34 =	vadd.f32 v59, v58;
	[tilespmem:s13+$0x9F00] =	vst v52;
	v53 =	vmul.f32 v39, v18;
	v54 =	vmul.f32 v40, v19  }
0x15f: {  	v60 =	vld [tilespmem:s18+$0x5ED0]  }
0x160: {  	v63 =	vld [tilespmem:s18+$0x5F50];
	[tilespmem:s11+$0x9F00] =	vst v34;
	v57 =	vadd.f32 v54, v53  }
0x161: {  	v35 =	vmul.f32 v50, v11;
	v36 =	vmul.f32 v51, v13;
	v42 =	vld [tilespmem:s4+$0x5ED0]  }
0x162: {  	v43 =	vld [tilespmem:s4+$0x5F50];
	[tilespmem:s5+$0x9F00] =	vst v57  }
0x163: {  	v40 =	vmul.f32 v55, v14;
	v41 =	vmul.f32 v56, v15;
	v39 =	vadd.f32 v36, v35;
	v37 =	vld [tilespmem:s14+$0x5ED0]  }
0x164: {  	v62 =	vmul.f32 v46, v7;
	v38 =	vld [tilespmem:s14+$0x5F50]  }
0x165: {  	v29 =	vld [tilespmem:s22+$0x5EF0];
	v44 =	vadd.f32 v41, v40;
	[tilespmem:s26+$0x9F10] =	vst v39;
	v45 =	vmul.f32 v60, v16;
	v46 =	vmul.f32 v63, v17  }
0x166: {  	v47 =	vld [tilespmem:s0+$0x5EE0]  }
0x167: {  	[tilespmem:s29+$0x9F10] =	vst v44;
	v48 =	vld [tilespmem:s0+$0x5F60];
	v55 =	vmul.f32 v42, v20;
	v56 =	vmul.f32 v43, v21;
	v49 =	vadd.f32 v46, v45  }
0x168: {  	v52 =	vld [tilespmem:s28+$0x5EE0]  }
0x169: {  	v53 =	vld [tilespmem:s28+$0x5F60];
	v59 =	vadd.f32 v56, v55;
	[tilespmem:s13+$0x9F10] =	vst v49;
	v50 =	vmul.f32 v37, v18;
	v51 =	vmul.f32 v38, v19  }
0x16a: {  	v61 =	vmul.f32 v29, v6;
	v57 =	vld [tilespmem:s18+$0x5EE0]  }
0x16b: {  	v58 =	vld [tilespmem:s18+$0x5F60];
	[tilespmem:s11+$0x9F10] =	vst v59;
	v54 =	vadd.f32 v51, v50  }
0x16c: {  	v27 =	vadd.f32 v62, v61;
	v60 =	vmul.f32 v47, v11;
	v61 =	vmul.f32 v48, v13;
	v39 =	vld [tilespmem:s4+$0x5EE0]  }
0x16d: {  	v40 =	vld [tilespmem:s4+$0x5F60];
	[tilespmem:s5+$0x9F10] =	vst v54  }
0x16e: {  	v37 =	vmul.f32 v52, v14;
	v38 =	vmul.f32 v53, v15;
	v36 =	vadd.f32 v61, v60;
	v62 =	vld [tilespmem:s14+$0x5EE0]  }
0x16f: {  	[tilespmem:s31+$0x9F30] =	vst v27;
	v63 =	vld [tilespmem:s14+$0x5F60]  }
0x170: {  	v41 =	vld [tilespmem:s22+$0x5F80];
	v42 =	vadd.f32 v38, v37;
	[tilespmem:s26+$0x9F20] =	vst v36;
	v43 =	vmul.f32 v57, v16;
	v44 =	vmul.f32 v58, v17  }
0x171: {  	v45 =	vld [tilespmem:s0+$0x5EF0]  }
0x172: {  	[tilespmem:s29+$0x9F20] =	vst v42;
	v46 =	vld [tilespmem:s0+$0x5F70];
	v53 =	vmul.f32 v39, v20;
	v54 =	vmul.f32 v40, v21;
	v47 =	vadd.f32 v44, v43  }
0x173: {  	v50 =	vld [tilespmem:s28+$0x5EF0]  }
0x174: {  	v51 =	vld [tilespmem:s28+$0x5F70];
	v59 =	vadd.f32 v54, v53;
	[tilespmem:s13+$0x9F20] =	vst v47;
	v48 =	vmul.f32 v62, v18;
	v49 =	vmul.f32 v63, v19  }
0x175: {  	v55 =	vld [tilespmem:s18+$0x5EF0]  }
0x176: {  	v58 =	vld [tilespmem:s18+$0x5F70];
	[tilespmem:s11+$0x9F20] =	vst v59;
	v52 =	vadd.f32 v49, v48  }
0x177: {  	v60 =	vmul.f32 v45, v11;
	v61 =	vmul.f32 v46, v13;
	v36 =	vld [tilespmem:s4+$0x5EF0]  }
0x178: {  	v37 =	vld [tilespmem:s4+$0x5F70];
	[tilespmem:s5+$0x9F20] =	vst v52  }
0x179: {  	v34 =	vmul.f32 v50, v14;
	v35 =	vmul.f32 v51, v15;
	v33 =	vadd.f32 v61, v60;
	v62 =	vld [tilespmem:s14+$0x5EF0]  }
0x17a: {  	v63 =	vld [tilespmem:s14+$0x5F70]  }
0x17b: {  	v30 =	vld [tilespmem:s22+$0x5F00];
	v38 =	vadd.f32 v35, v34;
	[tilespmem:s26+$0x9F30] =	vst v33;
	v39 =	vmul.f32 v55, v16;
	v40 =	vmul.f32 v58, v17  }
0x17c: {  	v57 =	vmul.f32 v41, v7;
	v41 =	vld [tilespmem:s0+$0x5F00]  }
0x17d: {  	[tilespmem:s29+$0x9F30] =	vst v38;
	v42 =	vld [tilespmem:s0+$0x5F80];
	v49 =	vmul.f32 v36, v20;
	v50 =	vmul.f32 v37, v21;
	v43 =	vadd.f32 v40, v39  }
0x17e: {  	v46 =	vld [tilespmem:s28+$0x5F00]  }
0x17f: {  	v47 =	vld [tilespmem:s28+$0x5F80];
	v53 =	vadd.f32 v50, v49;
	[tilespmem:s13+$0x9F30] =	vst v43;
	v44 =	vmul.f32 v62, v18;
	v45 =	vmul.f32 v63, v19  }
0x180: {  	v51 =	vld [tilespmem:s18+$0x5F00]  }
0x181: {  	v56 =	vmul.f32 v30, v6;
	v52 =	vld [tilespmem:s18+$0x5F80];
	[tilespmem:s11+$0x9F30] =	vst v53;
	v48 =	vadd.f32 v45, v44  }
0x182: {  	v61 =	vld [tilespmem:s4+$0x5F00]  }
0x183: {  	v28 =	vadd.f32 v57, v56;
	v54 =	vmul.f32 v41, v11;
	v55 =	vmul.f32 v42, v13;
	v62 =	vld [tilespmem:s4+$0x5F80];
	[tilespmem:s5+$0x9F30] =	vst v48  }
0x184: {  	v56 =	vld [tilespmem:s14+$0x5F00]  }
0x185: {  	[tilespmem:s31+$0x9F40] =	vst v28;
	v59 =	vmul.f32 v46, v14;
	v60 =	vmul.f32 v47, v15;
	v58 =	vadd.f32 v55, v54;
	v57 =	vld [tilespmem:s14+$0x5F80]  }
0x186: {  	v30 =	vld [tilespmem:s22+$0x5F10]  }
0x187: {  	v63 =	vld [tilespmem:s22+$0x5F90];
	v33 =	vadd.f32 v60, v59;
	[tilespmem:s26+$0x9F40] =	vst v58;
	v34 =	vmul.f32 v51, v16;
	v35 =	vmul.f32 v52, v17  }
0x188: {  	v36 =	vld [tilespmem:s0+$0x5F10]  }
0x189: {  	[tilespmem:s29+$0x9F40] =	vst v33;
	v37 =	vld [tilespmem:s0+$0x5F90];
	v44 =	vmul.f32 v61, v20;
	v45 =	vmul.f32 v62, v21;
	v38 =	vadd.f32 v35, v34  }
0x18a: {  	v41 =	vld [tilespmem:s28+$0x5F10];
	v39 =	vmul.f32 v56, v18;
	v40 =	vmul.f32 v57, v19  }
0x18b: {  	v42 =	vld [tilespmem:s28+$0x5F90];
	v48 =	vadd.f32 v45, v44;
	[tilespmem:s13+$0x9F40] =	vst v38  }
0x18c: {  	v46 =	vld [tilespmem:s18+$0x5F10];
	v43 =	vadd.f32 v40, v39  }
0x18d: {  	v47 =	vld [tilespmem:s18+$0x5F90];
	[tilespmem:s11+$0x9F40] =	vst v48  }
0x18e: {  	v51 =	vld [tilespmem:s4+$0x5F10];
	[tilespmem:s5+$0x9F40] =	vst v43  }
0x18f: {  	v2 =	vmul.f32 v8, v2;
	v3 =	vmul.f32 v9, v3;
	v49 =	vld [tilespmem:s14+$0x5F10]  }
0x190: {  	v4 =	vmul.f32 v10, v4;
	v5 =	vmul.f32 v12, v5;
	v50 =	vld [tilespmem:s14+$0x5F90]  }
0x191: {  	v2 =	vadd.f32 v3, v2;
	v3 =	vmul.f32 v30, v6;
	v53 =	vmul.f32 v63, v7;
	v52 =	vld [tilespmem:s4+$0x5F90]  }
0x192: {  	v4 =	vadd.f32 v5, v4;
	v54 =	vmul.f32 v36, v11;
	v55 =	vmul.f32 v37, v13  }
0x193: {  	[tilespmem:s20+$0x9F50] =	vst v2;
	v2 =	vadd.f32 v53, v3;
	v3 =	vmul.f32 v41, v14;
	v56 =	vmul.f32 v42, v15  }
0x194: {  	[tilespmem:s19+$0x9F50] =	vst v4;
	v57 =	vadd.f32 v55, v54;
	v58 =	vmul.f32 v46, v16;
	v59 =	vmul.f32 v47, v17  }
0x195: {  	p0 =	slt.u32 s1, $0x18;
	[tilespmem:s31+$0x9F50] =	vst v2;
	v2 =	vadd.f32 v56, v3;
	v3 =	vmul.f32 v49, v18;
	v60 =	vmul.f32 v50, v19  }
.Ltmp1:
0x196: {  	[tilespmem:s26+$0x9F50] =	vst v57;
	v62 =	vmul.f32 v51, v20;
	v63 =	vmul.f32 v52, v21;
	v61 =	vadd.f32 v59, v58;
	(pc) =	sbr.rel @p0 .LBB2_6-.Ltmp1, $4  }
0x197: {  	[tilespmem:s29+$0x9F50] =	vst v2;
	v2 =	vadd.f32 v60, v3  }
0x198: {  	[tilespmem:s13+$0x9F50] =	vst v61;
	v3 =	vadd.f32 v63, v62  }
0x199: {  	s31 =	sadd.s32 $0x8, s1;
	[tilespmem:s5+$0x9F50] =	vst v2  }
0x19a: {  	s1 =	smov.u32 s31;
	[tilespmem:s11+$0x9F50] =	vst v3  }
0x19b: {  	s0 =	simm.s32 $0x5E60  }
0x19c: {  	[spmem:s23] =	stream.indirect.scatter.add.f32 [tilespmem:s24], [sflag:$0x3], $0x80, s0, s21, $0xb8;
	[tilespmem:$0x1EEE0] =	vst v63  }
0x19d: {  	_ =	swait.ge [sflag:s25], $0x1000  }
0x19e: {  	[sflag:s25] =	ssyncset.done $0x0  }
0x19f: {  	s29 =	smin.u32 s16, $0x3A0;
	[sflag:s25] =	ssyncadd.s32 $0xFFFFF000  }
0x1a0: {  	v2 =	vld [tilespmem:s29+$0x4E60];
	_ =	sdelay $0x4  }
0x1a1: {  	[tilespmem:$0x5E20] =	vst v2  }
0x1a2: {  	v2 =	vld [tilespmem:s29+$0x4E70];
	_ =	sdelay $0x4  }
0x1a3: {  	s31 =	simm.s32 $0x5E20;
	[tilespmem:$0x5E30] =	vst v2  }
0x1a4: {  	[tilespmem:s3], [sflag:$0x1] =	stream.indirect.gather [hbm4b:s30+s21], $0x100, s31, s21, $0xb8;
	[tilespmem:$0x1EEE0] =	vst v63  }
0x1a5: {  	_ =	swait.ge [sflag:s10], $0x2000  }
0x1a6: {  	[sflag:s10] =	ssyncset.done $0x0  }
0x1a7: {  	[sflag:s10] =	ssyncadd.s32 $0xFFFFE000  }
0x1a8: {  	v2 =	vld [tilespmem:s12+$0x5220];
	_ =	sdelay $0x4  }
0x1a9: {  	v3 =	vshll.u32 v2, $0x1;
	_ =	sdelay $0x2  }
0x1aa: {  	[tilespmem:$0x5E80] =	vst v2  }
0x1ab: {  	s1 =	simm.s32 $0x0;
	v4 =	vld [tilespmem:s12+$0x5620]  }
0x1ac: {  	v2 =	vld.idx.msk [tilespmem:v3+s1+$0x0], $0xffff;
	_ =	sdelay $0x1  }
0x1ad: {  	v3 =	vor.u32 $0x1, v3;
	_ =	sdelay $0x2  }
0x1ae: {  	v2 =	vmul.f32 v4, v2;
	_ =	sdelay $0x1  }
0x1af: {  	v3 =	vld.idx.msk [tilespmem:v3+s1+$0x0], $0xffff;
	[tilespmem:$0x9EA0] =	vst v2  }
0x1b0: {  	v2 =	vld [tilespmem:s12+$0x5A20];
	_ =	sdelay $0x4  }
0x1b1: {  	v2 =	vmul.f32 v2, v3;
	_ =	sdelay $0x1  }
0x1b2: {  	[tilespmem:$0x9EC0] =	vst v2  }
0x1b3: {  	v2 =	vld [tilespmem:s17+$0x5220];
	_ =	sdelay $0x4  }
0x1b4: {  	v3 =	vshll.u32 v2, $0x1;
	_ =	sdelay $0x2  }
0x1b5: {  	[tilespmem:$0x5E90] =	vst v2  }
0x1b6: {  	v63 =	vld [tilespmem:s17+$0x5620]  }
0x1b7: {  	v2 =	vld.idx.msk [tilespmem:v3+s1+$0x0], $0xffff;
	_ =	sdelay $0x1  }
0x1b8: {  	v3 =	vor.u32 $0x1, v3;
	_ =	sdelay $0x2  }
0x1b9: {  	v2 =	vmul.f32 v63, v2;
	_ =	sdelay $0x1  }
0x1ba: {  	v3 =	vld.idx.msk [tilespmem:v3+s1+$0x0], $0xffff;
	[tilespmem:$0x9EB0] =	vst v2  }
0x1bb: {  	v2 =	vld [tilespmem:s17+$0x5A20];
	_ =	sdelay $0x4  }
0x1bc: {  	v2 =	vmul.f32 v2, v3;
	_ =	sdelay $0x1  }
0x1bd: {  	[tilespmem:$0x9ED0] =	vst v2  }
.LBB2_8:
0x1be: {  	v2 =	vmov s1  }
0x1bf: {  	v2 =	vshrl.u32 v2, $0x3  }
0x1c0: {  	s2 =	sor.u32 $0x1, s1;
	v2 =	vshll.u32 v2, v1  }
0x1c1: {  	v3 =	vbroadcast v2, $0x0;
	v2 =	vmov s2  }
0x1c2: {  	v2 =	vshrl.u32 v2, $0x3  }
0x1c3: {  	s0 =	sshll.u32 s1, $0x8;
	v2 =	vshll.u32 v2, v1  }
0x1c4: {  	s4 =	sand.u32 $0x3FFFFF00, s0;
	v2 =	vadd.s32 $0x1, v2  }
0x1c5: {  	s17 =	sshll.u32 s2, $0x8;
	v6 =	vld [tilespmem:s4+$0x7EA0];
	v5 =	vbroadcast v2, $0x0  }
0x1c6: {  	v7 =	vld [tilespmem:s4+$0x7F20];
	s0 =	sand.u32 $0x3FFFFF00, s17  }
0x1c7: {  	v8 =	vld [tilespmem:s0+$0x7EA0]  }
0x1c8: {  	v2 =	vld.idx.msk [tilespmem:v3+s7+$0x0], $0xffff  }
0x1c9: {  	v3 =	vld.idx.msk [tilespmem:v3+s8+$0x0], $0xffff  }
0x1ca: {  	v9 =	vld [tilespmem:s0+$0x7F20]  }
0x1cb: {  	v4 =	vld.idx.msk [tilespmem:v5+s7+$0x0], $0xffff  }
0x1cc: {  	v5 =	vld.idx.msk [tilespmem:v5+s8+$0x0], $0xffff;
	_ =	sdelay $0x1  }
0x1cd: {  	v6 =	vmul.f32 v6, v2;
	v7 =	vmul.f32 v7, v3;
	_ =	sdelay $0x1  }
0x1ce: {  	s5 =	sshll.u32 s1, $0x7;
	v6 =	vadd.f32 v7, v6  }
0x1cf: {  	s12 =	sand.u32 $0x3FFFFF80, s5;
	v63 =	vmul.f32 v8, v4;
	v12 =	vmul.f32 v9, v5  }
0x1d0: {  	[tilespmem:s12+$0x9EE0] =	vst v6  }
0x1d1: {  	s2 =	sshll.u32 s2, $0x7;
	v6 =	vld [tilespmem:s4+$0x7EB0];
	v7 =	vadd.f32 v12, v63  }
0x1d2: {  	s16 =	sand.u32 $0x3FFFFF80, s2;
	v13 =	vld [tilespmem:s4+$0x7F30]  }
0x1d3: {  	[tilespmem:s16+$0x9EE0] =	vst v7  }
0x1d4: {  	v7 =	vld [tilespmem:s0+$0x7EB0]  }
0x1d5: {  	v14 =	vld [tilespmem:s0+$0x7F30];
	_ =	sdelay $0x1  }
0x1d6: {  	v6 =	vmul.f32 v6, v2;
	v8 =	vmul.f32 v13, v3;
	_ =	sdelay $0x1  }
0x1d7: {  	v6 =	vadd.f32 v8, v6  }
0x1d8: {  	v7 =	vmul.f32 v7, v4;
	v15 =	vmul.f32 v14, v5  }
0x1d9: {  	[tilespmem:s12+$0x9EF0] =	vst v6  }
0x1da: {  	v6 =	vld [tilespmem:s4+$0x7EC0];
	v7 =	vadd.f32 v15, v7  }
0x1db: {  	v16 =	vld [tilespmem:s4+$0x7F40]  }
0x1dc: {  	[tilespmem:s16+$0x9EF0] =	vst v7  }
0x1dd: {  	v7 =	vld [tilespmem:s0+$0x7EC0]  }
0x1de: {  	v17 =	vld [tilespmem:s0+$0x7F40]  }
0x1df: {  	s18 =	sor.u32 $0x2, s1  }
0x1e0: {  	v10 =	vmov s18;
	v6 =	vmul.f32 v6, v2;
	v8 =	vmul.f32 v16, v3  }
0x1e1: {  	v10 =	vshrl.u32 v10, $0x3  }
0x1e2: {  	s19 =	sshll.u32 s18, $0x8;
	v18 =	vshll.u32 v10, v1;
	v6 =	vadd.f32 v8, v6  }
0x1e3: {  	s19 =	sand.u32 $0x3FFFFF00, s19;
	v8 =	vadd.s32 $0x2, v18;
	v7 =	vmul.f32 v7, v4;
	v9 =	vmul.f32 v17, v5  }
0x1e4: {  	v22 =	vld [tilespmem:s19+$0x7EA0];
	v8 =	vbroadcast v8, $0x0;
	[tilespmem:s12+$0x9F00] =	vst v6  }
0x1e5: {  	v20 =	vld [tilespmem:s4+$0x7ED0];
	v19 =	vadd.f32 v9, v7  }
0x1e6: {  	v21 =	vld [tilespmem:s4+$0x7F50]  }
0x1e7: {  	v13 =	vld [tilespmem:s19+$0x7F20];
	[tilespmem:s16+$0x9F00] =	vst v19  }
0x1e8: {  	v11 =	vld [tilespmem:s0+$0x7ED0]  }
0x1e9: {  	v12 =	vld [tilespmem:s0+$0x7F50]  }
0x1ea: {  	v6 =	vld.idx.msk [tilespmem:v8+s7+$0x0], $0xffff  }
0x1eb: {  	v7 =	vld.idx.msk [tilespmem:v8+s8+$0x0], $0xffff;
	v9 =	vmul.f32 v20, v2;
	v10 =	vmul.f32 v21, v3;
	_ =	sdelay $0x1  }
0x1ec: {  	v9 =	vadd.f32 v10, v9  }
0x1ed: {  	v23 =	vmul.f32 v11, v4;
	v24 =	vmul.f32 v12, v5  }
0x1ee: {  	[tilespmem:s12+$0x9F10] =	vst v9  }
0x1ef: {  	v8 =	vmul.f32 v22, v6;
	v27 =	vmul.f32 v13, v7;
	v26 =	vld [tilespmem:s4+$0x7EE0];
	v25 =	vadd.f32 v24, v23  }
0x1f0: {  	v28 =	vld [tilespmem:s4+$0x7F60]  }
0x1f1: {  	s20 =	sor.u32 $0x3, s1;
	s13 =	sor.u32 $0x5, s1;
	s2 =	sshll.u32 s18, $0x7;
	v8 =	vadd.f32 v27, v8;
	[tilespmem:s16+$0x9F10] =	vst v25  }
0x1f2: {  	v48 =	vmov s13;
	s17 =	sand.u32 $0x3FFFFF80, s2;
	v14 =	vmov s20;
	v9 =	vld [tilespmem:s0+$0x7EE0]  }
0x1f3: {  	v49 =	vshrl.u32 v48, $0x3;
	v14 =	vshrl.u32 v14, $0x3;
	[tilespmem:s17+$0x9EE0] =	vst v8;
	v29 =	vld [tilespmem:s0+$0x7F60]  }
0x1f4: {  	v39 =	vshll.u32 v14, v1;
	v14 =	vshll.u32 v49, v1;
	v8 =	vld [tilespmem:s19+$0x7EB0]  }
0x1f5: {  	v14 =	vadd.s32 $0x5, v14;
	v30 =	vld [tilespmem:s19+$0x7F30];
	v10 =	vmul.f32 v26, v2;
	v12 =	vmul.f32 v28, v3  }
0x1f6: {  	s11 =	sor.u32 $0x6, s1;
	v17 =	vbroadcast v14, $0x0  }
0x1f7: {  	v50 =	vmov s11;
	v10 =	vadd.f32 v12, v10  }
0x1f8: {  	v16 =	vshrl.u32 v50, $0x3;
	v9 =	vmul.f32 v9, v4;
	v11 =	vmul.f32 v29, v5  }
0x1f9: {  	v16 =	vshll.u32 v16, v1;
	[tilespmem:s12+$0x9F20] =	vst v10  }
0x1fa: {  	v8 =	vmul.f32 v8, v6;
	v31 =	vmul.f32 v30, v7;
	v10 =	vld [tilespmem:s4+$0x7EF0];
	v9 =	vadd.f32 v11, v9  }
0x1fb: {  	v41 =	vadd.s32 $0x3, v39;
	v16 =	vadd.s32 $0x6, v16;
	v32 =	vld [tilespmem:s4+$0x7F70]  }
0x1fc: {  	v43 =	vbroadcast v41, $0x0;
	v19 =	vbroadcast v16, $0x0;
	v16 =	vld.idx.msk [tilespmem:v17+s7+$0x0], $0xffff;
	v8 =	vadd.f32 v31, v8;
	[tilespmem:s16+$0x9F20] =	vst v9  }
0x1fd: {  	v9 =	vld [tilespmem:s0+$0x7EF0]  }
0x1fe: {  	[tilespmem:s17+$0x9EF0] =	vst v8;
	v33 =	vld [tilespmem:s0+$0x7F70]  }
0x1ff: {  	v8 =	vld [tilespmem:s19+$0x7EC0]  }
0x200: {  	v34 =	vld [tilespmem:s19+$0x7F40];
	v10 =	vmul.f32 v10, v2;
	v12 =	vmul.f32 v32, v3  }
0x201: {  	s28 =	sshll.u32 s13, $0x8;
	s2 =	sor.u32 $0x7, s1;
	v17 =	vld.idx.msk [tilespmem:v17+s8+$0x0], $0xffff  }
0x202: {  	s18 =	sand.u32 $0x3FFFFF00, s28;
	v51 =	vmov s2;
	v13 =	vld.idx.msk [tilespmem:v43+s8+$0x0], $0xffff;
	v10 =	vadd.f32 v12, v10  }
0x203: {  	v18 =	vshrl.u32 v51, $0x3;
	v27 =	vld [tilespmem:s18+$0x7F20];
	v9 =	vmul.f32 v9, v4;
	v11 =	vmul.f32 v33, v5  }
0x204: {  	v18 =	vshll.u32 v18, v1;
	v25 =	vld [tilespmem:s18+$0x7EA0];
	[tilespmem:s12+$0x9F30] =	vst v10  }
0x205: {  	v8 =	vmul.f32 v8, v6;
	v35 =	vmul.f32 v34, v7;
	v10 =	vld [tilespmem:s4+$0x7F00];
	v9 =	vadd.f32 v11, v9  }
0x206: {  	v18 =	vadd.s32 $0x7, v18;
	v36 =	vld [tilespmem:s4+$0x7F80]  }
0x207: {  	v26 =	vbroadcast v18, $0x0;
	v18 =	vld.idx.msk [tilespmem:v19+s7+$0x0], $0xffff;
	v8 =	vadd.f32 v35, v8;
	[tilespmem:s16+$0x9F30] =	vst v9  }
0x208: {  	v9 =	vld [tilespmem:s0+$0x7F00]  }
0x209: {  	[tilespmem:s17+$0x9F00] =	vst v8;
	v37 =	vld [tilespmem:s0+$0x7F80]  }
0x20a: {  	v56 =	vmul.f32 v27, v17;
	v55 =	vmul.f32 v25, v16;
	v38 =	vld [tilespmem:s19+$0x7F50]  }
0x20b: {  	s29 =	sshll.u32 s11, $0x8;
	v8 =	vld [tilespmem:s19+$0x7ED0];
	v10 =	vmul.f32 v10, v2;
	v12 =	vmul.f32 v36, v3  }
0x20c: {  	s9 =	sor.u32 $0x4, s1;
	s13 =	sshll.u32 s13, $0x7;
	s14 =	sand.u32 $0x3FFFFF00, s29;
	v19 =	vld.idx.msk [tilespmem:v19+s8+$0x0], $0xffff;
	v58 =	vadd.f32 v56, v55  }
0x20d: {  	v44 =	vmov s9;
	s13 =	sand.u32 $0x3FFFFF80, s13;
	v28 =	vld [tilespmem:s14+$0x7EA0];
	v10 =	vadd.f32 v12, v10  }
0x20e: {  	v45 =	vshrl.u32 v44, $0x3;
	v29 =	vld [tilespmem:s14+$0x7F20];
	[tilespmem:s13+$0x9EE0] =	vst v58;
	v9 =	vmul.f32 v9, v4;
	v11 =	vmul.f32 v37, v5  }
0x20f: {  	v12 =	vshll.u32 v45, v1;
	[tilespmem:s12+$0x9F40] =	vst v10;
	v42 =	vmul.f32 v38, v7;
	v38 =	vld [tilespmem:s18+$0x7EB0]  }
0x210: {  	v47 =	vadd.s32 $0x4, v12;
	v40 =	vmul.f32 v8, v6;
	v8 =	vld [tilespmem:s4+$0x7F10];
	v11 =	vadd.f32 v11, v9  }
0x211: {  	v15 =	vbroadcast v47, $0x0;
	v9 =	vld [tilespmem:s4+$0x7F90]  }
0x212: {  	[tilespmem:s16+$0x9F40] =	vst v11;
	v11 =	vld.idx.msk [tilespmem:v43+s7+$0x0], $0xffff  }
0x213: {  	s22 =	sshll.u32 s20, $0x8;
	v10 =	vld [tilespmem:s0+$0x7F10]  }
0x214: {  	v12 =	vld [tilespmem:s0+$0x7F90];
	s0 =	sand.u32 $0x3FFFFF00, s22  }
0x215: {  	v20 =	vld [tilespmem:s0+$0x7EA0]  }
0x216: {  	v21 =	vld [tilespmem:s0+$0x7F20]  }
0x217: {  	s26 =	sshll.u32 s9, $0x8;
	v14 =	vld.idx.msk [tilespmem:v15+s7+$0x0], $0xffff  }
0x218: {  	s22 =	sand.u32 $0x3FFFFF00, s26;
	v15 =	vld.idx.msk [tilespmem:v15+s8+$0x0], $0xffff  }
0x219: {  	s31 =	sshll.u32 s2, $0x8;
	v23 =	vld [tilespmem:s22+$0x7EA0]  }
0x21a: {  	s4 =	sand.u32 $0x3FFFFF00, s31;
	v24 =	vld [tilespmem:s22+$0x7F20]  }
0x21b: {  	v53 =	vld [tilespmem:s4+$0x7EA0]  }
0x21c: {  	v46 =	vadd.f32 v42, v40;
	v54 =	vld [tilespmem:s4+$0x7F20]  }
0x21d: {  	v30 =	vmul.f32 v20, v11;
	v31 =	vmul.f32 v21, v13;
	v20 =	vld.idx.msk [tilespmem:v26+s7+$0x0], $0xffff  }
0x21e: {  	[tilespmem:s17+$0x9F10] =	vst v46;
	v21 =	vld.idx.msk [tilespmem:v26+s8+$0x0], $0xffff  }
0x21f: {  	s5 =	sshll.u32 s20, $0x7;
	v22 =	vld [tilespmem:s19+$0x7EE0];
	v23 =	vmul.f32 v23, v14;
	v24 =	vmul.f32 v24, v15;
	v52 =	vadd.f32 v31, v30  }
0x220: {  	s20 =	sand.u32 $0x3FFFFF80, s5;
	v32 =	vld [tilespmem:s19+$0x7F60]  }
0x221: {  	s9 =	sshll.u32 s9, $0x7;
	v59 =	vmul.f32 v28, v18;
	v60 =	vmul.f32 v29, v19;
	v40 =	vld [tilespmem:s18+$0x7F30];
	v23 =	vadd.f32 v24, v23;
	[tilespmem:s20+$0x9EE0] =	vst v52  }
0x222: {  	s26 =	sand.u32 $0x3FFFFF80, s9;
	v26 =	vld [tilespmem:s0+$0x7EB0]  }
0x223: {  	s28 =	sshll.u32 s11, $0x7;
	v63 =	vadd.f32 v60, v59;
	[tilespmem:s26+$0x9EE0] =	vst v23;
	v57 =	vld [tilespmem:s0+$0x7F30];
	v36 =	vmul.f32 v53, v20;
	v37 =	vmul.f32 v54, v21  }
0x224: {  	s5 =	sand.u32 $0x3FFFFF80, s28;
	v61 =	vld [tilespmem:s22+$0x7EB0]  }
0x225: {  	s2 =	sshll.u32 s2, $0x7;
	[tilespmem:s5+$0x9EE0] =	vst v63;
	v22 =	vmul.f32 v22, v6;
	v39 =	vmul.f32 v32, v7;
	v62 =	vld [tilespmem:s22+$0x7F30];
	v41 =	vadd.f32 v37, v36  }
0x226: {  	s29 =	sand.u32 $0x3FFFFF80, s2;
	v44 =	vld [tilespmem:s14+$0x7EB0];
	v52 =	vmul.f32 v38, v16;
	v53 =	vmul.f32 v40, v17  }
0x227: {  	v45 =	vld [tilespmem:s14+$0x7F30];
	v22 =	vadd.f32 v39, v22;
	[tilespmem:s29+$0x9EE0] =	vst v41  }
0x228: {  	v56 =	vadd.f32 v53, v52;
	v42 =	vmul.f32 v26, v11;
	v43 =	vmul.f32 v57, v13;
	v49 =	vld [tilespmem:s4+$0x7EB0]  }
0x229: {  	[tilespmem:s17+$0x9F20] =	vst v22;
	v50 =	vld [tilespmem:s4+$0x7F30]  }
0x22a: {  	v29 =	vld [tilespmem:s19+$0x7EF0];
	[tilespmem:s13+$0x9EF0] =	vst v56;
	v47 =	vmul.f32 v61, v14;
	v48 =	vmul.f32 v62, v15;
	v46 =	vadd.f32 v43, v42  }
0x22b: {  	v63 =	vld [tilespmem:s18+$0x7EC0]  }
0x22c: {  	v58 =	vmul.f32 v45, v19;
	v57 =	vmul.f32 v44, v18;
	v36 =	vld [tilespmem:s18+$0x7F40];
	v51 =	vadd.f32 v48, v47;
	[tilespmem:s20+$0x9EF0] =	vst v46  }
0x22d: {  	v54 =	vld [tilespmem:s0+$0x7EC0]  }
0x22e: {  	v61 =	vadd.f32 v58, v57;
	[tilespmem:s26+$0x9EF0] =	vst v51;
	v55 =	vld [tilespmem:s0+$0x7F40];
	v62 =	vmul.f32 v49, v20;
	v22 =	vmul.f32 v50, v21  }
0x22f: {  	v59 =	vld [tilespmem:s22+$0x7EC0]  }
0x230: {  	[tilespmem:s5+$0x9EF0] =	vst v61;
	v60 =	vld [tilespmem:s22+$0x7F40];
	v22 =	vadd.f32 v22, v62  }
0x231: {  	v39 =	vld [tilespmem:s14+$0x7EC0];
	v48 =	vmul.f32 v63, v16;
	v49 =	vmul.f32 v36, v17  }
0x232: {  	v40 =	vld [tilespmem:s14+$0x7F40];
	[tilespmem:s29+$0x9EF0] =	vst v22  }
0x233: {  	v52 =	vadd.f32 v49, v48;
	v37 =	vmul.f32 v54, v11;
	v38 =	vmul.f32 v55, v13;
	v44 =	vld [tilespmem:s4+$0x7EC0]  }
0x234: {  	v45 =	vld [tilespmem:s4+$0x7F40]  }
0x235: {  	v46 =	vld [tilespmem:s19+$0x7F70];
	[tilespmem:s13+$0x9F00] =	vst v52;
	v42 =	vmul.f32 v59, v14;
	v43 =	vmul.f32 v60, v15;
	v41 =	vadd.f32 v38, v37  }
0x236: {  	v60 =	vld [tilespmem:s18+$0x7ED0]  }
0x237: {  	v53 =	vmul.f32 v39, v18;
	v54 =	vmul.f32 v40, v19;
	v63 =	vld [tilespmem:s18+$0x7F50];
	v47 =	vadd.f32 v43, v42;
	[tilespmem:s20+$0x9F00] =	vst v41  }
0x238: {  	v50 =	vld [tilespmem:s0+$0x7ED0]  }
0x239: {  	v57 =	vadd.f32 v54, v53;
	[tilespmem:s26+$0x9F00] =	vst v47;
	v51 =	vld [tilespmem:s0+$0x7F50];
	v58 =	vmul.f32 v44, v20;
	v59 =	vmul.f32 v45, v21  }
0x23a: {  	v55 =	vld [tilespmem:s22+$0x7ED0]  }
0x23b: {  	v61 =	vmul.f32 v29, v6;
	v62 =	vmul.f32 v46, v7;
	[tilespmem:s5+$0x9F00] =	vst v57;
	v56 =	vld [tilespmem:s22+$0x7F50];
	v34 =	vadd.f32 v59, v58  }
0x23c: {  	v37 =	vld [tilespmem:s14+$0x7ED0];
	v45 =	vmul.f32 v60, v16;
	v46 =	vmul.f32 v63, v17  }
0x23d: {  	v27 =	vadd.f32 v62, v61;
	v38 =	vld [tilespmem:s14+$0x7F50];
	[tilespmem:s29+$0x9F00] =	vst v34  }
0x23e: {  	v49 =	vadd.f32 v46, v45;
	v35 =	vmul.f32 v50, v11;
	v36 =	vmul.f32 v51, v13;
	v42 =	vld [tilespmem:s4+$0x7ED0]  }
0x23f: {  	[tilespmem:s17+$0x9F30] =	vst v27;
	v43 =	vld [tilespmem:s4+$0x7F50]  }
0x240: {  	v30 =	vld [tilespmem:s19+$0x7F00];
	[tilespmem:s13+$0x9F10] =	vst v49;
	v40 =	vmul.f32 v55, v14;
	v41 =	vmul.f32 v56, v15;
	v39 =	vadd.f32 v36, v35  }
0x241: {  	v57 =	vld [tilespmem:s18+$0x7EE0]  }
0x242: {  	v50 =	vmul.f32 v37, v18;
	v51 =	vmul.f32 v38, v19;
	v58 =	vld [tilespmem:s18+$0x7F60];
	v44 =	vadd.f32 v41, v40;
	[tilespmem:s20+$0x9F10] =	vst v39  }
0x243: {  	v47 =	vld [tilespmem:s0+$0x7EE0]  }
0x244: {  	v54 =	vadd.f32 v51, v50;
	[tilespmem:s26+$0x9F10] =	vst v44;
	v48 =	vld [tilespmem:s0+$0x7F60];
	v55 =	vmul.f32 v42, v20;
	v56 =	vmul.f32 v43, v21  }
0x245: {  	v52 =	vld [tilespmem:s22+$0x7EE0]  }
0x246: {  	[tilespmem:s5+$0x9F10] =	vst v54;
	v53 =	vld [tilespmem:s22+$0x7F60];
	v59 =	vadd.f32 v56, v55  }
0x247: {  	v62 =	vld [tilespmem:s14+$0x7EE0];
	v43 =	vmul.f32 v57, v16;
	v44 =	vmul.f32 v58, v17  }
0x248: {  	v63 =	vld [tilespmem:s14+$0x7F60];
	[tilespmem:s29+$0x9F10] =	vst v59  }
0x249: {  	v60 =	vmul.f32 v47, v11;
	v61 =	vmul.f32 v48, v13;
	v39 =	vld [tilespmem:s4+$0x7EE0];
	v47 =	vadd.f32 v44, v43  }
0x24a: {  	v40 =	vld [tilespmem:s4+$0x7F60]  }
0x24b: {  	v41 =	vld [tilespmem:s19+$0x7F80];
	v37 =	vmul.f32 v52, v14;
	v38 =	vmul.f32 v53, v15;
	v36 =	vadd.f32 v61, v60;
	[tilespmem:s13+$0x9F20] =	vst v47  }
0x24c: {  	v55 =	vld [tilespmem:s18+$0x7EF0]  }
0x24d: {  	v48 =	vmul.f32 v62, v18;
	v49 =	vmul.f32 v63, v19;
	v42 =	vadd.f32 v38, v37;
	v58 =	vld [tilespmem:s18+$0x7F70];
	[tilespmem:s20+$0x9F20] =	vst v36  }
0x24e: {  	v45 =	vld [tilespmem:s0+$0x7EF0]  }
0x24f: {  	v52 =	vadd.f32 v49, v48;
	[tilespmem:s26+$0x9F20] =	vst v42;
	v46 =	vld [tilespmem:s0+$0x7F70];
	v53 =	vmul.f32 v39, v20;
	v54 =	vmul.f32 v40, v21  }
0x250: {  	v50 =	vld [tilespmem:s22+$0x7EF0]  }
0x251: {  	v56 =	vmul.f32 v30, v6;
	v57 =	vmul.f32 v41, v7;
	[tilespmem:s5+$0x9F20] =	vst v52;
	v51 =	vld [tilespmem:s22+$0x7F70];
	v59 =	vadd.f32 v54, v53  }
0x252: {  	v62 =	vld [tilespmem:s14+$0x7EF0];
	v39 =	vmul.f32 v55, v16;
	v40 =	vmul.f32 v58, v17  }
0x253: {  	v28 =	vadd.f32 v57, v56;
	v63 =	vld [tilespmem:s14+$0x7F70];
	[tilespmem:s29+$0x9F20] =	vst v59  }
0x254: {  	v60 =	vmul.f32 v45, v11;
	v61 =	vmul.f32 v46, v13;
	v36 =	vld [tilespmem:s4+$0x7EF0];
	v43 =	vadd.f32 v40, v39  }
0x255: {  	[tilespmem:s17+$0x9F40] =	vst v28;
	v37 =	vld [tilespmem:s4+$0x7F70]  }
0x256: {  	v30 =	vld [tilespmem:s19+$0x7F10];
	v34 =	vmul.f32 v50, v14;
	v35 =	vmul.f32 v51, v15;
	v33 =	vadd.f32 v61, v60;
	[tilespmem:s13+$0x9F30] =	vst v43  }
0x257: {  	v51 =	vld [tilespmem:s18+$0x7F00]  }
0x258: {  	v44 =	vmul.f32 v62, v18;
	v45 =	vmul.f32 v63, v19;
	v38 =	vadd.f32 v35, v34;
	v52 =	vld [tilespmem:s18+$0x7F80];
	[tilespmem:s20+$0x9F30] =	vst v33  }
0x259: {  	v41 =	vld [tilespmem:s0+$0x7F00]  }
0x25a: {  	v48 =	vadd.f32 v45, v44;
	[tilespmem:s26+$0x9F30] =	vst v38;
	v42 =	vld [tilespmem:s0+$0x7F80];
	v49 =	vmul.f32 v36, v20;
	v50 =	vmul.f32 v37, v21  }
0x25b: {  	v46 =	vld [tilespmem:s22+$0x7F00]  }
0x25c: {  	[tilespmem:s5+$0x9F30] =	vst v48;
	v47 =	vld [tilespmem:s22+$0x7F80];
	v53 =	vadd.f32 v50, v49  }
0x25d: {  	v56 =	vld [tilespmem:s14+$0x7F00];
	v34 =	vmul.f32 v51, v16;
	v35 =	vmul.f32 v52, v17  }
0x25e: {  	v57 =	vld [tilespmem:s14+$0x7F80];
	[tilespmem:s29+$0x9F30] =	vst v53  }
0x25f: {  	v54 =	vmul.f32 v41, v11;
	v55 =	vmul.f32 v42, v13;
	v61 =	vld [tilespmem:s4+$0x7F00];
	v38 =	vadd.f32 v35, v34  }
0x260: {  	v62 =	vld [tilespmem:s4+$0x7F80]  }
0x261: {  	v63 =	vld [tilespmem:s19+$0x7F90];
	v59 =	vmul.f32 v46, v14;
	v60 =	vmul.f32 v47, v15;
	v58 =	vadd.f32 v55, v54;
	[tilespmem:s13+$0x9F40] =	vst v38  }
0x262: {  	v46 =	vld [tilespmem:s18+$0x7F10]  }
0x263: {  	v39 =	vmul.f32 v56, v18;
	v40 =	vmul.f32 v57, v19;
	v33 =	vadd.f32 v60, v59;
	v47 =	vld [tilespmem:s18+$0x7F90];
	[tilespmem:s20+$0x9F40] =	vst v58  }
0x264: {  	v36 =	vld [tilespmem:s0+$0x7F10]  }
0x265: {  	v43 =	vadd.f32 v40, v39;
	[tilespmem:s26+$0x9F40] =	vst v33;
	v37 =	vld [tilespmem:s0+$0x7F90];
	v44 =	vmul.f32 v61, v20;
	v45 =	vmul.f32 v62, v21  }
0x266: {  	v41 =	vld [tilespmem:s22+$0x7F10]  }
0x267: {  	[tilespmem:s5+$0x9F40] =	vst v43;
	v42 =	vld [tilespmem:s22+$0x7F90];
	v48 =	vadd.f32 v45, v44  }
0x268: {  	v49 =	vld [tilespmem:s14+$0x7F10]  }
0x269: {  	v2 =	vmul.f32 v8, v2;
	v3 =	vmul.f32 v9, v3;
	v50 =	vld [tilespmem:s14+$0x7F90];
	[tilespmem:s29+$0x9F40] =	vst v48  }
0x26a: {  	v4 =	vmul.f32 v10, v4;
	v5 =	vmul.f32 v12, v5;
	v51 =	vld [tilespmem:s4+$0x7F10]  }
0x26b: {  	v2 =	vadd.f32 v3, v2;
	v3 =	vmul.f32 v30, v6;
	v53 =	vmul.f32 v63, v7;
	v52 =	vld [tilespmem:s4+$0x7F90]  }
0x26c: {  	v4 =	vadd.f32 v5, v4;
	v58 =	vmul.f32 v46, v16;
	v59 =	vmul.f32 v47, v17  }
0x26d: {  	[tilespmem:s12+$0x9F50] =	vst v2;
	v2 =	vadd.f32 v53, v3;
	v3 =	vmul.f32 v41, v14;
	v56 =	vmul.f32 v42, v15  }
0x26e: {  	[tilespmem:s16+$0x9F50] =	vst v4;
	v54 =	vmul.f32 v36, v11;
	v55 =	vmul.f32 v37, v13;
	v61 =	vadd.f32 v59, v58  }
0x26f: {  	p0 =	slt.u32 s1, $0x18;
	[tilespmem:s17+$0x9F50] =	vst v2;
	v60 =	vmul.f32 v50, v19;
	v2 =	vadd.f32 v56, v3;
	v3 =	vmul.f32 v49, v18  }
.Ltmp2:
0x270: {  	v57 =	vadd.f32 v55, v54;
	[tilespmem:s13+$0x9F50] =	vst v61;
	v62 =	vmul.f32 v51, v20;
	v63 =	vmul.f32 v52, v21;
	(pc) =	sbr.rel @p0 .LBB2_8-.Ltmp2, $4  }
0x271: {  	[tilespmem:s26+$0x9F50] =	vst v2;
	v2 =	vadd.f32 v60, v3  }
0x272: {  	[tilespmem:s20+$0x9F50] =	vst v57;
	v3 =	vadd.f32 v63, v62  }
0x273: {  	s31 =	sadd.s32 $0x8, s1;
	[tilespmem:s5+$0x9F50] =	vst v2  }
0x274: {  	s1 =	smov.u32 s31;
	[tilespmem:s29+$0x9F50] =	vst v3  }
0x275: {  	s15 =	sadd.s32 $0x1, s15  }
0x276: {  	p0 =	sne.s32 s15, $0x10  }
.Ltmp3:
0x277: {  	s0 =	simm.s32 $0x5E80;
	(pc) =	sbr.rel @p0 .LBB2_5-.Ltmp3, $4  }
0x278: {  	[spmem:s23] =	stream.indirect.scatter.add.f32 [tilespmem:s24], [sflag:$0x3], $0x80, s0, s21, $0xb8;
	[tilespmem:$0x1EEE0] =	vst v63  }
0x279: {  	_ =	swait.ge [sflag:s25], $0x1000  }
0x27a: {  	[sflag:s25] =	ssyncset.done $0x0  }
0x27b: {  	[sflag:s25] =	ssyncadd.s32 $0xFFFFF000  }
0x27c: {  	_ =	swait.ge [sflag:s6], $0x2000  }
0x27d: {  	s0 =	sld [smem:$0x7EA];
	_ =	sdelay $0x2  }
0x27e: {  	s0 =	sadd.s32 $0x1, s0  }
0x27f: {  	p0 =	sne.s32 s0, $0xA  }
.Ltmp4:
0x280: {  	_ = 	snop;
	(pc) =	sbr.rel @p0 .LBB2_4-.Ltmp4, $3  }
0x281: {  	_ =	sdelay $0x1  }
0x282: {  	[sflag:s6] =	ssyncset.done $0x0  }
0x283: {  	[sflag:s6] =	ssyncadd.s32 $0xFFFFE000  }
0x284: {  	[bflag:$0x0] =	sbarrier.arrive $0xFFFF  }
0x285: {  	s2 =	rddreg [dreg:$0x1c]  }
0x286: {  	[tilespmem:s24], [sflag:$0x3] =	stream.linear.gather [spmem:s2], $0x1000, $0x38;
	[tilespmem:$0x1EEE0] =	vst v63  }
0x287: {  	_ =	swait.ge [sflag:s25], $0x1000  }
0x288: {  	[sflag:s25] =	ssyncset.done $0x0  }
0x289: {  	s0 =	simm.s32 $0x0;
	s1 =	rddreg [dreg:$0x5];
	[sflag:s25] =	ssyncadd.s32 $0xFFFFF000  }
0x28a: {  	[hbm4b:s1+s0] =	stream.linear.scatter [tilespmem:s24], [sflag:$0x3], $0x1000, $0x38;
	[tilespmem:$0x1EEE0] =	vst v63  }
0x28b: {  	_ =	swait.ge [sflag:s25], $0x1000  }
0x28c: {  	[sflag:s25] =	ssyncset.done $0x0  }
0x28d: {  	s4 =	rddreg [dreg:$0x1d];
	[sflag:s25] =	ssyncadd.s32 $0xFFFFF000  }
0x28e: {  	[tilespmem:s24], [sflag:$0x3] =	stream.linear.gather [spmem:s4], $0x1000, $0x38;
	[tilespmem:$0x1EEE0] =	vst v63  }
0x28f: {  	_ =	swait.ge [sflag:s25], $0x1000  }
0x290: {  	[sflag:s25] =	ssyncset.done $0x0  }
0x291: {  	s16 =	rddreg [dreg:$0x6];
	[sflag:s25] =	ssyncadd.s32 $0xFFFFF000  }
0x292: {  	[hbm4b:s16+s0] =	stream.linear.scatter [tilespmem:s24], [sflag:$0x3], $0x1000, $0x38;
	[tilespmem:$0x1EEE0] =	vst v63  }
0x293: {  	_ =	swait.ge [sflag:s25], $0x1000  }
0x294: {  	[sflag:s25] =	ssyncset.done $0x0  }
0x295: {  	s5 =	rddreg [dreg:$0x1e];
	[sflag:s25] =	ssyncadd.s32 $0xFFFFF000  }
0x296: {  	[tilespmem:s24], [sflag:$0x3] =	stream.linear.gather [spmem:s5], $0x1000, $0x38;
	[tilespmem:$0x1EEE0] =	vst v63  }
0x297: {  	_ =	swait.ge [sflag:s25], $0x1000  }
0x298: {  	[sflag:s25] =	ssyncset.done $0x0  }
0x299: {  	s17 =	rddreg [dreg:$0x7];
	[sflag:s25] =	ssyncadd.s32 $0xFFFFF000  }
0x29a: {  	[hbm4b:s17+s0] =	stream.linear.scatter [tilespmem:s24], [sflag:$0x3], $0x1000, $0x38;
	[tilespmem:$0x1EEE0] =	vst v63  }
0x29b: {  	_ =	swait.ge [sflag:s25], $0x1000  }
0x29c: {  	[sflag:s25] =	ssyncset.done $0x0  }
0x29d: {  	s13 =	rddreg [dreg:$0x1f];
	[sflag:s25] =	ssyncadd.s32 $0xFFFFF000  }
0x29e: {  	[tilespmem:s24], [sflag:$0x3] =	stream.linear.gather [spmem:s13], $0x1000, $0x38;
	[tilespmem:$0x1EEE0] =	vst v63  }
0x29f: {  	_ =	swait.ge [sflag:s25], $0x1000  }
0x2a0: {  	[sflag:s25] =	ssyncset.done $0x0  }
0x2a1: {  	s18 =	rddreg [dreg:$0x8];
	[sflag:s25] =	ssyncadd.s32 $0xFFFFF000  }
0x2a2: {  	[hbm4b:s18+s0] =	stream.linear.scatter [tilespmem:s24], [sflag:$0x3], $0x1000, $0x38;
	[tilespmem:$0x1EEE0] =	vst v63  }
0x2a3: {  	_ =	swait.ge [sflag:s25], $0x1000  }
0x2a4: {  	s14 =	sld [smem:$0x7EF]  }
0x2a5: {  	[sflag:s25] =	ssyncset.done $0x0  }
0x2a6: {  	[sflag:s25] =	ssyncadd.s32 $0xFFFFF000  }
0x2a7: {  	[tilespmem:s24], [sflag:$0x3] =	stream.linear.gather [spmem:s14], $0x1000, $0x38;
	[tilespmem:$0x1EEE0] =	vst v63  }
0x2a8: {  	_ =	swait.ge [sflag:s25], $0x1000  }
0x2a9: {  	[sflag:s25] =	ssyncset.done $0x0  }
0x2aa: {  	s19 =	rddreg [dreg:$0x9];
	[sflag:s25] =	ssyncadd.s32 $0xFFFFF000  }
0x2ab: {  	[hbm4b:s19+s0] =	stream.linear.scatter [tilespmem:s24], [sflag:$0x3], $0x1000, $0x38;
	[tilespmem:$0x1EEE0] =	vst v63  }
0x2ac: {  	_ =	swait.ge [sflag:s25], $0x1000  }
0x2ad: {  	s26 =	sld [smem:$0x7F0]  }
0x2ae: {  	[sflag:s25] =	ssyncset.done $0x0  }
0x2af: {  	[sflag:s25] =	ssyncadd.s32 $0xFFFFF000  }
0x2b0: {  	[tilespmem:s24], [sflag:$0x3] =	stream.linear.gather [spmem:s26], $0x1000, $0x38;
	[tilespmem:$0x1EEE0] =	vst v63  }
0x2b1: {  	_ =	swait.ge [sflag:s25], $0x1000  }
0x2b2: {  	[sflag:s25] =	ssyncset.done $0x0  }
0x2b3: {  	s20 =	rddreg [dreg:$0xa];
	[sflag:s25] =	ssyncadd.s32 $0xFFFFF000  }
0x2b4: {  	[hbm4b:s20+s0] =	stream.linear.scatter [tilespmem:s24], [sflag:$0x3], $0x1000, $0x38;
	[tilespmem:$0x1EEE0] =	vst v63  }
0x2b5: {  	_ =	swait.ge [sflag:s25], $0x1000  }
0x2b6: {  	s9 =	sld [smem:$0x7F1]  }
0x2b7: {  	[sflag:s25] =	ssyncset.done $0x0  }
0x2b8: {  	[sflag:s25] =	ssyncadd.s32 $0xFFFFF000  }
0x2b9: {  	[tilespmem:s24], [sflag:$0x3] =	stream.linear.gather [spmem:s9], $0x1000, $0x38;
	[tilespmem:$0x1EEE0] =	vst v63  }
0x2ba: {  	_ =	swait.ge [sflag:s25], $0x1000  }
0x2bb: {  	[sflag:s25] =	ssyncset.done $0x0  }
0x2bc: {  	s22 =	rddreg [dreg:$0xb];
	[sflag:s25] =	ssyncadd.s32 $0xFFFFF000  }
0x2bd: {  	[hbm4b:s22+s0] =	stream.linear.scatter [tilespmem:s24], [sflag:$0x3], $0x1000, $0x38;
	[tilespmem:$0x1EEE0] =	vst v63  }
0x2be: {  	_ =	swait.ge [sflag:s25], $0x1000  }
0x2bf: {  	s28 =	sld [smem:$0x7F2]  }
0x2c0: {  	[sflag:s25] =	ssyncset.done $0x0  }
0x2c1: {  	[sflag:s25] =	ssyncadd.s32 $0xFFFFF000  }
0x2c2: {  	[tilespmem:s24], [sflag:$0x3] =	stream.linear.gather [spmem:s28], $0x1000, $0x38;
	[tilespmem:$0x1EEE0] =	vst v63  }
0x2c3: {  	_ =	swait.ge [sflag:s25], $0x1000  }
0x2c4: {  	[sflag:s25] =	ssyncset.done $0x0  }
0x2c5: {  	s11 =	rddreg [dreg:$0xc];
	[sflag:s25] =	ssyncadd.s32 $0xFFFFF000  }
0x2c6: {  	[hbm4b:s11+s0] =	stream.linear.scatter [tilespmem:s24], [sflag:$0x3], $0x1000, $0x38;
	[tilespmem:$0x1EEE0] =	vst v63  }
0x2c7: {  	_ =	swait.ge [sflag:s25], $0x1000  }
0x2c8: {  	s11 =	sld [smem:$0x7F3]  }
0x2c9: {  	[sflag:s25] =	ssyncset.done $0x0  }
0x2ca: {  	[sflag:s25] =	ssyncadd.s32 $0xFFFFF000  }
0x2cb: {  	[tilespmem:s24], [sflag:$0x3] =	stream.linear.gather [spmem:s11], $0x1000, $0x38;
	[tilespmem:$0x1EEE0] =	vst v63  }
0x2cc: {  	_ =	swait.ge [sflag:s25], $0x1000  }
0x2cd: {  	[sflag:s25] =	ssyncset.done $0x0  }
0x2ce: {  	s12 =	rddreg [dreg:$0xd];
	[sflag:s25] =	ssyncadd.s32 $0xFFFFF000  }
0x2cf: {  	[hbm4b:s12+s0] =	stream.linear.scatter [tilespmem:s24], [sflag:$0x3], $0x1000, $0x38;
	[tilespmem:$0x1EEE0] =	vst v63  }
0x2d0: {  	_ =	swait.ge [sflag:s25], $0x1000  }
0x2d1: {  	s12 =	sld [smem:$0x7F4]  }
0x2d2: {  	[sflag:s25] =	ssyncset.done $0x0  }
0x2d3: {  	[sflag:s25] =	ssyncadd.s32 $0xFFFFF000  }
0x2d4: {  	[tilespmem:s24], [sflag:$0x3] =	stream.linear.gather [spmem:s12], $0x1000, $0x38;
	[tilespmem:$0x1EEE0] =	vst v63  }
0x2d5: {  	_ =	swait.ge [sflag:s25], $0x1000  }
0x2d6: {  	[sflag:s25] =	ssyncset.done $0x0  }
0x2d7: {  	s15 =	rddreg [dreg:$0xe];
	[sflag:s25] =	ssyncadd.s32 $0xFFFFF000  }
0x2d8: {  	[hbm4b:s15+s0] =	stream.linear.scatter [tilespmem:s24], [sflag:$0x3], $0x1000, $0x38;
	[tilespmem:$0x1EEE0] =	vst v63  }
0x2d9: {  	_ =	swait.ge [sflag:s25], $0x1000  }
0x2da: {  	s15 =	sld [smem:$0x7F5]  }
0x2db: {  	[sflag:s25] =	ssyncset.done $0x0  }
0x2dc: {  	[sflag:s25] =	ssyncadd.s32 $0xFFFFF000  }
0x2dd: {  	[tilespmem:s24], [sflag:$0x3] =	stream.linear.gather [spmem:s15], $0x1000, $0x38;
	[tilespmem:$0x1EEE0] =	vst v63  }
0x2de: {  	_ =	swait.ge [sflag:s25], $0x1000  }
0x2df: {  	[sflag:s25] =	ssyncset.done $0x0  }
0x2e0: {  	s16 =	rddreg [dreg:$0xf];
	[sflag:s25] =	ssyncadd.s32 $0xFFFFF000  }
0x2e1: {  	[hbm4b:s16+s0] =	stream.linear.scatter [tilespmem:s24], [sflag:$0x3], $0x1000, $0x38;
	[tilespmem:$0x1EEE0] =	vst v63  }
0x2e2: {  	_ =	swait.ge [sflag:s25], $0x1000  }
0x2e3: {  	s16 =	sld [smem:$0x7F6]  }
0x2e4: {  	[sflag:s25] =	ssyncset.done $0x0  }
0x2e5: {  	[sflag:s25] =	ssyncadd.s32 $0xFFFFF000  }
0x2e6: {  	[tilespmem:s24], [sflag:$0x3] =	stream.linear.gather [spmem:s16], $0x1000, $0x38;
	[tilespmem:$0x1EEE0] =	vst v63  }
0x2e7: {  	_ =	swait.ge [sflag:s25], $0x1000  }
0x2e8: {  	[sflag:s25] =	ssyncset.done $0x0  }
0x2e9: {  	s17 =	rddreg [dreg:$0x10];
	[sflag:s25] =	ssyncadd.s32 $0xFFFFF000  }
0x2ea: {  	[hbm4b:s17+s0] =	stream.linear.scatter [tilespmem:s24], [sflag:$0x3], $0x1000, $0x38;
	[tilespmem:$0x1EEE0] =	vst v63  }
0x2eb: {  	_ =	swait.ge [sflag:s25], $0x1000  }
0x2ec: {  	s17 =	sld [smem:$0x7F7]  }
0x2ed: {  	[sflag:s25] =	ssyncset.done $0x0  }
0x2ee: {  	[sflag:s25] =	ssyncadd.s32 $0xFFFFF000  }
0x2ef: {  	[tilespmem:s24], [sflag:$0x3] =	stream.linear.gather [spmem:s17], $0x1000, $0x38;
	[tilespmem:$0x1EEE0] =	vst v63  }
0x2f0: {  	_ =	swait.ge [sflag:s25], $0x1000  }
0x2f1: {  	[sflag:s25] =	ssyncset.done $0x0  }
0x2f2: {  	s18 =	rddreg [dreg:$0x11];
	[sflag:s25] =	ssyncadd.s32 $0xFFFFF000  }
0x2f3: {  	[hbm4b:s18+s0] =	stream.linear.scatter [tilespmem:s24], [sflag:$0x3], $0x1000, $0x38;
	[tilespmem:$0x1EEE0] =	vst v63  }
0x2f4: {  	_ =	swait.ge [sflag:s25], $0x1000  }
0x2f5: {  	s18 =	sld [smem:$0x7F8]  }
0x2f6: {  	[sflag:s25] =	ssyncset.done $0x0  }
0x2f7: {  	[sflag:s25] =	ssyncadd.s32 $0xFFFFF000  }
0x2f8: {  	[tilespmem:s24], [sflag:$0x3] =	stream.linear.gather [spmem:s18], $0x1000, $0x38;
	[tilespmem:$0x1EEE0] =	vst v63  }
0x2f9: {  	_ =	swait.ge [sflag:s25], $0x1000  }
0x2fa: {  	[sflag:s25] =	ssyncset.done $0x0  }
0x2fb: {  	s19 =	rddreg [dreg:$0x12];
	[sflag:s25] =	ssyncadd.s32 $0xFFFFF000  }
0x2fc: {  	[hbm4b:s19+s0] =	stream.linear.scatter [tilespmem:s24], [sflag:$0x3], $0x1000, $0x38;
	[tilespmem:$0x1EEE0] =	vst v63  }
0x2fd: {  	_ =	swait.ge [sflag:s25], $0x1000  }
0x2fe: {  	s19 =	sld [smem:$0x7F9]  }
0x2ff: {  	[sflag:s25] =	ssyncset.done $0x0  }
0x300: {  	[sflag:s25] =	ssyncadd.s32 $0xFFFFF000  }
0x301: {  	[tilespmem:s24], [sflag:$0x3] =	stream.linear.gather [spmem:s19], $0x1000, $0x38;
	[tilespmem:$0x1EEE0] =	vst v63  }
0x302: {  	_ =	swait.ge [sflag:s25], $0x1000  }
0x303: {  	[sflag:s25] =	ssyncset.done $0x0  }
0x304: {  	s20 =	rddreg [dreg:$0x13];
	[sflag:s25] =	ssyncadd.s32 $0xFFFFF000  }
0x305: {  	[hbm4b:s20+s0] =	stream.linear.scatter [tilespmem:s24], [sflag:$0x3], $0x1000, $0x38;
	[tilespmem:$0x1EEE0] =	vst v63  }
0x306: {  	_ =	swait.ge [sflag:s25], $0x1000  }
0x307: {  	s20 =	sld [smem:$0x7FA]  }
0x308: {  	[sflag:s25] =	ssyncset.done $0x0  }
0x309: {  	[sflag:s25] =	ssyncadd.s32 $0xFFFFF000  }
0x30a: {  	[tilespmem:s24], [sflag:$0x3] =	stream.linear.gather [spmem:s20], $0x1000, $0x38;
	[tilespmem:$0x1EEE0] =	vst v63  }
0x30b: {  	_ =	swait.ge [sflag:s25], $0x1000  }
0x30c: {  	[sflag:s25] =	ssyncset.done $0x0  }
0x30d: {  	s22 =	rddreg [dreg:$0x14];
	[sflag:s25] =	ssyncadd.s32 $0xFFFFF000  }
0x30e: {  	[hbm4b:s22+s0] =	stream.linear.scatter [tilespmem:s24], [sflag:$0x3], $0x1000, $0x38;
	[tilespmem:$0x1EEE0] =	vst v63  }
0x30f: {  	_ =	swait.ge [sflag:s25], $0x1000  }
0x310: {  	s29 =	sld [smem:$0x7FB]  }
0x311: {  	[sflag:s25] =	ssyncset.done $0x0  }
0x312: {  	[sflag:s25] =	ssyncadd.s32 $0xFFFFF000  }
0x313: {  	[tilespmem:s24], [sflag:$0x3] =	stream.linear.gather [spmem:s29], $0x1000, $0x38;
	[tilespmem:$0x1EEE0] =	vst v63  }
0x314: {  	_ =	swait.ge [sflag:s25], $0x1000  }
0x315: {  	[sflag:s25] =	ssyncset.done $0x0  }
0x316: {  	s22 =	rddreg [dreg:$0x15];
	[sflag:s25] =	ssyncadd.s32 $0xFFFFF000  }
0x317: {  	[hbm4b:s22+s0] =	stream.linear.scatter [tilespmem:s24], [sflag:$0x3], $0x1000, $0x38;
	[tilespmem:$0x1EEE0] =	vst v63  }
0x318: {  	_ =	swait.ge [sflag:s25], $0x1000  }
0x319: {  	s22 =	sld [smem:$0x7FC]  }
0x31a: {  	[sflag:s25] =	ssyncset.done $0x0  }
0x31b: {  	[sflag:s25] =	ssyncadd.s32 $0xFFFFF000  }
0x31c: {  	[tilespmem:s24], [sflag:$0x3] =	stream.linear.gather [spmem:s22], $0x1000, $0x38;
	[tilespmem:$0x1EEE0] =	vst v63  }
0x31d: {  	_ =	swait.ge [sflag:s25], $0x1000  }
0x31e: {  	[sflag:s25] =	ssyncset.done $0x0  }
0x31f: {  	s1 =	rddreg [dreg:$0x16];
	[sflag:s25] =	ssyncadd.s32 $0xFFFFF000  }
0x320: {  	[hbm4b:s1+s0] =	stream.linear.scatter [tilespmem:s24], [sflag:$0x3], $0x1000, $0x38;
	[tilespmem:$0x1EEE0] =	vst v63  }
0x321: {  	_ =	swait.ge [sflag:s25], $0x1000  }
0x322: {  	s31 =	sld [smem:$0x7FD]  }
0x323: {  	[sflag:s25] =	ssyncset.done $0x0  }
0x324: {  	[sflag:s25] =	ssyncadd.s32 $0xFFFFF000  }
0x325: {  	[tilespmem:s24], [sflag:$0x3] =	stream.linear.gather [spmem:s31], $0x1000, $0x38;
	[tilespmem:$0x1EEE0] =	vst v63  }
0x326: {  	_ =	swait.ge [sflag:s25], $0x1000  }
0x327: {  	[sflag:s25] =	ssyncset.done $0x0  }
0x328: {  	s1 =	rddreg [dreg:$0x17];
	[sflag:s25] =	ssyncadd.s32 $0xFFFFF000  }
0x329: {  	[hbm4b:s1+s0] =	stream.linear.scatter [tilespmem:s24], [sflag:$0x3], $0x1000, $0x38;
	[tilespmem:$0x1EEE0] =	vst v63  }
0x32a: {  	_ =	swait.ge [sflag:s25], $0x1000  }
0x32b: {  	s1 =	sld [smem:$0x7EC]  }
0x32c: {  	[sflag:s25] =	ssyncset.done $0x0  }
0x32d: {  	[sflag:s25] =	ssyncadd.s32 $0xFFFFF000  }
0x32e: {  	[tilespmem:s24], [sflag:$0x3] =	stream.linear.gather [spmem:s1], $0x1000, $0x38;
	[tilespmem:$0x1EEE0] =	vst v63  }
0x32f: {  	_ =	swait.ge [sflag:s25], $0x1000  }
0x330: {  	[sflag:s25] =	ssyncset.done $0x0  }
0x331: {  	s1 =	rddreg [dreg:$0x18];
	[sflag:s25] =	ssyncadd.s32 $0xFFFFF000  }
0x332: {  	[hbm4b:s1+s0] =	stream.linear.scatter [tilespmem:s24], [sflag:$0x3], $0x1000, $0x38;
	[tilespmem:$0x1EEE0] =	vst v63  }
0x333: {  	_ =	swait.ge [sflag:s25], $0x1000  }
0x334: {  	s0 =	sld [smem:$0x7EB];
	_ =	sdelay $0x2  }
0x335: {  	s1 =	sadd.s32 $0x1, s0;
	s0 =	sld [smem:$0x7EE];
	_ =	sdelay $0x2  }
0x336: {  	p0 =	sne.s32 s1, s0  }
.Ltmp5:
0x337: {  	_ = 	snop;
	(pc) =	sbr.rel @p0 .LBB2_1-.Ltmp5, $3  }
0x338: {  	_ =	sdelay $0x1  }
0x339: {  	[sflag:s25] =	ssyncset.done $0x0  }
0x33a: {  	[sflag:s25] =	ssyncadd.s32 $0xFFFFF000  }
0x33b: {  	_ =	sfence.sel $0x180000  }
0x33c: {  	[bflag:$0x0] =	sbarrier.arrive $0xFFFF  }
0x33d: {  	_ =	strace $0x9000004A  }
0x33e: {  	s0 =	stileid.u32;
	[bflag:$0x2] =	sbarrier.arrive $0xFFFF  }
0x33f: {  	p0 =	sne.s32 s0, $0x0;
	s0 =	rddreg [dreg:$0x4]  }
0x340: {  	s0 =	sadd.s32 @!p0 $0x100000, s0  }
0x341: {  	[sflag:s0] =	ssyncadd.tile.s32 @!p0 $0x1;
	_ =	shalt  }
.Lfunc_end2:
_tile_overlayer_lowered:
.L_overlay_start_2:
0x342: {  	(tag) =	ssettag $0x2  }
0x343: {  	s0 =	rddreg [dreg:$0x0];
	s2 =	stileid.u32  }
0x344: {  	s1 =	rddreg [dreg:$0x1];
	p0 =	sne.s32 s2, $0x0  }
0x345: {  	s3 =	rddreg [dreg:$0x2];
	[bflag:$0x3] =	sbarrier.arrive $0xFFFF;
	s2 =	simm.s32 @!p0 $0x1C03  }
0x346: {  	[timem:s3], [sflag:s2] =	dma.local @!p0 [hbm:s0], s1  }
0x347: {  	s0 =	simm.s32 @!p0 $0x3  }
0x348: {  	_ =	swait.ge @!p0 [sflag:s0], s1  }
0x349: {  	s1 =	ssub.s32 @!p0 $0x0, s1;
	[sflag:s0] =	ssyncset.done @!p0 $0x0  }
0x34a: {  	[sflag:s0] =	ssyncadd.s32 @!p0 s1  }
0x34b: {  	[bflag:$0x3] =	sbarrier.arrive $0xFFFF  }
0x34c: {  	_ =	shalt  }

// kernel: kernel.7.cloned.1.call-start
scs
__scs_entry_jumppad:
0x0: {  	(pc) =	sbr.rel $0x88, $3  }
0x1: {  	(tag) =	ssettag $0x0;
	lr =	simm.s32 $0x1  }
0x2: {  	[smem:$0x3F9A] =	sst lr;
	_ =	strace $0xD0000000  }
0x3: {  	_ = 	snop  }
0x4: {  	_ = 	snop  }
0x5: {  	_ = 	snop  }
0x6: {  	_ = 	snop  }
0x7: {  	_ = 	snop  }
__scs_overlays_trampoline_lowered:
0x8: {  	[smem:$0x3FA9] =	sst s0  }
0x9: {  	[smem:$0x3FAA] =	sst s1  }
0xa: {  	[smem:$0x3FAB] =	sst s2  }
0xb: {  	[smem:$0x3FAC] =	sst s3  }
0xc: {  	[smem:$0x3FAD] =	sst s4  }
0xd: {  	[smem:$0x3FAE] =	sst s5  }
0xe: {  	[smem:$0x3FAF] =	sst s6  }
0xf: {  	[smem:$0x3FB0] =	sst s7  }
0x10: {  	[smem:$0x3FB1] =	sst s8  }
0x11: {  	[smem:$0x3FB2] =	sst s9;
	s0 =	simm.s32 @!p0 $0x0  }
0x12: {  	s1 =	sld [smem:$0x3F98];
	s0 =	simm.s32 @p0 $0x1  }
0x13: {  	[smem:$0x3FB3] =	sst s0;
	s0 =	simm.s32 @!p1 $0x0  }
0x14: {  	s2 =	sld [smem:$0x3F97];
	s0 =	simm.s32 @p1 $0x1  }
0x15: {  	[smem:$0x3FB4] =	sst s0;
	s0 =	simm.s32 @!p2 $0x0  }
0x16: {  	s3 =	sld [smem:$0x3FDB];
	s0 =	simm.s32 @p2 $0x1  }
0x17: {  	s4 =	simm.s32 $0x1BF5;
	[smem:$0x3FB6] =	sst s0  }
0x18: {  	s0 =	sld [smem:$0x3F99];
	_ =	swait.ge [sflag:s4], $0x0  }
0x19: {  	s7 =	sld [smem:$0x3F9A]  }
0x1a: {  	s8 =	sadd.s32 $0xFFFFE003, lr  }
0x1b: {  	s9 =	sadd.s32 $0xFFFFFEF7, lr;
	s5 =	simm.s32 $0xFFFFFFFF;
	p2 =	slt.u32 s8, $0xFFFFF086  }
0x1c: {  	p1 =	slt.u32 s9, $0xF7A;
	s5 =	simm.s32 @!p2 $0x0  }
0x1d: {  	s5 =	simm.s32 @p1 $0x1;
	p0 =	seq.s32 s7, s2  }
0x1e: {  	s7 =	smul.u32 @!p0 $0xF7A, s2;
	p2 =	seq.s32 @!p0 s5, $0x0  }
0x1f: {  	s9 =	smul.u32 $0xF7A, s1;
	s8 =	simm.s32 @!p0 $0x1BF5;
	p2 =	por !p2, p0  }
0x20: {  	[sflag:s8] =	ssyncset.s32 @!p0 $0xFFFFF086;
	s6 =	sadd.s32 @!p0 s3, s7;
	s7 =	simm.s32 @!p0 $0x108  }
0x21: {  	s3 =	sadd.s32 s3, s9;
	s6 =	sadd.s32 @!p0 $0x88, s6;
	s7 =	simm.s32 @p2 $0x1082  }
0x22: {  	[simem:s7], [sflag:s8] =	dma.local @!p0 [hbm:s6], $0xF7A  }
0x23: {  	s9 =	sor.u32 $0xD0000000, s2;
	s6 =	simm.s32 $0x108;
	_ =	swait.ge @!p0 [sflag:s8], $0x0  }
0x24: {  	s3 =	sadd.s32 $0x88, s3;
	s6 =	simm.s32 @!p1 $0x1082;
	[sflag:s4] =	ssyncset.s32 $0xFFFFF086  }
0x25: {  	[simem:s6], [sflag:s4] =	dma.local [hbm:s3], $0xF7A  }
0x26: {  	[smem:$0x3F9A] =	sst s1;
	(tag) =	ssettag s2;
	_ =	strace s9  }
0x27: {  	s1 =	sld [smem:$0x3FAA]  }
0x28: {  	s2 =	sld [smem:$0x3FAB]  }
0x29: {  	s4 =	sld [smem:$0x3FAD]  }
0x2a: {  	p0 =	seq.s32 s5, $0x0;
	s5 =	sld [smem:$0x3FAE]  }
0x2b: {  	s6 =	sld [smem:$0x3FAF]  }
0x2c: {  	s7 =	sld [smem:$0x3FB0]  }
0x2d: {  	s3 =	simm.s32 $0x108;
	s8 =	sld [smem:$0x3FB1]  }
0x2e: {  	s3 =	simm.s32 @!p0 $0x1082;
	s9 =	sld [smem:$0x3FB2]  }
0x2f: {  	lr =	sadd.s32 s0, s3;
	s0 =	sld [smem:$0x3FA9]  }
0x30: {  	s3 =	sld [smem:$0x3FAC]  }
0x31: {  	[smem:$0x3FB5] =	sst s10  }
0x32: {  	s10 =	sld [smem:$0x3FB3];
	_ =	sdelay $0x3  }
0x33: {  	p0 =	seq.s32 s10, $0x1;
	s10 =	sld [smem:$0x3FB5];
	_ =	sdelay $0x3  }
0x34: {  	[smem:$0x3FB5] =	sst s10  }
0x35: {  	s10 =	sld [smem:$0x3FB4];
	_ =	sdelay $0x3  }
0x36: {  	p1 =	seq.s32 s10, $0x1;
	s10 =	sld [smem:$0x3FB5];
	_ =	sdelay $0x3  }
0x37: {  	[smem:$0x3FB5] =	sst s10  }
0x38: {  	s10 =	sld [smem:$0x3FB6]  }
0x39: {  	_ = 	snop;
	(pc) =	sbr.ind lr, $3  }
0x3a: {  	_ = 	snop  }
0x3b: {  	_ = 	snop  }
0x3c: {  	p2 =	seq.s32 s10, $0x1;
	s10 =	sld [smem:$0x3FB5]  }
0x3d: {  	_ =	shalt  }
0x3e: {  	_ =	shalt  }
0x3f: {  	_ =	shalt  }
0x40: {  	_ =	shalt  }
0x41: {  	_ =	shalt  }
0x42: {  	_ =	shalt  }
0x43: {  	_ =	shalt  }
0x44: {  	_ =	shalt  }
0x45: {  	_ =	shalt  }
0x46: {  	_ =	shalt  }
0x47: {  	_ =	shalt  }
0x48: {  	_ =	shalt  }
0x49: {  	_ =	shalt  }
0x4a: {  	_ =	shalt  }
0x4b: {  	_ =	shalt  }
0x4c: {  	_ =	shalt  }
0x4d: {  	_ =	shalt  }
0x4e: {  	_ =	shalt  }
0x4f: {  	_ =	shalt  }
0x50: {  	_ =	shalt  }
0x51: {  	_ =	shalt  }
0x52: {  	_ =	shalt  }
0x53: {  	_ =	shalt  }
0x54: {  	_ =	shalt  }
0x55: {  	_ =	shalt  }
0x56: {  	_ =	shalt  }
0x57: {  	_ =	shalt  }
0x58: {  	_ =	shalt  }
0x59: {  	_ =	shalt  }
0x5a: {  	_ =	shalt  }
0x5b: {  	_ =	shalt  }
0x5c: {  	_ =	shalt  }
0x5d: {  	_ =	shalt  }
0x5e: {  	_ =	shalt  }
0x5f: {  	_ =	shalt  }
0x60: {  	_ =	shalt  }
0x61: {  	_ =	shalt  }
0x62: {  	_ =	shalt  }
0x63: {  	_ =	shalt  }
0x64: {  	_ =	shalt  }
0x65: {  	_ =	shalt  }
0x66: {  	_ =	shalt  }
0x67: {  	_ =	shalt  }
0x68: {  	_ =	shalt  }
0x69: {  	_ =	shalt  }
0x6a: {  	_ =	shalt  }
0x6b: {  	_ =	shalt  }
0x6c: {  	_ =	shalt  }
0x6d: {  	_ =	shalt  }
0x6e: {  	_ =	shalt  }
0x6f: {  	_ =	shalt  }
0x70: {  	_ =	shalt  }
0x71: {  	_ =	shalt  }
0x72: {  	_ =	shalt  }
0x73: {  	_ =	shalt  }
0x74: {  	_ =	shalt  }
0x75: {  	_ =	shalt  }
0x76: {  	_ =	shalt  }
0x77: {  	_ =	shalt  }
0x78: {  	_ =	shalt  }
0x79: {  	_ =	shalt  }
0x7a: {  	_ =	shalt  }
0x7b: {  	_ =	shalt  }
0x7c: {  	_ =	shalt  }
0x7d: {  	_ =	shalt  }
0x7e: {  	_ =	shalt  }
0x7f: {  	_ =	shalt  }
0x80: {  	_ =	shalt  }
0x81: {  	_ =	shalt  }
0x82: {  	_ =	shalt  }
0x83: {  	_ =	shalt  }
0x84: {  	_ =	shalt  }
0x85: {  	_ =	shalt  }
0x86: {  	_ =	shalt  }
0x87: {  	_ =	shalt  }
.Lfunc_end0:
.L_simem_size_0:
called_computation_lowered:
.L_overlay_start_0:
0x88: {  	s2 =	sld [smem:$0x3FD9]  }
0x89: {  	s3 =	sld [smem:$0x3FFE];
	_ =	sdelay $0x1  }
0x8a: {  	s1 =	srdreg.scid  }
0x8b: {  	s0 =	sand.u32 $0x1, s1  }
0x8c: {  	s14 =	sshll.u32 s0, $0xA;
	s2 =	sadd.s32 s3, s2  }
0x8d: {  	s2 =	sadd.s32 s2, s14  }
0x8e: {  	[smem:$0x3FC1] =	sst s2  }
0x8f: {  	_ = 	snop  }
0x90: {  	s2 =	sld [smem:$0x3FD0];
	_ =	sdelay $0x2  }
0x91: {  	s15 =	simm.s32 $0xA;
	s4 =	simm.s32 $0x10  }
0x92: {  	[smem:s4], [sflag:s15] =	dma.local [hbm:s2], $0x1  }
0x93: {  	_ =	swait.eq [sflag:s15], $0x1  }
0x94: {  	[sflag:s15] =	ssyncset.done $0x0  }
0x95: {  	s16 =	sld [smem:$0x10];
	[sflag:s15] =	ssyncadd.s32 $0xFFFFFFFF  }
0x96: {  	s17 =	sld [smem:$0x11];
	(tm) =	ssettm $0x1  }
0x97: {  	s18 =	sld [smem:$0x3FFB];
	_ =	sdelay $0x3  }
0x98: {  	_ =	strace s18  }
0x99: {  	s4 =	sld [smem:$0x3FFC];
	_ =	sdelay $0x3  }
0x9a: {  	_ =	strace s4  }
0x9b: {  	s4 =	sld [smem:$0x3FFD];
	_ =	sdelay $0x3  }
0x9c: {  	_ =	strace s4  }
0x9d: {  	_ =	strace $0x8FFFFFFF  }
0x9e: {  	s19 =	sld [smem:$0x3FDB];
	_ =	sdelay $0x1  }
0x9f: {  	s5 =	simm.s32 $_scs_section_size  }
0xa0: {  	s6 =	simm.s32 $_size__tile_overlayer_lowered;
	s7 =	simm.s32 $_tile_overlayer_lowered  }
0xa1: {  	s22 =	simm.s32 $0x1BFF;
	s21 =	sshll.u32 s7, $0x1;
	s4 =	sadd.s32 s5, s19  }
0xa2: {  	s8 =	simm.s32 $0x0;
	s20 =	sshll.u32 s6, $0x1;
	s6 =	sadd.s32 s21, s4  }
0xa3: {  	[timem:s8], [sflag:s22] =	dma.local [hbm:s6], s20  }
0xa4: {  	_ =	swait.ge [sflag:s22], s20  }
0xa5: {  	s5 =	ssub.s32 $0x0, s20;
	[sflag:s22] =	ssyncset.done $0x0  }
0xa6: {  	[sflag:s22] =	ssyncadd.s32 s5;
	_ =	sdelay $0x1  }
0xa7: {  	s23 =	simm.s32 $0x1B8B  }
0xa8: {  	_ =	swait.ge [sflag:s23], $0x1  }
0xa9: {  	[sflag:s23] =	ssyncset.done $0x0  }
0xaa: {  	s25 =	simm.s32 $0x1B8E;
	s24 =	sld [smem:$0x3FFE];
	[sflag:s23] =	ssyncadd.s32 $0xFFFFFFFF  }
0xab: {  	s26 =	simm.s32 $execute0_lowered;
	[smem:$0x3FD2] =	sst s25  }
0xac: {  	s6 =	sshll.u32 s26, $0x1;
	_ =	strace $0x80000046;
	[dreg:$0x1] =	wrdreg $0xFFFFFFFF  }
0xad: {  	s28 =	simm.s32 $_size_execute0_lowered;
	s4 =	sadd.s32 s4, s6;
	[dreg:$0x0] =	wrdreg $0x0  }
0xae: {  	s6 =	sshll.u32 s28, $0x1;
	[dreg:$0x2] =	wrdreg s4  }
0xaf: {  	[dreg:$0x3] =	wrdreg s6  }
0xb0: {  	[dreg:$0x4] =	wrdreg $0xC0  }
0xb1: {  	_ =	task [dreg:s8], $0x5FFFF  }
0xb2: {  	[dreg:$0x1] =	wrdreg $0xFFFFFFFF  }
0xb3: {  	[dreg:$0x0] =	wrdreg $0x60  }
0xb4: {  	[dreg:$0x2] =	wrdreg s16  }
0xb5: {  	[dreg:$0x3] =	wrdreg s24  }
0xb6: {  	[dreg:$0x4] =	wrdreg s17  }
0xb7: {  	[dreg:$0x5] =	wrdreg $0xED400  }
0xb8: {  	[dreg:$0x6] =	wrdreg $0x9  }
0xb9: {  	_ =	task.clear_ibuf [dreg:s8], $0x7FFFF;
	_ =	strace $0x90000046  }
0xba: {  	s29 =	simm.s32 $0x9;
	_ =	strace $0x80000048  }
0xbb: {  	_ =	swait.ge [sflag:s29], $0x1  }
0xbc: {  	[sflag:s29] =	ssyncadd.s32 $0xFFFFFFFF  }
0xbd: {  	_ =	strace $0x90000048  }
0xbe: {  	_ =	sfence  }
0xbf: {  	s30 =	sld [smem:$0x0];
	_ =	sdelay $0x2  }
0xc0: {  	s31 =	sshll.u32 s1, $0xD;
	s1 =	sshrl.u32 s1, $0x2  }
0xc1: {  	s3 =	sand.u32 $0x4000, s31;
	s1 =	sadd.s32 s1, s30  }
0xc2: {  	s0 =	sor.u32 s3, s0;
	s1 =	sshll.u32 s1, $0x11  }
0xc3: {  	s0 =	sor.u32 s1, s0  }
0xc4: {  	s0 =	sadd.s32 $0x8F2B, s0  }
0xc5: {  	[sflag:s0] =	ssyncadd.remote.s32 $0x1  }
0xc6: {  	_ =	sfence.sel $0xFFFF  }
0xc7: {  	[dreg:$0x0] =	wrdreg $0xFFFFFFFF;
	(pc) =	sbr.abs _section_cstart, $3  }
0xc8: {  	[dreg:$0x1] =	wrdreg $0xFFFFFFFF  }
0xc9: {  	_ =	task.clear_ibuf [dreg:s8], $0x2FFFF;
	_ =	strace $0x9FFFFFFF  }
0xca: {  	(tm) =	ssettm $0x7FFFFFFF  }
0xcb: {  	_ =	shalt  }
tec
execute0_lowered:
.L_overlay_start_1:
0x0: {  	(tag) =	ssettag $0x1  }
0x1: {  	s1 =	rddreg [dreg:$0x0]  }
0x2: {  	s0 =	rddreg [dreg:$0x1]  }
0x3: {  	s4 =	rddreg [dreg:$0x3];
	s5 =	simm.s32 $0x0  }
0x4: {  	s2 =	srdreg.scid;
	s13 =	stileid.u32;
	s15 =	simm.s32 $0xC540  }
0x5: {  	s16 =	simm.s32 $0x1;
	s18 =	simm.s32 $0x9CC0;
	s19 =	simm.s32 $0xA4C0  }
0x6: {  	s20 =	simm.s32 $0xBD40;
	s21 =	simm.s32 $0x80;
	s22 =	simm.s32 $0xBCC0  }
0x7: {  	s23 =	simm.s32 $0xACC0;
	s24 =	simm.s32 $0xB4C0;
	s25 =	simm.s32 $0x0  }
0x8: {  	v0 =	vlaneseq.u32;
	s26 =	simm.s32 $0x0;
	s2 =	sand.u32 $0x1, s2;
	s3 =	smul.u32 $0x2800, s13  }
0x9: {  	[smem:$0x7FF] =	sst s5;
	s6 =	sadd.s32 $0x51400, s0;
	v0 =	vmul.u32 $0x10, v0;
	s7 =	smul.u32 $0x28000, s2  }
0xa: {  	v1 =	vimm.f32 $0.0e+00;
	s8 =	sadd.s32 $0x50000, s0;
	s9 =	sadd.s32 $0x6F400, s0;
	_ =	strace $0x80000047  }
0xb: {  	[dreg:$0x5] =	wrdreg s8;
	s8 =	sadd.s32 $0x65400, s0;
	v2 =	vor.u32 $0x1, v0;
	v3 =	vor.u32 $0x100, v0;
	v4 =	vor.u32 $0x101, v0;
	s10 =	sadd.s32 s3, s7  }
0xc: {  	s31 =	ssub.s32 $0x2, s2;
	s2 =	sshll.u32 s2, $0x4;
	v5 =	vor.u32 $0x200, v0;
	v6 =	vor.u32 $0x201, v0;
	v7 =	vor.u32 $0x300, v0;
	s11 =	sshrl.u32 s10, $0x3  }
0xd: {  	s12 =	sshrl.u32 s31, $0x1;
	s2 =	sor.u32 s13, s2;
	v8 =	vor.u32 $0x301, v0;
	v9 =	vor.u32 $0x400, v0;
	v10 =	vor.u32 $0x401, v0;
	s0 =	sadd.s32 s11, s0  }
0xe: {  	v11 =	vor.u32 $0x500, v0;
	v12 =	vor.u32 $0x501, v0;
	v13 =	vor.u32 $0x600, v0;
	s7 =	ssub.s32 s31, s12;
	s12 =	smul.u32 $0x2800, s2;
	s0 =	sadd.s32 $0x5B400, s0  }
0xf: {  	v14 =	vor.u32 $0x601, v0;
	v15 =	vor.u32 $0x700, v0;
	v16 =	vor.u32 $0x701, v0;
	s14 =	smax.u32 s7, $0x1;
	s11 =	sadd.s32 s3, s4;
	[dreg:$0x6] =	wrdreg s0  }
.LBB2_1:
0x10: {  	s0 =	simm.s32 $0x0  }
.LBB2_2:
0x11: {  	p0 =	sne.s32 s0, $0x1FC0  }
.Ltmp0:
0x12: {  	_ = 	snop;
	(pc) =	sbr.rel @p0 .LBB2_2-.Ltmp0, $3  }
0x13: {  	_ =	sdelay $0x1  }
0x14: {  	s2 =	sshra.s32 s0, $0x2  }
0x15: {  	s0 =	sadd.s32 $0x40, s0;
	[tilespmem:s2+$0xBD40] =	vst v1  }
0x16: {  	s0 =	simm.s32 $0x40;
	s2 =	simm.s32 $0x0  }
.LBB2_4:
0x17: {  	p0 =	sne.s32 s0, $0x9FC0;
	[tilespmem:s2+$0xC540] =	vst v1;
	s2 =	smov.u32 s0;
	s0 =	sadd.s32 $0x40, s0  }
.Ltmp1:
0x18: {  	(pc) =	sbr.rel @p0 .LBB2_4-.Ltmp1, $2  }
0x19: {  	_ =	sdelay $0x2  }
0x1a: {  	s2 =	sshra.s32 s2, $0x2  }
0x1b: {  	[tilespmem:s2+$0xC540] =	vst v1  }
0x1c: {  	[spmem:s11] =	stream.linear.scatter [tilespmem:s15], [sflag:$0x1], $0x2800, $0x38;
	[tilespmem:$0x11540] =	vst v63  }
0x1d: {  	_ =	swait.ge [sflag:s16], $0x2800  }
0x1e: {  	[sflag:s16] =	ssyncset.done $0x0  }
0x1f: {  	[sflag:s16] =	ssyncadd.s32 $0xFFFFD800  }
0x20: {  	[bflag:$0x0] =	sbarrier.arrive $0xFFFF  }
0x21: {  	s0 =	rddreg [dreg:$0x5]  }
0x22: {  	[tilespmem:s26], [sflag:$0x1] =	stream.linear.gather [hbm4b:s0+s26], $0x9C40, $0x38;
	[tilespmem:$0x11540] =	vst v63  }
0x23: {  	_ =	swait.ge [sflag:s16], $0x9C40  }
0x24: {  	[sflag:s16] =	ssyncset.done $0x0  }
0x25: {  	[sflag:s16] =	ssyncadd.s32 $0xFFFF63C0  }
0x26: {  	s31 =	simm.s32 $0x9C40;
	s30 =	rddreg [dreg:$0x2]  }
0x27: {  	[tilespmem:s31], [sflag:$0x1] =	stream.linear.gather [hbm4b:s30+s26], $0x80, $0x38;
	[tilespmem:$0x11540] =	vst v63  }
0x28: {  	_ =	swait.ge [sflag:s16], $0x80  }
0x29: {  	[sflag:s16] =	ssyncset.done $0x0  }
0x2a: {  	[sflag:s16] =	ssyncadd.s32 $0xFFFFFF80  }
0x2b: {  	v17 =	vld [tilespmem:$0x9C40]  }
0x2c: {  	s28 =	smov.u32 s10;
	s29 =	simm.s32 $0x0;
	v18 =	vld [tilespmem:$0x9C50]  }
.LBB2_6:
0x2d: {  	s0 =	sshll.u32 s29, $0xB  }
0x2e: {  	s0 =	sadd.s32 s12, s0  }
0x2f: {  	s30 =	sshrl.u32 s0, $0x3  }
0x30: {  	s0 =	sadd.s32 s1, s30  }
0x31: {  	[tilespmem:s18], [sflag:$0x1] =	stream.linear.gather [hbm4b:s0+s26], $0x800, $0x38;
	[tilespmem:$0x11540] =	vst v63  }
0x32: {  	_ =	swait.ge [sflag:s16], $0x800  }
0x33: {  	[sflag:s16] =	ssyncset.done $0x0  }
0x34: {  	s17 =	sadd.s32 s6, s30;
	[sflag:s16] =	ssyncadd.s32 $0xFFFFF800  }
0x35: {  	[tilespmem:s19], [sflag:$0x1] =	stream.linear.gather [hbm4b:s17+s26], $0x800, $0x38;
	[tilespmem:$0x11540] =	vst v63  }
0x36: {  	s31 =	simm.s32 $0x9D00;
	_ =	swait.ge [sflag:s16], $0x800  }
0x37: {  	s3 =	simm.s32 $0xAD00;
	s2 =	simm.s32 $0xB500;
	[sflag:s16] =	ssyncset.done $0x0  }
0x38: {  	s0 =	simm.s32 $0xA500;
	s17 =	simm.s32 $0x0;
	[sflag:s16] =	ssyncadd.s32 $0xFFFFF800  }
.LBB2_7:
0x39: {  	v19 =	vld [tilespmem:s31+$0xFFFFFFC0]  }
0x3a: {  	v20 =	vld [tilespmem:s0+$0xFFFFFFC0];
	_ =	sdelay $0x3  }
0x3b: {  	v19 =	vshll.u32 v19, $0x2  }
0x3c: {  	v22 =	vshll.u32 v20, $0x2;
	v21 =	vor.u32 $0x1, v19  }
0x3d: {  	v23 =	vor.u32 $0x2, v22  }
0x3e: {  	v22 =	vor.u32 $0x3, v22;
	_ =	sdelay $0x1  }
0x3f: {  	v19 =	vld.idx.msk [tilespmem:v19+s5+$0x0], $0xffff  }
0x40: {  	v21 =	vld.idx.msk [tilespmem:v21+s5+$0x0], $0xffff  }
0x41: {  	v23 =	vld.idx.msk [tilespmem:v23+s5+$0x0], $0xffff  }
0x42: {  	v22 =	vld.idx.msk [tilespmem:v22+s5+$0x0], $0xffff;
	_ =	sdelay $0x3  }
0x43: {  	v19 =	vadd.f32 v23, v19  }
0x44: {  	v21 =	vadd.f32 v22, v21  }
0x45: {  	v27 =	vmul.f32 $2.000000030e-01, v19  }
0x46: {  	vm0 =	vge.f32 v19, $0.0e+00;
	v28 =	vmul.f32 $2.000000030e-01, v21  }
0x47: {  	vm13 =	vge.f32 v21, $0.0e+00;
	v19 =	vsel vm0, v19, v27  }
0x48: {  	v21 =	vsel vm13, v21, v28;
	v19 =	vsub.f32 v19, v17  }
0x49: {  	v21 =	vsub.f32 v21, v18  }
0x4a: {  	v19 =	vmul.f32 $1.442695020e+00, v19  }
0x4b: {  	v21 =	vmul.f32 $1.442695020e+00, v21  }
0x4c: {  	(erf) = vpow2.f32 v19  }
0x4d: {  	(erf) = vpow2.f32 v21;
	_ =	sdelay $0x6  }
0x4e: {  	s7 =	sadd.s32 s17, s28  }
0x4f: {  	p0 =	slt.u32 s7, $0x4E200;
	v19 =	vpop (erf)  }
0x50: {  	v19 =	vpsel !p0, $0x0, v19;
	v21 =	vpop (erf)  }
0x51: {  	v21 =	vpsel !p0, $0x0, v21;
	[tilespmem:s3+$0xFFFFFFC0] =	vst v19  }
0x52: {  	[tilespmem:s2+$0xFFFFFFC0] =	vst v21  }
0x53: {  	[tilespmem:$0xBCC0] =	vst v20  }
0x54: {  	[tilespmem:v0+s20+$0x0] =	vst.idx.msk $0xffff, v19  }
0x55: {  	[tilespmem:v2+s20+$0x0] =	vst.idx.msk $0xffff, v21  }
0x56: {  	v19 =	vld [tilespmem:s31+$0xFFFFFFD0]  }
0x57: {  	v20 =	vld [tilespmem:s0+$0xFFFFFFD0];
	_ =	sdelay $0x3  }
0x58: {  	v19 =	vshll.u32 v19, $0x2  }
0x59: {  	v30 =	vshll.u32 v20, $0x2;
	v29 =	vor.u32 $0x1, v19  }
0x5a: {  	v31 =	vor.u32 $0x2, v30  }
0x5b: {  	v22 =	vor.u32 $0x3, v30;
	_ =	sdelay $0x1  }
0x5c: {  	v19 =	vld.idx.msk [tilespmem:v19+s5+$0x0], $0xffff  }
0x5d: {  	v21 =	vld.idx.msk [tilespmem:v29+s5+$0x0], $0xffff  }
0x5e: {  	v23 =	vld.idx.msk [tilespmem:v31+s5+$0x0], $0xffff  }
0x5f: {  	v22 =	vld.idx.msk [tilespmem:v22+s5+$0x0], $0xffff;
	_ =	sdelay $0x3  }
0x60: {  	v19 =	vadd.f32 v23, v19  }
0x61: {  	v21 =	vadd.f32 v22, v21  }
0x62: {  	v32 =	vmul.f32 $2.000000030e-01, v19  }
0x63: {  	vm14 =	vge.f32 v19, $0.0e+00;
	v33 =	vmul.f32 $2.000000030e-01, v21  }
0x64: {  	vm15 =	vge.f32 v21, $0.0e+00;
	v19 =	vsel vm14, v19, v32  }
0x65: {  	v21 =	vsel vm15, v21, v33;
	v19 =	vsub.f32 v19, v17  }
0x66: {  	v21 =	vsub.f32 v21, v18  }
0x67: {  	v19 =	vmul.f32 $1.442695020e+00, v19  }
0x68: {  	v21 =	vmul.f32 $1.442695020e+00, v21  }
0x69: {  	(erf) = vpow2.f32 v19  }
0x6a: {  	(erf) = vpow2.f32 v21;
	_ =	sdelay $0x6  }
0x6b: {  	s13 =	sadd.s32 $0x10, s7  }
0x6c: {  	p6 =	slt.u32 s13, $0x4E200;
	v19 =	vpop (erf)  }
0x6d: {  	v19 =	vpsel !p6, $0x0, v19;
	v21 =	vpop (erf)  }
0x6e: {  	v21 =	vpsel !p6, $0x0, v21;
	[tilespmem:s3+$0xFFFFFFD0] =	vst v19  }
0x6f: {  	[tilespmem:s2+$0xFFFFFFD0] =	vst v21  }
0x70: {  	[tilespmem:$0xBCD0] =	vst v20  }
0x71: {  	[tilespmem:v3+s20+$0x0] =	vst.idx.msk $0xffff, v19  }
0x72: {  	[tilespmem:v4+s20+$0x0] =	vst.idx.msk $0xffff, v21  }
0x73: {  	v19 =	vld [tilespmem:s31+$0xFFFFFFE0]  }
0x74: {  	v20 =	vld [tilespmem:s0+$0xFFFFFFE0];
	_ =	sdelay $0x3  }
0x75: {  	v19 =	vshll.u32 v19, $0x2  }
0x76: {  	v35 =	vshll.u32 v20, $0x2;
	v34 =	vor.u32 $0x1, v19  }
0x77: {  	v36 =	vor.u32 $0x2, v35  }
0x78: {  	v22 =	vor.u32 $0x3, v35;
	_ =	sdelay $0x1  }
0x79: {  	v19 =	vld.idx.msk [tilespmem:v19+s5+$0x0], $0xffff  }
0x7a: {  	v21 =	vld.idx.msk [tilespmem:v34+s5+$0x0], $0xffff  }
0x7b: {  	v23 =	vld.idx.msk [tilespmem:v36+s5+$0x0], $0xffff  }
0x7c: {  	v22 =	vld.idx.msk [tilespmem:v22+s5+$0x0], $0xffff;
	_ =	sdelay $0x3  }
0x7d: {  	v19 =	vadd.f32 v23, v19  }
0x7e: {  	v21 =	vadd.f32 v22, v21  }
0x7f: {  	v37 =	vmul.f32 $2.000000030e-01, v19  }
0x80: {  	vm4 =	vge.f32 v19, $0.0e+00;
	v38 =	vmul.f32 $2.000000030e-01, v21  }
0x81: {  	vm5 =	vge.f32 v21, $0.0e+00;
	v19 =	vsel vm4, v19, v37  }
0x82: {  	v21 =	vsel vm5, v21, v38;
	v19 =	vsub.f32 v19, v17  }
0x83: {  	v21 =	vsub.f32 v21, v18  }
0x84: {  	v19 =	vmul.f32 $1.442695020e+00, v19  }
0x85: {  	v21 =	vmul.f32 $1.442695020e+00, v21  }
0x86: {  	(erf) = vpow2.f32 v19  }
0x87: {  	(erf) = vpow2.f32 v21;
	_ =	sdelay $0x6  }
0x88: {  	s13 =	sadd.s32 $0x20, s7  }
0x89: {  	p1 =	slt.u32 s13, $0x4E200;
	v19 =	vpop (erf)  }
0x8a: {  	v19 =	vpsel !p1, $0x0, v19;
	v21 =	vpop (erf)  }
0x8b: {  	v21 =	vpsel !p1, $0x0, v21;
	[tilespmem:s3+$0xFFFFFFE0] =	vst v19  }
0x8c: {  	[tilespmem:s2+$0xFFFFFFE0] =	vst v21  }
0x8d: {  	[tilespmem:$0xBCE0] =	vst v20  }
0x8e: {  	[tilespmem:v5+s20+$0x0] =	vst.idx.msk $0xffff, v19  }
0x8f: {  	[tilespmem:v6+s20+$0x0] =	vst.idx.msk $0xffff, v21  }
0x90: {  	v19 =	vld [tilespmem:s31+$0xFFFFFFF0]  }
0x91: {  	v20 =	vld [tilespmem:s0+$0xFFFFFFF0];
	_ =	sdelay $0x3  }
0x92: {  	v19 =	vshll.u32 v19, $0x2  }
0x93: {  	v40 =	vshll.u32 v20, $0x2;
	v39 =	vor.u32 $0x1, v19  }
0x94: {  	v41 =	vor.u32 $0x2, v40  }
0x95: {  	v22 =	vor.u32 $0x3, v40;
	_ =	sdelay $0x1  }
0x96: {  	v19 =	vld.idx.msk [tilespmem:v19+s5+$0x0], $0xffff  }
0x97: {  	v21 =	vld.idx.msk [tilespmem:v39+s5+$0x0], $0xffff  }
0x98: {  	v23 =	vld.idx.msk [tilespmem:v41+s5+$0x0], $0xffff  }
0x99: {  	v22 =	vld.idx.msk [tilespmem:v22+s5+$0x0], $0xffff;
	_ =	sdelay $0x3  }
0x9a: {  	v19 =	vadd.f32 v23, v19  }
0x9b: {  	v21 =	vadd.f32 v22, v21  }
0x9c: {  	v42 =	vmul.f32 $2.000000030e-01, v19  }
0x9d: {  	vm6 =	vge.f32 v19, $0.0e+00;
	v43 =	vmul.f32 $2.000000030e-01, v21  }
0x9e: {  	vm7 =	vge.f32 v21, $0.0e+00;
	v19 =	vsel vm6, v19, v42  }
0x9f: {  	v21 =	vsel vm7, v21, v43;
	v19 =	vsub.f32 v19, v17  }
0xa0: {  	v21 =	vsub.f32 v21, v18  }
0xa1: {  	v19 =	vmul.f32 $1.442695020e+00, v19  }
0xa2: {  	v21 =	vmul.f32 $1.442695020e+00, v21  }
0xa3: {  	(erf) = vpow2.f32 v19  }
0xa4: {  	(erf) = vpow2.f32 v21;
	_ =	sdelay $0x6  }
0xa5: {  	s13 =	sadd.s32 $0x30, s7  }
0xa6: {  	p2 =	slt.u32 s13, $0x4E200;
	v19 =	vpop (erf)  }
0xa7: {  	v19 =	vpsel !p2, $0x0, v19;
	v21 =	vpop (erf)  }
0xa8: {  	v21 =	vpsel !p2, $0x0, v21;
	[tilespmem:s3+$0xFFFFFFF0] =	vst v19  }
0xa9: {  	[tilespmem:s2+$0xFFFFFFF0] =	vst v21  }
0xaa: {  	[tilespmem:$0xBCF0] =	vst v20  }
0xab: {  	[tilespmem:v7+s20+$0x0] =	vst.idx.msk $0xffff, v19  }
0xac: {  	[tilespmem:v8+s20+$0x0] =	vst.idx.msk $0xffff, v21  }
0xad: {  	v19 =	vld [tilespmem:s31+$0x0]  }
0xae: {  	v20 =	vld [tilespmem:s0+$0x0];
	_ =	sdelay $0x3  }
0xaf: {  	v19 =	vshll.u32 v19, $0x2  }
0xb0: {  	v45 =	vshll.u32 v20, $0x2;
	v44 =	vor.u32 $0x1, v19  }
0xb1: {  	v46 =	vor.u32 $0x2, v45  }
0xb2: {  	v22 =	vor.u32 $0x3, v45;
	_ =	sdelay $0x1  }
0xb3: {  	v19 =	vld.idx.msk [tilespmem:v19+s5+$0x0], $0xffff  }
0xb4: {  	v21 =	vld.idx.msk [tilespmem:v44+s5+$0x0], $0xffff  }
0xb5: {  	v23 =	vld.idx.msk [tilespmem:v46+s5+$0x0], $0xffff  }
0xb6: {  	v22 =	vld.idx.msk [tilespmem:v22+s5+$0x0], $0xffff;
	_ =	sdelay $0x3  }
0xb7: {  	v19 =	vadd.f32 v23, v19  }
0xb8: {  	v21 =	vadd.f32 v22, v21  }
0xb9: {  	v47 =	vmul.f32 $2.000000030e-01, v19  }
0xba: {  	vm8 =	vge.f32 v19, $0.0e+00;
	v48 =	vmul.f32 $2.000000030e-01, v21  }
0xbb: {  	vm9 =	vge.f32 v21, $0.0e+00;
	v19 =	vsel vm8, v19, v47  }
0xbc: {  	v21 =	vsel vm9, v21, v48;
	v19 =	vsub.f32 v19, v17  }
0xbd: {  	v21 =	vsub.f32 v21, v18  }
0xbe: {  	v19 =	vmul.f32 $1.442695020e+00, v19  }
0xbf: {  	v21 =	vmul.f32 $1.442695020e+00, v21  }
0xc0: {  	(erf) = vpow2.f32 v19  }
0xc1: {  	(erf) = vpow2.f32 v21;
	_ =	sdelay $0x6  }
0xc2: {  	s13 =	sadd.s32 $0x40, s7  }
0xc3: {  	p3 =	slt.u32 s13, $0x4E200;
	v19 =	vpop (erf)  }
0xc4: {  	v19 =	vpsel !p3, $0x0, v19;
	v21 =	vpop (erf)  }
0xc5: {  	v21 =	vpsel !p3, $0x0, v21;
	[tilespmem:s3+$0x0] =	vst v19  }
0xc6: {  	[tilespmem:s2+$0x0] =	vst v21  }
0xc7: {  	[tilespmem:$0xBD00] =	vst v20  }
0xc8: {  	[tilespmem:v9+s20+$0x0] =	vst.idx.msk $0xffff, v19  }
0xc9: {  	[tilespmem:v10+s20+$0x0] =	vst.idx.msk $0xffff, v21  }
0xca: {  	v19 =	vld [tilespmem:s31+$0x10]  }
0xcb: {  	v20 =	vld [tilespmem:s0+$0x10];
	_ =	sdelay $0x3  }
0xcc: {  	v19 =	vshll.u32 v19, $0x2  }
0xcd: {  	v50 =	vshll.u32 v20, $0x2;
	v49 =	vor.u32 $0x1, v19  }
0xce: {  	v51 =	vor.u32 $0x2, v50  }
0xcf: {  	v22 =	vor.u32 $0x3, v50;
	_ =	sdelay $0x1  }
0xd0: {  	v19 =	vld.idx.msk [tilespmem:v19+s5+$0x0], $0xffff  }
0xd1: {  	v21 =	vld.idx.msk [tilespmem:v49+s5+$0x0], $0xffff  }
0xd2: {  	v23 =	vld.idx.msk [tilespmem:v51+s5+$0x0], $0xffff  }
0xd3: {  	v22 =	vld.idx.msk [tilespmem:v22+s5+$0x0], $0xffff;
	_ =	sdelay $0x3  }
0xd4: {  	v19 =	vadd.f32 v23, v19  }
0xd5: {  	v21 =	vadd.f32 v22, v21  }
0xd6: {  	v52 =	vmul.f32 $2.000000030e-01, v19  }
0xd7: {  	vm10 =	vge.f32 v19, $0.0e+00;
	v53 =	vmul.f32 $2.000000030e-01, v21  }
0xd8: {  	vm11 =	vge.f32 v21, $0.0e+00;
	v19 =	vsel vm10, v19, v52  }
0xd9: {  	v21 =	vsel vm11, v21, v53;
	v19 =	vsub.f32 v19, v17  }
0xda: {  	v21 =	vsub.f32 v21, v18  }
0xdb: {  	v19 =	vmul.f32 $1.442695020e+00, v19  }
0xdc: {  	v21 =	vmul.f32 $1.442695020e+00, v21  }
0xdd: {  	(erf) = vpow2.f32 v19  }
0xde: {  	(erf) = vpow2.f32 v21;
	_ =	sdelay $0x6  }
0xdf: {  	s13 =	sadd.s32 $0x50, s7  }
0xe0: {  	p4 =	slt.u32 s13, $0x4E200;
	v19 =	vpop (erf)  }
0xe1: {  	v19 =	vpsel !p4, $0x0, v19;
	v21 =	vpop (erf)  }
0xe2: {  	v21 =	vpsel !p4, $0x0, v21;
	[tilespmem:s3+$0x10] =	vst v19  }
0xe3: {  	[tilespmem:s2+$0x10] =	vst v21  }
0xe4: {  	[tilespmem:$0xBD10] =	vst v20  }
0xe5: {  	[tilespmem:v11+s20+$0x0] =	vst.idx.msk $0xffff, v19  }
0xe6: {  	[tilespmem:v12+s20+$0x0] =	vst.idx.msk $0xffff, v21  }
0xe7: {  	v19 =	vld [tilespmem:s31+$0x20]  }
0xe8: {  	v20 =	vld [tilespmem:s0+$0x20];
	_ =	sdelay $0x3  }
0xe9: {  	v19 =	vshll.u32 v19, $0x2  }
0xea: {  	v55 =	vshll.u32 v20, $0x2;
	v54 =	vor.u32 $0x1, v19  }
0xeb: {  	v56 =	vor.u32 $0x2, v55  }
0xec: {  	v22 =	vor.u32 $0x3, v55;
	_ =	sdelay $0x1  }
0xed: {  	v19 =	vld.idx.msk [tilespmem:v19+s5+$0x0], $0xffff  }
0xee: {  	v21 =	vld.idx.msk [tilespmem:v54+s5+$0x0], $0xffff  }
0xef: {  	v23 =	vld.idx.msk [tilespmem:v56+s5+$0x0], $0xffff  }
0xf0: {  	v22 =	vld.idx.msk [tilespmem:v22+s5+$0x0], $0xffff;
	_ =	sdelay $0x3  }
0xf1: {  	v19 =	vadd.f32 v23, v19  }
0xf2: {  	v21 =	vadd.f32 v22, v21  }
0xf3: {  	v57 =	vmul.f32 $2.000000030e-01, v19  }
0xf4: {  	vm12 =	vge.f32 v19, $0.0e+00;
	v58 =	vmul.f32 $2.000000030e-01, v21  }
0xf5: {  	vm13 =	vge.f32 v21, $0.0e+00;
	v19 =	vsel vm12, v19, v57  }
0xf6: {  	v21 =	vsel vm13, v21, v58;
	v19 =	vsub.f32 v19, v17  }
0xf7: {  	v21 =	vsub.f32 v21, v18  }
0xf8: {  	v19 =	vmul.f32 $1.442695020e+00, v19  }
0xf9: {  	v21 =	vmul.f32 $1.442695020e+00, v21  }
0xfa: {  	(erf) = vpow2.f32 v19  }
0xfb: {  	(erf) = vpow2.f32 v21;
	_ =	sdelay $0x6  }
0xfc: {  	s13 =	sadd.s32 $0x60, s7  }
0xfd: {  	p5 =	slt.u32 s13, $0x4E200;
	v19 =	vpop (erf)  }
0xfe: {  	v19 =	vpsel !p5, $0x0, v19;
	v21 =	vpop (erf)  }
0xff: {  	v21 =	vpsel !p5, $0x0, v21;
	[tilespmem:s3+$0x20] =	vst v19  }
0x100: {  	[tilespmem:s2+$0x20] =	vst v21  }
0x101: {  	[tilespmem:$0xBD20] =	vst v20  }
0x102: {  	[tilespmem:v13+s20+$0x0] =	vst.idx.msk $0xffff, v19  }
0x103: {  	[tilespmem:v14+s20+$0x0] =	vst.idx.msk $0xffff, v21  }
0x104: {  	v19 =	vld [tilespmem:s31+$0x30]  }
0x105: {  	v20 =	vld [tilespmem:s0+$0x30];
	_ =	sdelay $0x3  }
0x106: {  	v19 =	vshll.u32 v19, $0x2  }
0x107: {  	v60 =	vshll.u32 v20, $0x2;
	v59 =	vor.u32 $0x1, v19  }
0x108: {  	v61 =	vor.u32 $0x2, v60  }
0x109: {  	v22 =	vor.u32 $0x3, v60;
	_ =	sdelay $0x1  }
0x10a: {  	v19 =	vld.idx.msk [tilespmem:v19+s5+$0x0], $0xffff  }
0x10b: {  	v21 =	vld.idx.msk [tilespmem:v59+s5+$0x0], $0xffff  }
0x10c: {  	v23 =	vld.idx.msk [tilespmem:v61+s5+$0x0], $0xffff  }
0x10d: {  	v22 =	vld.idx.msk [tilespmem:v22+s5+$0x0], $0xffff;
	_ =	sdelay $0x3  }
0x10e: {  	v19 =	vadd.f32 v23, v19  }
0x10f: {  	v21 =	vadd.f32 v22, v21  }
0x110: {  	v62 =	vmul.f32 $2.000000030e-01, v19  }
0x111: {  	vm14 =	vge.f32 v19, $0.0e+00;
	v63 =	vmul.f32 $2.000000030e-01, v21  }
0x112: {  	vm15 =	vge.f32 v21, $0.0e+00;
	v19 =	vsel vm14, v19, v62  }
0x113: {  	v21 =	vsel vm15, v21, v63;
	v19 =	vsub.f32 v19, v17  }
0x114: {  	v21 =	vsub.f32 v21, v18  }
0x115: {  	v19 =	vmul.f32 $1.442695020e+00, v19  }
0x116: {  	v21 =	vmul.f32 $1.442695020e+00, v21  }
0x117: {  	(erf) = vpow2.f32 v19  }
0x118: {  	(erf) = vpow2.f32 v21;
	_ =	sdelay $0x6  }
0x119: {  	s7 =	sadd.s32 $0x70, s7  }
0x11a: {  	p6 =	slt.u32 s7, $0x4E200;
	v19 =	vpop (erf)  }
0x11b: {  	v19 =	vpsel !p6, $0x0, v19;
	v21 =	vpop (erf)  }
0x11c: {  	v21 =	vpsel !p6, $0x0, v21;
	[tilespmem:s3+$0x30] =	vst v19  }
0x11d: {  	[tilespmem:s2+$0x30] =	vst v21  }
0x11e: {  	[tilespmem:$0xBD30] =	vst v20  }
0x11f: {  	p0 =	sne.s32 s17, $0x780;
	[tilespmem:v15+s20+$0x0] =	vst.idx.msk $0xffff, v19  }
.Ltmp2:
0x120: {  	[tilespmem:v16+s20+$0x0] =	vst.idx.msk $0xffff, v21;
	(pc) =	sbr.rel @p0 .LBB2_7-.Ltmp2, $4  }
0x121: {  	[spmem:s4] =	stream.indirect.scatter.add.f32 [tilespmem:s20], [sflag:$0x1], $0x10, s22, s21, $0xb8;
	[tilespmem:$0x11540] =	vst v63  }
0x122: {  	s17 =	sadd.s32 $0x80, s17;
	_ =	swait.ge [sflag:s16], $0x800  }
0x123: {  	s31 =	sadd.s32 $0x80, s31;
	s0 =	sadd.s32 $0x80, s0;
	[sflag:s16] =	ssyncset.done $0x0  }
0x124: {  	s3 =	sadd.s32 $0x80, s3;
	s2 =	sadd.s32 $0x80, s2;
	[sflag:s16] =	ssyncadd.s32 $0xFFFFF800  }
0x125: {  	s0 =	sadd.s32 s8, s30  }
0x126: {  	[hbm4b:s0+s5] =	stream.linear.scatter [tilespmem:s23], [sflag:$0x1], $0x800, $0x38;
	[tilespmem:$0x11540] =	vst v63  }
0x127: {  	s29 =	sadd.s32 $0x1, s29;
	_ =	swait.ge [sflag:s16], $0x800  }
0x128: {  	p0 =	sne.s32 s29, $0x5;
	[sflag:s16] =	ssyncset.done $0x0  }
.Ltmp3:
0x129: {  	s31 =	sadd.s32 s9, s30;
	[sflag:s16] =	ssyncadd.s32 $0xFFFFF800;
	(pc) =	sbr.rel @p0 .LBB2_6-.Ltmp3, $4  }
0x12a: {  	[hbm4b:s31+s5] =	stream.linear.scatter [tilespmem:s24], [sflag:$0x1], $0x800, $0x38;
	[tilespmem:$0x11540] =	vst v63  }
0x12b: {  	_ =	swait.ge [sflag:s16], $0x800  }
0x12c: {  	[sflag:s16] =	ssyncset.done $0x0  }
0x12d: {  	s28 =	sadd.s32 $0x800, s28;
	[sflag:s16] =	ssyncadd.s32 $0xFFFFF800  }
0x12e: {  	[bflag:$0x0] =	sbarrier.arrive $0xFFFF  }
0x12f: {  	[tilespmem:s15], [sflag:$0x1] =	stream.linear.gather [spmem:s11], $0x2800, $0x38;
	[tilespmem:$0x11540] =	vst v63  }
0x130: {  	s25 =	sadd.s32 $0x1, s25;
	_ =	swait.ge [sflag:s16], $0x2800  }
0x131: {  	p0 =	sne.s32 s25, s14;
	[sflag:s16] =	ssyncset.done $0x0  }
.Ltmp4:
0x132: {  	s0 =	rddreg [dreg:$0x6];
	[sflag:s16] =	ssyncadd.s32 $0xFFFFD800;
	(pc) =	sbr.rel @p0 .LBB2_1-.Ltmp4, $4  }
0x133: {  	[hbm4b:s0+s5] =	stream.linear.scatter [tilespmem:s15], [sflag:$0x1], $0x2800, $0x38;
	[tilespmem:$0x11540] =	vst v63  }
0x134: {  	_ =	swait.ge [sflag:s16], $0x2800  }
0x135: {  	[sflag:s16] =	ssyncset.done $0x0  }
0x136: {  	[sflag:s16] =	ssyncadd.s32 $0xFFFFD800  }
0x137: {  	_ =	sfence.sel $0x180000  }
0x138: {  	[bflag:$0x0] =	sbarrier.arrive $0xFFFF  }
0x139: {  	_ =	strace $0x90000047  }
0x13a: {  	s0 =	stileid.u32;
	[bflag:$0x2] =	sbarrier.arrive $0xFFFF  }
0x13b: {  	p0 =	sne.s32 s0, $0x0;
	s0 =	rddreg [dreg:$0x4]  }
0x13c: {  	s0 =	sadd.s32 @!p0 $0x100000, s0  }
0x13d: {  	[sflag:s0] =	ssyncadd.tile.s32 @!p0 $0x1;
	_ =	shalt  }
.Lfunc_end2:
_tile_overlayer_lowered:
.L_overlay_start_2:
0x13e: {  	(tag) =	ssettag $0x2  }
0x13f: {  	s0 =	rddreg [dreg:$0x0];
	s2 =	stileid.u32  }
0x140: {  	s1 =	rddreg [dreg:$0x1];
	p0 =	sne.s32 s2, $0x0  }
0x141: {  	s3 =	rddreg [dreg:$0x2];
	[bflag:$0x3] =	sbarrier.arrive $0xFFFF;
	s2 =	simm.s32 @!p0 $0x1C01  }
0x142: {  	[timem:s3], [sflag:s2] =	dma.local @!p0 [hbm:s0], s1  }
0x143: {  	s0 =	simm.s32 @!p0 $0x1  }
0x144: {  	_ =	swait.ge @!p0 [sflag:s0], s1  }
0x145: {  	s1 =	ssub.s32 @!p0 $0x0, s1;
	[sflag:s0] =	ssyncset.done @!p0 $0x0  }
0x146: {  	[sflag:s0] =	ssyncadd.s32 @!p0 s1  }
0x147: {  	[bflag:$0x3] =	sbarrier.arrive $0xFFFF  }
0x148: {  	_ =	shalt  }

</sc_bundles>
